<compile_context>
chip_gen: v7x
topology: tpu7x:2x2x1
jax: 0.10.2.dev20260603
libtpu: 0.0.44.dev20260713+nightly
codegen_flags: <defaults>
</compile_context>

<pallas_src>
import functools

import jax
import jax.numpy as jnp
from jax import lax
from jax.experimental import pallas as pl
from jax.experimental.pallas import tpu as pltpu
from jax.experimental.pallas import tpu_sc as plsc

_IN = 280
_H = 1024
_P = 20
_NW = 32
_LANE = 16
_NWORD = 9
_WSTRIDE = 16


def _sc_body(idx_hbm, bits_hbm, idx_v, bits_v, *, rows_w):
    wid = lax.axis_index("s") * 2 + lax.axis_index("c")
    idx_words = rows_w * _P
    bit_words = rows_w * _WSTRIDE

    pltpu.sync_copy(idx_hbm.at[pl.ds(wid * idx_words, idx_words)], idx_v)

    lane = lax.iota(jnp.int32, _LANE)
    lane_p = lane * _P
    one = jnp.ones((_LANE,), jnp.int32)
    n_groups = rows_w // _LANE

    def _group(g, carry):
        idx_base = g * (_LANE * _P) + lane_p
        words = [jnp.zeros((_LANE,), jnp.int32) for _ in range(_NWORD)]
        for p in range(_P):
            iv = plsc.load_gather(idx_v, [idx_base + p])
            w = lax.shift_right_logical(iv, 5)
            bit = lax.shift_left(one, jnp.bitwise_and(iv, 31))
            for k in range(_NWORD):
                words[k] = jnp.bitwise_or(
                    words[k], jnp.where(w == k, bit, 0)
                )
        row_addr = (g * _LANE + lane) * _WSTRIDE
        for k in range(_NWORD):
            plsc.store_scatter(bits_v, [row_addr + k], words[k])
        return carry

    lax.fori_loop(0, n_groups, _group, 0)
    pltpu.sync_copy(bits_v, bits_hbm.at[pl.ds(wid * bit_words, bit_words)])


def _build_bits(idx_flat, n_rows):
    rows_w = n_rows // _NW
    mesh = plsc.VectorSubcoreMesh(core_axis_name="c", subcore_axis_name="s")
    return pl.kernel(
        functools.partial(_sc_body, rows_w=rows_w),
        out_type=jax.ShapeDtypeStruct((n_rows * _WSTRIDE,), jnp.int32),
        mesh=mesh,
        scratch_types=[
            pltpu.VMEM((rows_w * _P,), jnp.int32),
            pltpu.VMEM((rows_w * _WSTRIDE,), jnp.int32),
        ],
        compiler_params=pltpu.CompilerParams(needs_layout_passes=False),
    )(idx_flat)


def _mm_core(x, w_ref, b_ref, o_ref):
    wmap = jnp.broadcast_to(
        jnp.arange(_IN, dtype=jnp.int32)[None, :] // 32, (x.shape[0], _IN)
    )
    spread = jnp.take_along_axis(x, wmap, axis=1)
    shift = lax.broadcasted_iota(jnp.int32, (1, _IN), 1) % 32
    feat = jnp.bitwise_and(
        lax.shift_right_logical(spread, shift), 1
    ).astype(jnp.bfloat16)
    o_ref[...] = (
        jnp.dot(
            feat,
            w_ref[...].astype(jnp.bfloat16),
            preferred_element_type=jnp.float32,
        )
        + b_ref[...]
    )


def _matmul2(bits0, bits1, w, b2d, bm):
    half = bits0.shape[0]
    n_rows = 2 * half
    split = half // bm

    def _body(b0_ref, b1_ref, w_ref, b_ref, o_ref):
        x = jnp.where(pl.program_id(0) < split, b0_ref[...], b1_ref[...])
        _mm_core(x, w_ref, b_ref, o_ref)

    return pl.pallas_call(
        _body,
        grid=(n_rows // bm,),
        in_specs=[
            pl.BlockSpec(
                (bm, _WSTRIDE), lambda i: (jnp.minimum(i, split - 1), 0)
            ),
            pl.BlockSpec(
                (bm, _WSTRIDE), lambda i: (jnp.maximum(i - split, 0), 0)
            ),
            pl.BlockSpec((_IN, _H), lambda i: (0, 0)),
            pl.BlockSpec((1, _H), lambda i: (0, 0)),
        ],
        out_specs=pl.BlockSpec((bm, _H), lambda i: (i, 0)),
        out_shape=jax.ShapeDtypeStruct((n_rows, _H), jnp.float32),
    )(bits0, bits1, w, b2d)


def kernel(prop_indices, W, b):
    n_rows, _ = prop_indices.shape
    half = n_rows // 2
    bits0 = _build_bits(prop_indices[:half].reshape(-1), half)
    bits1 = _build_bits(prop_indices[half:].reshape(-1), half)
    return _matmul2(
        bits0.reshape(half, _WSTRIDE),
        bits1.reshape(half, _WSTRIDE),
        W,
        b.reshape(1, _H),
        2048,
    )

# --- scband reference (transcript-rebuilt; emitter-appended) ---
"""Pipeline reference for scband-linear-scene-encoder-39152921870349 (READ-ONLY COPY).

The authoritative reference and input builder live on the scoring server;
editing this copy changes nothing except your own understanding.
"""

import jax, jax.numpy as jnp
import numpy as np

N_PROP_OBJECTS = 35
N_PROP_TYPES = 8
INPUT_SZ = N_PROP_TYPES * N_PROP_OBJECTS  # 280
HIDDEN_SZ = 1024
B = 16384
P = 20  # props per scene


def setup_inputs(seed: int = 0) -> dict:
    key = jax.random.key(seed)
    k1, k2, k3 = jax.random.split(key, 3)
    # scenes tensorized as flat one-hot indices: type_index * N_PROP_OBJECTS + object_index
    prop_indices = jax.random.randint(k1, (B, P), 0, INPUT_SZ, dtype=jnp.int32)
    # nn.Linear params (W stored as [in, out] for x @ W + b)
    W = jax.random.normal(k2, (INPUT_SZ, HIDDEN_SZ), dtype=jnp.float32) * (1.0 / np.sqrt(INPUT_SZ))
    b = jax.random.normal(k3, (HIDDEN_SZ,), dtype=jnp.float32) * 0.01
    return {"prop_indices": prop_indices, "W": W, "b": b}


def reference(prop_indices, W, b):
    # Faithful translation: scatter-overwrite 1.0 into a zeros feature matrix,
    # then apply the linear layer. (Dropout prob is stored but never applied in
    # the original forward, so none here either.)
    n_scenes = prop_indices.shape[0]
    feature_data = jnp.zeros((n_scenes, INPUT_SZ), dtype=jnp.float32)
    rows = jnp.arange(n_scenes, dtype=prop_indices.dtype)[:, None]
    feature_data = feature_data.at[rows, prop_indices].set(1.0)
    result = feature_data @ W + b
    return result

if __name__ == "__main__":
    import jax
    _d = setup_inputs()
    print(jax.jit(kernel)(*tuple(_d.values())))

</pallas_src>

<mosaic_0001>
#map = affine_map<(d0, d1) -> (0)>
module attributes {stable_mosaic.version = 14 : i64} {
  func.func @_sc_body(%arg0: i32, %arg1: i32, %arg2: memref<163840xi32, #tpu.memory_space<hbm>>, %arg3: memref<131072xi32, #tpu.memory_space<hbm>>, %arg4: memref<5120xi32, #tpu.memory_space<vmem>>, %arg5: memref<4096xi32, #tpu.memory_space<vmem>>) attributes {dimension_semantics = [#tpu.dimension_semantics<core_parallel>, #tpu.dimension_semantics<subcore_parallel>], iteration_bounds = array<i64: 2, 16>, scalar_prefetch = 0 : i64, scratch_operands = 2 : i64, tpu.core_type = #tpu.core_type<sc_vector_subcore>, window_params = [{transform_indices = #map}, {transform_indices = #map}]} {
    %mul3A = arith.constant 2 : i32
    %mul3A_0 = arith.muli %arg1, %mul3A : i32
    %add3A = arith.addi %mul3A_0, %arg0 : i32
    %mul3A_1 = arith.constant 5120 : i32
    %mul3A_2 = arith.muli %add3A, %mul3A_1 : i32
    "tpu.region"() ({
      %run_scoped3A = tpu.sem_alloc : memref<!tpu.dma_semaphore, #tpu.memory_space<semaphore_mem>>
      %dma_start3A = tpu.memref_slice %arg2[%mul3A_2] : memref<163840xi32, #tpu.memory_space<hbm>> -> memref<5120xi32, #tpu.memory_space<hbm>>
      %dma_start3A_14 = tpu.memref_slice %arg2[%mul3A_2] : memref<163840xi32, #tpu.memory_space<hbm>> -> memref<5120xi32, #tpu.memory_space<hbm>>
      tpu.enqueue_dma source(%dma_start3A_14 : memref<5120xi32, #tpu.memory_space<hbm>>) target(%arg4 : memref<5120xi32, #tpu.memory_space<vmem>>) target_semaphore(%run_scoped3A : memref<!tpu.dma_semaphore, #tpu.memory_space<semaphore_mem>>)
      %dma_wait3A = tpu.memref_slice %arg2[%mul3A_2] : memref<163840xi32, #tpu.memory_space<hbm>> -> memref<5120xi32, #tpu.memory_space<hbm>>
      %dma_wait3A_15 = tpu.memref_slice %arg2[%mul3A_2] : memref<163840xi32, #tpu.memory_space<hbm>> -> memref<5120xi32, #tpu.memory_space<hbm>>
      tpu.wait_dma2 semaphore(%run_scoped3A : memref<!tpu.dma_semaphore, #tpu.memory_space<semaphore_mem>>) src(%dma_wait3A_15 : memref<5120xi32, #tpu.memory_space<hbm>>) dst(%arg4 : memref<5120xi32, #tpu.memory_space<vmem>>)
      tpu.yield
    }) : () -> ()
    %iota3A = tpu.iota {dimensions = array<i32: 0>} : vector<16xi32>
    %mul3A_3 = arith.constant 20 : i32
    %mul3A_4 = vector.broadcast %mul3A_3 : i32 to vector<16xi32>
    %mul3A_5 = arith.muli %iota3A, %mul3A_4 : vector<16xi32>
    %broadcast_in_dim3A = arith.constant 1 : i32
    %broadcast_in_dim3A_6 = vector.broadcast %broadcast_in_dim3A : i32 to vector<16xi32>
    %scan3A = arith.constant 0 : i32
    %scan3A_7 = arith.constant 0 : i32
    %scan3A_8 = arith.constant 16 : i32
    %scan3A_9 = arith.addi %scan3A_7, %scan3A_8 : i32
    %scan3A_10 = arith.constant 1 : i32
    scf.for %scan3A_14 = %scan3A_7 to %scan3A_9 step %scan3A_10  : i32 {
      %mul3A_15 = arith.constant 320 : i32
      %mul3A_16 = arith.muli %scan3A_14, %mul3A_15 : i32
      %add3A_17 = vector.broadcast %mul3A_16 : i32 to vector<16xi32>
      %add3A_18 = arith.addi %add3A_17, %mul3A_5 : vector<16xi32>
      %broadcast_in_dim3A_19 = arith.constant 0 : i32
      %broadcast_in_dim3A_20 = vector.broadcast %broadcast_in_dim3A_19 : i32 to vector<16xi32>
      %broadcast_in_dim3A_21 = arith.constant 0 : i32
      %broadcast_in_dim3A_22 = vector.broadcast %broadcast_in_dim3A_21 : i32 to vector<16xi32>
      %broadcast_in_dim3A_23 = arith.constant 0 : i32
      %broadcast_in_dim3A_24 = vector.broadcast %broadcast_in_dim3A_23 : i32 to vector<16xi32>
      %broadcast_in_dim3A_25 = arith.constant 0 : i32
      %broadcast_in_dim3A_26 = vector.broadcast %broadcast_in_dim3A_25 : i32 to vector<16xi32>
      %broadcast_in_dim3A_27 = arith.constant 0 : i32
      %broadcast_in_dim3A_28 = vector.broadcast %broadcast_in_dim3A_27 : i32 to vector<16xi32>
      %broadcast_in_dim3A_29 = arith.constant 0 : i32
      %broadcast_in_dim3A_30 = vector.broadcast %broadcast_in_dim3A_29 : i32 to vector<16xi32>
      %broadcast_in_dim3A_31 = arith.constant 0 : i32
      %broadcast_in_dim3A_32 = vector.broadcast %broadcast_in_dim3A_31 : i32 to vector<16xi32>
      %broadcast_in_dim3A_33 = arith.constant 0 : i32
      %broadcast_in_dim3A_34 = vector.broadcast %broadcast_in_dim3A_33 : i32 to vector<16xi32>
      %broadcast_in_dim3A_35 = arith.constant 0 : i32
      %broadcast_in_dim3A_36 = vector.broadcast %broadcast_in_dim3A_35 : i32 to vector<16xi32>
      %add3A_37 = arith.constant 0 : i32
      %add3A_38 = vector.broadcast %add3A_37 : i32 to vector<16xi32>
      %add3A_39 = arith.addi %add3A_18, %add3A_38 : vector<16xi32>
      %gather3A = tpu.vector_load_idx %arg4[%add3A_39] : memref<5120xi32, #tpu.memory_space<vmem>>[vector<16xi32>], vector<16xi32>,
      %shift_right_logical3A = arith.constant 5 : i32
      %shift_right_logical3A_40 = vector.broadcast %shift_right_logical3A : i32 to vector<16xi32>
      %shift_right_logical3A_41 = arith.shrui %gather3A, %shift_right_logical3A_40 : vector<16xi32>
      %and3A = arith.constant 31 : i32
      %and3A_42 = vector.broadcast %and3A : i32 to vector<16xi32>
      %and3A_43 = arith.andi %gather3A, %and3A_42 : vector<16xi32>
      %shift_left3A = arith.shli %broadcast_in_dim3A_6, %and3A_43 : vector<16xi32>
      %eq3A = arith.constant 0 : i32
      %eq3A_44 = vector.broadcast %eq3A : i32 to vector<16xi32>
      %eq3A_45 = arith.cmpi eq, %shift_right_logical3A_41, %eq3A_44 : vector<16xi32>
      %jit3A = arith.constant 0 : i32
      %broadcast_in_dim3A_46 = vector.broadcast %jit3A : i32 to vector<16xi32>
      %select_n3A = arith.select %eq3A_45, %shift_left3A, %broadcast_in_dim3A_46 : vector<16xi1>, vector<16xi32>
      %or3A = arith.ori %broadcast_in_dim3A_20, %select_n3A : vector<16xi32>
      %eq3A_47 = arith.constant 1 : i32
      %eq3A_48 = vector.broadcast %eq3A_47 : i32 to vector<16xi32>
      %eq3A_49 = arith.cmpi eq, %shift_right_logical3A_41, %eq3A_48 : vector<16xi32>
      %jit3A_50 = arith.constant 0 : i32
      %broadcast_in_dim3A_51 = vector.broadcast %jit3A_50 : i32 to vector<16xi32>
      %select_n3A_52 = arith.select %eq3A_49, %shift_left3A, %broadcast_in_dim3A_51 : vector<16xi1>, vector<16xi32>
      %or3A_53 = arith.ori %broadcast_in_dim3A_22, %select_n3A_52 : vector<16xi32>
      %eq3A_54 = arith.constant 2 : i32
      %eq3A_55 = vector.broadcast %eq3A_54 : i32 to vector<16xi32>
      %eq3A_56 = arith.cmpi eq, %shift_right_logical3A_41, %eq3A_55 : vector<16xi32>
      %jit3A_57 = arith.constant 0 : i32
      %broadcast_in_dim3A_58 = vector.broadcast %jit3A_57 : i32 to vector<16xi32>
      %select_n3A_59 = arith.select %eq3A_56, %shift_left3A, %broadcast_in_dim3A_58 : vector<16xi1>, vector<16xi32>
      %or3A_60 = arith.ori %broadcast_in_dim3A_24, %select_n3A_59 : vector<16xi32>
      %eq3A_61 = arith.constant 3 : i32
      %eq3A_62 = vector.broadcast %eq3A_61 : i32 to vector<16xi32>
      %eq3A_63 = arith.cmpi eq, %shift_right_logical3A_41, %eq3A_62 : vector<16xi32>
      %jit3A_64 = arith.constant 0 : i32
      %broadcast_in_dim3A_65 = vector.broadcast %jit3A_64 : i32 to vector<16xi32>
      %select_n3A_66 = arith.select %eq3A_63, %shift_left3A, %broadcast_in_dim3A_65 : vector<16xi1>, vector<16xi32>
      %or3A_67 = arith.ori %broadcast_in_dim3A_26, %select_n3A_66 : vector<16xi32>
      %eq3A_68 = arith.constant 4 : i32
      %eq3A_69 = vector.broadcast %eq3A_68 : i32 to vector<16xi32>
      %eq3A_70 = arith.cmpi eq, %shift_right_logical3A_41, %eq3A_69 : vector<16xi32>
      %jit3A_71 = arith.constant 0 : i32
      %broadcast_in_dim3A_72 = vector.broadcast %jit3A_71 : i32 to vector<16xi32>
      %select_n3A_73 = arith.select %eq3A_70, %shift_left3A, %broadcast_in_dim3A_72 : vector<16xi1>, vector<16xi32>
      %or3A_74 = arith.ori %broadcast_in_dim3A_28, %select_n3A_73 : vector<16xi32>
      %eq3A_75 = arith.constant 5 : i32
      %eq3A_76 = vector.broadcast %eq3A_75 : i32 to vector<16xi32>
      %eq3A_77 = arith.cmpi eq, %shift_right_logical3A_41, %eq3A_76 : vector<16xi32>
      %jit3A_78 = arith.constant 0 : i32
      %broadcast_in_dim3A_79 = vector.broadcast %jit3A_78 : i32 to vector<16xi32>
      %select_n3A_80 = arith.select %eq3A_77, %shift_left3A, %broadcast_in_dim3A_79 : vector<16xi1>, vector<16xi32>
      %or3A_81 = arith.ori %broadcast_in_dim3A_30, %select_n3A_80 : vector<16xi32>
      %eq3A_82 = arith.constant 6 : i32
      %eq3A_83 = vector.broadcast %eq3A_82 : i32 to vector<16xi32>
      %eq3A_84 = arith.cmpi eq, %shift_right_logical3A_41, %eq3A_83 : vector<16xi32>
      %jit3A_85 = arith.constant 0 : i32
      %broadcast_in_dim3A_86 = vector.broadcast %jit3A_85 : i32 to vector<16xi32>
      %select_n3A_87 = arith.select %eq3A_84, %shift_left3A, %broadcast_in_dim3A_86 : vector<16xi1>, vector<16xi32>
      %or3A_88 = arith.ori %broadcast_in_dim3A_32, %select_n3A_87 : vector<16xi32>
      %eq3A_89 = arith.constant 7 : i32
      %eq3A_90 = vector.broadcast %eq3A_89 : i32 to vector<16xi32>
      %eq3A_91 = arith.cmpi eq, %shift_right_logical3A_41, %eq3A_90 : vector<16xi32>
      %jit3A_92 = arith.constant 0 : i32
      %broadcast_in_dim3A_93 = vector.broadcast %jit3A_92 : i32 to vector<16xi32>
      %select_n3A_94 = arith.select %eq3A_91, %shift_left3A, %broadcast_in_dim3A_93 : vector<16xi1>, vector<16xi32>
      %or3A_95 = arith.ori %broadcast_in_dim3A_34, %select_n3A_94 : vector<16xi32>
      %eq3A_96 = arith.constant 8 : i32
      %eq3A_97 = vector.broadcast %eq3A_96 : i32 to vector<16xi32>
      %eq3A_98 = arith.cmpi eq, %shift_right_logical3A_41, %eq3A_97 : vector<16xi32>
      %jit3A_99 = arith.constant 0 : i32
      %broadcast_in_dim3A_100 = vector.broadcast %jit3A_99 : i32 to vector<16xi32>
      %select_n3A_101 = arith.select %eq3A_98, %shift_left3A, %broadcast_in_dim3A_100 : vector<16xi1>, vector<16xi32>
      %or3A_102 = arith.ori %broadcast_in_dim3A_36, %select_n3A_101 : vector<16xi32>
      %add3A_103 = arith.constant 1 : i32
      %add3A_104 = vector.broadcast %add3A_103 : i32 to vector<16xi32>
      %add3A_105 = arith.addi %add3A_18, %add3A_104 : vector<16xi32>
      %gather3A_106 = tpu.vector_load_idx %arg4[%add3A_105] : memref<5120xi32, #tpu.memory_space<vmem>>[vector<16xi32>], vector<16xi32>,
      %shift_right_logical3A_107 = arith.constant 5 : i32
      %shift_right_logical3A_108 = vector.broadcast %shift_right_logical3A_107 : i32 to vector<16xi32>
      %shift_right_logical3A_109 = arith.shrui %gather3A_106, %shift_right_logical3A_108 : vector<16xi32>
      %and3A_110 = arith.constant 31 : i32
      %and3A_111 = vector.broadcast %and3A_110 : i32 to vector<16xi32>
      %and3A_112 = arith.andi %gather3A_106, %and3A_111 : vector<16xi32>
      %shift_left3A_113 = arith.shli %broadcast_in_dim3A_6, %and3A_112 : vector<16xi32>
      %eq3A_114 = arith.constant 0 : i32
      %eq3A_115 = vector.broadcast %eq3A_114 : i32 to vector<16xi32>
      %eq3A_116 = arith.cmpi eq, %shift_right_logical3A_109, %eq3A_115 : vector<16xi32>
      %jit3A_117 = arith.constant 0 : i32
      %broadcast_in_dim3A_118 = vector.broadcast %jit3A_117 : i32 to vector<16xi32>
      %select_n3A_119 = arith.select %eq3A_116, %shift_left3A_113, %broadcast_in_dim3A_118 : vector<16xi1>, vector<16xi32>
      %or3A_120 = arith.ori %or3A, %select_n3A_119 : vector<16xi32>
      %eq3A_121 = arith.constant 1 : i32
      %eq3A_122 = vector.broadcast %eq3A_121 : i32 to vector<16xi32>
      %eq3A_123 = arith.cmpi eq, %shift_right_logical3A_109, %eq3A_122 : vector<16xi32>
      %jit3A_124 = arith.constant 0 : i32
      %broadcast_in_dim3A_125 = vector.broadcast %jit3A_124 : i32 to vector<16xi32>
      %select_n3A_126 = arith.select %eq3A_123, %shift_left3A_113, %broadcast_in_dim3A_125 : vector<16xi1>, vector<16xi32>
      %or3A_127 = arith.ori %or3A_53, %select_n3A_126 : vector<16xi32>
      %eq3A_128 = arith.constant 2 : i32
      %eq3A_129 = vector.broadcast %eq3A_128 : i32 to vector<16xi32>
      %eq3A_130 = arith.cmpi eq, %shift_right_logical3A_109, %eq3A_129 : vector<16xi32>
      %jit3A_131 = arith.constant 0 : i32
      %broadcast_in_dim3A_132 = vector.broadcast %jit3A_131 : i32 to vector<16xi32>
      %select_n3A_133 = arith.select %eq3A_130, %shift_left3A_113, %broadcast_in_dim3A_132 : vector<16xi1>, vector<16xi32>
      %or3A_134 = arith.ori %or3A_60, %select_n3A_133 : vector<16xi32>
      %eq3A_135 = arith.constant 3 : i32
      %eq3A_136 = vector.broadcast %eq3A_135 : i32 to vector<16xi32>
      %eq3A_137 = arith.cmpi eq, %shift_right_logical3A_109, %eq3A_136 : vector<16xi32>
      %jit3A_138 = arith.constant 0 : i32
      %broadcast_in_dim3A_139 = vector.broadcast %jit3A_138 : i32 to vector<16xi32>
      %select_n3A_140 = arith.select %eq3A_137, %shift_left3A_113, %broadcast_in_dim3A_139 : vector<16xi1>, vector<16xi32>
      %or3A_141 = arith.ori %or3A_67, %select_n3A_140 : vector<16xi32>
      %eq3A_142 = arith.constant 4 : i32
      %eq3A_143 = vector.broadcast %eq3A_142 : i32 to vector<16xi32>
      %eq3A_144 = arith.cmpi eq, %shift_right_logical3A_109, %eq3A_143 : vector<16xi32>
      %jit3A_145 = arith.constant 0 : i32
      %broadcast_in_dim3A_146 = vector.broadcast %jit3A_145 : i32 to vector<16xi32>
      %select_n3A_147 = arith.select %eq3A_144, %shift_left3A_113, %broadcast_in_dim3A_146 : vector<16xi1>, vector<16xi32>
      %or3A_148 = arith.ori %or3A_74, %select_n3A_147 : vector<16xi32>
      %eq3A_149 = arith.constant 5 : i32
      %eq3A_150 = vector.broadcast %eq3A_149 : i32 to vector<16xi32>
      %eq3A_151 = arith.cmpi eq, %shift_right_logical3A_109, %eq3A_150 : vector<16xi32>
      %jit3A_152 = arith.constant 0 : i32
      %broadcast_in_dim3A_153 = vector.broadcast %jit3A_152 : i32 to vector<16xi32>
      %select_n3A_154 = arith.select %eq3A_151, %shift_left3A_113, %broadcast_in_dim3A_153 : vector<16xi1>, vector<16xi32>
      %or3A_155 = arith.ori %or3A_81, %select_n3A_154 : vector<16xi32>
      %eq3A_156 = arith.constant 6 : i32
      %eq3A_157 = vector.broadcast %eq3A_156 : i32 to vector<16xi32>
      %eq3A_158 = arith.cmpi eq, %shift_right_logical3A_109, %eq3A_157 : vector<16xi32>
      %jit3A_159 = arith.constant 0 : i32
      %broadcast_in_dim3A_160 = vector.broadcast %jit3A_159 : i32 to vector<16xi32>
      %select_n3A_161 = arith.select %eq3A_158, %shift_left3A_113, %broadcast_in_dim3A_160 : vector<16xi1>, vector<16xi32>
      %or3A_162 = arith.ori %or3A_88, %select_n3A_161 : vector<16xi32>
      %eq3A_163 = arith.constant 7 : i32
      %eq3A_164 = vector.broadcast %eq3A_163 : i32 to vector<16xi32>
      %eq3A_165 = arith.cmpi eq, %shift_right_logical3A_109, %eq3A_164 : vector<16xi32>
      %jit3A_166 = arith.constant 0 : i32
      %broadcast_in_dim3A_167 = vector.broadcast %jit3A_166 : i32 to vector<16xi32>
      %select_n3A_168 = arith.select %eq3A_165, %shift_left3A_113, %broadcast_in_dim3A_167 : vector<16xi1>, vector<16xi32>
      %or3A_169 = arith.ori %or3A_95, %select_n3A_168 : vector<16xi32>
      %eq3A_170 = arith.constant 8 : i32
      %eq3A_171 = vector.broadcast %eq3A_170 : i32 to vector<16xi32>
      %eq3A_172 = arith.cmpi eq, %shift_right_logical3A_109, %eq3A_171 : vector<16xi32>
      %jit3A_173 = arith.constant 0 : i32
      %broadcast_in_dim3A_174 = vector.broadcast %jit3A_173 : i32 to vector<16xi32>
      %select_n3A_175 = arith.select %eq3A_172, %shift_left3A_113, %broadcast_in_dim3A_174 : vector<16xi1>, vector<16xi32>
      %or3A_176 = arith.ori %or3A_102, %select_n3A_175 : vector<16xi32>
      %add3A_177 = arith.constant 2 : i32
      %add3A_178 = vector.broadcast %add3A_177 : i32 to vector<16xi32>
      %add3A_179 = arith.addi %add3A_18, %add3A_178 : vector<16xi32>
      %gather3A_180 = tpu.vector_load_idx %arg4[%add3A_179] : memref<5120xi32, #tpu.memory_space<vmem>>[vector<16xi32>], vector<16xi32>,
      %shift_right_logical3A_181 = arith.constant 5 : i32
      %shift_right_logical3A_182 = vector.broadcast %shift_right_logical3A_181 : i32 to vector<16xi32>
      %shift_right_logical3A_183 = arith.shrui %gather3A_180, %shift_right_logical3A_182 : vector<16xi32>
      %and3A_184 = arith.constant 31 : i32
      %and3A_185 = vector.broadcast %and3A_184 : i32 to vector<16xi32>
      %and3A_186 = arith.andi %gather3A_180, %and3A_185 : vector<16xi32>
      %shift_left3A_187 = arith.shli %broadcast_in_dim3A_6, %and3A_186 : vector<16xi32>
      %eq3A_188 = arith.constant 0 : i32
      %eq3A_189 = vector.broadcast %eq3A_188 : i32 to vector<16xi32>
      %eq3A_190 = arith.cmpi eq, %shift_right_logical3A_183, %eq3A_189 : vector<16xi32>
      %jit3A_191 = arith.constant 0 : i32
      %broadcast_in_dim3A_192 = vector.broadcast %jit3A_191 : i32 to vector<16xi32>
      %select_n3A_193 = arith.select %eq3A_190, %shift_left3A_187, %broadcast_in_dim3A_192 : vector<16xi1>, vector<16xi32>
      %or3A_194 = arith.ori %or3A_120, %select_n3A_193 : vector<16xi32>
      %eq3A_195 = arith.constant 1 : i32
      %eq3A_196 = vector.broadcast %eq3A_195 : i32 to vector<16xi32>
      %eq3A_197 = arith.cmpi eq, %shift_right_logical3A_183, %eq3A_196 : vector<16xi32>
      %jit3A_198 = arith.constant 0 : i32
      %broadcast_in_dim3A_199 = vector.broadcast %jit3A_198 : i32 to vector<16xi32>
      %select_n3A_200 = arith.select %eq3A_197, %shift_left3A_187, %broadcast_in_dim3A_199 : vector<16xi1>, vector<16xi32>
      %or3A_201 = arith.ori %or3A_127, %select_n3A_200 : vector<16xi32>
      %eq3A_202 = arith.constant 2 : i32
      %eq3A_203 = vector.broadcast %eq3A_202 : i32 to vector<16xi32>
      %eq3A_204 = arith.cmpi eq, %shift_right_logical3A_183, %eq3A_203 : vector<16xi32>
      %jit3A_205 = arith.constant 0 : i32
      %broadcast_in_dim3A_206 = vector.broadcast %jit3A_205 : i32 to vector<16xi32>
      %select_n3A_207 = arith.select %eq3A_204, %shift_left3A_187, %broadcast_in_dim3A_206 : vector<16xi1>, vector<16xi32>
      %or3A_208 = arith.ori %or3A_134, %select_n3A_207 : vector<16xi32>
      %eq3A_209 = arith.constant 3 : i32
      %eq3A_210 = vector.broadcast %eq3A_209 : i32 to vector<16xi32>
      %eq3A_211 = arith.cmpi eq, %shift_right_logical3A_183, %eq3A_210 : vector<16xi32>
      %jit3A_212 = arith.constant 0 : i32
      %broadcast_in_dim3A_213 = vector.broadcast %jit3A_212 : i32 to vector<16xi32>
      %select_n3A_214 = arith.select %eq3A_211, %shift_left3A_187, %broadcast_in_dim3A_213 : vector<16xi1>, vector<16xi32>
      %or3A_215 = arith.ori %or3A_141, %select_n3A_214 : vector<16xi32>
      %eq3A_216 = arith.constant 4 : i32
      %eq3A_217 = vector.broadcast %eq3A_216 : i32 to vector<16xi32>
      %eq3A_218 = arith.cmpi eq, %shift_right_logical3A_183, %eq3A_217 : vector<16xi32>
      %jit3A_219 = arith.constant 0 : i32
      %broadcast_in_dim3A_220 = vector.broadcast %jit3A_219 : i32 to vector<16xi32>
      %select_n3A_221 = arith.select %eq3A_218, %shift_left3A_187, %broadcast_in_dim3A_220 : vector<16xi1>, vector<16xi32>
      %or3A_222 = arith.ori %or3A_148, %select_n3A_221 : vector<16xi32>
      %eq3A_223 = arith.constant 5 : i32
      %eq3A_224 = vector.broadcast %eq3A_223 : i32 to vector<16xi32>
      %eq3A_225 = arith.cmpi eq, %shift_right_logical3A_183, %eq3A_224 : vector<16xi32>
      %jit3A_226 = arith.constant 0 : i32
      %broadcast_in_dim3A_227 = vector.broadcast %jit3A_226 : i32 to vector<16xi32>
      %select_n3A_228 = arith.select %eq3A_225, %shift_left3A_187, %broadcast_in_dim3A_227 : vector<16xi1>, vector<16xi32>
      %or3A_229 = arith.ori %or3A_155, %select_n3A_228 : vector<16xi32>
      %eq3A_230 = arith.constant 6 : i32
      %eq3A_231 = vector.broadcast %eq3A_230 : i32 to vector<16xi32>
      %eq3A_232 = arith.cmpi eq, %shift_right_logical3A_183, %eq3A_231 : vector<16xi32>
      %jit3A_233 = arith.constant 0 : i32
      %broadcast_in_dim3A_234 = vector.broadcast %jit3A_233 : i32 to vector<16xi32>
      %select_n3A_235 = arith.select %eq3A_232, %shift_left3A_187, %broadcast_in_dim3A_234 : vector<16xi1>, vector<16xi32>
      %or3A_236 = arith.ori %or3A_162, %select_n3A_235 : vector<16xi32>
      %eq3A_237 = arith.constant 7 : i32
      %eq3A_238 = vector.broadcast %eq3A_237 : i32 to vector<16xi32>
      %eq3A_239 = arith.cmpi eq, %shift_right_logical3A_183, %eq3A_238 : vector<16xi32>
      %jit3A_240 = arith.constant 0 : i32
      %broadcast_in_dim3A_241 = vector.broadcast %jit3A_240 : i32 to vector<16xi32>
      %select_n3A_242 = arith.select %eq3A_239, %shift_left3A_187, %broadcast_in_dim3A_241 : vector<16xi1>, vector<16xi32>
      %or3A_243 = arith.ori %or3A_169, %select_n3A_242 : vector<16xi32>
      %eq3A_244 = arith.constant 8 : i32
      %eq3A_245 = vector.broadcast %eq3A_244 : i32 to vector<16xi32>
      %eq3A_246 = arith.cmpi eq, %shift_right_logical3A_183, %eq3A_245 : vector<16xi32>
      %jit3A_247 = arith.constant 0 : i32
      %broadcast_in_dim3A_248 = vector.broadcast %jit3A_247 : i32 to vector<16xi32>
      %select_n3A_249 = arith.select %eq3A_246, %shift_left3A_187, %broadcast_in_dim3A_248 : vector<16xi1>, vector<16xi32>
      %or3A_250 = arith.ori %or3A_176, %select_n3A_249 : vector<16xi32>
      %add3A_251 = arith.constant 3 : i32
      %add3A_252 = vector.broadcast %add3A_251 : i32 to vector<16xi32>
      %add3A_253 = arith.addi %add3A_18, %add3A_252 : vector<16xi32>
      %gather3A_254 = tpu.vector_load_idx %arg4[%add3A_253] : memref<5120xi32, #tpu.memory_space<vmem>>[vector<16xi32>], vector<16xi32>,
      %shift_right_logical3A_255 = arith.constant 5 : i32
      %shift_right_logical3A_256 = vector.broadcast %shift_right_logical3A_255 : i32 to vector<16xi32>
      %shift_right_logical3A_257 = arith.shrui %gather3A_254, %shift_right_logical3A_256 : vector<16xi32>
      %and3A_258 = arith.constant 31 : i32
      %and3A_259 = vector.broadcast %and3A_258 : i32 to vector<16xi32>
      %and3A_260 = arith.andi %gather3A_254, %and3A_259 : vector<16xi32>
      %shift_left3A_261 = arith.shli %broadcast_in_dim3A_6, %and3A_260 : vector<16xi32>
      %eq3A_262 = arith.constant 0 : i32
      %eq3A_263 = vector.broadcast %eq3A_262 : i32 to vector<16xi32>
      %eq3A_264 = arith.cmpi eq, %shift_right_logical3A_257, %eq3A_263 : vector<16xi32>
      %jit3A_265 = arith.constant 0 : i32
      %broadcast_in_dim3A_266 = vector.broadcast %jit3A_265 : i32 to vector<16xi32>
      %select_n3A_267 = arith.select %eq3A_264, %shift_left3A_261, %broadcast_in_dim3A_266 : vector<16xi1>, vector<16xi32>
      %or3A_268 = arith.ori %or3A_194, %select_n3A_267 : vector<16xi32>
      %eq3A_269 = arith.constant 1 : i32
      %eq3A_270 = vector.broadcast %eq3A_269 : i32 to vector<16xi32>
      %eq3A_271 = arith.cmpi eq, %shift_right_logical3A_257, %eq3A_270 : vector<16xi32>
      %jit3A_272 = arith.constant 0 : i32
      %broadcast_in_dim3A_273 = vector.broadcast %jit3A_272 : i32 to vector<16xi32>
      %select_n3A_274 = arith.select %eq3A_271, %shift_left3A_261, %broadcast_in_dim3A_273 : vector<16xi1>, vector<16xi32>
      %or3A_275 = arith.ori %or3A_201, %select_n3A_274 : vector<16xi32>
      %eq3A_276 = arith.constant 2 : i32
      %eq3A_277 = vector.broadcast %eq3A_276 : i32 to vector<16xi32>
      %eq3A_278 = arith.cmpi eq, %shift_right_logical3A_257, %eq3A_277 : vector<16xi32>
      %jit3A_279 = arith.constant 0 : i32
      %broadcast_in_dim3A_280 = vector.broadcast %jit3A_279 : i32 to vector<16xi32>
      %select_n3A_281 = arith.select %eq3A_278, %shift_left3A_261, %broadcast_in_dim3A_280 : vector<16xi1>, vector<16xi32>
      %or3A_282 = arith.ori %or3A_208, %select_n3A_281 : vector<16xi32>
      %eq3A_283 = arith.constant 3 : i32
      %eq3A_284 = vector.broadcast %eq3A_283 : i32 to vector<16xi32>
      %eq3A_285 = arith.cmpi eq, %shift_right_logical3A_257, %eq3A_284 : vector<16xi32>
      %jit3A_286 = arith.constant 0 : i32
      %broadcast_in_dim3A_287 = vector.broadcast %jit3A_286 : i32 to vector<16xi32>
      %select_n3A_288 = arith.select %eq3A_285, %shift_left3A_261, %broadcast_in_dim3A_287 : vector<16xi1>, vector<16xi32>
      %or3A_289 = arith.ori %or3A_215, %select_n3A_288 : vector<16xi32>
      %eq3A_290 = arith.constant 4 : i32
      %eq3A_291 = vector.broadcast %eq3A_290 : i32 to vector<16xi32>
      %eq3A_292 = arith.cmpi eq, %shift_right_logical3A_257, %eq3A_291 : vector<16xi32>
      %jit3A_293 = arith.constant 0 : i32
      %broadcast_in_dim3A_294 = vector.broadcast %jit3A_293 : i32 to vector<16xi32>
      %select_n3A_295 = arith.select %eq3A_292, %shift_left3A_261, %broadcast_in_dim3A_294 : vector<16xi1>, vector<16xi32>
      %or3A_296 = arith.ori %or3A_222, %select_n3A_295 : vector<16xi32>
      %eq3A_297 = arith.constant 5 : i32
      %eq3A_298 = vector.broadcast %eq3A_297 : i32 to vector<16xi32>
      %eq3A_299 = arith.cmpi eq, %shift_right_logical3A_257, %eq3A_298 : vector<16xi32>
      %jit3A_300 = arith.constant 0 : i32
      %broadcast_in_dim3A_301 = vector.broadcast %jit3A_300 : i32 to vector<16xi32>
      %select_n3A_302 = arith.select %eq3A_299, %shift_left3A_261, %broadcast_in_dim3A_301 : vector<16xi1>, vector<16xi32>
      %or3A_303 = arith.ori %or3A_229, %select_n3A_302 : vector<16xi32>
      %eq3A_304 = arith.constant 6 : i32
      %eq3A_305 = vector.broadcast %eq3A_304 : i32 to vector<16xi32>
      %eq3A_306 = arith.cmpi eq, %shift_right_logical3A_257, %eq3A_305 : vector<16xi32>
      %jit3A_307 = arith.constant 0 : i32
      %broadcast_in_dim3A_308 = vector.broadcast %jit3A_307 : i32 to vector<16xi32>
      %select_n3A_309 = arith.select %eq3A_306, %shift_left3A_261, %broadcast_in_dim3A_308 : vector<16xi1>, vector<16xi32>
      %or3A_310 = arith.ori %or3A_236, %select_n3A_309 : vector<16xi32>
      %eq3A_311 = arith.constant 7 : i32
      %eq3A_312 = vector.broadcast %eq3A_311 : i32 to vector<16xi32>
      %eq3A_313 = arith.cmpi eq, %shift_right_logical3A_257, %eq3A_312 : vector<16xi32>
      %jit3A_314 = arith.constant 0 : i32
      %broadcast_in_dim3A_315 = vector.broadcast %jit3A_314 : i32 to vector<16xi32>
      %select_n3A_316 = arith.select %eq3A_313, %shift_left3A_261, %broadcast_in_dim3A_315 : vector<16xi1>, vector<16xi32>
      %or3A_317 = arith.ori %or3A_243, %select_n3A_316 : vector<16xi32>
      %eq3A_318 = arith.constant 8 : i32
      %eq3A_319 = vector.broadcast %eq3A_318 : i32 to vector<16xi32>
      %eq3A_320 = arith.cmpi eq, %shift_right_logical3A_257, %eq3A_319 : vector<16xi32>
      %jit3A_321 = arith.constant 0 : i32
      %broadcast_in_dim3A_322 = vector.broadcast %jit3A_321 : i32 to vector<16xi32>
      %select_n3A_323 = arith.select %eq3A_320, %shift_left3A_261, %broadcast_in_dim3A_322 : vector<16xi1>, vector<16xi32>
      %or3A_324 = arith.ori %or3A_250, %select_n3A_323 : vector<16xi32>
      %add3A_325 = arith.constant 4 : i32
      %add3A_326 = vector.broadcast %add3A_325 : i32 to vector<16xi32>
      %add3A_327 = arith.addi %add3A_18, %add3A_326 : vector<16xi32>
      %gather3A_328 = tpu.vector_load_idx %arg4[%add3A_327] : memref<5120xi32, #tpu.memory_space<vmem>>[vector<16xi32>], vector<16xi32>,
      %shift_right_logical3A_329 = arith.constant 5 : i32
      %shift_right_logical3A_330 = vector.broadcast %shift_right_logical3A_329 : i32 to vector<16xi32>
      %shift_right_logical3A_331 = arith.shrui %gather3A_328, %shift_right_logical3A_330 : vector<16xi32>
      %and3A_332 = arith.constant 31 : i32
      %and3A_333 = vector.broadcast %and3A_332 : i32 to vector<16xi32>
      %and3A_334 = arith.andi %gather3A_328, %and3A_333 : vector<16xi32>
      %shift_left3A_335 = arith.shli %broadcast_in_dim3A_6, %and3A_334 : vector<16xi32>
      %eq3A_336 = arith.constant 0 : i32
      %eq3A_337 = vector.broadcast %eq3A_336 : i32 to vector<16xi32>
      %eq3A_338 = arith.cmpi eq, %shift_right_logical3A_331, %eq3A_337 : vector<16xi32>
      %jit3A_339 = arith.constant 0 : i32
      %broadcast_in_dim3A_340 = vector.broadcast %jit3A_339 : i32 to vector<16xi32>
      %select_n3A_341 = arith.select %eq3A_338, %shift_left3A_335, %broadcast_in_dim3A_340 : vector<16xi1>, vector<16xi32>
      %or3A_342 = arith.ori %or3A_268, %select_n3A_341 : vector<16xi32>
      %eq3A_343 = arith.constant 1 : i32
      %eq3A_344 = vector.broadcast %eq3A_343 : i32 to vector<16xi32>
      %eq3A_345 = arith.cmpi eq, %shift_right_logical3A_331, %eq3A_344 : vector<16xi32>
      %jit3A_346 = arith.constant 0 : i32
      %broadcast_in_dim3A_347 = vector.broadcast %jit3A_346 : i32 to vector<16xi32>
      %select_n3A_348 = arith.select %eq3A_345, %shift_left3A_335, %broadcast_in_dim3A_347 : vector<16xi1>, vector<16xi32>
      %or3A_349 = arith.ori %or3A_275, %select_n3A_348 : vector<16xi32>
      %eq3A_350 = arith.constant 2 : i32
      %eq3A_351 = vector.broadcast %eq3A_350 : i32 to vector<16xi32>
      %eq3A_352 = arith.cmpi eq, %shift_right_logical3A_331, %eq3A_351 : vector<16xi32>
      %jit3A_353 = arith.constant 0 : i32
      %broadcast_in_dim3A_354 = vector.broadcast %jit3A_353 : i32 to vector<16xi32>
      %select_n3A_355 = arith.select %eq3A_352, %shift_left3A_335, %broadcast_in_dim3A_354 : vector<16xi1>, vector<16xi32>
      %or3A_356 = arith.ori %or3A_282, %select_n3A_355 : vector<16xi32>
      %eq3A_357 = arith.constant 3 : i32
      %eq3A_358 = vector.broadcast %eq3A_357 : i32 to vector<16xi32>
      %eq3A_359 = arith.cmpi eq, %shift_right_logical3A_331, %eq3A_358 : vector<16xi32>
      %jit3A_360 = arith.constant 0 : i32
      %broadcast_in_dim3A_361 = vector.broadcast %jit3A_360 : i32 to vector<16xi32>
      %select_n3A_362 = arith.select %eq3A_359, %shift_left3A_335, %broadcast_in_dim3A_361 : vector<16xi1>, vector<16xi32>
      %or3A_363 = arith.ori %or3A_289, %select_n3A_362 : vector<16xi32>
      %eq3A_364 = arith.constant 4 : i32
      %eq3A_365 = vector.broadcast %eq3A_364 : i32 to vector<16xi32>
      %eq3A_366 = arith.cmpi eq, %shift_right_logical3A_331, %eq3A_365 : vector<16xi32>
      %jit3A_367 = arith.constant 0 : i32
      %broadcast_in_dim3A_368 = vector.broadcast %jit3A_367 : i32 to vector<16xi32>
      %select_n3A_369 = arith.select %eq3A_366, %shift_left3A_335, %broadcast_in_dim3A_368 : vector<16xi1>, vector<16xi32>
      %or3A_370 = arith.ori %or3A_296, %select_n3A_369 : vector<16xi32>
      %eq3A_371 = arith.constant 5 : i32
      %eq3A_372 = vector.broadcast %eq3A_371 : i32 to vector<16xi32>
      %eq3A_373 = arith.cmpi eq, %shift_right_logical3A_331, %eq3A_372 : vector<16xi32>
      %jit3A_374 = arith.constant 0 : i32
      %broadcast_in_dim3A_375 = vector.broadcast %jit3A_374 : i32 to vector<16xi32>
      %select_n3A_376 = arith.select %eq3A_373, %shift_left3A_335, %broadcast_in_dim3A_375 : vector<16xi1>, vector<16xi32>
      %or3A_377 = arith.ori %or3A_303, %select_n3A_376 : vector<16xi32>
      %eq3A_378 = arith.constant 6 : i32
      %eq3A_379 = vector.broadcast %eq3A_378 : i32 to vector<16xi32>
      %eq3A_380 = arith.cmpi eq, %shift_right_logical3A_331, %eq3A_379 : vector<16xi32>
      %jit3A_381 = arith.constant 0 : i32
      %broadcast_in_dim3A_382 = vector.broadcast %jit3A_381 : i32 to vector<16xi32>
      %select_n3A_383 = arith.select %eq3A_380, %shift_left3A_335, %broadcast_in_dim3A_382 : vector<16xi1>, vector<16xi32>
      %or3A_384 = arith.ori %or3A_310, %select_n3A_383 : vector<16xi32>
      %eq3A_385 = arith.constant 7 : i32
      %eq3A_386 = vector.broadcast %eq3A_385 : i32 to vector<16xi32>
      %eq3A_387 = arith.cmpi eq, %shift_right_logical3A_331, %eq3A_386 : vector<16xi32>
      %jit3A_388 = arith.constant 0 : i32
      %broadcast_in_dim3A_389 = vector.broadcast %jit3A_388 : i32 to vector<16xi32>
      %select_n3A_390 = arith.select %eq3A_387, %shift_left3A_335, %broadcast_in_dim3A_389 : vector<16xi1>, vector<16xi32>
      %or3A_391 = arith.ori %or3A_317, %select_n3A_390 : vector<16xi32>
      %eq3A_392 = arith.constant 8 : i32
      %eq3A_393 = vector.broadcast %eq3A_392 : i32 to vector<16xi32>
      %eq3A_394 = arith.cmpi eq, %shift_right_logical3A_331, %eq3A_393 : vector<16xi32>
      %jit3A_395 = arith.constant 0 : i32
      %broadcast_in_dim3A_396 = vector.broadcast %jit3A_395 : i32 to vector<16xi32>
      %select_n3A_397 = arith.select %eq3A_394, %shift_left3A_335, %broadcast_in_dim3A_396 : vector<16xi1>, vector<16xi32>
      %or3A_398 = arith.ori %or3A_324, %select_n3A_397 : vector<16xi32>
      %add3A_399 = arith.constant 5 : i32
      %add3A_400 = vector.broadcast %add3A_399 : i32 to vector<16xi32>
      %add3A_401 = arith.addi %add3A_18, %add3A_400 : vector<16xi32>
      %gather3A_402 = tpu.vector_load_idx %arg4[%add3A_401] : memref<5120xi32, #tpu.memory_space<vmem>>[vector<16xi32>], vector<16xi32>,
      %shift_right_logical3A_403 = arith.constant 5 : i32
      %shift_right_logical3A_404 = vector.broadcast %shift_right_logical3A_403 : i32 to vector<16xi32>
      %shift_right_logical3A_405 = arith.shrui %gather3A_402, %shift_right_logical3A_404 : vector<16xi32>
      %and3A_406 = arith.constant 31 : i32
      %and3A_407 = vector.broadcast %and3A_406 : i32 to vector<16xi32>
      %and3A_408 = arith.andi %gather3A_402, %and3A_407 : vector<16xi32>
      %shift_left3A_409 = arith.shli %broadcast_in_dim3A_6, %and3A_408 : vector<16xi32>
      %eq3A_410 = arith.constant 0 : i32
      %eq3A_411 = vector.broadcast %eq3A_410 : i32 to vector<16xi32>
      %eq3A_412 = arith.cmpi eq, %shift_right_logical3A_405, %eq3A_411 : vector<16xi32>
      %jit3A_413 = arith.constant 0 : i32
      %broadcast_in_dim3A_414 = vector.broadcast %jit3A_413 : i32 to vector<16xi32>
      %select_n3A_415 = arith.select %eq3A_412, %shift_left3A_409, %broadcast_in_dim3A_414 : vector<16xi1>, vector<16xi32>
      %or3A_416 = arith.ori %or3A_342, %select_n3A_415 : vector<16xi32>
      %eq3A_417 = arith.constant 1 : i32
      %eq3A_418 = vector.broadcast %eq3A_417 : i32 to vector<16xi32>
      %eq3A_419 = arith.cmpi eq, %shift_right_logical3A_405, %eq3A_418 : vector<16xi32>
      %jit3A_420 = arith.constant 0 : i32
      %broadcast_in_dim3A_421 = vector.broadcast %jit3A_420 : i32 to vector<16xi32>
      %select_n3A_422 = arith.select %eq3A_419, %shift_left3A_409, %broadcast_in_dim3A_421 : vector<16xi1>, vector<16xi32>
      %or3A_423 = arith.ori %or3A_349, %select_n3A_422 : vector<16xi32>
      %eq3A_424 = arith.constant 2 : i32
      %eq3A_425 = vector.broadcast %eq3A_424 : i32 to vector<16xi32>
      %eq3A_426 = arith.cmpi eq, %shift_right_logical3A_405, %eq3A_425 : vector<16xi32>
      %jit3A_427 = arith.constant 0 : i32
      %broadcast_in_dim3A_428 = vector.broadcast %jit3A_427 : i32 to vector<16xi32>
      %select_n3A_429 = arith.select %eq3A_426, %shift_left3A_409, %broadcast_in_dim3A_428 : vector<16xi1>, vector<16xi32>
      %or3A_430 = arith.ori %or3A_356, %select_n3A_429 : vector<16xi32>
      %eq3A_431 = arith.constant 3 : i32
      %eq3A_432 = vector.broadcast %eq3A_431 : i32 to vector<16xi32>
      %eq3A_433 = arith.cmpi eq, %shift_right_logical3A_405, %eq3A_432 : vector<16xi32>
      %jit3A_434 = arith.constant 0 : i32
      %broadcast_in_dim3A_435 = vector.broadcast %jit3A_434 : i32 to vector<16xi32>
      %select_n3A_436 = arith.select %eq3A_433, %shift_left3A_409, %broadcast_in_dim3A_435 : vector<16xi1>, vector<16xi32>
      %or3A_437 = arith.ori %or3A_363, %select_n3A_436 : vector<16xi32>
      %eq3A_438 = arith.constant 4 : i32
      %eq3A_439 = vector.broadcast %eq3A_438 : i32 to vector<16xi32>
      %eq3A_440 = arith.cmpi eq, %shift_right_logical3A_405, %eq3A_439 : vector<16xi32>
      %jit3A_441 = arith.constant 0 : i32
      %broadcast_in_dim3A_442 = vector.broadcast %jit3A_441 : i32 to vector<16xi32>
      %select_n3A_443 = arith.select %eq3A_440, %shift_left3A_409, %broadcast_in_dim3A_442 : vector<16xi1>, vector<16xi32>
      %or3A_444 = arith.ori %or3A_370, %select_n3A_443 : vector<16xi32>
      %eq3A_445 = arith.constant 5 : i32
      %eq3A_446 = vector.broadcast %eq3A_445 : i32 to vector<16xi32>
      %eq3A_447 = arith.cmpi eq, %shift_right_logical3A_405, %eq3A_446 : vector<16xi32>
      %jit3A_448 = arith.constant 0 : i32
      %broadcast_in_dim3A_449 = vector.broadcast %jit3A_448 : i32 to vector<16xi32>
      %select_n3A_450 = arith.select %eq3A_447, %shift_left3A_409, %broadcast_in_dim3A_449 : vector<16xi1>, vector<16xi32>
      %or3A_451 = arith.ori %or3A_377, %select_n3A_450 : vector<16xi32>
      %eq3A_452 = arith.constant 6 : i32
      %eq3A_453 = vector.broadcast %eq3A_452 : i32 to vector<16xi32>
      %eq3A_454 = arith.cmpi eq, %shift_right_logical3A_405, %eq3A_453 : vector<16xi32>
      %jit3A_455 = arith.constant 0 : i32
      %broadcast_in_dim3A_456 = vector.broadcast %jit3A_455 : i32 to vector<16xi32>
      %select_n3A_457 = arith.select %eq3A_454, %shift_left3A_409, %broadcast_in_dim3A_456 : vector<16xi1>, vector<16xi32>
      %or3A_458 = arith.ori %or3A_384, %select_n3A_457 : vector<16xi32>
      %eq3A_459 = arith.constant 7 : i32
      %eq3A_460 = vector.broadcast %eq3A_459 : i32 to vector<16xi32>
      %eq3A_461 = arith.cmpi eq, %shift_right_logical3A_405, %eq3A_460 : vector<16xi32>
      %jit3A_462 = arith.constant 0 : i32
      %broadcast_in_dim3A_463 = vector.broadcast %jit3A_462 : i32 to vector<16xi32>
      %select_n3A_464 = arith.select %eq3A_461, %shift_left3A_409, %broadcast_in_dim3A_463 : vector<16xi1>, vector<16xi32>
      %or3A_465 = arith.ori %or3A_391, %select_n3A_464 : vector<16xi32>
      %eq3A_466 = arith.constant 8 : i32
      %eq3A_467 = vector.broadcast %eq3A_466 : i32 to vector<16xi32>
      %eq3A_468 = arith.cmpi eq, %shift_right_logical3A_405, %eq3A_467 : vector<16xi32>
      %jit3A_469 = arith.constant 0 : i32
      %broadcast_in_dim3A_470 = vector.broadcast %jit3A_469 : i32 to vector<16xi32>
      %select_n3A_471 = arith.select %eq3A_468, %shift_left3A_409, %broadcast_in_dim3A_470 : vector<16xi1>, vector<16xi32>
      %or3A_472 = arith.ori %or3A_398, %select_n3A_471 : vector<16xi32>
      %add3A_473 = arith.constant 6 : i32
      %add3A_474 = vector.broadcast %add3A_473 : i32 to vector<16xi32>
      %add3A_475 = arith.addi %add3A_18, %add3A_474 : vector<16xi32>
      %gather3A_476 = tpu.vector_load_idx %arg4[%add3A_475] : memref<5120xi32, #tpu.memory_space<vmem>>[vector<16xi32>], vector<16xi32>,
      %shift_right_logical3A_477 = arith.constant 5 : i32
      %shift_right_logical3A_478 = vector.broadcast %shift_right_logical3A_477 : i32 to vector<16xi32>
      %shift_right_logical3A_479 = arith.shrui %gather3A_476, %shift_right_logical3A_478 : vector<16xi32>
      %and3A_480 = arith.constant 31 : i32
      %and3A_481 = vector.broadcast %and3A_480 : i32 to vector<16xi32>
      %and3A_482 = arith.andi %gather3A_476, %and3A_481 : vector<16xi32>
      %shift_left3A_483 = arith.shli %broadcast_in_dim3A_6, %and3A_482 : vector<16xi32>
      %eq3A_484 = arith.constant 0 : i32
      %eq3A_485 = vector.broadcast %eq3A_484 : i32 to vector<16xi32>
      %eq3A_486 = arith.cmpi eq, %shift_right_logical3A_479, %eq3A_485 : vector<16xi32>
      %jit3A_487 = arith.constant 0 : i32
      %broadcast_in_dim3A_488 = vector.broadcast %jit3A_487 : i32 to vector<16xi32>
      %select_n3A_489 = arith.select %eq3A_486, %shift_left3A_483, %broadcast_in_dim3A_488 : vector<16xi1>, vector<16xi32>
      %or3A_490 = arith.ori %or3A_416, %select_n3A_489 : vector<16xi32>
      %eq3A_491 = arith.constant 1 : i32
      %eq3A_492 = vector.broadcast %eq3A_491 : i32 to vector<16xi32>
      %eq3A_493 = arith.cmpi eq, %shift_right_logical3A_479, %eq3A_492 : vector<16xi32>
      %jit3A_494 = arith.constant 0 : i32
      %broadcast_in_dim3A_495 = vector.broadcast %jit3A_494 : i32 to vector<16xi32>
      %select_n3A_496 = arith.select %eq3A_493, %shift_left3A_483, %broadcast_in_dim3A_495 : vector<16xi1>, vector<16xi32>
      %or3A_497 = arith.ori %or3A_423, %select_n3A_496 : vector<16xi32>
      %eq3A_498 = arith.constant 2 : i32
      %eq3A_499 = vector.broadcast %eq3A_498 : i32 to vector<16xi32>
      %eq3A_500 = arith.cmpi eq, %shift_right_logical3A_479, %eq3A_499 : vector<16xi32>
      %jit3A_501 = arith.constant 0 : i32
      %broadcast_in_dim3A_502 = vector.broadcast %jit3A_501 : i32 to vector<16xi32>
      %select_n3A_503 = arith.select %eq3A_500, %shift_left3A_483, %broadcast_in_dim3A_502 : vector<16xi1>, vector<16xi32>
      %or3A_504 = arith.ori %or3A_430, %select_n3A_503 : vector<16xi32>
      %eq3A_505 = arith.constant 3 : i32
      %eq3A_506 = vector.broadcast %eq3A_505 : i32 to vector<16xi32>
      %eq3A_507 = arith.cmpi eq, %shift_right_logical3A_479, %eq3A_506 : vector<16xi32>
      %jit3A_508 = arith.constant 0 : i32
      %broadcast_in_dim3A_509 = vector.broadcast %jit3A_508 : i32 to vector<16xi32>
      %select_n3A_510 = arith.select %eq3A_507, %shift_left3A_483, %broadcast_in_dim3A_509 : vector<16xi1>, vector<16xi32>
      %or3A_511 = arith.ori %or3A_437, %select_n3A_510 : vector<16xi32>
      %eq3A_512 = arith.constant 4 : i32
      %eq3A_513 = vector.broadcast %eq3A_512 : i32 to vector<16xi32>
      %eq3A_514 = arith.cmpi eq, %shift_right_logical3A_479, %eq3A_513 : vector<16xi32>
      %jit3A_515 = arith.constant 0 : i32
      %broadcast_in_dim3A_516 = vector.broadcast %jit3A_515 : i32 to vector<16xi32>
      %select_n3A_517 = arith.select %eq3A_514, %shift_left3A_483, %broadcast_in_dim3A_516 : vector<16xi1>, vector<16xi32>
      %or3A_518 = arith.ori %or3A_444, %select_n3A_517 : vector<16xi32>
      %eq3A_519 = arith.constant 5 : i32
      %eq3A_520 = vector.broadcast %eq3A_519 : i32 to vector<16xi32>
      %eq3A_521 = arith.cmpi eq, %shift_right_logical3A_479, %eq3A_520 : vector<16xi32>
      %jit3A_522 = arith.constant 0 : i32
      %broadcast_in_dim3A_523 = vector.broadcast %jit3A_522 : i32 to vector<16xi32>
      %select_n3A_524 = arith.select %eq3A_521, %shift_left3A_483, %broadcast_in_dim3A_523 : vector<16xi1>, vector<16xi32>
      %or3A_525 = arith.ori %or3A_451, %select_n3A_524 : vector<16xi32>
      %eq3A_526 = arith.constant 6 : i32
      %eq3A_527 = vector.broadcast %eq3A_526 : i32 to vector<16xi32>
      %eq3A_528 = arith.cmpi eq, %shift_right_logical3A_479, %eq3A_527 : vector<16xi32>
      %jit3A_529 = arith.constant 0 : i32
      %broadcast_in_dim3A_530 = vector.broadcast %jit3A_529 : i32 to vector<16xi32>
      %select_n3A_531 = arith.select %eq3A_528, %shift_left3A_483, %broadcast_in_dim3A_530 : vector<16xi1>, vector<16xi32>
      %or3A_532 = arith.ori %or3A_458, %select_n3A_531 : vector<16xi32>
      %eq3A_533 = arith.constant 7 : i32
      %eq3A_534 = vector.broadcast %eq3A_533 : i32 to vector<16xi32>
      %eq3A_535 = arith.cmpi eq, %shift_right_logical3A_479, %eq3A_534 : vector<16xi32>
      %jit3A_536 = arith.constant 0 : i32
      %broadcast_in_dim3A_537 = vector.broadcast %jit3A_536 : i32 to vector<16xi32>
      %select_n3A_538 = arith.select %eq3A_535, %shift_left3A_483, %broadcast_in_dim3A_537 : vector<16xi1>, vector<16xi32>
      %or3A_539 = arith.ori %or3A_465, %select_n3A_538 : vector<16xi32>
      %eq3A_540 = arith.constant 8 : i32
      %eq3A_541 = vector.broadcast %eq3A_540 : i32 to vector<16xi32>
      %eq3A_542 = arith.cmpi eq, %shift_right_logical3A_479, %eq3A_541 : vector<16xi32>
      %jit3A_543 = arith.constant 0 : i32
      %broadcast_in_dim3A_544 = vector.broadcast %jit3A_543 : i32 to vector<16xi32>
      %select_n3A_545 = arith.select %eq3A_542, %shift_left3A_483, %broadcast_in_dim3A_544 : vector<16xi1>, vector<16xi32>
      %or3A_546 = arith.ori %or3A_472, %select_n3A_545 : vector<16xi32>
      %add3A_547 = arith.constant 7 : i32
      %add3A_548 = vector.broadcast %add3A_547 : i32 to vector<16xi32>
      %add3A_549 = arith.addi %add3A_18, %add3A_548 : vector<16xi32>
      %gather3A_550 = tpu.vector_load_idx %arg4[%add3A_549] : memref<5120xi32, #tpu.memory_space<vmem>>[vector<16xi32>], vector<16xi32>,
      %shift_right_logical3A_551 = arith.constant 5 : i32
      %shift_right_logical3A_552 = vector.broadcast %shift_right_logical3A_551 : i32 to vector<16xi32>
      %shift_right_logical3A_553 = arith.shrui %gather3A_550, %shift_right_logical3A_552 : vector<16xi32>
      %and3A_554 = arith.constant 31 : i32
      %and3A_555 = vector.broadcast %and3A_554 : i32 to vector<16xi32>
      %and3A_556 = arith.andi %gather3A_550, %and3A_555 : vector<16xi32>
      %shift_left3A_557 = arith.shli %broadcast_in_dim3A_6, %and3A_556 : vector<16xi32>
      %eq3A_558 = arith.constant 0 : i32
      %eq3A_559 = vector.broadcast %eq3A_558 : i32 to vector<16xi32>
      %eq3A_560 = arith.cmpi eq, %shift_right_logical3A_553, %eq3A_559 : vector<16xi32>
      %jit3A_561 = arith.constant 0 : i32
      %broadcast_in_dim3A_562 = vector.broadcast %jit3A_561 : i32 to vector<16xi32>
      %select_n3A_563 = arith.select %eq3A_560, %shift_left3A_557, %broadcast_in_dim3A_562 : vector<16xi1>, vector<16xi32>
      %or3A_564 = arith.ori %or3A_490, %select_n3A_563 : vector<16xi32>
      %eq3A_565 = arith.constant 1 : i32
      %eq3A_566 = vector.broadcast %eq3A_565 : i32 to vector<16xi32>
      %eq3A_567 = arith.cmpi eq, %shift_right_logical3A_553, %eq3A_566 : vector<16xi32>
      %jit3A_568 = arith.constant 0 : i32
      %broadcast_in_dim3A_569 = vector.broadcast %jit3A_568 : i32 to vector<16xi32>
      %select_n3A_570 = arith.select %eq3A_567, %shift_left3A_557, %broadcast_in_dim3A_569 : vector<16xi1>, vector<16xi32>
      %or3A_571 = arith.ori %or3A_497, %select_n3A_570 : vector<16xi32>
      %eq3A_572 = arith.constant 2 : i32
      %eq3A_573 = vector.broadcast %eq3A_572 : i32 to vector<16xi32>
      %eq3A_574 = arith.cmpi eq, %shift_right_logical3A_553, %eq3A_573 : vector<16xi32>
      %jit3A_575 = arith.constant 0 : i32
      %broadcast_in_dim3A_576 = vector.broadcast %jit3A_575 : i32 to vector<16xi32>
      %select_n3A_577 = arith.select %eq3A_574, %shift_left3A_557, %broadcast_in_dim3A_576 : vector<16xi1>, vector<16xi32>
      %or3A_578 = arith.ori %or3A_504, %select_n3A_577 : vector<16xi32>
      %eq3A_579 = arith.constant 3 : i32
      %eq3A_580 = vector.broadcast %eq3A_579 : i32 to vector<16xi32>
      %eq3A_581 = arith.cmpi eq, %shift_right_logical3A_553, %eq3A_580 : vector<16xi32>
      %jit3A_582 = arith.constant 0 : i32
      %broadcast_in_dim3A_583 = vector.broadcast %jit3A_582 : i32 to vector<16xi32>
      %select_n3A_584 = arith.select %eq3A_581, %shift_left3A_557, %broadcast_in_dim3A_583 : vector<16xi1>, vector<16xi32>
      %or3A_585 = arith.ori %or3A_511, %select_n3A_584 : vector<16xi32>
      %eq3A_586 = arith.constant 4 : i32
      %eq3A_587 = vector.broadcast %eq3A_586 : i32 to vector<16xi32>
      %eq3A_588 = arith.cmpi eq, %shift_right_logical3A_553, %eq3A_587 : vector<16xi32>
      %jit3A_589 = arith.constant 0 : i32
      %broadcast_in_dim3A_590 = vector.broadcast %jit3A_589 : i32 to vector<16xi32>
      %select_n3A_591 = arith.select %eq3A_588, %shift_left3A_557, %broadcast_in_dim3A_590 : vector<16xi1>, vector<16xi32>
      %or3A_592 = arith.ori %or3A_518, %select_n3A_591 : vector<16xi32>
      %eq3A_593 = arith.constant 5 : i32
      %eq3A_594 = vector.broadcast %eq3A_593 : i32 to vector<16xi32>
      %eq3A_595 = arith.cmpi eq, %shift_right_logical3A_553, %eq3A_594 : vector<16xi32>
      %jit3A_596 = arith.constant 0 : i32
      %broadcast_in_dim3A_597 = vector.broadcast %jit3A_596 : i32 to vector<16xi32>
      %select_n3A_598 = arith.select %eq3A_595, %shift_left3A_557, %broadcast_in_dim3A_597 : vector<16xi1>, vector<16xi32>
      %or3A_599 = arith.ori %or3A_525, %select_n3A_598 : vector<16xi32>
      %eq3A_600 = arith.constant 6 : i32
      %eq3A_601 = vector.broadcast %eq3A_600 : i32 to vector<16xi32>
      %eq3A_602 = arith.cmpi eq, %shift_right_logical3A_553, %eq3A_601 : vector<16xi32>
      %jit3A_603 = arith.constant 0 : i32
      %broadcast_in_dim3A_604 = vector.broadcast %jit3A_603 : i32 to vector<16xi32>
      %select_n3A_605 = arith.select %eq3A_602, %shift_left3A_557, %broadcast_in_dim3A_604 : vector<16xi1>, vector<16xi32>
      %or3A_606 = arith.ori %or3A_532, %select_n3A_605 : vector<16xi32>
      %eq3A_607 = arith.constant 7 : i32
      %eq3A_608 = vector.broadcast %eq3A_607 : i32 to vector<16xi32>
      %eq3A_609 = arith.cmpi eq, %shift_right_logical3A_553, %eq3A_608 : vector<16xi32>
      %jit3A_610 = arith.constant 0 : i32
      %broadcast_in_dim3A_611 = vector.broadcast %jit3A_610 : i32 to vector<16xi32>
      %select_n3A_612 = arith.select %eq3A_609, %shift_left3A_557, %broadcast_in_dim3A_611 : vector<16xi1>, vector<16xi32>
      %or3A_613 = arith.ori %or3A_539, %select_n3A_612 : vector<16xi32>
      %eq3A_614 = arith.constant 8 : i32
      %eq3A_615 = vector.broadcast %eq3A_614 : i32 to vector<16xi32>
      %eq3A_616 = arith.cmpi eq, %shift_right_logical3A_553, %eq3A_615 : vector<16xi32>
      %jit3A_617 = arith.constant 0 : i32
      %broadcast_in_dim3A_618 = vector.broadcast %jit3A_617 : i32 to vector<16xi32>
      %select_n3A_619 = arith.select %eq3A_616, %shift_left3A_557, %broadcast_in_dim3A_618 : vector<16xi1>, vector<16xi32>
      %or3A_620 = arith.ori %or3A_546, %select_n3A_619 : vector<16xi32>
      %add3A_621 = arith.constant 8 : i32
      %add3A_622 = vector.broadcast %add3A_621 : i32 to vector<16xi32>
      %add3A_623 = arith.addi %add3A_18, %add3A_622 : vector<16xi32>
      %gather3A_624 = tpu.vector_load_idx %arg4[%add3A_623] : memref<5120xi32, #tpu.memory_space<vmem>>[vector<16xi32>], vector<16xi32>,
      %shift_right_logical3A_625 = arith.constant 5 : i32
      %shift_right_logical3A_626 = vector.broadcast %shift_right_logical3A_625 : i32 to vector<16xi32>
      %shift_right_logical3A_627 = arith.shrui %gather3A_624, %shift_right_logical3A_626 : vector<16xi32>
      %and3A_628 = arith.constant 31 : i32
      %and3A_629 = vector.broadcast %and3A_628 : i32 to vector<16xi32>
      %and3A_630 = arith.andi %gather3A_624, %and3A_629 : vector<16xi32>
      %shift_left3A_631 = arith.shli %broadcast_in_dim3A_6, %and3A_630 : vector<16xi32>
      %eq3A_632 = arith.constant 0 : i32
      %eq3A_633 = vector.broadcast %eq3A_632 : i32 to vector<16xi32>
      %eq3A_634 = arith.cmpi eq, %shift_right_logical3A_627, %eq3A_633 : vector<16xi32>
      %jit3A_635 = arith.constant 0 : i32
      %broadcast_in_dim3A_636 = vector.broadcast %jit3A_635 : i32 to vector<16xi32>
      %select_n3A_637 = arith.select %eq3A_634, %shift_left3A_631, %broadcast_in_dim3A_636 : vector<16xi1>, vector<16xi32>
      %or3A_638 = arith.ori %or3A_564, %select_n3A_637 : vector<16xi32>
      %eq3A_639 = arith.constant 1 : i32
      %eq3A_640 = vector.broadcast %eq3A_639 : i32 to vector<16xi32>
      %eq3A_641 = arith.cmpi eq, %shift_right_logical3A_627, %eq3A_640 : vector<16xi32>
      %jit3A_642 = arith.constant 0 : i32
      %broadcast_in_dim3A_643 = vector.broadcast %jit3A_642 : i32 to vector<16xi32>
      %select_n3A_644 = arith.select %eq3A_641, %shift_left3A_631, %broadcast_in_dim3A_643 : vector<16xi1>, vector<16xi32>
      %or3A_645 = arith.ori %or3A_571, %select_n3A_644 : vector<16xi32>
      %eq3A_646 = arith.constant 2 : i32
      %eq3A_647 = vector.broadcast %eq3A_646 : i32 to vector<16xi32>
      %eq3A_648 = arith.cmpi eq, %shift_right_logical3A_627, %eq3A_647 : vector<16xi32>
      %jit3A_649 = arith.constant 0 : i32
      %broadcast_in_dim3A_650 = vector.broadcast %jit3A_649 : i32 to vector<16xi32>
      %select_n3A_651 = arith.select %eq3A_648, %shift_left3A_631, %broadcast_in_dim3A_650 : vector<16xi1>, vector<16xi32>
      %or3A_652 = arith.ori %or3A_578, %select_n3A_651 : vector<16xi32>
      %eq3A_653 = arith.constant 3 : i32
      %eq3A_654 = vector.broadcast %eq3A_653 : i32 to vector<16xi32>
      %eq3A_655 = arith.cmpi eq, %shift_right_logical3A_627, %eq3A_654 : vector<16xi32>
      %jit3A_656 = arith.constant 0 : i32
      %broadcast_in_dim3A_657 = vector.broadcast %jit3A_656 : i32 to vector<16xi32>
      %select_n3A_658 = arith.select %eq3A_655, %shift_left3A_631, %broadcast_in_dim3A_657 : vector<16xi1>, vector<16xi32>
      %or3A_659 = arith.ori %or3A_585, %select_n3A_658 : vector<16xi32>
      %eq3A_660 = arith.constant 4 : i32
      %eq3A_661 = vector.broadcast %eq3A_660 : i32 to vector<16xi32>
      %eq3A_662 = arith.cmpi eq, %shift_right_logical3A_627, %eq3A_661 : vector<16xi32>
      %jit3A_663 = arith.constant 0 : i32
      %broadcast_in_dim3A_664 = vector.broadcast %jit3A_663 : i32 to vector<16xi32>
      %select_n3A_665 = arith.select %eq3A_662, %shift_left3A_631, %broadcast_in_dim3A_664 : vector<16xi1>, vector<16xi32>
      %or3A_666 = arith.ori %or3A_592, %select_n3A_665 : vector<16xi32>
      %eq3A_667 = arith.constant 5 : i32
      %eq3A_668 = vector.broadcast %eq3A_667 : i32 to vector<16xi32>
      %eq3A_669 = arith.cmpi eq, %shift_right_logical3A_627, %eq3A_668 : vector<16xi32>
      %jit3A_670 = arith.constant 0 : i32
      %broadcast_in_dim3A_671 = vector.broadcast %jit3A_670 : i32 to vector<16xi32>
      %select_n3A_672 = arith.select %eq3A_669, %shift_left3A_631, %broadcast_in_dim3A_671 : vector<16xi1>, vector<16xi32>
      %or3A_673 = arith.ori %or3A_599, %select_n3A_672 : vector<16xi32>
      %eq3A_674 = arith.constant 6 : i32
      %eq3A_675 = vector.broadcast %eq3A_674 : i32 to vector<16xi32>
      %eq3A_676 = arith.cmpi eq, %shift_right_logical3A_627, %eq3A_675 : vector<16xi32>
      %jit3A_677 = arith.constant 0 : i32
      %broadcast_in_dim3A_678 = vector.broadcast %jit3A_677 : i32 to vector<16xi32>
      %select_n3A_679 = arith.select %eq3A_676, %shift_left3A_631, %broadcast_in_dim3A_678 : vector<16xi1>, vector<16xi32>
      %or3A_680 = arith.ori %or3A_606, %select_n3A_679 : vector<16xi32>
      %eq3A_681 = arith.constant 7 : i32
      %eq3A_682 = vector.broadcast %eq3A_681 : i32 to vector<16xi32>
      %eq3A_683 = arith.cmpi eq, %shift_right_logical3A_627, %eq3A_682 : vector<16xi32>
      %jit3A_684 = arith.constant 0 : i32
      %broadcast_in_dim3A_685 = vector.broadcast %jit3A_684 : i32 to vector<16xi32>
      %select_n3A_686 = arith.select %eq3A_683, %shift_left3A_631, %broadcast_in_dim3A_685 : vector<16xi1>, vector<16xi32>
      %or3A_687 = arith.ori %or3A_613, %select_n3A_686 : vector<16xi32>
      %eq3A_688 = arith.constant 8 : i32
      %eq3A_689 = vector.broadcast %eq3A_688 : i32 to vector<16xi32>
      %eq3A_690 = arith.cmpi eq, %shift_right_logical3A_627, %eq3A_689 : vector<16xi32>
      %jit3A_691 = arith.constant 0 : i32
      %broadcast_in_dim3A_692 = vector.broadcast %jit3A_691 : i32 to vector<16xi32>
      %select_n3A_693 = arith.select %eq3A_690, %shift_left3A_631, %broadcast_in_dim3A_692 : vector<16xi1>, vector<16xi32>
      %or3A_694 = arith.ori %or3A_620, %select_n3A_693 : vector<16xi32>
      %add3A_695 = arith.constant 9 : i32
      %add3A_696 = vector.broadcast %add3A_695 : i32 to vector<16xi32>
      %add3A_697 = arith.addi %add3A_18, %add3A_696 : vector<16xi32>
      %gather3A_698 = tpu.vector_load_idx %arg4[%add3A_697] : memref<5120xi32, #tpu.memory_space<vmem>>[vector<16xi32>], vector<16xi32>,
      %shift_right_logical3A_699 = arith.constant 5 : i32
      %shift_right_logical3A_700 = vector.broadcast %shift_right_logical3A_699 : i32 to vector<16xi32>
      %shift_right_logical3A_701 = arith.shrui %gather3A_698, %shift_right_logical3A_700 : vector<16xi32>
      %and3A_702 = arith.constant 31 : i32
      %and3A_703 = vector.broadcast %and3A_702 : i32 to vector<16xi32>
      %and3A_704 = arith.andi %gather3A_698, %and3A_703 : vector<16xi32>
      %shift_left3A_705 = arith.shli %broadcast_in_dim3A_6, %and3A_704 : vector<16xi32>
      %eq3A_706 = arith.constant 0 : i32
      %eq3A_707 = vector.broadcast %eq3A_706 : i32 to vector<16xi32>
      %eq3A_708 = arith.cmpi eq, %shift_right_logical3A_701, %eq3A_707 : vector<16xi32>
      %jit3A_709 = arith.constant 0 : i32
      %broadcast_in_dim3A_710 = vector.broadcast %jit3A_709 : i32 to vector<16xi32>
      %select_n3A_711 = arith.select %eq3A_708, %shift_left3A_705, %broadcast_in_dim3A_710 : vector<16xi1>, vector<16xi32>
      %or3A_712 = arith.ori %or3A_638, %select_n3A_711 : vector<16xi32>
      %eq3A_713 = arith.constant 1 : i32
      %eq3A_714 = vector.broadcast %eq3A_713 : i32 to vector<16xi32>
      %eq3A_715 = arith.cmpi eq, %shift_right_logical3A_701, %eq3A_714 : vector<16xi32>
      %jit3A_716 = arith.constant 0 : i32
      %broadcast_in_dim3A_717 = vector.broadcast %jit3A_716 : i32 to vector<16xi32>
      %select_n3A_718 = arith.select %eq3A_715, %shift_left3A_705, %broadcast_in_dim3A_717 : vector<16xi1>, vector<16xi32>
      %or3A_719 = arith.ori %or3A_645, %select_n3A_718 : vector<16xi32>
      %eq3A_720 = arith.constant 2 : i32
      %eq3A_721 = vector.broadcast %eq3A_720 : i32 to vector<16xi32>
      %eq3A_722 = arith.cmpi eq, %shift_right_logical3A_701, %eq3A_721 : vector<16xi32>
      %jit3A_723 = arith.constant 0 : i32
      %broadcast_in_dim3A_724 = vector.broadcast %jit3A_723 : i32 to vector<16xi32>
      %select_n3A_725 = arith.select %eq3A_722, %shift_left3A_705, %broadcast_in_dim3A_724 : vector<16xi1>, vector<16xi32>
      %or3A_726 = arith.ori %or3A_652, %select_n3A_725 : vector<16xi32>
      %eq3A_727 = arith.constant 3 : i32
      %eq3A_728 = vector.broadcast %eq3A_727 : i32 to vector<16xi32>
      %eq3A_729 = arith.cmpi eq, %shift_right_logical3A_701, %eq3A_728 : vector<16xi32>
      %jit3A_730 = arith.constant 0 : i32
      %broadcast_in_dim3A_731 = vector.broadcast %jit3A_730 : i32 to vector<16xi32>
      %select_n3A_732 = arith.select %eq3A_729, %shift_left3A_705, %broadcast_in_dim3A_731 : vector<16xi1>, vector<16xi32>
      %or3A_733 = arith.ori %or3A_659, %select_n3A_732 : vector<16xi32>
      %eq3A_734 = arith.constant 4 : i32
      %eq3A_735 = vector.broadcast %eq3A_734 : i32 to vector<16xi32>
      %eq3A_736 = arith.cmpi eq, %shift_right_logical3A_701, %eq3A_735 : vector<16xi32>
      %jit3A_737 = arith.constant 0 : i32
      %broadcast_in_dim3A_738 = vector.broadcast %jit3A_737 : i32 to vector<16xi32>
      %select_n3A_739 = arith.select %eq3A_736, %shift_left3A_705, %broadcast_in_dim3A_738 : vector<16xi1>, vector<16xi32>
      %or3A_740 = arith.ori %or3A_666, %select_n3A_739 : vector<16xi32>
      %eq3A_741 = arith.constant 5 : i32
      %eq3A_742 = vector.broadcast %eq3A_741 : i32 to vector<16xi32>
      %eq3A_743 = arith.cmpi eq, %shift_right_logical3A_701, %eq3A_742 : vector<16xi32>
      %jit3A_744 = arith.constant 0 : i32
      %broadcast_in_dim3A_745 = vector.broadcast %jit3A_744 : i32 to vector<16xi32>
      %select_n3A_746 = arith.select %eq3A_743, %shift_left3A_705, %broadcast_in_dim3A_745 : vector<16xi1>, vector<16xi32>
      %or3A_747 = arith.ori %or3A_673, %select_n3A_746 : vector<16xi32>
      %eq3A_748 = arith.constant 6 : i32
      %eq3A_749 = vector.broadcast %eq3A_748 : i32 to vector<16xi32>
      %eq3A_750 = arith.cmpi eq, %shift_right_logical3A_701, %eq3A_749 : vector<16xi32>
      %jit3A_751 = arith.constant 0 : i32
      %broadcast_in_dim3A_752 = vector.broadcast %jit3A_751 : i32 to vector<16xi32>
      %select_n3A_753 = arith.select %eq3A_750, %shift_left3A_705, %broadcast_in_dim3A_752 : vector<16xi1>, vector<16xi32>
      %or3A_754 = arith.ori %or3A_680, %select_n3A_753 : vector<16xi32>
      %eq3A_755 = arith.constant 7 : i32
      %eq3A_756 = vector.broadcast %eq3A_755 : i32 to vector<16xi32>
      %eq3A_757 = arith.cmpi eq, %shift_right_logical3A_701, %eq3A_756 : vector<16xi32>
      %jit3A_758 = arith.constant 0 : i32
      %broadcast_in_dim3A_759 = vector.broadcast %jit3A_758 : i32 to vector<16xi32>
      %select_n3A_760 = arith.select %eq3A_757, %shift_left3A_705, %broadcast_in_dim3A_759 : vector<16xi1>, vector<16xi32>
      %or3A_761 = arith.ori %or3A_687, %select_n3A_760 : vector<16xi32>
      %eq3A_762 = arith.constant 8 : i32
      %eq3A_763 = vector.broadcast %eq3A_762 : i32 to vector<16xi32>
      %eq3A_764 = arith.cmpi eq, %shift_right_logical3A_701, %eq3A_763 : vector<16xi32>
      %jit3A_765 = arith.constant 0 : i32
      %broadcast_in_dim3A_766 = vector.broadcast %jit3A_765 : i32 to vector<16xi32>
      %select_n3A_767 = arith.select %eq3A_764, %shift_left3A_705, %broadcast_in_dim3A_766 : vector<16xi1>, vector<16xi32>
      %or3A_768 = arith.ori %or3A_694, %select_n3A_767 : vector<16xi32>
      %add3A_769 = arith.constant 10 : i32
      %add3A_770 = vector.broadcast %add3A_769 : i32 to vector<16xi32>
      %add3A_771 = arith.addi %add3A_18, %add3A_770 : vector<16xi32>
      %gather3A_772 = tpu.vector_load_idx %arg4[%add3A_771] : memref<5120xi32, #tpu.memory_space<vmem>>[vector<16xi32>], vector<16xi32>,
      %shift_right_logical3A_773 = arith.constant 5 : i32
      %shift_right_logical3A_774 = vector.broadcast %shift_right_logical3A_773 : i32 to vector<16xi32>
      %shift_right_logical3A_775 = arith.shrui %gather3A_772, %shift_right_logical3A_774 : vector<16xi32>
      %and3A_776 = arith.constant 31 : i32
      %and3A_777 = vector.broadcast %and3A_776 : i32 to vector<16xi32>
      %and3A_778 = arith.andi %gather3A_772, %and3A_777 : vector<16xi32>
      %shift_left3A_779 = arith.shli %broadcast_in_dim3A_6, %and3A_778 : vector<16xi32>
      %eq3A_780 = arith.constant 0 : i32
      %eq3A_781 = vector.broadcast %eq3A_780 : i32 to vector<16xi32>
      %eq3A_782 = arith.cmpi eq, %shift_right_logical3A_775, %eq3A_781 : vector<16xi32>
      %jit3A_783 = arith.constant 0 : i32
      %broadcast_in_dim3A_784 = vector.broadcast %jit3A_783 : i32 to vector<16xi32>
      %select_n3A_785 = arith.select %eq3A_782, %shift_left3A_779, %broadcast_in_dim3A_784 : vector<16xi1>, vector<16xi32>
      %or3A_786 = arith.ori %or3A_712, %select_n3A_785 : vector<16xi32>
      %eq3A_787 = arith.constant 1 : i32
      %eq3A_788 = vector.broadcast %eq3A_787 : i32 to vector<16xi32>
      %eq3A_789 = arith.cmpi eq, %shift_right_logical3A_775, %eq3A_788 : vector<16xi32>
      %jit3A_790 = arith.constant 0 : i32
      %broadcast_in_dim3A_791 = vector.broadcast %jit3A_790 : i32 to vector<16xi32>
      %select_n3A_792 = arith.select %eq3A_789, %shift_left3A_779, %broadcast_in_dim3A_791 : vector<16xi1>, vector<16xi32>
      %or3A_793 = arith.ori %or3A_719, %select_n3A_792 : vector<16xi32>
      %eq3A_794 = arith.constant 2 : i32
      %eq3A_795 = vector.broadcast %eq3A_794 : i32 to vector<16xi32>
      %eq3A_796 = arith.cmpi eq, %shift_right_logical3A_775, %eq3A_795 : vector<16xi32>
      %jit3A_797 = arith.constant 0 : i32
      %broadcast_in_dim3A_798 = vector.broadcast %jit3A_797 : i32 to vector<16xi32>
      %select_n3A_799 = arith.select %eq3A_796, %shift_left3A_779, %broadcast_in_dim3A_798 : vector<16xi1>, vector<16xi32>
      %or3A_800 = arith.ori %or3A_726, %select_n3A_799 : vector<16xi32>
      %eq3A_801 = arith.constant 3 : i32
      %eq3A_802 = vector.broadcast %eq3A_801 : i32 to vector<16xi32>
      %eq3A_803 = arith.cmpi eq, %shift_right_logical3A_775, %eq3A_802 : vector<16xi32>
      %jit3A_804 = arith.constant 0 : i32
      %broadcast_in_dim3A_805 = vector.broadcast %jit3A_804 : i32 to vector<16xi32>
      %select_n3A_806 = arith.select %eq3A_803, %shift_left3A_779, %broadcast_in_dim3A_805 : vector<16xi1>, vector<16xi32>
      %or3A_807 = arith.ori %or3A_733, %select_n3A_806 : vector<16xi32>
      %eq3A_808 = arith.constant 4 : i32
      %eq3A_809 = vector.broadcast %eq3A_808 : i32 to vector<16xi32>
      %eq3A_810 = arith.cmpi eq, %shift_right_logical3A_775, %eq3A_809 : vector<16xi32>
      %jit3A_811 = arith.constant 0 : i32
      %broadcast_in_dim3A_812 = vector.broadcast %jit3A_811 : i32 to vector<16xi32>
      %select_n3A_813 = arith.select %eq3A_810, %shift_left3A_779, %broadcast_in_dim3A_812 : vector<16xi1>, vector<16xi32>
      %or3A_814 = arith.ori %or3A_740, %select_n3A_813 : vector<16xi32>
      %eq3A_815 = arith.constant 5 : i32
      %eq3A_816 = vector.broadcast %eq3A_815 : i32 to vector<16xi32>
      %eq3A_817 = arith.cmpi eq, %shift_right_logical3A_775, %eq3A_816 : vector<16xi32>
      %jit3A_818 = arith.constant 0 : i32
      %broadcast_in_dim3A_819 = vector.broadcast %jit3A_818 : i32 to vector<16xi32>
      %select_n3A_820 = arith.select %eq3A_817, %shift_left3A_779, %broadcast_in_dim3A_819 : vector<16xi1>, vector<16xi32>
      %or3A_821 = arith.ori %or3A_747, %select_n3A_820 : vector<16xi32>
      %eq3A_822 = arith.constant 6 : i32
      %eq3A_823 = vector.broadcast %eq3A_822 : i32 to vector<16xi32>
      %eq3A_824 = arith.cmpi eq, %shift_right_logical3A_775, %eq3A_823 : vector<16xi32>
      %jit3A_825 = arith.constant 0 : i32
      %broadcast_in_dim3A_826 = vector.broadcast %jit3A_825 : i32 to vector<16xi32>
      %select_n3A_827 = arith.select %eq3A_824, %shift_left3A_779, %broadcast_in_dim3A_826 : vector<16xi1>, vector<16xi32>
      %or3A_828 = arith.ori %or3A_754, %select_n3A_827 : vector<16xi32>
      %eq3A_829 = arith.constant 7 : i32
      %eq3A_830 = vector.broadcast %eq3A_829 : i32 to vector<16xi32>
      %eq3A_831 = arith.cmpi eq, %shift_right_logical3A_775, %eq3A_830 : vector<16xi32>
      %jit3A_832 = arith.constant 0 : i32
      %broadcast_in_dim3A_833 = vector.broadcast %jit3A_832 : i32 to vector<16xi32>
      %select_n3A_834 = arith.select %eq3A_831, %shift_left3A_779, %broadcast_in_dim3A_833 : vector<16xi1>, vector<16xi32>
      %or3A_835 = arith.ori %or3A_761, %select_n3A_834 : vector<16xi32>
      %eq3A_836 = arith.constant 8 : i32
      %eq3A_837 = vector.broadcast %eq3A_836 : i32 to vector<16xi32>
      %eq3A_838 = arith.cmpi eq, %shift_right_logical3A_775, %eq3A_837 : vector<16xi32>
      %jit3A_839 = arith.constant 0 : i32
      %broadcast_in_dim3A_840 = vector.broadcast %jit3A_839 : i32 to vector<16xi32>
      %select_n3A_841 = arith.select %eq3A_838, %shift_left3A_779, %broadcast_in_dim3A_840 : vector<16xi1>, vector<16xi32>
      %or3A_842 = arith.ori %or3A_768, %select_n3A_841 : vector<16xi32>
      %add3A_843 = arith.constant 11 : i32
      %add3A_844 = vector.broadcast %add3A_843 : i32 to vector<16xi32>
      %add3A_845 = arith.addi %add3A_18, %add3A_844 : vector<16xi32>
      %gather3A_846 = tpu.vector_load_idx %arg4[%add3A_845] : memref<5120xi32, #tpu.memory_space<vmem>>[vector<16xi32>], vector<16xi32>,
      %shift_right_logical3A_847 = arith.constant 5 : i32
      %shift_right_logical3A_848 = vector.broadcast %shift_right_logical3A_847 : i32 to vector<16xi32>
      %shift_right_logical3A_849 = arith.shrui %gather3A_846, %shift_right_logical3A_848 : vector<16xi32>
      %and3A_850 = arith.constant 31 : i32
      %and3A_851 = vector.broadcast %and3A_850 : i32 to vector<16xi32>
      %and3A_852 = arith.andi %gather3A_846, %and3A_851 : vector<16xi32>
      %shift_left3A_853 = arith.shli %broadcast_in_dim3A_6, %and3A_852 : vector<16xi32>
      %eq3A_854 = arith.constant 0 : i32
      %eq3A_855 = vector.broadcast %eq3A_854 : i32 to vector<16xi32>
      %eq3A_856 = arith.cmpi eq, %shift_right_logical3A_849, %eq3A_855 : vector<16xi32>
      %jit3A_857 = arith.constant 0 : i32
      %broadcast_in_dim3A_858 = vector.broadcast %jit3A_857 : i32 to vector<16xi32>
      %select_n3A_859 = arith.select %eq3A_856, %shift_left3A_853, %broadcast_in_dim3A_858 : vector<16xi1>, vector<16xi32>
      %or3A_860 = arith.ori %or3A_786, %select_n3A_859 : vector<16xi32>
      %eq3A_861 = arith.constant 1 : i32
      %eq3A_862 = vector.broadcast %eq3A_861 : i32 to vector<16xi32>
      %eq3A_863 = arith.cmpi eq, %shift_right_logical3A_849, %eq3A_862 : vector<16xi32>
      %jit3A_864 = arith.constant 0 : i32
      %broadcast_in_dim3A_865 = vector.broadcast %jit3A_864 : i32 to vector<16xi32>
      %select_n3A_866 = arith.select %eq3A_863, %shift_left3A_853, %broadcast_in_dim3A_865 : vector<16xi1>, vector<16xi32>
      %or3A_867 = arith.ori %or3A_793, %select_n3A_866 : vector<16xi32>
      %eq3A_868 = arith.constant 2 : i32
      %eq3A_869 = vector.broadcast %eq3A_868 : i32 to vector<16xi32>
      %eq3A_870 = arith.cmpi eq, %shift_right_logical3A_849, %eq3A_869 : vector<16xi32>
      %jit3A_871 = arith.constant 0 : i32
      %broadcast_in_dim3A_872 = vector.broadcast %jit3A_871 : i32 to vector<16xi32>
      %select_n3A_873 = arith.select %eq3A_870, %shift_left3A_853, %broadcast_in_dim3A_872 : vector<16xi1>, vector<16xi32>
      %or3A_874 = arith.ori %or3A_800, %select_n3A_873 : vector<16xi32>
      %eq3A_875 = arith.constant 3 : i32
      %eq3A_876 = vector.broadcast %eq3A_875 : i32 to vector<16xi32>
      %eq3A_877 = arith.cmpi eq, %shift_right_logical3A_849, %eq3A_876 : vector<16xi32>
      %jit3A_878 = arith.constant 0 : i32
      %broadcast_in_dim3A_879 = vector.broadcast %jit3A_878 : i32 to vector<16xi32>
      %select_n3A_880 = arith.select %eq3A_877, %shift_left3A_853, %broadcast_in_dim3A_879 : vector<16xi1>, vector<16xi32>
      %or3A_881 = arith.ori %or3A_807, %select_n3A_880 : vector<16xi32>
      %eq3A_882 = arith.constant 4 : i32
      %eq3A_883 = vector.broadcast %eq3A_882 : i32 to vector<16xi32>
      %eq3A_884 = arith.cmpi eq, %shift_right_logical3A_849, %eq3A_883 : vector<16xi32>
      %jit3A_885 = arith.constant 0 : i32
      %broadcast_in_dim3A_886 = vector.broadcast %jit3A_885 : i32 to vector<16xi32>
      %select_n3A_887 = arith.select %eq3A_884, %shift_left3A_853, %broadcast_in_dim3A_886 : vector<16xi1>, vector<16xi32>
      %or3A_888 = arith.ori %or3A_814, %select_n3A_887 : vector<16xi32>
      %eq3A_889 = arith.constant 5 : i32
      %eq3A_890 = vector.broadcast %eq3A_889 : i32 to vector<16xi32>
      %eq3A_891 = arith.cmpi eq, %shift_right_logical3A_849, %eq3A_890 : vector<16xi32>
      %jit3A_892 = arith.constant 0 : i32
      %broadcast_in_dim3A_893 = vector.broadcast %jit3A_892 : i32 to vector<16xi32>
      %select_n3A_894 = arith.select %eq3A_891, %shift_left3A_853, %broadcast_in_dim3A_893 : vector<16xi1>, vector<16xi32>
      %or3A_895 = arith.ori %or3A_821, %select_n3A_894 : vector<16xi32>
      %eq3A_896 = arith.constant 6 : i32
      %eq3A_897 = vector.broadcast %eq3A_896 : i32 to vector<16xi32>
      %eq3A_898 = arith.cmpi eq, %shift_right_logical3A_849, %eq3A_897 : vector<16xi32>
      %jit3A_899 = arith.constant 0 : i32
      %broadcast_in_dim3A_900 = vector.broadcast %jit3A_899 : i32 to vector<16xi32>
      %select_n3A_901 = arith.select %eq3A_898, %shift_left3A_853, %broadcast_in_dim3A_900 : vector<16xi1>, vector<16xi32>
      %or3A_902 = arith.ori %or3A_828, %select_n3A_901 : vector<16xi32>
      %eq3A_903 = arith.constant 7 : i32
      %eq3A_904 = vector.broadcast %eq3A_903 : i32 to vector<16xi32>
      %eq3A_905 = arith.cmpi eq, %shift_right_logical3A_849, %eq3A_904 : vector<16xi32>
      %jit3A_906 = arith.constant 0 : i32
      %broadcast_in_dim3A_907 = vector.broadcast %jit3A_906 : i32 to vector<16xi32>
      %select_n3A_908 = arith.select %eq3A_905, %shift_left3A_853, %broadcast_in_dim3A_907 : vector<16xi1>, vector<16xi32>
      %or3A_909 = arith.ori %or3A_835, %select_n3A_908 : vector<16xi32>
      %eq3A_910 = arith.constant 8 : i32
      %eq3A_911 = vector.broadcast %eq3A_910 : i32 to vector<16xi32>
      %eq3A_912 = arith.cmpi eq, %shift_right_logical3A_849, %eq3A_911 : vector<16xi32>
      %jit3A_913 = arith.constant 0 : i32
      %broadcast_in_dim3A_914 = vector.broadcast %jit3A_913 : i32 to vector<16xi32>
      %select_n3A_915 = arith.select %eq3A_912, %shift_left3A_853, %broadcast_in_dim3A_914 : vector<16xi1>, vector<16xi32>
      %or3A_916 = arith.ori %or3A_842, %select_n3A_915 : vector<16xi32>
      %add3A_917 = arith.constant 12 : i32
      %add3A_918 = vector.broadcast %add3A_917 : i32 to vector<16xi32>
      %add3A_919 = arith.addi %add3A_18, %add3A_918 : vector<16xi32>
      %gather3A_920 = tpu.vector_load_idx %arg4[%add3A_919] : memref<5120xi32, #tpu.memory_space<vmem>>[vector<16xi32>], vector<16xi32>,
      %shift_right_logical3A_921 = arith.constant 5 : i32
      %shift_right_logical3A_922 = vector.broadcast %shift_right_logical3A_921 : i32 to vector<16xi32>
      %shift_right_logical3A_923 = arith.shrui %gather3A_920, %shift_right_logical3A_922 : vector<16xi32>
      %and3A_924 = arith.constant 31 : i32
      %and3A_925 = vector.broadcast %and3A_924 : i32 to vector<16xi32>
      %and3A_926 = arith.andi %gather3A_920, %and3A_925 : vector<16xi32>
      %shift_left3A_927 = arith.shli %broadcast_in_dim3A_6, %and3A_926 : vector<16xi32>
      %eq3A_928 = arith.constant 0 : i32
      %eq3A_929 = vector.broadcast %eq3A_928 : i32 to vector<16xi32>
      %eq3A_930 = arith.cmpi eq, %shift_right_logical3A_923, %eq3A_929 : vector<16xi32>
      %jit3A_931 = arith.constant 0 : i32
      %broadcast_in_dim3A_932 = vector.broadcast %jit3A_931 : i32 to vector<16xi32>
      %select_n3A_933 = arith.select %eq3A_930, %shift_left3A_927, %broadcast_in_dim3A_932 : vector<16xi1>, vector<16xi32>
      %or3A_934 = arith.ori %or3A_860, %select_n3A_933 : vector<16xi32>
      %eq3A_935 = arith.constant 1 : i32
      %eq3A_936 = vector.broadcast %eq3A_935 : i32 to vector<16xi32>
      %eq3A_937 = arith.cmpi eq, %shift_right_logical3A_923, %eq3A_936 : vector<16xi32>
      %jit3A_938 = arith.constant 0 : i32
      %broadcast_in_dim3A_939 = vector.broadcast %jit3A_938 : i32 to vector<16xi32>
      %select_n3A_940 = arith.select %eq3A_937, %shift_left3A_927, %broadcast_in_dim3A_939 : vector<16xi1>, vector<16xi32>
      %or3A_941 = arith.ori %or3A_867, %select_n3A_940 : vector<16xi32>
      %eq3A_942 = arith.constant 2 : i32
      %eq3A_943 = vector.broadcast %eq3A_942 : i32 to vector<16xi32>
      %eq3A_944 = arith.cmpi eq, %shift_right_logical3A_923, %eq3A_943 : vector<16xi32>
      %jit3A_945 = arith.constant 0 : i32
      %broadcast_in_dim3A_946 = vector.broadcast %jit3A_945 : i32 to vector<16xi32>
      %select_n3A_947 = arith.select %eq3A_944, %shift_left3A_927, %broadcast_in_dim3A_946 : vector<16xi1>, vector<16xi32>
      %or3A_948 = arith.ori %or3A_874, %select_n3A_947 : vector<16xi32>
      %eq3A_949 = arith.constant 3 : i32
      %eq3A_950 = vector.broadcast %eq3A_949 : i32 to vector<16xi32>
      %eq3A_951 = arith.cmpi eq, %shift_right_logical3A_923, %eq3A_950 : vector<16xi32>
      %jit3A_952 = arith.constant 0 : i32
      %broadcast_in_dim3A_953 = vector.broadcast %jit3A_952 : i32 to vector<16xi32>
      %select_n3A_954 = arith.select %eq3A_951, %shift_left3A_927, %broadcast_in_dim3A_953 : vector<16xi1>, vector<16xi32>
      %or3A_955 = arith.ori %or3A_881, %select_n3A_954 : vector<16xi32>
      %eq3A_956 = arith.constant 4 : i32
      %eq3A_957 = vector.broadcast %eq3A_956 : i32 to vector<16xi32>
      %eq3A_958 = arith.cmpi eq, %shift_right_logical3A_923, %eq3A_957 : vector<16xi32>
      %jit3A_959 = arith.constant 0 : i32
      %broadcast_in_dim3A_960 = vector.broadcast %jit3A_959 : i32 to vector<16xi32>
      %select_n3A_961 = arith.select %eq3A_958, %shift_left3A_927, %broadcast_in_dim3A_960 : vector<16xi1>, vector<16xi32>
      %or3A_962 = arith.ori %or3A_888, %select_n3A_961 : vector<16xi32>
      %eq3A_963 = arith.constant 5 : i32
      %eq3A_964 = vector.broadcast %eq3A_963 : i32 to vector<16xi32>
      %eq3A_965 = arith.cmpi eq, %shift_right_logical3A_923, %eq3A_964 : vector<16xi32>
      %jit3A_966 = arith.constant 0 : i32
      %broadcast_in_dim3A_967 = vector.broadcast %jit3A_966 : i32 to vector<16xi32>
      %select_n3A_968 = arith.select %eq3A_965, %shift_left3A_927, %broadcast_in_dim3A_967 : vector<16xi1>, vector<16xi32>
      %or3A_969 = arith.ori %or3A_895, %select_n3A_968 : vector<16xi32>
      %eq3A_970 = arith.constant 6 : i32
      %eq3A_971 = vector.broadcast %eq3A_970 : i32 to vector<16xi32>
      %eq3A_972 = arith.cmpi eq, %shift_right_logical3A_923, %eq3A_971 : vector<16xi32>
      %jit3A_973 = arith.constant 0 : i32
      %broadcast_in_dim3A_974 = vector.broadcast %jit3A_973 : i32 to vector<16xi32>
      %select_n3A_975 = arith.select %eq3A_972, %shift_left3A_927, %broadcast_in_dim3A_974 : vector<16xi1>, vector<16xi32>
      %or3A_976 = arith.ori %or3A_902, %select_n3A_975 : vector<16xi32>
      %eq3A_977 = arith.constant 7 : i32
      %eq3A_978 = vector.broadcast %eq3A_977 : i32 to vector<16xi32>
      %eq3A_979 = arith.cmpi eq, %shift_right_logical3A_923, %eq3A_978 : vector<16xi32>
      %jit3A_980 = arith.constant 0 : i32
      %broadcast_in_dim3A_981 = vector.broadcast %jit3A_980 : i32 to vector<16xi32>
      %select_n3A_982 = arith.select %eq3A_979, %shift_left3A_927, %broadcast_in_dim3A_981 : vector<16xi1>, vector<16xi32>
      %or3A_983 = arith.ori %or3A_909, %select_n3A_982 : vector<16xi32>
      %eq3A_984 = arith.constant 8 : i32
      %eq3A_985 = vector.broadcast %eq3A_984 : i32 to vector<16xi32>
      %eq3A_986 = arith.cmpi eq, %shift_right_logical3A_923, %eq3A_985 : vector<16xi32>
      %jit3A_987 = arith.constant 0 : i32
      %broadcast_in_dim3A_988 = vector.broadcast %jit3A_987 : i32 to vector<16xi32>
      %select_n3A_989 = arith.select %eq3A_986, %shift_left3A_927, %broadcast_in_dim3A_988 : vector<16xi1>, vector<16xi32>
      %or3A_990 = arith.ori %or3A_916, %select_n3A_989 : vector<16xi32>
      %add3A_991 = arith.constant 13 : i32
      %add3A_992 = vector.broadcast %add3A_991 : i32 to vector<16xi32>
      %add3A_993 = arith.addi %add3A_18, %add3A_992 : vector<16xi32>
      %gather3A_994 = tpu.vector_load_idx %arg4[%add3A_993] : memref<5120xi32, #tpu.memory_space<vmem>>[vector<16xi32>], vector<16xi32>,
      %shift_right_logical3A_995 = arith.constant 5 : i32
      %shift_right_logical3A_996 = vector.broadcast %shift_right_logical3A_995 : i32 to vector<16xi32>
      %shift_right_logical3A_997 = arith.shrui %gather3A_994, %shift_right_logical3A_996 : vector<16xi32>
      %and3A_998 = arith.constant 31 : i32
      %and3A_999 = vector.broadcast %and3A_998 : i32 to vector<16xi32>
      %and3A_1000 = arith.andi %gather3A_994, %and3A_999 : vector<16xi32>
      %shift_left3A_1001 = arith.shli %broadcast_in_dim3A_6, %and3A_1000 : vector<16xi32>
      %eq3A_1002 = arith.constant 0 : i32
      %eq3A_1003 = vector.broadcast %eq3A_1002 : i32 to vector<16xi32>
      %eq3A_1004 = arith.cmpi eq, %shift_right_logical3A_997, %eq3A_1003 : vector<16xi32>
      %jit3A_1005 = arith.constant 0 : i32
      %broadcast_in_dim3A_1006 = vector.broadcast %jit3A_1005 : i32 to vector<16xi32>
      %select_n3A_1007 = arith.select %eq3A_1004, %shift_left3A_1001, %broadcast_in_dim3A_1006 : vector<16xi1>, vector<16xi32>
      %or3A_1008 = arith.ori %or3A_934, %select_n3A_1007 : vector<16xi32>
      %eq3A_1009 = arith.constant 1 : i32
      %eq3A_1010 = vector.broadcast %eq3A_1009 : i32 to vector<16xi32>
      %eq3A_1011 = arith.cmpi eq, %shift_right_logical3A_997, %eq3A_1010 : vector<16xi32>
      %jit3A_1012 = arith.constant 0 : i32
      %broadcast_in_dim3A_1013 = vector.broadcast %jit3A_1012 : i32 to vector<16xi32>
      %select_n3A_1014 = arith.select %eq3A_1011, %shift_left3A_1001, %broadcast_in_dim3A_1013 : vector<16xi1>, vector<16xi32>
      %or3A_1015 = arith.ori %or3A_941, %select_n3A_1014 : vector<16xi32>
      %eq3A_1016 = arith.constant 2 : i32
      %eq3A_1017 = vector.broadcast %eq3A_1016 : i32 to vector<16xi32>
      %eq3A_1018 = arith.cmpi eq, %shift_right_logical3A_997, %eq3A_1017 : vector<16xi32>
      %jit3A_1019 = arith.constant 0 : i32
      %broadcast_in_dim3A_1020 = vector.broadcast %jit3A_1019 : i32 to vector<16xi32>
      %select_n3A_1021 = arith.select %eq3A_1018, %shift_left3A_1001, %broadcast_in_dim3A_1020 : vector<16xi1>, vector<16xi32>
      %or3A_1022 = arith.ori %or3A_948, %select_n3A_1021 : vector<16xi32>
      %eq3A_1023 = arith.constant 3 : i32
      %eq3A_1024 = vector.broadcast %eq3A_1023 : i32 to vector<16xi32>
      %eq3A_1025 = arith.cmpi eq, %shift_right_logical3A_997, %eq3A_1024 : vector<16xi32>
      %jit3A_1026 = arith.constant 0 : i32
      %broadcast_in_dim3A_1027 = vector.broadcast %jit3A_1026 : i32 to vector<16xi32>
      %select_n3A_1028 = arith.select %eq3A_1025, %shift_left3A_1001, %broadcast_in_dim3A_1027 : vector<16xi1>, vector<16xi32>
      %or3A_1029 = arith.ori %or3A_955, %select_n3A_1028 : vector<16xi32>
      %eq3A_1030 = arith.constant 4 : i32
      %eq3A_1031 = vector.broadcast %eq3A_1030 : i32 to vector<16xi32>
      %eq3A_1032 = arith.cmpi eq, %shift_right_logical3A_997, %eq3A_1031 : vector<16xi32>
      %jit3A_1033 = arith.constant 0 : i32
      %broadcast_in_dim3A_1034 = vector.broadcast %jit3A_1033 : i32 to vector<16xi32>
      %select_n3A_1035 = arith.select %eq3A_1032, %shift_left3A_1001, %broadcast_in_dim3A_1034 : vector<16xi1>, vector<16xi32>
      %or3A_1036 = arith.ori %or3A_962, %select_n3A_1035 : vector<16xi32>
      %eq3A_1037 = arith.constant 5 : i32
      %eq3A_1038 = vector.broadcast %eq3A_1037 : i32 to vector<16xi32>
      %eq3A_1039 = arith.cmpi eq, %shift_right_logical3A_997, %eq3A_1038 : vector<16xi32>
      %jit3A_1040 = arith.constant 0 : i32
      %broadcast_in_dim3A_1041 = vector.broadcast %jit3A_1040 : i32 to vector<16xi32>
      %select_n3A_1042 = arith.select %eq3A_1039, %shift_left3A_1001, %broadcast_in_dim3A_1041 : vector<16xi1>, vector<16xi32>
      %or3A_1043 = arith.ori %or3A_969, %select_n3A_1042 : vector<16xi32>
      %eq3A_1044 = arith.constant 6 : i32
      %eq3A_1045 = vector.broadcast %eq3A_1044 : i32 to vector<16xi32>
      %eq3A_1046 = arith.cmpi eq, %shift_right_logical3A_997, %eq3A_1045 : vector<16xi32>
      %jit3A_1047 = arith.constant 0 : i32
      %broadcast_in_dim3A_1048 = vector.broadcast %jit3A_1047 : i32 to vector<16xi32>
      %select_n3A_1049 = arith.select %eq3A_1046, %shift_left3A_1001, %broadcast_in_dim3A_1048 : vector<16xi1>, vector<16xi32>
      %or3A_1050 = arith.ori %or3A_976, %select_n3A_1049 : vector<16xi32>
      %eq3A_1051 = arith.constant 7 : i32
      %eq3A_1052 = vector.broadcast %eq3A_1051 : i32 to vector<16xi32>
      %eq3A_1053 = arith.cmpi eq, %shift_right_logical3A_997, %eq3A_1052 : vector<16xi32>
      %jit3A_1054 = arith.constant 0 : i32
      %broadcast_in_dim3A_1055 = vector.broadcast %jit3A_1054 : i32 to vector<16xi32>
      %select_n3A_1056 = arith.select %eq3A_1053, %shift_left3A_1001, %broadcast_in_dim3A_1055 : vector<16xi1>, vector<16xi32>
      %or3A_1057 = arith.ori %or3A_983, %select_n3A_1056 : vector<16xi32>
      %eq3A_1058 = arith.constant 8 : i32
      %eq3A_1059 = vector.broadcast %eq3A_1058 : i32 to vector<16xi32>
      %eq3A_1060 = arith.cmpi eq, %shift_right_logical3A_997, %eq3A_1059 : vector<16xi32>
      %jit3A_1061 = arith.constant 0 : i32
      %broadcast_in_dim3A_1062 = vector.broadcast %jit3A_1061 : i32 to vector<16xi32>
      %select_n3A_1063 = arith.select %eq3A_1060, %shift_left3A_1001, %broadcast_in_dim3A_1062 : vector<16xi1>, vector<16xi32>
      %or3A_1064 = arith.ori %or3A_990, %select_n3A_1063 : vector<16xi32>
      %add3A_1065 = arith.constant 14 : i32
      %add3A_1066 = vector.broadcast %add3A_1065 : i32 to vector<16xi32>
      %add3A_1067 = arith.addi %add3A_18, %add3A_1066 : vector<16xi32>
      %gather3A_1068 = tpu.vector_load_idx %arg4[%add3A_1067] : memref<5120xi32, #tpu.memory_space<vmem>>[vector<16xi32>], vector<16xi32>,
      %shift_right_logical3A_1069 = arith.constant 5 : i32
      %shift_right_logical3A_1070 = vector.broadcast %shift_right_logical3A_1069 : i32 to vector<16xi32>
      %shift_right_logical3A_1071 = arith.shrui %gather3A_1068, %shift_right_logical3A_1070 : vector<16xi32>
      %and3A_1072 = arith.constant 31 : i32
      %and3A_1073 = vector.broadcast %and3A_1072 : i32 to vector<16xi32>
      %and3A_1074 = arith.andi %gather3A_1068, %and3A_1073 : vector<16xi32>
      %shift_left3A_1075 = arith.shli %broadcast_in_dim3A_6, %and3A_1074 : vector<16xi32>
      %eq3A_1076 = arith.constant 0 : i32
      %eq3A_1077 = vector.broadcast %eq3A_1076 : i32 to vector<16xi32>
      %eq3A_1078 = arith.cmpi eq, %shift_right_logical3A_1071, %eq3A_1077 : vector<16xi32>
      %jit3A_1079 = arith.constant 0 : i32
      %broadcast_in_dim3A_1080 = vector.broadcast %jit3A_1079 : i32 to vector<16xi32>
      %select_n3A_1081 = arith.select %eq3A_1078, %shift_left3A_1075, %broadcast_in_dim3A_1080 : vector<16xi1>, vector<16xi32>
      %or3A_1082 = arith.ori %or3A_1008, %select_n3A_1081 : vector<16xi32>
      %eq3A_1083 = arith.constant 1 : i32
      %eq3A_1084 = vector.broadcast %eq3A_1083 : i32 to vector<16xi32>
      %eq3A_1085 = arith.cmpi eq, %shift_right_logical3A_1071, %eq3A_1084 : vector<16xi32>
      %jit3A_1086 = arith.constant 0 : i32
      %broadcast_in_dim3A_1087 = vector.broadcast %jit3A_1086 : i32 to vector<16xi32>
      %select_n3A_1088 = arith.select %eq3A_1085, %shift_left3A_1075, %broadcast_in_dim3A_1087 : vector<16xi1>, vector<16xi32>
      %or3A_1089 = arith.ori %or3A_1015, %select_n3A_1088 : vector<16xi32>
      %eq3A_1090 = arith.constant 2 : i32
      %eq3A_1091 = vector.broadcast %eq3A_1090 : i32 to vector<16xi32>
      %eq3A_1092 = arith.cmpi eq, %shift_right_logical3A_1071, %eq3A_1091 : vector<16xi32>
      %jit3A_1093 = arith.constant 0 : i32
      %broadcast_in_dim3A_1094 = vector.broadcast %jit3A_1093 : i32 to vector<16xi32>
      %select_n3A_1095 = arith.select %eq3A_1092, %shift_left3A_1075, %broadcast_in_dim3A_1094 : vector<16xi1>, vector<16xi32>
      %or3A_1096 = arith.ori %or3A_1022, %select_n3A_1095 : vector<16xi32>
      %eq3A_1097 = arith.constant 3 : i32
      %eq3A_1098 = vector.broadcast %eq3A_1097 : i32 to vector<16xi32>
      %eq3A_1099 = arith.cmpi eq, %shift_right_logical3A_1071, %eq3A_1098 : vector<16xi32>
      %jit3A_1100 = arith.constant 0 : i32
      %broadcast_in_dim3A_1101 = vector.broadcast %jit3A_1100 : i32 to vector<16xi32>
      %select_n3A_1102 = arith.select %eq3A_1099, %shift_left3A_1075, %broadcast_in_dim3A_1101 : vector<16xi1>, vector<16xi32>
      %or3A_1103 = arith.ori %or3A_1029, %select_n3A_1102 : vector<16xi32>
      %eq3A_1104 = arith.constant 4 : i32
      %eq3A_1105 = vector.broadcast %eq3A_1104 : i32 to vector<16xi32>
      %eq3A_1106 = arith.cmpi eq, %shift_right_logical3A_1071, %eq3A_1105 : vector<16xi32>
      %jit3A_1107 = arith.constant 0 : i32
      %broadcast_in_dim3A_1108 = vector.broadcast %jit3A_1107 : i32 to vector<16xi32>
      %select_n3A_1109 = arith.select %eq3A_1106, %shift_left3A_1075, %broadcast_in_dim3A_1108 : vector<16xi1>, vector<16xi32>
      %or3A_1110 = arith.ori %or3A_1036, %select_n3A_1109 : vector<16xi32>
      %eq3A_1111 = arith.constant 5 : i32
      %eq3A_1112 = vector.broadcast %eq3A_1111 : i32 to vector<16xi32>
      %eq3A_1113 = arith.cmpi eq, %shift_right_logical3A_1071, %eq3A_1112 : vector<16xi32>
      %jit3A_1114 = arith.constant 0 : i32
      %broadcast_in_dim3A_1115 = vector.broadcast %jit3A_1114 : i32 to vector<16xi32>
      %select_n3A_1116 = arith.select %eq3A_1113, %shift_left3A_1075, %broadcast_in_dim3A_1115 : vector<16xi1>, vector<16xi32>
      %or3A_1117 = arith.ori %or3A_1043, %select_n3A_1116 : vector<16xi32>
      %eq3A_1118 = arith.constant 6 : i32
      %eq3A_1119 = vector.broadcast %eq3A_1118 : i32 to vector<16xi32>
      %eq3A_1120 = arith.cmpi eq, %shift_right_logical3A_1071, %eq3A_1119 : vector<16xi32>
      %jit3A_1121 = arith.constant 0 : i32
      %broadcast_in_dim3A_1122 = vector.broadcast %jit3A_1121 : i32 to vector<16xi32>
      %select_n3A_1123 = arith.select %eq3A_1120, %shift_left3A_1075, %broadcast_in_dim3A_1122 : vector<16xi1>, vector<16xi32>
      %or3A_1124 = arith.ori %or3A_1050, %select_n3A_1123 : vector<16xi32>
      %eq3A_1125 = arith.constant 7 : i32
      %eq3A_1126 = vector.broadcast %eq3A_1125 : i32 to vector<16xi32>
      %eq3A_1127 = arith.cmpi eq, %shift_right_logical3A_1071, %eq3A_1126 : vector<16xi32>
      %jit3A_1128 = arith.constant 0 : i32
      %broadcast_in_dim3A_1129 = vector.broadcast %jit3A_1128 : i32 to vector<16xi32>
      %select_n3A_1130 = arith.select %eq3A_1127, %shift_left3A_1075, %broadcast_in_dim3A_1129 : vector<16xi1>, vector<16xi32>
      %or3A_1131 = arith.ori %or3A_1057, %select_n3A_1130 : vector<16xi32>
      %eq3A_1132 = arith.constant 8 : i32
      %eq3A_1133 = vector.broadcast %eq3A_1132 : i32 to vector<16xi32>
      %eq3A_1134 = arith.cmpi eq, %shift_right_logical3A_1071, %eq3A_1133 : vector<16xi32>
      %jit3A_1135 = arith.constant 0 : i32
      %broadcast_in_dim3A_1136 = vector.broadcast %jit3A_1135 : i32 to vector<16xi32>
      %select_n3A_1137 = arith.select %eq3A_1134, %shift_left3A_1075, %broadcast_in_dim3A_1136 : vector<16xi1>, vector<16xi32>
      %or3A_1138 = arith.ori %or3A_1064, %select_n3A_1137 : vector<16xi32>
      %add3A_1139 = arith.constant 15 : i32
      %add3A_1140 = vector.broadcast %add3A_1139 : i32 to vector<16xi32>
      %add3A_1141 = arith.addi %add3A_18, %add3A_1140 : vector<16xi32>
      %gather3A_1142 = tpu.vector_load_idx %arg4[%add3A_1141] : memref<5120xi32, #tpu.memory_space<vmem>>[vector<16xi32>], vector<16xi32>,
      %shift_right_logical3A_1143 = arith.constant 5 : i32
      %shift_right_logical3A_1144 = vector.broadcast %shift_right_logical3A_1143 : i32 to vector<16xi32>
      %shift_right_logical3A_1145 = arith.shrui %gather3A_1142, %shift_right_logical3A_1144 : vector<16xi32>
      %and3A_1146 = arith.constant 31 : i32
      %and3A_1147 = vector.broadcast %and3A_1146 : i32 to vector<16xi32>
      %and3A_1148 = arith.andi %gather3A_1142, %and3A_1147 : vector<16xi32>
      %shift_left3A_1149 = arith.shli %broadcast_in_dim3A_6, %and3A_1148 : vector<16xi32>
      %eq3A_1150 = arith.constant 0 : i32
      %eq3A_1151 = vector.broadcast %eq3A_1150 : i32 to vector<16xi32>
      %eq3A_1152 = arith.cmpi eq, %shift_right_logical3A_1145, %eq3A_1151 : vector<16xi32>
      %jit3A_1153 = arith.constant 0 : i32
      %broadcast_in_dim3A_1154 = vector.broadcast %jit3A_1153 : i32 to vector<16xi32>
      %select_n3A_1155 = arith.select %eq3A_1152, %shift_left3A_1149, %broadcast_in_dim3A_1154 : vector<16xi1>, vector<16xi32>
      %or3A_1156 = arith.ori %or3A_1082, %select_n3A_1155 : vector<16xi32>
      %eq3A_1157 = arith.constant 1 : i32
      %eq3A_1158 = vector.broadcast %eq3A_1157 : i32 to vector<16xi32>
      %eq3A_1159 = arith.cmpi eq, %shift_right_logical3A_1145, %eq3A_1158 : vector<16xi32>
      %jit3A_1160 = arith.constant 0 : i32
      %broadcast_in_dim3A_1161 = vector.broadcast %jit3A_1160 : i32 to vector<16xi32>
      %select_n3A_1162 = arith.select %eq3A_1159, %shift_left3A_1149, %broadcast_in_dim3A_1161 : vector<16xi1>, vector<16xi32>
      %or3A_1163 = arith.ori %or3A_1089, %select_n3A_1162 : vector<16xi32>
      %eq3A_1164 = arith.constant 2 : i32
      %eq3A_1165 = vector.broadcast %eq3A_1164 : i32 to vector<16xi32>
      %eq3A_1166 = arith.cmpi eq, %shift_right_logical3A_1145, %eq3A_1165 : vector<16xi32>
      %jit3A_1167 = arith.constant 0 : i32
      %broadcast_in_dim3A_1168 = vector.broadcast %jit3A_1167 : i32 to vector<16xi32>
      %select_n3A_1169 = arith.select %eq3A_1166, %shift_left3A_1149, %broadcast_in_dim3A_1168 : vector<16xi1>, vector<16xi32>
      %or3A_1170 = arith.ori %or3A_1096, %select_n3A_1169 : vector<16xi32>
      %eq3A_1171 = arith.constant 3 : i32
      %eq3A_1172 = vector.broadcast %eq3A_1171 : i32 to vector<16xi32>
      %eq3A_1173 = arith.cmpi eq, %shift_right_logical3A_1145, %eq3A_1172 : vector<16xi32>
      %jit3A_1174 = arith.constant 0 : i32
      %broadcast_in_dim3A_1175 = vector.broadcast %jit3A_1174 : i32 to vector<16xi32>
      %select_n3A_1176 = arith.select %eq3A_1173, %shift_left3A_1149, %broadcast_in_dim3A_1175 : vector<16xi1>, vector<16xi32>
      %or3A_1177 = arith.ori %or3A_1103, %select_n3A_1176 : vector<16xi32>
      %eq3A_1178 = arith.constant 4 : i32
      %eq3A_1179 = vector.broadcast %eq3A_1178 : i32 to vector<16xi32>
      %eq3A_1180 = arith.cmpi eq, %shift_right_logical3A_1145, %eq3A_1179 : vector<16xi32>
      %jit3A_1181 = arith.constant 0 : i32
      %broadcast_in_dim3A_1182 = vector.broadcast %jit3A_1181 : i32 to vector<16xi32>
      %select_n3A_1183 = arith.select %eq3A_1180, %shift_left3A_1149, %broadcast_in_dim3A_1182 : vector<16xi1>, vector<16xi32>
      %or3A_1184 = arith.ori %or3A_1110, %select_n3A_1183 : vector<16xi32>
      %eq3A_1185 = arith.constant 5 : i32
      %eq3A_1186 = vector.broadcast %eq3A_1185 : i32 to vector<16xi32>
      %eq3A_1187 = arith.cmpi eq, %shift_right_logical3A_1145, %eq3A_1186 : vector<16xi32>
      %jit3A_1188 = arith.constant 0 : i32
      %broadcast_in_dim3A_1189 = vector.broadcast %jit3A_1188 : i32 to vector<16xi32>
      %select_n3A_1190 = arith.select %eq3A_1187, %shift_left3A_1149, %broadcast_in_dim3A_1189 : vector<16xi1>, vector<16xi32>
      %or3A_1191 = arith.ori %or3A_1117, %select_n3A_1190 : vector<16xi32>
      %eq3A_1192 = arith.constant 6 : i32
      %eq3A_1193 = vector.broadcast %eq3A_1192 : i32 to vector<16xi32>
      %eq3A_1194 = arith.cmpi eq, %shift_right_logical3A_1145, %eq3A_1193 : vector<16xi32>
      %jit3A_1195 = arith.constant 0 : i32
      %broadcast_in_dim3A_1196 = vector.broadcast %jit3A_1195 : i32 to vector<16xi32>
      %select_n3A_1197 = arith.select %eq3A_1194, %shift_left3A_1149, %broadcast_in_dim3A_1196 : vector<16xi1>, vector<16xi32>
      %or3A_1198 = arith.ori %or3A_1124, %select_n3A_1197 : vector<16xi32>
      %eq3A_1199 = arith.constant 7 : i32
      %eq3A_1200 = vector.broadcast %eq3A_1199 : i32 to vector<16xi32>
      %eq3A_1201 = arith.cmpi eq, %shift_right_logical3A_1145, %eq3A_1200 : vector<16xi32>
      %jit3A_1202 = arith.constant 0 : i32
      %broadcast_in_dim3A_1203 = vector.broadcast %jit3A_1202 : i32 to vector<16xi32>
      %select_n3A_1204 = arith.select %eq3A_1201, %shift_left3A_1149, %broadcast_in_dim3A_1203 : vector<16xi1>, vector<16xi32>
      %or3A_1205 = arith.ori %or3A_1131, %select_n3A_1204 : vector<16xi32>
      %eq3A_1206 = arith.constant 8 : i32
      %eq3A_1207 = vector.broadcast %eq3A_1206 : i32 to vector<16xi32>
      %eq3A_1208 = arith.cmpi eq, %shift_right_logical3A_1145, %eq3A_1207 : vector<16xi32>
      %jit3A_1209 = arith.constant 0 : i32
      %broadcast_in_dim3A_1210 = vector.broadcast %jit3A_1209 : i32 to vector<16xi32>
      %select_n3A_1211 = arith.select %eq3A_1208, %shift_left3A_1149, %broadcast_in_dim3A_1210 : vector<16xi1>, vector<16xi32>
      %or3A_1212 = arith.ori %or3A_1138, %select_n3A_1211 : vector<16xi32>
      %add3A_1213 = arith.constant 16 : i32
      %add3A_1214 = vector.broadcast %add3A_1213 : i32 to vector<16xi32>
      %add3A_1215 = arith.addi %add3A_18, %add3A_1214 : vector<16xi32>
      %gather3A_1216 = tpu.vector_load_idx %arg4[%add3A_1215] : memref<5120xi32, #tpu.memory_space<vmem>>[vector<16xi32>], vector<16xi32>,
      %shift_right_logical3A_1217 = arith.constant 5 : i32
      %shift_right_logical3A_1218 = vector.broadcast %shift_right_logical3A_1217 : i32 to vector<16xi32>
      %shift_right_logical3A_1219 = arith.shrui %gather3A_1216, %shift_right_logical3A_1218 : vector<16xi32>
      %and3A_1220 = arith.constant 31 : i32
      %and3A_1221 = vector.broadcast %and3A_1220 : i32 to vector<16xi32>
      %and3A_1222 = arith.andi %gather3A_1216, %and3A_1221 : vector<16xi32>
      %shift_left3A_1223 = arith.shli %broadcast_in_dim3A_6, %and3A_1222 : vector<16xi32>
      %eq3A_1224 = arith.constant 0 : i32
      %eq3A_1225 = vector.broadcast %eq3A_1224 : i32 to vector<16xi32>
      %eq3A_1226 = arith.cmpi eq, %shift_right_logical3A_1219, %eq3A_1225 : vector<16xi32>
      %jit3A_1227 = arith.constant 0 : i32
      %broadcast_in_dim3A_1228 = vector.broadcast %jit3A_1227 : i32 to vector<16xi32>
      %select_n3A_1229 = arith.select %eq3A_1226, %shift_left3A_1223, %broadcast_in_dim3A_1228 : vector<16xi1>, vector<16xi32>
      %or3A_1230 = arith.ori %or3A_1156, %select_n3A_1229 : vector<16xi32>
      %eq3A_1231 = arith.constant 1 : i32
      %eq3A_1232 = vector.broadcast %eq3A_1231 : i32 to vector<16xi32>
      %eq3A_1233 = arith.cmpi eq, %shift_right_logical3A_1219, %eq3A_1232 : vector<16xi32>
      %jit3A_1234 = arith.constant 0 : i32
      %broadcast_in_dim3A_1235 = vector.broadcast %jit3A_1234 : i32 to vector<16xi32>
      %select_n3A_1236 = arith.select %eq3A_1233, %shift_left3A_1223, %broadcast_in_dim3A_1235 : vector<16xi1>, vector<16xi32>
      %or3A_1237 = arith.ori %or3A_1163, %select_n3A_1236 : vector<16xi32>
      %eq3A_1238 = arith.constant 2 : i32
      %eq3A_1239 = vector.broadcast %eq3A_1238 : i32 to vector<16xi32>
      %eq3A_1240 = arith.cmpi eq, %shift_right_logical3A_1219, %eq3A_1239 : vector<16xi32>
      %jit3A_1241 = arith.constant 0 : i32
      %broadcast_in_dim3A_1242 = vector.broadcast %jit3A_1241 : i32 to vector<16xi32>
      %select_n3A_1243 = arith.select %eq3A_1240, %shift_left3A_1223, %broadcast_in_dim3A_1242 : vector<16xi1>, vector<16xi32>
      %or3A_1244 = arith.ori %or3A_1170, %select_n3A_1243 : vector<16xi32>
      %eq3A_1245 = arith.constant 3 : i32
      %eq3A_1246 = vector.broadcast %eq3A_1245 : i32 to vector<16xi32>
      %eq3A_1247 = arith.cmpi eq, %shift_right_logical3A_1219, %eq3A_1246 : vector<16xi32>
      %jit3A_1248 = arith.constant 0 : i32
      %broadcast_in_dim3A_1249 = vector.broadcast %jit3A_1248 : i32 to vector<16xi32>
      %select_n3A_1250 = arith.select %eq3A_1247, %shift_left3A_1223, %broadcast_in_dim3A_1249 : vector<16xi1>, vector<16xi32>
      %or3A_1251 = arith.ori %or3A_1177, %select_n3A_1250 : vector<16xi32>
      %eq3A_1252 = arith.constant 4 : i32
      %eq3A_1253 = vector.broadcast %eq3A_1252 : i32 to vector<16xi32>
      %eq3A_1254 = arith.cmpi eq, %shift_right_logical3A_1219, %eq3A_1253 : vector<16xi32>
      %jit3A_1255 = arith.constant 0 : i32
      %broadcast_in_dim3A_1256 = vector.broadcast %jit3A_1255 : i32 to vector<16xi32>
      %select_n3A_1257 = arith.select %eq3A_1254, %shift_left3A_1223, %broadcast_in_dim3A_1256 : vector<16xi1>, vector<16xi32>
      %or3A_1258 = arith.ori %or3A_1184, %select_n3A_1257 : vector<16xi32>
      %eq3A_1259 = arith.constant 5 : i32
      %eq3A_1260 = vector.broadcast %eq3A_1259 : i32 to vector<16xi32>
      %eq3A_1261 = arith.cmpi eq, %shift_right_logical3A_1219, %eq3A_1260 : vector<16xi32>
      %jit3A_1262 = arith.constant 0 : i32
      %broadcast_in_dim3A_1263 = vector.broadcast %jit3A_1262 : i32 to vector<16xi32>
      %select_n3A_1264 = arith.select %eq3A_1261, %shift_left3A_1223, %broadcast_in_dim3A_1263 : vector<16xi1>, vector<16xi32>
      %or3A_1265 = arith.ori %or3A_1191, %select_n3A_1264 : vector<16xi32>
      %eq3A_1266 = arith.constant 6 : i32
      %eq3A_1267 = vector.broadcast %eq3A_1266 : i32 to vector<16xi32>
      %eq3A_1268 = arith.cmpi eq, %shift_right_logical3A_1219, %eq3A_1267 : vector<16xi32>
      %jit3A_1269 = arith.constant 0 : i32
      %broadcast_in_dim3A_1270 = vector.broadcast %jit3A_1269 : i32 to vector<16xi32>
      %select_n3A_1271 = arith.select %eq3A_1268, %shift_left3A_1223, %broadcast_in_dim3A_1270 : vector<16xi1>, vector<16xi32>
      %or3A_1272 = arith.ori %or3A_1198, %select_n3A_1271 : vector<16xi32>
      %eq3A_1273 = arith.constant 7 : i32
      %eq3A_1274 = vector.broadcast %eq3A_1273 : i32 to vector<16xi32>
      %eq3A_1275 = arith.cmpi eq, %shift_right_logical3A_1219, %eq3A_1274 : vector<16xi32>
      %jit3A_1276 = arith.constant 0 : i32
      %broadcast_in_dim3A_1277 = vector.broadcast %jit3A_1276 : i32 to vector<16xi32>
      %select_n3A_1278 = arith.select %eq3A_1275, %shift_left3A_1223, %broadcast_in_dim3A_1277 : vector<16xi1>, vector<16xi32>
      %or3A_1279 = arith.ori %or3A_1205, %select_n3A_1278 : vector<16xi32>
      %eq3A_1280 = arith.constant 8 : i32
      %eq3A_1281 = vector.broadcast %eq3A_1280 : i32 to vector<16xi32>
      %eq3A_1282 = arith.cmpi eq, %shift_right_logical3A_1219, %eq3A_1281 : vector<16xi32>
      %jit3A_1283 = arith.constant 0 : i32
      %broadcast_in_dim3A_1284 = vector.broadcast %jit3A_1283 : i32 to vector<16xi32>
      %select_n3A_1285 = arith.select %eq3A_1282, %shift_left3A_1223, %broadcast_in_dim3A_1284 : vector<16xi1>, vector<16xi32>
      %or3A_1286 = arith.ori %or3A_1212, %select_n3A_1285 : vector<16xi32>
      %add3A_1287 = arith.constant 17 : i32
      %add3A_1288 = vector.broadcast %add3A_1287 : i32 to vector<16xi32>
      %add3A_1289 = arith.addi %add3A_18, %add3A_1288 : vector<16xi32>
      %gather3A_1290 = tpu.vector_load_idx %arg4[%add3A_1289] : memref<5120xi32, #tpu.memory_space<vmem>>[vector<16xi32>], vector<16xi32>,
      %shift_right_logical3A_1291 = arith.constant 5 : i32
      %shift_right_logical3A_1292 = vector.broadcast %shift_right_logical3A_1291 : i32 to vector<16xi32>
      %shift_right_logical3A_1293 = arith.shrui %gather3A_1290, %shift_right_logical3A_1292 : vector<16xi32>
      %and3A_1294 = arith.constant 31 : i32
      %and3A_1295 = vector.broadcast %and3A_1294 : i32 to vector<16xi32>
      %and3A_1296 = arith.andi %gather3A_1290, %and3A_1295 : vector<16xi32>
      %shift_left3A_1297 = arith.shli %broadcast_in_dim3A_6, %and3A_1296 : vector<16xi32>
      %eq3A_1298 = arith.constant 0 : i32
      %eq3A_1299 = vector.broadcast %eq3A_1298 : i32 to vector<16xi32>
      %eq3A_1300 = arith.cmpi eq, %shift_right_logical3A_1293, %eq3A_1299 : vector<16xi32>
      %jit3A_1301 = arith.constant 0 : i32
      %broadcast_in_dim3A_1302 = vector.broadcast %jit3A_1301 : i32 to vector<16xi32>
      %select_n3A_1303 = arith.select %eq3A_1300, %shift_left3A_1297, %broadcast_in_dim3A_1302 : vector<16xi1>, vector<16xi32>
      %or3A_1304 = arith.ori %or3A_1230, %select_n3A_1303 : vector<16xi32>
      %eq3A_1305 = arith.constant 1 : i32
      %eq3A_1306 = vector.broadcast %eq3A_1305 : i32 to vector<16xi32>
      %eq3A_1307 = arith.cmpi eq, %shift_right_logical3A_1293, %eq3A_1306 : vector<16xi32>
      %jit3A_1308 = arith.constant 0 : i32
      %broadcast_in_dim3A_1309 = vector.broadcast %jit3A_1308 : i32 to vector<16xi32>
      %select_n3A_1310 = arith.select %eq3A_1307, %shift_left3A_1297, %broadcast_in_dim3A_1309 : vector<16xi1>, vector<16xi32>
      %or3A_1311 = arith.ori %or3A_1237, %select_n3A_1310 : vector<16xi32>
      %eq3A_1312 = arith.constant 2 : i32
      %eq3A_1313 = vector.broadcast %eq3A_1312 : i32 to vector<16xi32>
      %eq3A_1314 = arith.cmpi eq, %shift_right_logical3A_1293, %eq3A_1313 : vector<16xi32>
      %jit3A_1315 = arith.constant 0 : i32
      %broadcast_in_dim3A_1316 = vector.broadcast %jit3A_1315 : i32 to vector<16xi32>
      %select_n3A_1317 = arith.select %eq3A_1314, %shift_left3A_1297, %broadcast_in_dim3A_1316 : vector<16xi1>, vector<16xi32>
      %or3A_1318 = arith.ori %or3A_1244, %select_n3A_1317 : vector<16xi32>
      %eq3A_1319 = arith.constant 3 : i32
      %eq3A_1320 = vector.broadcast %eq3A_1319 : i32 to vector<16xi32>
      %eq3A_1321 = arith.cmpi eq, %shift_right_logical3A_1293, %eq3A_1320 : vector<16xi32>
      %jit3A_1322 = arith.constant 0 : i32
      %broadcast_in_dim3A_1323 = vector.broadcast %jit3A_1322 : i32 to vector<16xi32>
      %select_n3A_1324 = arith.select %eq3A_1321, %shift_left3A_1297, %broadcast_in_dim3A_1323 : vector<16xi1>, vector<16xi32>
      %or3A_1325 = arith.ori %or3A_1251, %select_n3A_1324 : vector<16xi32>
      %eq3A_1326 = arith.constant 4 : i32
      %eq3A_1327 = vector.broadcast %eq3A_1326 : i32 to vector<16xi32>
      %eq3A_1328 = arith.cmpi eq, %shift_right_logical3A_1293, %eq3A_1327 : vector<16xi32>
      %jit3A_1329 = arith.constant 0 : i32
      %broadcast_in_dim3A_1330 = vector.broadcast %jit3A_1329 : i32 to vector<16xi32>
      %select_n3A_1331 = arith.select %eq3A_1328, %shift_left3A_1297, %broadcast_in_dim3A_1330 : vector<16xi1>, vector<16xi32>
      %or3A_1332 = arith.ori %or3A_1258, %select_n3A_1331 : vector<16xi32>
      %eq3A_1333 = arith.constant 5 : i32
      %eq3A_1334 = vector.broadcast %eq3A_1333 : i32 to vector<16xi32>
      %eq3A_1335 = arith.cmpi eq, %shift_right_logical3A_1293, %eq3A_1334 : vector<16xi32>
      %jit3A_1336 = arith.constant 0 : i32
      %broadcast_in_dim3A_1337 = vector.broadcast %jit3A_1336 : i32 to vector<16xi32>
      %select_n3A_1338 = arith.select %eq3A_1335, %shift_left3A_1297, %broadcast_in_dim3A_1337 : vector<16xi1>, vector<16xi32>
      %or3A_1339 = arith.ori %or3A_1265, %select_n3A_1338 : vector<16xi32>
      %eq3A_1340 = arith.constant 6 : i32
      %eq3A_1341 = vector.broadcast %eq3A_1340 : i32 to vector<16xi32>
      %eq3A_1342 = arith.cmpi eq, %shift_right_logical3A_1293, %eq3A_1341 : vector<16xi32>
      %jit3A_1343 = arith.constant 0 : i32
      %broadcast_in_dim3A_1344 = vector.broadcast %jit3A_1343 : i32 to vector<16xi32>
      %select_n3A_1345 = arith.select %eq3A_1342, %shift_left3A_1297, %broadcast_in_dim3A_1344 : vector<16xi1>, vector<16xi32>
      %or3A_1346 = arith.ori %or3A_1272, %select_n3A_1345 : vector<16xi32>
      %eq3A_1347 = arith.constant 7 : i32
      %eq3A_1348 = vector.broadcast %eq3A_1347 : i32 to vector<16xi32>
      %eq3A_1349 = arith.cmpi eq, %shift_right_logical3A_1293, %eq3A_1348 : vector<16xi32>
      %jit3A_1350 = arith.constant 0 : i32
      %broadcast_in_dim3A_1351 = vector.broadcast %jit3A_1350 : i32 to vector<16xi32>
      %select_n3A_1352 = arith.select %eq3A_1349, %shift_left3A_1297, %broadcast_in_dim3A_1351 : vector<16xi1>, vector<16xi32>
      %or3A_1353 = arith.ori %or3A_1279, %select_n3A_1352 : vector<16xi32>
      %eq3A_1354 = arith.constant 8 : i32
      %eq3A_1355 = vector.broadcast %eq3A_1354 : i32 to vector<16xi32>
      %eq3A_1356 = arith.cmpi eq, %shift_right_logical3A_1293, %eq3A_1355 : vector<16xi32>
      %jit3A_1357 = arith.constant 0 : i32
      %broadcast_in_dim3A_1358 = vector.broadcast %jit3A_1357 : i32 to vector<16xi32>
      %select_n3A_1359 = arith.select %eq3A_1356, %shift_left3A_1297, %broadcast_in_dim3A_1358 : vector<16xi1>, vector<16xi32>
      %or3A_1360 = arith.ori %or3A_1286, %select_n3A_1359 : vector<16xi32>
      %add3A_1361 = arith.constant 18 : i32
      %add3A_1362 = vector.broadcast %add3A_1361 : i32 to vector<16xi32>
      %add3A_1363 = arith.addi %add3A_18, %add3A_1362 : vector<16xi32>
      %gather3A_1364 = tpu.vector_load_idx %arg4[%add3A_1363] : memref<5120xi32, #tpu.memory_space<vmem>>[vector<16xi32>], vector<16xi32>,
      %shift_right_logical3A_1365 = arith.constant 5 : i32
      %shift_right_logical3A_1366 = vector.broadcast %shift_right_logical3A_1365 : i32 to vector<16xi32>
      %shift_right_logical3A_1367 = arith.shrui %gather3A_1364, %shift_right_logical3A_1366 : vector<16xi32>
      %and3A_1368 = arith.constant 31 : i32
      %and3A_1369 = vector.broadcast %and3A_1368 : i32 to vector<16xi32>
      %and3A_1370 = arith.andi %gather3A_1364, %and3A_1369 : vector<16xi32>
      %shift_left3A_1371 = arith.shli %broadcast_in_dim3A_6, %and3A_1370 : vector<16xi32>
      %eq3A_1372 = arith.constant 0 : i32
      %eq3A_1373 = vector.broadcast %eq3A_1372 : i32 to vector<16xi32>
      %eq3A_1374 = arith.cmpi eq, %shift_right_logical3A_1367, %eq3A_1373 : vector<16xi32>
      %jit3A_1375 = arith.constant 0 : i32
      %broadcast_in_dim3A_1376 = vector.broadcast %jit3A_1375 : i32 to vector<16xi32>
      %select_n3A_1377 = arith.select %eq3A_1374, %shift_left3A_1371, %broadcast_in_dim3A_1376 : vector<16xi1>, vector<16xi32>
      %or3A_1378 = arith.ori %or3A_1304, %select_n3A_1377 : vector<16xi32>
      %eq3A_1379 = arith.constant 1 : i32
      %eq3A_1380 = vector.broadcast %eq3A_1379 : i32 to vector<16xi32>
      %eq3A_1381 = arith.cmpi eq, %shift_right_logical3A_1367, %eq3A_1380 : vector<16xi32>
      %jit3A_1382 = arith.constant 0 : i32
      %broadcast_in_dim3A_1383 = vector.broadcast %jit3A_1382 : i32 to vector<16xi32>
      %select_n3A_1384 = arith.select %eq3A_1381, %shift_left3A_1371, %broadcast_in_dim3A_1383 : vector<16xi1>, vector<16xi32>
      %or3A_1385 = arith.ori %or3A_1311, %select_n3A_1384 : vector<16xi32>
      %eq3A_1386 = arith.constant 2 : i32
      %eq3A_1387 = vector.broadcast %eq3A_1386 : i32 to vector<16xi32>
      %eq3A_1388 = arith.cmpi eq, %shift_right_logical3A_1367, %eq3A_1387 : vector<16xi32>
      %jit3A_1389 = arith.constant 0 : i32
      %broadcast_in_dim3A_1390 = vector.broadcast %jit3A_1389 : i32 to vector<16xi32>
      %select_n3A_1391 = arith.select %eq3A_1388, %shift_left3A_1371, %broadcast_in_dim3A_1390 : vector<16xi1>, vector<16xi32>
      %or3A_1392 = arith.ori %or3A_1318, %select_n3A_1391 : vector<16xi32>
      %eq3A_1393 = arith.constant 3 : i32
      %eq3A_1394 = vector.broadcast %eq3A_1393 : i32 to vector<16xi32>
      %eq3A_1395 = arith.cmpi eq, %shift_right_logical3A_1367, %eq3A_1394 : vector<16xi32>
      %jit3A_1396 = arith.constant 0 : i32
      %broadcast_in_dim3A_1397 = vector.broadcast %jit3A_1396 : i32 to vector<16xi32>
      %select_n3A_1398 = arith.select %eq3A_1395, %shift_left3A_1371, %broadcast_in_dim3A_1397 : vector<16xi1>, vector<16xi32>
      %or3A_1399 = arith.ori %or3A_1325, %select_n3A_1398 : vector<16xi32>
      %eq3A_1400 = arith.constant 4 : i32
      %eq3A_1401 = vector.broadcast %eq3A_1400 : i32 to vector<16xi32>
      %eq3A_1402 = arith.cmpi eq, %shift_right_logical3A_1367, %eq3A_1401 : vector<16xi32>
      %jit3A_1403 = arith.constant 0 : i32
      %broadcast_in_dim3A_1404 = vector.broadcast %jit3A_1403 : i32 to vector<16xi32>
      %select_n3A_1405 = arith.select %eq3A_1402, %shift_left3A_1371, %broadcast_in_dim3A_1404 : vector<16xi1>, vector<16xi32>
      %or3A_1406 = arith.ori %or3A_1332, %select_n3A_1405 : vector<16xi32>
      %eq3A_1407 = arith.constant 5 : i32
      %eq3A_1408 = vector.broadcast %eq3A_1407 : i32 to vector<16xi32>
      %eq3A_1409 = arith.cmpi eq, %shift_right_logical3A_1367, %eq3A_1408 : vector<16xi32>
      %jit3A_1410 = arith.constant 0 : i32
      %broadcast_in_dim3A_1411 = vector.broadcast %jit3A_1410 : i32 to vector<16xi32>
      %select_n3A_1412 = arith.select %eq3A_1409, %shift_left3A_1371, %broadcast_in_dim3A_1411 : vector<16xi1>, vector<16xi32>
      %or3A_1413 = arith.ori %or3A_1339, %select_n3A_1412 : vector<16xi32>
      %eq3A_1414 = arith.constant 6 : i32
      %eq3A_1415 = vector.broadcast %eq3A_1414 : i32 to vector<16xi32>
      %eq3A_1416 = arith.cmpi eq, %shift_right_logical3A_1367, %eq3A_1415 : vector<16xi32>
      %jit3A_1417 = arith.constant 0 : i32
      %broadcast_in_dim3A_1418 = vector.broadcast %jit3A_1417 : i32 to vector<16xi32>
      %select_n3A_1419 = arith.select %eq3A_1416, %shift_left3A_1371, %broadcast_in_dim3A_1418 : vector<16xi1>, vector<16xi32>
      %or3A_1420 = arith.ori %or3A_1346, %select_n3A_1419 : vector<16xi32>
      %eq3A_1421 = arith.constant 7 : i32
      %eq3A_1422 = vector.broadcast %eq3A_1421 : i32 to vector<16xi32>
      %eq3A_1423 = arith.cmpi eq, %shift_right_logical3A_1367, %eq3A_1422 : vector<16xi32>
      %jit3A_1424 = arith.constant 0 : i32
      %broadcast_in_dim3A_1425 = vector.broadcast %jit3A_1424 : i32 to vector<16xi32>
      %select_n3A_1426 = arith.select %eq3A_1423, %shift_left3A_1371, %broadcast_in_dim3A_1425 : vector<16xi1>, vector<16xi32>
      %or3A_1427 = arith.ori %or3A_1353, %select_n3A_1426 : vector<16xi32>
      %eq3A_1428 = arith.constant 8 : i32
      %eq3A_1429 = vector.broadcast %eq3A_1428 : i32 to vector<16xi32>
      %eq3A_1430 = arith.cmpi eq, %shift_right_logical3A_1367, %eq3A_1429 : vector<16xi32>
      %jit3A_1431 = arith.constant 0 : i32
      %broadcast_in_dim3A_1432 = vector.broadcast %jit3A_1431 : i32 to vector<16xi32>
      %select_n3A_1433 = arith.select %eq3A_1430, %shift_left3A_1371, %broadcast_in_dim3A_1432 : vector<16xi1>, vector<16xi32>
      %or3A_1434 = arith.ori %or3A_1360, %select_n3A_1433 : vector<16xi32>
      %add3A_1435 = arith.constant 19 : i32
      %add3A_1436 = vector.broadcast %add3A_1435 : i32 to vector<16xi32>
      %add3A_1437 = arith.addi %add3A_18, %add3A_1436 : vector<16xi32>
      %gather3A_1438 = tpu.vector_load_idx %arg4[%add3A_1437] : memref<5120xi32, #tpu.memory_space<vmem>>[vector<16xi32>], vector<16xi32>,
      %shift_right_logical3A_1439 = arith.constant 5 : i32
      %shift_right_logical3A_1440 = vector.broadcast %shift_right_logical3A_1439 : i32 to vector<16xi32>
      %shift_right_logical3A_1441 = arith.shrui %gather3A_1438, %shift_right_logical3A_1440 : vector<16xi32>
      %and3A_1442 = arith.constant 31 : i32
      %and3A_1443 = vector.broadcast %and3A_1442 : i32 to vector<16xi32>
      %and3A_1444 = arith.andi %gather3A_1438, %and3A_1443 : vector<16xi32>
      %shift_left3A_1445 = arith.shli %broadcast_in_dim3A_6, %and3A_1444 : vector<16xi32>
      %eq3A_1446 = arith.constant 0 : i32
      %eq3A_1447 = vector.broadcast %eq3A_1446 : i32 to vector<16xi32>
      %eq3A_1448 = arith.cmpi eq, %shift_right_logical3A_1441, %eq3A_1447 : vector<16xi32>
      %jit3A_1449 = arith.constant 0 : i32
      %broadcast_in_dim3A_1450 = vector.broadcast %jit3A_1449 : i32 to vector<16xi32>
      %select_n3A_1451 = arith.select %eq3A_1448, %shift_left3A_1445, %broadcast_in_dim3A_1450 : vector<16xi1>, vector<16xi32>
      %or3A_1452 = arith.ori %or3A_1378, %select_n3A_1451 : vector<16xi32>
      %eq3A_1453 = arith.constant 1 : i32
      %eq3A_1454 = vector.broadcast %eq3A_1453 : i32 to vector<16xi32>
      %eq3A_1455 = arith.cmpi eq, %shift_right_logical3A_1441, %eq3A_1454 : vector<16xi32>
      %jit3A_1456 = arith.constant 0 : i32
      %broadcast_in_dim3A_1457 = vector.broadcast %jit3A_1456 : i32 to vector<16xi32>
      %select_n3A_1458 = arith.select %eq3A_1455, %shift_left3A_1445, %broadcast_in_dim3A_1457 : vector<16xi1>, vector<16xi32>
      %or3A_1459 = arith.ori %or3A_1385, %select_n3A_1458 : vector<16xi32>
      %eq3A_1460 = arith.constant 2 : i32
      %eq3A_1461 = vector.broadcast %eq3A_1460 : i32 to vector<16xi32>
      %eq3A_1462 = arith.cmpi eq, %shift_right_logical3A_1441, %eq3A_1461 : vector<16xi32>
      %jit3A_1463 = arith.constant 0 : i32
      %broadcast_in_dim3A_1464 = vector.broadcast %jit3A_1463 : i32 to vector<16xi32>
      %select_n3A_1465 = arith.select %eq3A_1462, %shift_left3A_1445, %broadcast_in_dim3A_1464 : vector<16xi1>, vector<16xi32>
      %or3A_1466 = arith.ori %or3A_1392, %select_n3A_1465 : vector<16xi32>
      %eq3A_1467 = arith.constant 3 : i32
      %eq3A_1468 = vector.broadcast %eq3A_1467 : i32 to vector<16xi32>
      %eq3A_1469 = arith.cmpi eq, %shift_right_logical3A_1441, %eq3A_1468 : vector<16xi32>
      %jit3A_1470 = arith.constant 0 : i32
      %broadcast_in_dim3A_1471 = vector.broadcast %jit3A_1470 : i32 to vector<16xi32>
      %select_n3A_1472 = arith.select %eq3A_1469, %shift_left3A_1445, %broadcast_in_dim3A_1471 : vector<16xi1>, vector<16xi32>
      %or3A_1473 = arith.ori %or3A_1399, %select_n3A_1472 : vector<16xi32>
      %eq3A_1474 = arith.constant 4 : i32
      %eq3A_1475 = vector.broadcast %eq3A_1474 : i32 to vector<16xi32>
      %eq3A_1476 = arith.cmpi eq, %shift_right_logical3A_1441, %eq3A_1475 : vector<16xi32>
      %jit3A_1477 = arith.constant 0 : i32
      %broadcast_in_dim3A_1478 = vector.broadcast %jit3A_1477 : i32 to vector<16xi32>
      %select_n3A_1479 = arith.select %eq3A_1476, %shift_left3A_1445, %broadcast_in_dim3A_1478 : vector<16xi1>, vector<16xi32>
      %or3A_1480 = arith.ori %or3A_1406, %select_n3A_1479 : vector<16xi32>
      %eq3A_1481 = arith.constant 5 : i32
      %eq3A_1482 = vector.broadcast %eq3A_1481 : i32 to vector<16xi32>
      %eq3A_1483 = arith.cmpi eq, %shift_right_logical3A_1441, %eq3A_1482 : vector<16xi32>
      %jit3A_1484 = arith.constant 0 : i32
      %broadcast_in_dim3A_1485 = vector.broadcast %jit3A_1484 : i32 to vector<16xi32>
      %select_n3A_1486 = arith.select %eq3A_1483, %shift_left3A_1445, %broadcast_in_dim3A_1485 : vector<16xi1>, vector<16xi32>
      %or3A_1487 = arith.ori %or3A_1413, %select_n3A_1486 : vector<16xi32>
      %eq3A_1488 = arith.constant 6 : i32
      %eq3A_1489 = vector.broadcast %eq3A_1488 : i32 to vector<16xi32>
      %eq3A_1490 = arith.cmpi eq, %shift_right_logical3A_1441, %eq3A_1489 : vector<16xi32>
      %jit3A_1491 = arith.constant 0 : i32
      %broadcast_in_dim3A_1492 = vector.broadcast %jit3A_1491 : i32 to vector<16xi32>
      %select_n3A_1493 = arith.select %eq3A_1490, %shift_left3A_1445, %broadcast_in_dim3A_1492 : vector<16xi1>, vector<16xi32>
      %or3A_1494 = arith.ori %or3A_1420, %select_n3A_1493 : vector<16xi32>
      %eq3A_1495 = arith.constant 7 : i32
      %eq3A_1496 = vector.broadcast %eq3A_1495 : i32 to vector<16xi32>
      %eq3A_1497 = arith.cmpi eq, %shift_right_logical3A_1441, %eq3A_1496 : vector<16xi32>
      %jit3A_1498 = arith.constant 0 : i32
      %broadcast_in_dim3A_1499 = vector.broadcast %jit3A_1498 : i32 to vector<16xi32>
      %select_n3A_1500 = arith.select %eq3A_1497, %shift_left3A_1445, %broadcast_in_dim3A_1499 : vector<16xi1>, vector<16xi32>
      %or3A_1501 = arith.ori %or3A_1427, %select_n3A_1500 : vector<16xi32>
      %eq3A_1502 = arith.constant 8 : i32
      %eq3A_1503 = vector.broadcast %eq3A_1502 : i32 to vector<16xi32>
      %eq3A_1504 = arith.cmpi eq, %shift_right_logical3A_1441, %eq3A_1503 : vector<16xi32>
      %jit3A_1505 = arith.constant 0 : i32
      %broadcast_in_dim3A_1506 = vector.broadcast %jit3A_1505 : i32 to vector<16xi32>
      %select_n3A_1507 = arith.select %eq3A_1504, %shift_left3A_1445, %broadcast_in_dim3A_1506 : vector<16xi1>, vector<16xi32>
      %or3A_1508 = arith.ori %or3A_1434, %select_n3A_1507 : vector<16xi32>
      %mul3A_1509 = arith.constant 16 : i32
      %mul3A_1510 = arith.muli %scan3A_14, %mul3A_1509 : i32
      %add3A_1511 = vector.broadcast %mul3A_1510 : i32 to vector<16xi32>
      %add3A_1512 = arith.addi %add3A_1511, %iota3A : vector<16xi32>
      %mul3A_1513 = arith.constant 16 : i32
      %mul3A_1514 = vector.broadcast %mul3A_1513 : i32 to vector<16xi32>
      %mul3A_1515 = arith.muli %add3A_1512, %mul3A_1514 : vector<16xi32>
      %add3A_1516 = arith.constant 0 : i32
      %add3A_1517 = vector.broadcast %add3A_1516 : i32 to vector<16xi32>
      %add3A_1518 = arith.addi %mul3A_1515, %add3A_1517 : vector<16xi32>
      tpu.vector_store_idx %arg5[%add3A_1518], %or3A_1452 : memref<4096xi32, #tpu.memory_space<vmem>>[vector<16xi32>], vector<16xi32>,
      %add3A_1519 = arith.constant 1 : i32
      %add3A_1520 = vector.broadcast %add3A_1519 : i32 to vector<16xi32>
      %add3A_1521 = arith.addi %mul3A_1515, %add3A_1520 : vector<16xi32>
      tpu.vector_store_idx %arg5[%add3A_1521], %or3A_1459 : memref<4096xi32, #tpu.memory_space<vmem>>[vector<16xi32>], vector<16xi32>,
      %add3A_1522 = arith.constant 2 : i32
      %add3A_1523 = vector.broadcast %add3A_1522 : i32 to vector<16xi32>
      %add3A_1524 = arith.addi %mul3A_1515, %add3A_1523 : vector<16xi32>
      tpu.vector_store_idx %arg5[%add3A_1524], %or3A_1466 : memref<4096xi32, #tpu.memory_space<vmem>>[vector<16xi32>], vector<16xi32>,
      %add3A_1525 = arith.constant 3 : i32
      %add3A_1526 = vector.broadcast %add3A_1525 : i32 to vector<16xi32>
      %add3A_1527 = arith.addi %mul3A_1515, %add3A_1526 : vector<16xi32>
      tpu.vector_store_idx %arg5[%add3A_1527], %or3A_1473 : memref<4096xi32, #tpu.memory_space<vmem>>[vector<16xi32>], vector<16xi32>,
      %add3A_1528 = arith.constant 4 : i32
      %add3A_1529 = vector.broadcast %add3A_1528 : i32 to vector<16xi32>
      %add3A_1530 = arith.addi %mul3A_1515, %add3A_1529 : vector<16xi32>
      tpu.vector_store_idx %arg5[%add3A_1530], %or3A_1480 : memref<4096xi32, #tpu.memory_space<vmem>>[vector<16xi32>], vector<16xi32>,
      %add3A_1531 = arith.constant 5 : i32
      %add3A_1532 = vector.broadcast %add3A_1531 : i32 to vector<16xi32>
      %add3A_1533 = arith.addi %mul3A_1515, %add3A_1532 : vector<16xi32>
      tpu.vector_store_idx %arg5[%add3A_1533], %or3A_1487 : memref<4096xi32, #tpu.memory_space<vmem>>[vector<16xi32>], vector<16xi32>,
      %add3A_1534 = arith.constant 6 : i32
      %add3A_1535 = vector.broadcast %add3A_1534 : i32 to vector<16xi32>
      %add3A_1536 = arith.addi %mul3A_1515, %add3A_1535 : vector<16xi32>
      tpu.vector_store_idx %arg5[%add3A_1536], %or3A_1494 : memref<4096xi32, #tpu.memory_space<vmem>>[vector<16xi32>], vector<16xi32>,
      %add3A_1537 = arith.constant 7 : i32
      %add3A_1538 = vector.broadcast %add3A_1537 : i32 to vector<16xi32>
      %add3A_1539 = arith.addi %mul3A_1515, %add3A_1538 : vector<16xi32>
      tpu.vector_store_idx %arg5[%add3A_1539], %or3A_1501 : memref<4096xi32, #tpu.memory_space<vmem>>[vector<16xi32>], vector<16xi32>,
      %add3A_1540 = arith.constant 8 : i32
      %add3A_1541 = vector.broadcast %add3A_1540 : i32 to vector<16xi32>
      %add3A_1542 = arith.addi %mul3A_1515, %add3A_1541 : vector<16xi32>
      tpu.vector_store_idx %arg5[%add3A_1542], %or3A_1508 : memref<4096xi32, #tpu.memory_space<vmem>>[vector<16xi32>], vector<16xi32>,
    }
    %scan3A_11 = arith.constant 16 : i32
    %mul3A_12 = arith.constant 4096 : i32
    %mul3A_13 = arith.muli %add3A, %mul3A_12 : i32
    "tpu.region"() ({
      %run_scoped3A = tpu.sem_alloc : memref<!tpu.dma_semaphore, #tpu.memory_space<semaphore_mem>>
      %dma_start3A = tpu.memref_slice %arg3[%mul3A_13] : memref<131072xi32, #tpu.memory_space<hbm>> -> memref<4096xi32, #tpu.memory_space<hbm>>
      %dma_start3A_14 = tpu.memref_slice %arg3[%mul3A_13] : memref<131072xi32, #tpu.memory_space<hbm>> -> memref<4096xi32, #tpu.memory_space<hbm>>
      tpu.enqueue_dma source(%arg5 : memref<4096xi32, #tpu.memory_space<vmem>>) target(%dma_start3A_14 : memref<4096xi32, #tpu.memory_space<hbm>>) target_semaphore(%run_scoped3A : memref<!tpu.dma_semaphore, #tpu.memory_space<semaphore_mem>>)
      %dma_wait3A = tpu.memref_slice %arg3[%mul3A_13] : memref<131072xi32, #tpu.memory_space<hbm>> -> memref<4096xi32, #tpu.memory_space<hbm>>
      %dma_wait3A_15 = tpu.memref_slice %arg3[%mul3A_13] : memref<131072xi32, #tpu.memory_space<hbm>> -> memref<4096xi32, #tpu.memory_space<hbm>>
      tpu.wait_dma2 semaphore(%run_scoped3A : memref<!tpu.dma_semaphore, #tpu.memory_space<semaphore_mem>>) src(%arg5 : memref<4096xi32, #tpu.memory_space<vmem>>) dst(%dma_wait3A_15 : memref<4096xi32, #tpu.memory_space<hbm>>)
      tpu.yield
    }) : () -> ()
    return
  }
}

#map = affine_map<(d0, d1) -> (0)>
module attributes {stable_mosaic.version = 14 : i64} {
  func.func @_sc_body(%arg0: i32, %arg1: i32, %arg2: memref<163840xi32, #tpu.memory_space<hbm>>, %arg3: memref<131072xi32, #tpu.memory_space<hbm>>, %arg4: memref<5120xi32, #tpu.memory_space<vmem>>, %arg5: memref<4096xi32, #tpu.memory_space<vmem>>) attributes {dimension_semantics = [#tpu.dimension_semantics<core_parallel>, #tpu.dimension_semantics<subcore_parallel>], iteration_bounds = array<i64: 2, 16>, scalar_prefetch = 0 : i64, scratch_operands = 2 : i64, tpu.core_type = #tpu.core_type<sc_vector_subcore>, window_params = [{transform_indices = #map}, {transform_indices = #map}]} {
    %mul3A = arith.constant 2 : i32
    %mul3A_0 = arith.muli %arg1, %mul3A : i32
    %add3A = arith.addi %mul3A_0, %arg0 : i32
    %mul3A_1 = arith.constant 5120 : i32
    %mul3A_2 = arith.muli %add3A, %mul3A_1 : i32
    "tpu.region"() ({
      %run_scoped3A = tpu.sem_alloc : memref<!tpu.dma_semaphore, #tpu.memory_space<semaphore_mem>>
      %dma_start3A = tpu.memref_slice %arg2[%mul3A_2] : memref<163840xi32, #tpu.memory_space<hbm>> -> memref<5120xi32, #tpu.memory_space<hbm>>
      %dma_start3A_14 = tpu.memref_slice %arg2[%mul3A_2] : memref<163840xi32, #tpu.memory_space<hbm>> -> memref<5120xi32, #tpu.memory_space<hbm>>
      tpu.enqueue_dma source(%dma_start3A_14 : memref<5120xi32, #tpu.memory_space<hbm>>) target(%arg4 : memref<5120xi32, #tpu.memory_space<vmem>>) target_semaphore(%run_scoped3A : memref<!tpu.dma_semaphore, #tpu.memory_space<semaphore_mem>>)
      %dma_wait3A = tpu.memref_slice %arg2[%mul3A_2] : memref<163840xi32, #tpu.memory_space<hbm>> -> memref<5120xi32, #tpu.memory_space<hbm>>
      %dma_wait3A_15 = tpu.memref_slice %arg2[%mul3A_2] : memref<163840xi32, #tpu.memory_space<hbm>> -> memref<5120xi32, #tpu.memory_space<hbm>>
      tpu.wait_dma2 semaphore(%run_scoped3A : memref<!tpu.dma_semaphore, #tpu.memory_space<semaphore_mem>>) src(%dma_wait3A_15 : memref<5120xi32, #tpu.memory_space<hbm>>) dst(%arg4 : memref<5120xi32, #tpu.memory_space<vmem>>)
      tpu.yield
    }) : () -> ()
    %iota3A = tpu.iota {dimensions = array<i32: 0>} : vector<16xi32>
    %mul3A_3 = arith.constant 20 : i32
    %mul3A_4 = vector.broadcast %mul3A_3 : i32 to vector<16xi32>
    %mul3A_5 = arith.muli %iota3A, %mul3A_4 : vector<16xi32>
    %broadcast_in_dim3A = arith.constant 1 : i32
    %broadcast_in_dim3A_6 = vector.broadcast %broadcast_in_dim3A : i32 to vector<16xi32>
    %scan3A = arith.constant 0 : i32
    %scan3A_7 = arith.constant 0 : i32
    %scan3A_8 = arith.constant 16 : i32
    %scan3A_9 = arith.addi %scan3A_7, %scan3A_8 : i32
    %scan3A_10 = arith.constant 1 : i32
    scf.for %scan3A_14 = %scan3A_7 to %scan3A_9 step %scan3A_10  : i32 {
      %mul3A_15 = arith.constant 320 : i32
      %mul3A_16 = arith.muli %scan3A_14, %mul3A_15 : i32
      %add3A_17 = vector.broadcast %mul3A_16 : i32 to vector<16xi32>
      %add3A_18 = arith.addi %add3A_17, %mul3A_5 : vector<16xi32>
      %broadcast_in_dim3A_19 = arith.constant 0 : i32
      %broadcast_in_dim3A_20 = vector.broadcast %broadcast_in_dim3A_19 : i32 to vector<16xi32>
      %broadcast_in_dim3A_21 = arith.constant 0 : i32
      %broadcast_in_dim3A_22 = vector.broadcast %broadcast_in_dim3A_21 : i32 to vector<16xi32>
      %broadcast_in_dim3A_23 = arith.constant 0 : i32
      %broadcast_in_dim3A_24 = vector.broadcast %broadcast_in_dim3A_23 : i32 to vector<16xi32>
      %broadcast_in_dim3A_25 = arith.constant 0 : i32
      %broadcast_in_dim3A_26 = vector.broadcast %broadcast_in_dim3A_25 : i32 to vector<16xi32>
      %broadcast_in_dim3A_27 = arith.constant 0 : i32
      %broadcast_in_dim3A_28 = vector.broadcast %broadcast_in_dim3A_27 : i32 to vector<16xi32>
      %broadcast_in_dim3A_29 = arith.constant 0 : i32
      %broadcast_in_dim3A_30 = vector.broadcast %broadcast_in_dim3A_29 : i32 to vector<16xi32>
      %broadcast_in_dim3A_31 = arith.constant 0 : i32
      %broadcast_in_dim3A_32 = vector.broadcast %broadcast_in_dim3A_31 : i32 to vector<16xi32>
      %broadcast_in_dim3A_33 = arith.constant 0 : i32
      %broadcast_in_dim3A_34 = vector.broadcast %broadcast_in_dim3A_33 : i32 to vector<16xi32>
      %broadcast_in_dim3A_35 = arith.constant 0 : i32
      %broadcast_in_dim3A_36 = vector.broadcast %broadcast_in_dim3A_35 : i32 to vector<16xi32>
      %add3A_37 = arith.constant 0 : i32
      %add3A_38 = vector.broadcast %add3A_37 : i32 to vector<16xi32>
      %add3A_39 = arith.addi %add3A_18, %add3A_38 : vector<16xi32>
      %gather3A = tpu.vector_load_idx %arg4[%add3A_39] : memref<5120xi32, #tpu.memory_space<vmem>>[vector<16xi32>], vector<16xi32>,
      %shift_right_logical3A = arith.constant 5 : i32
      %shift_right_logical3A_40 = vector.broadcast %shift_right_logical3A : i32 to vector<16xi32>
      %shift_right_logical3A_41 = arith.shrui %gather3A, %shift_right_logical3A_40 : vector<16xi32>
      %and3A = arith.constant 31 : i32
      %and3A_42 = vector.broadcast %and3A : i32 to vector<16xi32>
      %and3A_43 = arith.andi %gather3A, %and3A_42 : vector<16xi32>
      %shift_left3A = arith.shli %broadcast_in_dim3A_6, %and3A_43 : vector<16xi32>
      %eq3A = arith.constant 0 : i32
      %eq3A_44 = vector.broadcast %eq3A : i32 to vector<16xi32>
      %eq3A_45 = arith.cmpi eq, %shift_right_logical3A_41, %eq3A_44 : vector<16xi32>
      %jit3A = arith.constant 0 : i32
      %broadcast_in_dim3A_46 = vector.broadcast %jit3A : i32 to vector<16xi32>
      %select_n3A = arith.select %eq3A_45, %shift_left3A, %broadcast_in_dim3A_46 : vector<16xi1>, vector<16xi32>
      %or3A = arith.ori %broadcast_in_dim3A_20, %select_n3A : vector<16xi32>
      %eq3A_47 = arith.constant 1 : i32
      %eq3A_48 = vector.broadcast %eq3A_47 : i32 to vector<16xi32>
      %eq3A_49 = arith.cmpi eq, %shift_right_logical3A_41, %eq3A_48 : vector<16xi32>
      %jit3A_50 = arith.constant 0 : i32
      %broadcast_in_dim3A_51 = vector.broadcast %jit3A_50 : i32 to vector<16xi32>
      %select_n3A_52 = arith.select %eq3A_49, %shift_left3A, %broadcast_in_dim3A_51 : vector<16xi1>, vector<16xi32>
      %or3A_53 = arith.ori %broadcast_in_dim3A_22, %select_n3A_52 : vector<16xi32>
      %eq3A_54 = arith.constant 2 : i32
      %eq3A_55 = vector.broadcast %eq3A_54 : i32 to vector<16xi32>
      %eq3A_56 = arith.cmpi eq, %shift_right_logical3A_41, %eq3A_55 : vector<16xi32>
      %jit3A_57 = arith.constant 0 : i32
      %broadcast_in_dim3A_58 = vector.broadcast %jit3A_57 : i32 to vector<16xi32>
      %select_n3A_59 = arith.select %eq3A_56, %shift_left3A, %broadcast_in_dim3A_58 : vector<16xi1>, vector<16xi32>
      %or3A_60 = arith.ori %broadcast_in_dim3A_24, %select_n3A_59 : vector<16xi32>
      %eq3A_61 = arith.constant 3 : i32
      %eq3A_62 = vector.broadcast %eq3A_61 : i32 to vector<16xi32>
      %eq3A_63 = arith.cmpi eq, %shift_right_logical3A_41, %eq3A_62 : vector<16xi32>
      %jit3A_64 = arith.constant 0 : i32
      %broadcast_in_dim3A_65 = vector.broadcast %jit3A_64 : i32 to vector<16xi32>
      %select_n3A_66 = arith.select %eq3A_63, %shift_left3A, %broadcast_in_dim3A_65 : vector<16xi1>, vector<16xi32>
      %or3A_67 = arith.ori %broadcast_in_dim3A_26, %select_n3A_66 : vector<16xi32>
      %eq3A_68 = arith.constant 4 : i32
      %eq3A_69 = vector.broadcast %eq3A_68 : i32 to vector<16xi32>
      %eq3A_70 = arith.cmpi eq, %shift_right_logical3A_41, %eq3A_69 : vector<16xi32>
      %jit3A_71 = arith.constant 0 : i32
      %broadcast_in_dim3A_72 = vector.broadcast %jit3A_71 : i32 to vector<16xi32>
      %select_n3A_73 = arith.select %eq3A_70, %shift_left3A, %broadcast_in_dim3A_72 : vector<16xi1>, vector<16xi32>
      %or3A_74 = arith.ori %broadcast_in_dim3A_28, %select_n3A_73 : vector<16xi32>
      %eq3A_75 = arith.constant 5 : i32
      %eq3A_76 = vector.broadcast %eq3A_75 : i32 to vector<16xi32>
      %eq3A_77 = arith.cmpi eq, %shift_right_logical3A_41, %eq3A_76 : vector<16xi32>
      %jit3A_78 = arith.constant 0 : i32
      %broadcast_in_dim3A_79 = vector.broadcast %jit3A_78 : i32 to vector<16xi32>
      %select_n3A_80 = arith.select %eq3A_77, %shift_left3A, %broadcast_in_dim3A_79 : vector<16xi1>, vector<16xi32>
      %or3A_81 = arith.ori %broadcast_in_dim3A_30, %select_n3A_80 : vector<16xi32>
      %eq3A_82 = arith.constant 6 : i32
      %eq3A_83 = vector.broadcast %eq3A_82 : i32 to vector<16xi32>
      %eq3A_84 = arith.cmpi eq, %shift_right_logical3A_41, %eq3A_83 : vector<16xi32>
      %jit3A_85 = arith.constant 0 : i32
      %broadcast_in_dim3A_86 = vector.broadcast %jit3A_85 : i32 to vector<16xi32>
      %select_n3A_87 = arith.select %eq3A_84, %shift_left3A, %broadcast_in_dim3A_86 : vector<16xi1>, vector<16xi32>
      %or3A_88 = arith.ori %broadcast_in_dim3A_32, %select_n3A_87 : vector<16xi32>
      %eq3A_89 = arith.constant 7 : i32
      %eq3A_90 = vector.broadcast %eq3A_89 : i32 to vector<16xi32>
      %eq3A_91 = arith.cmpi eq, %shift_right_logical3A_41, %eq3A_90 : vector<16xi32>
      %jit3A_92 = arith.constant 0 : i32
      %broadcast_in_dim3A_93 = vector.broadcast %jit3A_92 : i32 to vector<16xi32>
      %select_n3A_94 = arith.select %eq3A_91, %shift_left3A, %broadcast_in_dim3A_93 : vector<16xi1>, vector<16xi32>
      %or3A_95 = arith.ori %broadcast_in_dim3A_34, %select_n3A_94 : vector<16xi32>
      %eq3A_96 = arith.constant 8 : i32
      %eq3A_97 = vector.broadcast %eq3A_96 : i32 to vector<16xi32>
      %eq3A_98 = arith.cmpi eq, %shift_right_logical3A_41, %eq3A_97 : vector<16xi32>
      %jit3A_99 = arith.constant 0 : i32
      %broadcast_in_dim3A_100 = vector.broadcast %jit3A_99 : i32 to vector<16xi32>
      %select_n3A_101 = arith.select %eq3A_98, %shift_left3A, %broadcast_in_dim3A_100 : vector<16xi1>, vector<16xi32>
      %or3A_102 = arith.ori %broadcast_in_dim3A_36, %select_n3A_101 : vector<16xi32>
      %add3A_103 = arith.constant 1 : i32
      %add3A_104 = vector.broadcast %add3A_103 : i32 to vector<16xi32>
      %add3A_105 = arith.addi %add3A_18, %add3A_104 : vector<16xi32>
      %gather3A_106 = tpu.vector_load_idx %arg4[%add3A_105] : memref<5120xi32, #tpu.memory_space<vmem>>[vector<16xi32>], vector<16xi32>,
      %shift_right_logical3A_107 = arith.constant 5 : i32
      %shift_right_logical3A_108 = vector.broadcast %shift_right_logical3A_107 : i32 to vector<16xi32>
      %shift_right_logical3A_109 = arith.shrui %gather3A_106, %shift_right_logical3A_108 : vector<16xi32>
      %and3A_110 = arith.constant 31 : i32
      %and3A_111 = vector.broadcast %and3A_110 : i32 to vector<16xi32>
      %and3A_112 = arith.andi %gather3A_106, %and3A_111 : vector<16xi32>
      %shift_left3A_113 = arith.shli %broadcast_in_dim3A_6, %and3A_112 : vector<16xi32>
      %eq3A_114 = arith.constant 0 : i32
      %eq3A_115 = vector.broadcast %eq3A_114 : i32 to vector<16xi32>
      %eq3A_116 = arith.cmpi eq, %shift_right_logical3A_109, %eq3A_115 : vector<16xi32>
      %jit3A_117 = arith.constant 0 : i32
      %broadcast_in_dim3A_118 = vector.broadcast %jit3A_117 : i32 to vector<16xi32>
      %select_n3A_119 = arith.select %eq3A_116, %shift_left3A_113, %broadcast_in_dim3A_118 : vector<16xi1>, vector<16xi32>
      %or3A_120 = arith.ori %or3A, %select_n3A_119 : vector<16xi32>
      %eq3A_121 = arith.constant 1 : i32
      %eq3A_122 = vector.broadcast %eq3A_121 : i32 to vector<16xi32>
      %eq3A_123 = arith.cmpi eq, %shift_right_logical3A_109, %eq3A_122 : vector<16xi32>
      %jit3A_124 = arith.constant 0 : i32
      %broadcast_in_dim3A_125 = vector.broadcast %jit3A_124 : i32 to vector<16xi32>
      %select_n3A_126 = arith.select %eq3A_123, %shift_left3A_113, %broadcast_in_dim3A_125 : vector<16xi1>, vector<16xi32>
      %or3A_127 = arith.ori %or3A_53, %select_n3A_126 : vector<16xi32>
      %eq3A_128 = arith.constant 2 : i32
      %eq3A_129 = vector.broadcast %eq3A_128 : i32 to vector<16xi32>
      %eq3A_130 = arith.cmpi eq, %shift_right_logical3A_109, %eq3A_129 : vector<16xi32>
      %jit3A_131 = arith.constant 0 : i32
      %broadcast_in_dim3A_132 = vector.broadcast %jit3A_131 : i32 to vector<16xi32>
      %select_n3A_133 = arith.select %eq3A_130, %shift_left3A_113, %broadcast_in_dim3A_132 : vector<16xi1>, vector<16xi32>
      %or3A_134 = arith.ori %or3A_60, %select_n3A_133 : vector<16xi32>
      %eq3A_135 = arith.constant 3 : i32
      %eq3A_136 = vector.broadcast %eq3A_135 : i32 to vector<16xi32>
      %eq3A_137 = arith.cmpi eq, %shift_right_logical3A_109, %eq3A_136 : vector<16xi32>
      %jit3A_138 = arith.constant 0 : i32
      %broadcast_in_dim3A_139 = vector.broadcast %jit3A_138 : i32 to vector<16xi32>
      %select_n3A_140 = arith.select %eq3A_137, %shift_left3A_113, %broadcast_in_dim3A_139 : vector<16xi1>, vector<16xi32>
      %or3A_141 = arith.ori %or3A_67, %select_n3A_140 : vector<16xi32>
      %eq3A_142 = arith.constant 4 : i32
      %eq3A_143 = vector.broadcast %eq3A_142 : i32 to vector<16xi32>
      %eq3A_144 = arith.cmpi eq, %shift_right_logical3A_109, %eq3A_143 : vector<16xi32>
      %jit3A_145 = arith.constant 0 : i32
      %broadcast_in_dim3A_146 = vector.broadcast %jit3A_145 : i32 to vector<16xi32>
      %select_n3A_147 = arith.select %eq3A_144, %shift_left3A_113, %broadcast_in_dim3A_146 : vector<16xi1>, vector<16xi32>
      %or3A_148 = arith.ori %or3A_74, %select_n3A_147 : vector<16xi32>
      %eq3A_149 = arith.constant 5 : i32
      %eq3A_150 = vector.broadcast %eq3A_149 : i32 to vector<16xi32>
      %eq3A_151 = arith.cmpi eq, %shift_right_logical3A_109, %eq3A_150 : vector<16xi32>
      %jit3A_152 = arith.constant 0 : i32
      %broadcast_in_dim3A_153 = vector.broadcast %jit3A_152 : i32 to vector<16xi32>
      %select_n3A_154 = arith.select %eq3A_151, %shift_left3A_113, %broadcast_in_dim3A_153 : vector<16xi1>, vector<16xi32>
      %or3A_155 = arith.ori %or3A_81, %select_n3A_154 : vector<16xi32>
      %eq3A_156 = arith.constant 6 : i32
      %eq3A_157 = vector.broadcast %eq3A_156 : i32 to vector<16xi32>
      %eq3A_158 = arith.cmpi eq, %shift_right_logical3A_109, %eq3A_157 : vector<16xi32>
      %jit3A_159 = arith.constant 0 : i32
      %broadcast_in_dim3A_160 = vector.broadcast %jit3A_159 : i32 to vector<16xi32>
      %select_n3A_161 = arith.select %eq3A_158, %shift_left3A_113, %broadcast_in_dim3A_160 : vector<16xi1>, vector<16xi32>
      %or3A_162 = arith.ori %or3A_88, %select_n3A_161 : vector<16xi32>
      %eq3A_163 = arith.constant 7 : i32
      %eq3A_164 = vector.broadcast %eq3A_163 : i32 to vector<16xi32>
      %eq3A_165 = arith.cmpi eq, %shift_right_logical3A_109, %eq3A_164 : vector<16xi32>
      %jit3A_166 = arith.constant 0 : i32
      %broadcast_in_dim3A_167 = vector.broadcast %jit3A_166 : i32 to vector<16xi32>
      %select_n3A_168 = arith.select %eq3A_165, %shift_left3A_113, %broadcast_in_dim3A_167 : vector<16xi1>, vector<16xi32>
      %or3A_169 = arith.ori %or3A_95, %select_n3A_168 : vector<16xi32>
      %eq3A_170 = arith.constant 8 : i32
      %eq3A_171 = vector.broadcast %eq3A_170 : i32 to vector<16xi32>
      %eq3A_172 = arith.cmpi eq, %shift_right_logical3A_109, %eq3A_171 : vector<16xi32>
      %jit3A_173 = arith.constant 0 : i32
      %broadcast_in_dim3A_174 = vector.broadcast %jit3A_173 : i32 to vector<16xi32>
      %select_n3A_175 = arith.select %eq3A_172, %shift_left3A_113, %broadcast_in_dim3A_174 : vector<16xi1>, vector<16xi32>
      %or3A_176 = arith.ori %or3A_102, %select_n3A_175 : vector<16xi32>
      %add3A_177 = arith.constant 2 : i32
      %add3A_178 = vector.broadcast %add3A_177 : i32 to vector<16xi32>
      %add3A_179 = arith.addi %add3A_18, %add3A_178 : vector<16xi32>
      %gather3A_180 = tpu.vector_load_idx %arg4[%add3A_179] : memref<5120xi32, #tpu.memory_space<vmem>>[vector<16xi32>], vector<16xi32>,
      %shift_right_logical3A_181 = arith.constant 5 : i32
      %shift_right_logical3A_182 = vector.broadcast %shift_right_logical3A_181 : i32 to vector<16xi32>
      %shift_right_logical3A_183 = arith.shrui %gather3A_180, %shift_right_logical3A_182 : vector<16xi32>
      %and3A_184 = arith.constant 31 : i32
      %and3A_185 = vector.broadcast %and3A_184 : i32 to vector<16xi32>
      %and3A_186 = arith.andi %gather3A_180, %and3A_185 : vector<16xi32>
      %shift_left3A_187 = arith.shli %broadcast_in_dim3A_6, %and3A_186 : vector<16xi32>
      %eq3A_188 = arith.constant 0 : i32
      %eq3A_189 = vector.broadcast %eq3A_188 : i32 to vector<16xi32>
      %eq3A_190 = arith.cmpi eq, %shift_right_logical3A_183, %eq3A_189 : vector<16xi32>
      %jit3A_191 = arith.constant 0 : i32
      %broadcast_in_dim3A_192 = vector.broadcast %jit3A_191 : i32 to vector<16xi32>
      %select_n3A_193 = arith.select %eq3A_190, %shift_left3A_187, %broadcast_in_dim3A_192 : vector<16xi1>, vector<16xi32>
      %or3A_194 = arith.ori %or3A_120, %select_n3A_193 : vector<16xi32>
      %eq3A_195 = arith.constant 1 : i32
      %eq3A_196 = vector.broadcast %eq3A_195 : i32 to vector<16xi32>
      %eq3A_197 = arith.cmpi eq, %shift_right_logical3A_183, %eq3A_196 : vector<16xi32>
      %jit3A_198 = arith.constant 0 : i32
      %broadcast_in_dim3A_199 = vector.broadcast %jit3A_198 : i32 to vector<16xi32>
      %select_n3A_200 = arith.select %eq3A_197, %shift_left3A_187, %broadcast_in_dim3A_199 : vector<16xi1>, vector<16xi32>
      %or3A_201 = arith.ori %or3A_127, %select_n3A_200 : vector<16xi32>
      %eq3A_202 = arith.constant 2 : i32
      %eq3A_203 = vector.broadcast %eq3A_202 : i32 to vector<16xi32>
      %eq3A_204 = arith.cmpi eq, %shift_right_logical3A_183, %eq3A_203 : vector<16xi32>
      %jit3A_205 = arith.constant 0 : i32
      %broadcast_in_dim3A_206 = vector.broadcast %jit3A_205 : i32 to vector<16xi32>
      %select_n3A_207 = arith.select %eq3A_204, %shift_left3A_187, %broadcast_in_dim3A_206 : vector<16xi1>, vector<16xi32>
      %or3A_208 = arith.ori %or3A_134, %select_n3A_207 : vector<16xi32>
      %eq3A_209 = arith.constant 3 : i32
      %eq3A_210 = vector.broadcast %eq3A_209 : i32 to vector<16xi32>
      %eq3A_211 = arith.cmpi eq, %shift_right_logical3A_183, %eq3A_210 : vector<16xi32>
      %jit3A_212 = arith.constant 0 : i32
      %broadcast_in_dim3A_213 = vector.broadcast %jit3A_212 : i32 to vector<16xi32>
      %select_n3A_214 = arith.select %eq3A_211, %shift_left3A_187, %broadcast_in_dim3A_213 : vector<16xi1>, vector<16xi32>
      %or3A_215 = arith.ori %or3A_141, %select_n3A_214 : vector<16xi32>
      %eq3A_216 = arith.constant 4 : i32
      %eq3A_217 = vector.broadcast %eq3A_216 : i32 to vector<16xi32>
      %eq3A_218 = arith.cmpi eq, %shift_right_logical3A_183, %eq3A_217 : vector<16xi32>
      %jit3A_219 = arith.constant 0 : i32
      %broadcast_in_dim3A_220 = vector.broadcast %jit3A_219 : i32 to vector<16xi32>
      %select_n3A_221 = arith.select %eq3A_218, %shift_left3A_187, %broadcast_in_dim3A_220 : vector<16xi1>, vector<16xi32>
      %or3A_222 = arith.ori %or3A_148, %select_n3A_221 : vector<16xi32>
      %eq3A_223 = arith.constant 5 : i32
      %eq3A_224 = vector.broadcast %eq3A_223 : i32 to vector<16xi32>
      %eq3A_225 = arith.cmpi eq, %shift_right_logical3A_183, %eq3A_224 : vector<16xi32>
      %jit3A_226 = arith.constant 0 : i32
      %broadcast_in_dim3A_227 = vector.broadcast %jit3A_226 : i32 to vector<16xi32>
      %select_n3A_228 = arith.select %eq3A_225, %shift_left3A_187, %broadcast_in_dim3A_227 : vector<16xi1>, vector<16xi32>
      %or3A_229 = arith.ori %or3A_155, %select_n3A_228 : vector<16xi32>
      %eq3A_230 = arith.constant 6 : i32
      %eq3A_231 = vector.broadcast %eq3A_230 : i32 to vector<16xi32>
      %eq3A_232 = arith.cmpi eq, %shift_right_logical3A_183, %eq3A_231 : vector<16xi32>
      %jit3A_233 = arith.constant 0 : i32
      %broadcast_in_dim3A_234 = vector.broadcast %jit3A_233 : i32 to vector<16xi32>
      %select_n3A_235 = arith.select %eq3A_232, %shift_left3A_187, %broadcast_in_dim3A_234 : vector<16xi1>, vector<16xi32>
      %or3A_236 = arith.ori %or3A_162, %select_n3A_235 : vector<16xi32>
      %eq3A_237 = arith.constant 7 : i32
      %eq3A_238 = vector.broadcast %eq3A_237 : i32 to vector<16xi32>
      %eq3A_239 = arith.cmpi eq, %shift_right_logical3A_183, %eq3A_238 : vector<16xi32>
      %jit3A_240 = arith.constant 0 : i32
      %broadcast_in_dim3A_241 = vector.broadcast %jit3A_240 : i32 to vector<16xi32>
      %select_n3A_242 = arith.select %eq3A_239, %shift_left3A_187, %broadcast_in_dim3A_241 : vector<16xi1>, vector<16xi32>
      %or3A_243 = arith.ori %or3A_169, %select_n3A_242 : vector<16xi32>
      %eq3A_244 = arith.constant 8 : i32
      %eq3A_245 = vector.broadcast %eq3A_244 : i32 to vector<16xi32>
      %eq3A_246 = arith.cmpi eq, %shift_right_logical3A_183, %eq3A_245 : vector<16xi32>
      %jit3A_247 = arith.constant 0 : i32
      %broadcast_in_dim3A_248 = vector.broadcast %jit3A_247 : i32 to vector<16xi32>
      %select_n3A_249 = arith.select %eq3A_246, %shift_left3A_187, %broadcast_in_dim3A_248 : vector<16xi1>, vector<16xi32>
      %or3A_250 = arith.ori %or3A_176, %select_n3A_249 : vector<16xi32>
      %add3A_251 = arith.constant 3 : i32
      %add3A_252 = vector.broadcast %add3A_251 : i32 to vector<16xi32>
      %add3A_253 = arith.addi %add3A_18, %add3A_252 : vector<16xi32>
      %gather3A_254 = tpu.vector_load_idx %arg4[%add3A_253] : memref<5120xi32, #tpu.memory_space<vmem>>[vector<16xi32>], vector<16xi32>,
      %shift_right_logical3A_255 = arith.constant 5 : i32
      %shift_right_logical3A_256 = vector.broadcast %shift_right_logical3A_255 : i32 to vector<16xi32>
      %shift_right_logical3A_257 = arith.shrui %gather3A_254, %shift_right_logical3A_256 : vector<16xi32>
      %and3A_258 = arith.constant 31 : i32
      %and3A_259 = vector.broadcast %and3A_258 : i32 to vector<16xi32>
      %and3A_260 = arith.andi %gather3A_254, %and3A_259 : vector<16xi32>
      %shift_left3A_261 = arith.shli %broadcast_in_dim3A_6, %and3A_260 : vector<16xi32>
      %eq3A_262 = arith.constant 0 : i32
      %eq3A_263 = vector.broadcast %eq3A_262 : i32 to vector<16xi32>
      %eq3A_264 = arith.cmpi eq, %shift_right_logical3A_257, %eq3A_263 : vector<16xi32>
      %jit3A_265 = arith.constant 0 : i32
      %broadcast_in_dim3A_266 = vector.broadcast %jit3A_265 : i32 to vector<16xi32>
      %select_n3A_267 = arith.select %eq3A_264, %shift_left3A_261, %broadcast_in_dim3A_266 : vector<16xi1>, vector<16xi32>
      %or3A_268 = arith.ori %or3A_194, %select_n3A_267 : vector<16xi32>
      %eq3A_269 = arith.constant 1 : i32
      %eq3A_270 = vector.broadcast %eq3A_269 : i32 to vector<16xi32>
      %eq3A_271 = arith.cmpi eq, %shift_right_logical3A_257, %eq3A_270 : vector<16xi32>
      %jit3A_272 = arith.constant 0 : i32
      %broadcast_in_dim3A_273 = vector.broadcast %jit3A_272 : i32 to vector<16xi32>
      %select_n3A_274 = arith.select %eq3A_271, %shift_left3A_261, %broadcast_in_dim3A_273 : vector<16xi1>, vector<16xi32>
      %or3A_275 = arith.ori %or3A_201, %select_n3A_274 : vector<16xi32>
      %eq3A_276 = arith.constant 2 : i32
      %eq3A_277 = vector.broadcast %eq3A_276 : i32 to vector<16xi32>
      %eq3A_278 = arith.cmpi eq, %shift_right_logical3A_257, %eq3A_277 : vector<16xi32>
      %jit3A_279 = arith.constant 0 : i32
      %broadcast_in_dim3A_280 = vector.broadcast %jit3A_279 : i32 to vector<16xi32>
      %select_n3A_281 = arith.select %eq3A_278, %shift_left3A_261, %broadcast_in_dim3A_280 : vector<16xi1>, vector<16xi32>
      %or3A_282 = arith.ori %or3A_208, %select_n3A_281 : vector<16xi32>
      %eq3A_283 = arith.constant 3 : i32
      %eq3A_284 = vector.broadcast %eq3A_283 : i32 to vector<16xi32>
      %eq3A_285 = arith.cmpi eq, %shift_right_logical3A_257, %eq3A_284 : vector<16xi32>
      %jit3A_286 = arith.constant 0 : i32
      %broadcast_in_dim3A_287 = vector.broadcast %jit3A_286 : i32 to vector<16xi32>
      %select_n3A_288 = arith.select %eq3A_285, %shift_left3A_261, %broadcast_in_dim3A_287 : vector<16xi1>, vector<16xi32>
      %or3A_289 = arith.ori %or3A_215, %select_n3A_288 : vector<16xi32>
      %eq3A_290 = arith.constant 4 : i32
      %eq3A_291 = vector.broadcast %eq3A_290 : i32 to vector<16xi32>
      %eq3A_292 = arith.cmpi eq, %shift_right_logical3A_257, %eq3A_291 : vector<16xi32>
      %jit3A_293 = arith.constant 0 : i32
      %broadcast_in_dim3A_294 = vector.broadcast %jit3A_293 : i32 to vector<16xi32>
      %select_n3A_295 = arith.select %eq3A_292, %shift_left3A_261, %broadcast_in_dim3A_294 : vector<16xi1>, vector<16xi32>
      %or3A_296 = arith.ori %or3A_222, %select_n3A_295 : vector<16xi32>
      %eq3A_297 = arith.constant 5 : i32
      %eq3A_298 = vector.broadcast %eq3A_297 : i32 to vector<16xi32>
      %eq3A_299 = arith.cmpi eq, %shift_right_logical3A_257, %eq3A_298 : vector<16xi32>
      %jit3A_300 = arith.constant 0 : i32
      %broadcast_in_dim3A_301 = vector.broadcast %jit3A_300 : i32 to vector<16xi32>
      %select_n3A_302 = arith.select %eq3A_299, %shift_left3A_261, %broadcast_in_dim3A_301 : vector<16xi1>, vector<16xi32>
      %or3A_303 = arith.ori %or3A_229, %select_n3A_302 : vector<16xi32>
      %eq3A_304 = arith.constant 6 : i32
      %eq3A_305 = vector.broadcast %eq3A_304 : i32 to vector<16xi32>
      %eq3A_306 = arith.cmpi eq, %shift_right_logical3A_257, %eq3A_305 : vector<16xi32>
      %jit3A_307 = arith.constant 0 : i32
      %broadcast_in_dim3A_308 = vector.broadcast %jit3A_307 : i32 to vector<16xi32>
      %select_n3A_309 = arith.select %eq3A_306, %shift_left3A_261, %broadcast_in_dim3A_308 : vector<16xi1>, vector<16xi32>
      %or3A_310 = arith.ori %or3A_236, %select_n3A_309 : vector<16xi32>
      %eq3A_311 = arith.constant 7 : i32
      %eq3A_312 = vector.broadcast %eq3A_311 : i32 to vector<16xi32>
      %eq3A_313 = arith.cmpi eq, %shift_right_logical3A_257, %eq3A_312 : vector<16xi32>
      %jit3A_314 = arith.constant 0 : i32
      %broadcast_in_dim3A_315 = vector.broadcast %jit3A_314 : i32 to vector<16xi32>
      %select_n3A_316 = arith.select %eq3A_313, %shift_left3A_261, %broadcast_in_dim3A_315 : vector<16xi1>, vector<16xi32>
      %or3A_317 = arith.ori %or3A_243, %select_n3A_316 : vector<16xi32>
      %eq3A_318 = arith.constant 8 : i32
      %eq3A_319 = vector.broadcast %eq3A_318 : i32 to vector<16xi32>
      %eq3A_320 = arith.cmpi eq, %shift_right_logical3A_257, %eq3A_319 : vector<16xi32>
      %jit3A_321 = arith.constant 0 : i32
      %broadcast_in_dim3A_322 = vector.broadcast %jit3A_321 : i32 to vector<16xi32>
      %select_n3A_323 = arith.select %eq3A_320, %shift_left3A_261, %broadcast_in_dim3A_322 : vector<16xi1>, vector<16xi32>
      %or3A_324 = arith.ori %or3A_250, %select_n3A_323 : vector<16xi32>
      %add3A_325 = arith.constant 4 : i32
      %add3A_326 = vector.broadcast %add3A_325 : i32 to vector<16xi32>
      %add3A_327 = arith.addi %add3A_18, %add3A_326 : vector<16xi32>
      %gather3A_328 = tpu.vector_load_idx %arg4[%add3A_327] : memref<5120xi32, #tpu.memory_space<vmem>>[vector<16xi32>], vector<16xi32>,
      %shift_right_logical3A_329 = arith.constant 5 : i32
      %shift_right_logical3A_330 = vector.broadcast %shift_right_logical3A_329 : i32 to vector<16xi32>
      %shift_right_logical3A_331 = arith.shrui %gather3A_328, %shift_right_logical3A_330 : vector<16xi32>
      %and3A_332 = arith.constant 31 : i32
      %and3A_333 = vector.broadcast %and3A_332 : i32 to vector<16xi32>
      %and3A_334 = arith.andi %gather3A_328, %and3A_333 : vector<16xi32>
      %shift_left3A_335 = arith.shli %broadcast_in_dim3A_6, %and3A_334 : vector<16xi32>
      %eq3A_336 = arith.constant 0 : i32
      %eq3A_337 = vector.broadcast %eq3A_336 : i32 to vector<16xi32>
      %eq3A_338 = arith.cmpi eq, %shift_right_logical3A_331, %eq3A_337 : vector<16xi32>
      %jit3A_339 = arith.constant 0 : i32
      %broadcast_in_dim3A_340 = vector.broadcast %jit3A_339 : i32 to vector<16xi32>
      %select_n3A_341 = arith.select %eq3A_338, %shift_left3A_335, %broadcast_in_dim3A_340 : vector<16xi1>, vector<16xi32>
      %or3A_342 = arith.ori %or3A_268, %select_n3A_341 : vector<16xi32>
      %eq3A_343 = arith.constant 1 : i32
      %eq3A_344 = vector.broadcast %eq3A_343 : i32 to vector<16xi32>
      %eq3A_345 = arith.cmpi eq, %shift_right_logical3A_331, %eq3A_344 : vector<16xi32>
      %jit3A_346 = arith.constant 0 : i32
      %broadcast_in_dim3A_347 = vector.broadcast %jit3A_346 : i32 to vector<16xi32>
      %select_n3A_348 = arith.select %eq3A_345, %shift_left3A_335, %broadcast_in_dim3A_347 : vector<16xi1>, vector<16xi32>
      %or3A_349 = arith.ori %or3A_275, %select_n3A_348 : vector<16xi32>
      %eq3A_350 = arith.constant 2 : i32
      %eq3A_351 = vector.broadcast %eq3A_350 : i32 to vector<16xi32>
      %eq3A_352 = arith.cmpi eq, %shift_right_logical3A_331, %eq3A_351 : vector<16xi32>
      %jit3A_353 = arith.constant 0 : i32
      %broadcast_in_dim3A_354 = vector.broadcast %jit3A_353 : i32 to vector<16xi32>
      %select_n3A_355 = arith.select %eq3A_352, %shift_left3A_335, %broadcast_in_dim3A_354 : vector<16xi1>, vector<16xi32>
      %or3A_356 = arith.ori %or3A_282, %select_n3A_355 : vector<16xi32>
      %eq3A_357 = arith.constant 3 : i32
      %eq3A_358 = vector.broadcast %eq3A_357 : i32 to vector<16xi32>
      %eq3A_359 = arith.cmpi eq, %shift_right_logical3A_331, %eq3A_358 : vector<16xi32>
      %jit3A_360 = arith.constant 0 : i32
      %broadcast_in_dim3A_361 = vector.broadcast %jit3A_360 : i32 to vector<16xi32>
      %select_n3A_362 = arith.select %eq3A_359, %shift_left3A_335, %broadcast_in_dim3A_361 : vector<16xi1>, vector<16xi32>
      %or3A_363 = arith.ori %or3A_289, %select_n3A_362 : vector<16xi32>
      %eq3A_364 = arith.constant 4 : i32
      %eq3A_365 = vector.broadcast %eq3A_364 : i32 to vector<16xi32>
      %eq3A_366 = arith.cmpi eq, %shift_right_logical3A_331, %eq3A_365 : vector<16xi32>
      %jit3A_367 = arith.constant 0 : i32
      %broadcast_in_dim3A_368 = vector.broadcast %jit3A_367 : i32 to vector<16xi32>
      %select_n3A_369 = arith.select %eq3A_366, %shift_left3A_335, %broadcast_in_dim3A_368 : vector<16xi1>, vector<16xi32>
      %or3A_370 = arith.ori %or3A_296, %select_n3A_369 : vector<16xi32>
      %eq3A_371 = arith.constant 5 : i32
      %eq3A_372 = vector.broadcast %eq3A_371 : i32 to vector<16xi32>
      %eq3A_373 = arith.cmpi eq, %shift_right_logical3A_331, %eq3A_372 : vector<16xi32>
      %jit3A_374 = arith.constant 0 : i32
      %broadcast_in_dim3A_375 = vector.broadcast %jit3A_374 : i32 to vector<16xi32>
      %select_n3A_376 = arith.select %eq3A_373, %shift_left3A_335, %broadcast_in_dim3A_375 : vector<16xi1>, vector<16xi32>
      %or3A_377 = arith.ori %or3A_303, %select_n3A_376 : vector<16xi32>
      %eq3A_378 = arith.constant 6 : i32
      %eq3A_379 = vector.broadcast %eq3A_378 : i32 to vector<16xi32>
      %eq3A_380 = arith.cmpi eq, %shift_right_logical3A_331, %eq3A_379 : vector<16xi32>
      %jit3A_381 = arith.constant 0 : i32
      %broadcast_in_dim3A_382 = vector.broadcast %jit3A_381 : i32 to vector<16xi32>
      %select_n3A_383 = arith.select %eq3A_380, %shift_left3A_335, %broadcast_in_dim3A_382 : vector<16xi1>, vector<16xi32>
      %or3A_384 = arith.ori %or3A_310, %select_n3A_383 : vector<16xi32>
      %eq3A_385 = arith.constant 7 : i32
      %eq3A_386 = vector.broadcast %eq3A_385 : i32 to vector<16xi32>
      %eq3A_387 = arith.cmpi eq, %shift_right_logical3A_331, %eq3A_386 : vector<16xi32>
      %jit3A_388 = arith.constant 0 : i32
      %broadcast_in_dim3A_389 = vector.broadcast %jit3A_388 : i32 to vector<16xi32>
      %select_n3A_390 = arith.select %eq3A_387, %shift_left3A_335, %broadcast_in_dim3A_389 : vector<16xi1>, vector<16xi32>
      %or3A_391 = arith.ori %or3A_317, %select_n3A_390 : vector<16xi32>
      %eq3A_392 = arith.constant 8 : i32
      %eq3A_393 = vector.broadcast %eq3A_392 : i32 to vector<16xi32>
      %eq3A_394 = arith.cmpi eq, %shift_right_logical3A_331, %eq3A_393 : vector<16xi32>
      %jit3A_395 = arith.constant 0 : i32
      %broadcast_in_dim3A_396 = vector.broadcast %jit3A_395 : i32 to vector<16xi32>
      %select_n3A_397 = arith.select %eq3A_394, %shift_left3A_335, %broadcast_in_dim3A_396 : vector<16xi1>, vector<16xi32>
      %or3A_398 = arith.ori %or3A_324, %select_n3A_397 : vector<16xi32>
      %add3A_399 = arith.constant 5 : i32
      %add3A_400 = vector.broadcast %add3A_399 : i32 to vector<16xi32>
      %add3A_401 = arith.addi %add3A_18, %add3A_400 : vector<16xi32>
      %gather3A_402 = tpu.vector_load_idx %arg4[%add3A_401] : memref<5120xi32, #tpu.memory_space<vmem>>[vector<16xi32>], vector<16xi32>,
      %shift_right_logical3A_403 = arith.constant 5 : i32
      %shift_right_logical3A_404 = vector.broadcast %shift_right_logical3A_403 : i32 to vector<16xi32>
      %shift_right_logical3A_405 = arith.shrui %gather3A_402, %shift_right_logical3A_404 : vector<16xi32>
      %and3A_406 = arith.constant 31 : i32
      %and3A_407 = vector.broadcast %and3A_406 : i32 to vector<16xi32>
      %and3A_408 = arith.andi %gather3A_402, %and3A_407 : vector<16xi32>
      %shift_left3A_409 = arith.shli %broadcast_in_dim3A_6, %and3A_408 : vector<16xi32>
      %eq3A_410 = arith.constant 0 : i32
      %eq3A_411 = vector.broadcast %eq3A_410 : i32 to vector<16xi32>
      %eq3A_412 = arith.cmpi eq, %shift_right_logical3A_405, %eq3A_411 : vector<16xi32>
      %jit3A_413 = arith.constant 0 : i32
      %broadcast_in_dim3A_414 = vector.broadcast %jit3A_413 : i32 to vector<16xi32>
      %select_n3A_415 = arith.select %eq3A_412, %shift_left3A_409, %broadcast_in_dim3A_414 : vector<16xi1>, vector<16xi32>
      %or3A_416 = arith.ori %or3A_342, %select_n3A_415 : vector<16xi32>
      %eq3A_417 = arith.constant 1 : i32
      %eq3A_418 = vector.broadcast %eq3A_417 : i32 to vector<16xi32>
      %eq3A_419 = arith.cmpi eq, %shift_right_logical3A_405, %eq3A_418 : vector<16xi32>
      %jit3A_420 = arith.constant 0 : i32
      %broadcast_in_dim3A_421 = vector.broadcast %jit3A_420 : i32 to vector<16xi32>
      %select_n3A_422 = arith.select %eq3A_419, %shift_left3A_409, %broadcast_in_dim3A_421 : vector<16xi1>, vector<16xi32>
      %or3A_423 = arith.ori %or3A_349, %select_n3A_422 : vector<16xi32>
      %eq3A_424 = arith.constant 2 : i32
      %eq3A_425 = vector.broadcast %eq3A_424 : i32 to vector<16xi32>
      %eq3A_426 = arith.cmpi eq, %shift_right_logical3A_405, %eq3A_425 : vector<16xi32>
      %jit3A_427 = arith.constant 0 : i32
      %broadcast_in_dim3A_428 = vector.broadcast %jit3A_427 : i32 to vector<16xi32>
      %select_n3A_429 = arith.select %eq3A_426, %shift_left3A_409, %broadcast_in_dim3A_428 : vector<16xi1>, vector<16xi32>
      %or3A_430 = arith.ori %or3A_356, %select_n3A_429 : vector<16xi32>
      %eq3A_431 = arith.constant 3 : i32
      %eq3A_432 = vector.broadcast %eq3A_431 : i32 to vector<16xi32>
      %eq3A_433 = arith.cmpi eq, %shift_right_logical3A_405, %eq3A_432 : vector<16xi32>
      %jit3A_434 = arith.constant 0 : i32
      %broadcast_in_dim3A_435 = vector.broadcast %jit3A_434 : i32 to vector<16xi32>
      %select_n3A_436 = arith.select %eq3A_433, %shift_left3A_409, %broadcast_in_dim3A_435 : vector<16xi1>, vector<16xi32>
      %or3A_437 = arith.ori %or3A_363, %select_n3A_436 : vector<16xi32>
      %eq3A_438 = arith.constant 4 : i32
      %eq3A_439 = vector.broadcast %eq3A_438 : i32 to vector<16xi32>
      %eq3A_440 = arith.cmpi eq, %shift_right_logical3A_405, %eq3A_439 : vector<16xi32>
      %jit3A_441 = arith.constant 0 : i32
      %broadcast_in_dim3A_442 = vector.broadcast %jit3A_441 : i32 to vector<16xi32>
      %select_n3A_443 = arith.select %eq3A_440, %shift_left3A_409, %broadcast_in_dim3A_442 : vector<16xi1>, vector<16xi32>
      %or3A_444 = arith.ori %or3A_370, %select_n3A_443 : vector<16xi32>
      %eq3A_445 = arith.constant 5 : i32
      %eq3A_446 = vector.broadcast %eq3A_445 : i32 to vector<16xi32>
      %eq3A_447 = arith.cmpi eq, %shift_right_logical3A_405, %eq3A_446 : vector<16xi32>
      %jit3A_448 = arith.constant 0 : i32
      %broadcast_in_dim3A_449 = vector.broadcast %jit3A_448 : i32 to vector<16xi32>
      %select_n3A_450 = arith.select %eq3A_447, %shift_left3A_409, %broadcast_in_dim3A_449 : vector<16xi1>, vector<16xi32>
      %or3A_451 = arith.ori %or3A_377, %select_n3A_450 : vector<16xi32>
      %eq3A_452 = arith.constant 6 : i32
      %eq3A_453 = vector.broadcast %eq3A_452 : i32 to vector<16xi32>
      %eq3A_454 = arith.cmpi eq, %shift_right_logical3A_405, %eq3A_453 : vector<16xi32>
      %jit3A_455 = arith.constant 0 : i32
      %broadcast_in_dim3A_456 = vector.broadcast %jit3A_455 : i32 to vector<16xi32>
      %select_n3A_457 = arith.select %eq3A_454, %shift_left3A_409, %broadcast_in_dim3A_456 : vector<16xi1>, vector<16xi32>
      %or3A_458 = arith.ori %or3A_384, %select_n3A_457 : vector<16xi32>
      %eq3A_459 = arith.constant 7 : i32
      %eq3A_460 = vector.broadcast %eq3A_459 : i32 to vector<16xi32>
      %eq3A_461 = arith.cmpi eq, %shift_right_logical3A_405, %eq3A_460 : vector<16xi32>
      %jit3A_462 = arith.constant 0 : i32
      %broadcast_in_dim3A_463 = vector.broadcast %jit3A_462 : i32 to vector<16xi32>
      %select_n3A_464 = arith.select %eq3A_461, %shift_left3A_409, %broadcast_in_dim3A_463 : vector<16xi1>, vector<16xi32>
      %or3A_465 = arith.ori %or3A_391, %select_n3A_464 : vector<16xi32>
      %eq3A_466 = arith.constant 8 : i32
      %eq3A_467 = vector.broadcast %eq3A_466 : i32 to vector<16xi32>
      %eq3A_468 = arith.cmpi eq, %shift_right_logical3A_405, %eq3A_467 : vector<16xi32>
      %jit3A_469 = arith.constant 0 : i32
      %broadcast_in_dim3A_470 = vector.broadcast %jit3A_469 : i32 to vector<16xi32>
      %select_n3A_471 = arith.select %eq3A_468, %shift_left3A_409, %broadcast_in_dim3A_470 : vector<16xi1>, vector<16xi32>
      %or3A_472 = arith.ori %or3A_398, %select_n3A_471 : vector<16xi32>
      %add3A_473 = arith.constant 6 : i32
      %add3A_474 = vector.broadcast %add3A_473 : i32 to vector<16xi32>
      %add3A_475 = arith.addi %add3A_18, %add3A_474 : vector<16xi32>
      %gather3A_476 = tpu.vector_load_idx %arg4[%add3A_475] : memref<5120xi32, #tpu.memory_space<vmem>>[vector<16xi32>], vector<16xi32>,
      %shift_right_logical3A_477 = arith.constant 5 : i32
      %shift_right_logical3A_478 = vector.broadcast %shift_right_logical3A_477 : i32 to vector<16xi32>
      %shift_right_logical3A_479 = arith.shrui %gather3A_476, %shift_right_logical3A_478 : vector<16xi32>
      %and3A_480 = arith.constant 31 : i32
      %and3A_481 = vector.broadcast %and3A_480 : i32 to vector<16xi32>
      %and3A_482 = arith.andi %gather3A_476, %and3A_481 : vector<16xi32>
      %shift_left3A_483 = arith.shli %broadcast_in_dim3A_6, %and3A_482 : vector<16xi32>
      %eq3A_484 = arith.constant 0 : i32
      %eq3A_485 = vector.broadcast %eq3A_484 : i32 to vector<16xi32>
      %eq3A_486 = arith.cmpi eq, %shift_right_logical3A_479, %eq3A_485 : vector<16xi32>
      %jit3A_487 = arith.constant 0 : i32
      %broadcast_in_dim3A_488 = vector.broadcast %jit3A_487 : i32 to vector<16xi32>
      %select_n3A_489 = arith.select %eq3A_486, %shift_left3A_483, %broadcast_in_dim3A_488 : vector<16xi1>, vector<16xi32>
      %or3A_490 = arith.ori %or3A_416, %select_n3A_489 : vector<16xi32>
      %eq3A_491 = arith.constant 1 : i32
      %eq3A_492 = vector.broadcast %eq3A_491 : i32 to vector<16xi32>
      %eq3A_493 = arith.cmpi eq, %shift_right_logical3A_479, %eq3A_492 : vector<16xi32>
      %jit3A_494 = arith.constant 0 : i32
      %broadcast_in_dim3A_495 = vector.broadcast %jit3A_494 : i32 to vector<16xi32>
      %select_n3A_496 = arith.select %eq3A_493, %shift_left3A_483, %broadcast_in_dim3A_495 : vector<16xi1>, vector<16xi32>
      %or3A_497 = arith.ori %or3A_423, %select_n3A_496 : vector<16xi32>
      %eq3A_498 = arith.constant 2 : i32
      %eq3A_499 = vector.broadcast %eq3A_498 : i32 to vector<16xi32>
      %eq3A_500 = arith.cmpi eq, %shift_right_logical3A_479, %eq3A_499 : vector<16xi32>
      %jit3A_501 = arith.constant 0 : i32
      %broadcast_in_dim3A_502 = vector.broadcast %jit3A_501 : i32 to vector<16xi32>
      %select_n3A_503 = arith.select %eq3A_500, %shift_left3A_483, %broadcast_in_dim3A_502 : vector<16xi1>, vector<16xi32>
      %or3A_504 = arith.ori %or3A_430, %select_n3A_503 : vector<16xi32>
      %eq3A_505 = arith.constant 3 : i32
      %eq3A_506 = vector.broadcast %eq3A_505 : i32 to vector<16xi32>
      %eq3A_507 = arith.cmpi eq, %shift_right_logical3A_479, %eq3A_506 : vector<16xi32>
      %jit3A_508 = arith.constant 0 : i32
      %broadcast_in_dim3A_509 = vector.broadcast %jit3A_508 : i32 to vector<16xi32>
      %select_n3A_510 = arith.select %eq3A_507, %shift_left3A_483, %broadcast_in_dim3A_509 : vector<16xi1>, vector<16xi32>
      %or3A_511 = arith.ori %or3A_437, %select_n3A_510 : vector<16xi32>
      %eq3A_512 = arith.constant 4 : i32
      %eq3A_513 = vector.broadcast %eq3A_512 : i32 to vector<16xi32>
      %eq3A_514 = arith.cmpi eq, %shift_right_logical3A_479, %eq3A_513 : vector<16xi32>
      %jit3A_515 = arith.constant 0 : i32
      %broadcast_in_dim3A_516 = vector.broadcast %jit3A_515 : i32 to vector<16xi32>
      %select_n3A_517 = arith.select %eq3A_514, %shift_left3A_483, %broadcast_in_dim3A_516 : vector<16xi1>, vector<16xi32>
      %or3A_518 = arith.ori %or3A_444, %select_n3A_517 : vector<16xi32>
      %eq3A_519 = arith.constant 5 : i32
      %eq3A_520 = vector.broadcast %eq3A_519 : i32 to vector<16xi32>
      %eq3A_521 = arith.cmpi eq, %shift_right_logical3A_479, %eq3A_520 : vector<16xi32>
      %jit3A_522 = arith.constant 0 : i32
      %broadcast_in_dim3A_523 = vector.broadcast %jit3A_522 : i32 to vector<16xi32>
      %select_n3A_524 = arith.select %eq3A_521, %shift_left3A_483, %broadcast_in_dim3A_523 : vector<16xi1>, vector<16xi32>
      %or3A_525 = arith.ori %or3A_451, %select_n3A_524 : vector<16xi32>
      %eq3A_526 = arith.constant 6 : i32
      %eq3A_527 = vector.broadcast %eq3A_526 : i32 to vector<16xi32>
      %eq3A_528 = arith.cmpi eq, %shift_right_logical3A_479, %eq3A_527 : vector<16xi32>
      %jit3A_529 = arith.constant 0 : i32
      %broadcast_in_dim3A_530 = vector.broadcast %jit3A_529 : i32 to vector<16xi32>
      %select_n3A_531 = arith.select %eq3A_528, %shift_left3A_483, %broadcast_in_dim3A_530 : vector<16xi1>, vector<16xi32>
      %or3A_532 = arith.ori %or3A_458, %select_n3A_531 : vector<16xi32>
      %eq3A_533 = arith.constant 7 : i32
      %eq3A_534 = vector.broadcast %eq3A_533 : i32 to vector<16xi32>
      %eq3A_535 = arith.cmpi eq, %shift_right_logical3A_479, %eq3A_534 : vector<16xi32>
      %jit3A_536 = arith.constant 0 : i32
      %broadcast_in_dim3A_537 = vector.broadcast %jit3A_536 : i32 to vector<16xi32>
      %select_n3A_538 = arith.select %eq3A_535, %shift_left3A_483, %broadcast_in_dim3A_537 : vector<16xi1>, vector<16xi32>
      %or3A_539 = arith.ori %or3A_465, %select_n3A_538 : vector<16xi32>
      %eq3A_540 = arith.constant 8 : i32
      %eq3A_541 = vector.broadcast %eq3A_540 : i32 to vector<16xi32>
      %eq3A_542 = arith.cmpi eq, %shift_right_logical3A_479, %eq3A_541 : vector<16xi32>
      %jit3A_543 = arith.constant 0 : i32
      %broadcast_in_dim3A_544 = vector.broadcast %jit3A_543 : i32 to vector<16xi32>
      %select_n3A_545 = arith.select %eq3A_542, %shift_left3A_483, %broadcast_in_dim3A_544 : vector<16xi1>, vector<16xi32>
      %or3A_546 = arith.ori %or3A_472, %select_n3A_545 : vector<16xi32>
      %add3A_547 = arith.constant 7 : i32
      %add3A_548 = vector.broadcast %add3A_547 : i32 to vector<16xi32>
      %add3A_549 = arith.addi %add3A_18, %add3A_548 : vector<16xi32>
      %gather3A_550 = tpu.vector_load_idx %arg4[%add3A_549] : memref<5120xi32, #tpu.memory_space<vmem>>[vector<16xi32>], vector<16xi32>,
      %shift_right_logical3A_551 = arith.constant 5 : i32
      %shift_right_logical3A_552 = vector.broadcast %shift_right_logical3A_551 : i32 to vector<16xi32>
      %shift_right_logical3A_553 = arith.shrui %gather3A_550, %shift_right_logical3A_552 : vector<16xi32>
      %and3A_554 = arith.constant 31 : i32
      %and3A_555 = vector.broadcast %and3A_554 : i32 to vector<16xi32>
      %and3A_556 = arith.andi %gather3A_550, %and3A_555 : vector<16xi32>
      %shift_left3A_557 = arith.shli %broadcast_in_dim3A_6, %and3A_556 : vector<16xi32>
      %eq3A_558 = arith.constant 0 : i32
      %eq3A_559 = vector.broadcast %eq3A_558 : i32 to vector<16xi32>
      %eq3A_560 = arith.cmpi eq, %shift_right_logical3A_553, %eq3A_559 : vector<16xi32>
      %jit3A_561 = arith.constant 0 : i32
      %broadcast_in_dim3A_562 = vector.broadcast %jit3A_561 : i32 to vector<16xi32>
      %select_n3A_563 = arith.select %eq3A_560, %shift_left3A_557, %broadcast_in_dim3A_562 : vector<16xi1>, vector<16xi32>
      %or3A_564 = arith.ori %or3A_490, %select_n3A_563 : vector<16xi32>
      %eq3A_565 = arith.constant 1 : i32
      %eq3A_566 = vector.broadcast %eq3A_565 : i32 to vector<16xi32>
      %eq3A_567 = arith.cmpi eq, %shift_right_logical3A_553, %eq3A_566 : vector<16xi32>
      %jit3A_568 = arith.constant 0 : i32
      %broadcast_in_dim3A_569 = vector.broadcast %jit3A_568 : i32 to vector<16xi32>
      %select_n3A_570 = arith.select %eq3A_567, %shift_left3A_557, %broadcast_in_dim3A_569 : vector<16xi1>, vector<16xi32>
      %or3A_571 = arith.ori %or3A_497, %select_n3A_570 : vector<16xi32>
      %eq3A_572 = arith.constant 2 : i32
      %eq3A_573 = vector.broadcast %eq3A_572 : i32 to vector<16xi32>
      %eq3A_574 = arith.cmpi eq, %shift_right_logical3A_553, %eq3A_573 : vector<16xi32>
      %jit3A_575 = arith.constant 0 : i32
      %broadcast_in_dim3A_576 = vector.broadcast %jit3A_575 : i32 to vector<16xi32>
      %select_n3A_577 = arith.select %eq3A_574, %shift_left3A_557, %broadcast_in_dim3A_576 : vector<16xi1>, vector<16xi32>
      %or3A_578 = arith.ori %or3A_504, %select_n3A_577 : vector<16xi32>
      %eq3A_579 = arith.constant 3 : i32
      %eq3A_580 = vector.broadcast %eq3A_579 : i32 to vector<16xi32>
      %eq3A_581 = arith.cmpi eq, %shift_right_logical3A_553, %eq3A_580 : vector<16xi32>
      %jit3A_582 = arith.constant 0 : i32
      %broadcast_in_dim3A_583 = vector.broadcast %jit3A_582 : i32 to vector<16xi32>
      %select_n3A_584 = arith.select %eq3A_581, %shift_left3A_557, %broadcast_in_dim3A_583 : vector<16xi1>, vector<16xi32>
      %or3A_585 = arith.ori %or3A_511, %select_n3A_584 : vector<16xi32>
      %eq3A_586 = arith.constant 4 : i32
      %eq3A_587 = vector.broadcast %eq3A_586 : i32 to vector<16xi32>
      %eq3A_588 = arith.cmpi eq, %shift_right_logical3A_553, %eq3A_587 : vector<16xi32>
      %jit3A_589 = arith.constant 0 : i32
      %broadcast_in_dim3A_590 = vector.broadcast %jit3A_589 : i32 to vector<16xi32>
      %select_n3A_591 = arith.select %eq3A_588, %shift_left3A_557, %broadcast_in_dim3A_590 : vector<16xi1>, vector<16xi32>
      %or3A_592 = arith.ori %or3A_518, %select_n3A_591 : vector<16xi32>
      %eq3A_593 = arith.constant 5 : i32
      %eq3A_594 = vector.broadcast %eq3A_593 : i32 to vector<16xi32>
      %eq3A_595 = arith.cmpi eq, %shift_right_logical3A_553, %eq3A_594 : vector<16xi32>
      %jit3A_596 = arith.constant 0 : i32
      %broadcast_in_dim3A_597 = vector.broadcast %jit3A_596 : i32 to vector<16xi32>
      %select_n3A_598 = arith.select %eq3A_595, %shift_left3A_557, %broadcast_in_dim3A_597 : vector<16xi1>, vector<16xi32>
      %or3A_599 = arith.ori %or3A_525, %select_n3A_598 : vector<16xi32>
      %eq3A_600 = arith.constant 6 : i32
      %eq3A_601 = vector.broadcast %eq3A_600 : i32 to vector<16xi32>
      %eq3A_602 = arith.cmpi eq, %shift_right_logical3A_553, %eq3A_601 : vector<16xi32>
      %jit3A_603 = arith.constant 0 : i32
      %broadcast_in_dim3A_604 = vector.broadcast %jit3A_603 : i32 to vector<16xi32>
      %select_n3A_605 = arith.select %eq3A_602, %shift_left3A_557, %broadcast_in_dim3A_604 : vector<16xi1>, vector<16xi32>
      %or3A_606 = arith.ori %or3A_532, %select_n3A_605 : vector<16xi32>
      %eq3A_607 = arith.constant 7 : i32
      %eq3A_608 = vector.broadcast %eq3A_607 : i32 to vector<16xi32>
      %eq3A_609 = arith.cmpi eq, %shift_right_logical3A_553, %eq3A_608 : vector<16xi32>
      %jit3A_610 = arith.constant 0 : i32
      %broadcast_in_dim3A_611 = vector.broadcast %jit3A_610 : i32 to vector<16xi32>
      %select_n3A_612 = arith.select %eq3A_609, %shift_left3A_557, %broadcast_in_dim3A_611 : vector<16xi1>, vector<16xi32>
      %or3A_613 = arith.ori %or3A_539, %select_n3A_612 : vector<16xi32>
      %eq3A_614 = arith.constant 8 : i32
      %eq3A_615 = vector.broadcast %eq3A_614 : i32 to vector<16xi32>
      %eq3A_616 = arith.cmpi eq, %shift_right_logical3A_553, %eq3A_615 : vector<16xi32>
      %jit3A_617 = arith.constant 0 : i32
      %broadcast_in_dim3A_618 = vector.broadcast %jit3A_617 : i32 to vector<16xi32>
      %select_n3A_619 = arith.select %eq3A_616, %shift_left3A_557, %broadcast_in_dim3A_618 : vector<16xi1>, vector<16xi32>
      %or3A_620 = arith.ori %or3A_546, %select_n3A_619 : vector<16xi32>
      %add3A_621 = arith.constant 8 : i32
      %add3A_622 = vector.broadcast %add3A_621 : i32 to vector<16xi32>
      %add3A_623 = arith.addi %add3A_18, %add3A_622 : vector<16xi32>
      %gather3A_624 = tpu.vector_load_idx %arg4[%add3A_623] : memref<5120xi32, #tpu.memory_space<vmem>>[vector<16xi32>], vector<16xi32>,
      %shift_right_logical3A_625 = arith.constant 5 : i32
      %shift_right_logical3A_626 = vector.broadcast %shift_right_logical3A_625 : i32 to vector<16xi32>
      %shift_right_logical3A_627 = arith.shrui %gather3A_624, %shift_right_logical3A_626 : vector<16xi32>
      %and3A_628 = arith.constant 31 : i32
      %and3A_629 = vector.broadcast %and3A_628 : i32 to vector<16xi32>
      %and3A_630 = arith.andi %gather3A_624, %and3A_629 : vector<16xi32>
      %shift_left3A_631 = arith.shli %broadcast_in_dim3A_6, %and3A_630 : vector<16xi32>
      %eq3A_632 = arith.constant 0 : i32
      %eq3A_633 = vector.broadcast %eq3A_632 : i32 to vector<16xi32>
      %eq3A_634 = arith.cmpi eq, %shift_right_logical3A_627, %eq3A_633 : vector<16xi32>
      %jit3A_635 = arith.constant 0 : i32
      %broadcast_in_dim3A_636 = vector.broadcast %jit3A_635 : i32 to vector<16xi32>
      %select_n3A_637 = arith.select %eq3A_634, %shift_left3A_631, %broadcast_in_dim3A_636 : vector<16xi1>, vector<16xi32>
      %or3A_638 = arith.ori %or3A_564, %select_n3A_637 : vector<16xi32>
      %eq3A_639 = arith.constant 1 : i32
      %eq3A_640 = vector.broadcast %eq3A_639 : i32 to vector<16xi32>
      %eq3A_641 = arith.cmpi eq, %shift_right_logical3A_627, %eq3A_640 : vector<16xi32>
      %jit3A_642 = arith.constant 0 : i32
      %broadcast_in_dim3A_643 = vector.broadcast %jit3A_642 : i32 to vector<16xi32>
      %select_n3A_644 = arith.select %eq3A_641, %shift_left3A_631, %broadcast_in_dim3A_643 : vector<16xi1>, vector<16xi32>
      %or3A_645 = arith.ori %or3A_571, %select_n3A_644 : vector<16xi32>
      %eq3A_646 = arith.constant 2 : i32
      %eq3A_647 = vector.broadcast %eq3A_646 : i32 to vector<16xi32>
      %eq3A_648 = arith.cmpi eq, %shift_right_logical3A_627, %eq3A_647 : vector<16xi32>
      %jit3A_649 = arith.constant 0 : i32
      %broadcast_in_dim3A_650 = vector.broadcast %jit3A_649 : i32 to vector<16xi32>
      %select_n3A_651 = arith.select %eq3A_648, %shift_left3A_631, %broadcast_in_dim3A_650 : vector<16xi1>, vector<16xi32>
      %or3A_652 = arith.ori %or3A_578, %select_n3A_651 : vector<16xi32>
      %eq3A_653 = arith.constant 3 : i32
      %eq3A_654 = vector.broadcast %eq3A_653 : i32 to vector<16xi32>
      %eq3A_655 = arith.cmpi eq, %shift_right_logical3A_627, %eq3A_654 : vector<16xi32>
      %jit3A_656 = arith.constant 0 : i32
      %broadcast_in_dim3A_657 = vector.broadcast %jit3A_656 : i32 to vector<16xi32>
      %select_n3A_658 = arith.select %eq3A_655, %shift_left3A_631, %broadcast_in_dim3A_657 : vector<16xi1>, vector<16xi32>
      %or3A_659 = arith.ori %or3A_585, %select_n3A_658 : vector<16xi32>
      %eq3A_660 = arith.constant 4 : i32
      %eq3A_661 = vector.broadcast %eq3A_660 : i32 to vector<16xi32>
      %eq3A_662 = arith.cmpi eq, %shift_right_logical3A_627, %eq3A_661 : vector<16xi32>
      %jit3A_663 = arith.constant 0 : i32
      %broadcast_in_dim3A_664 = vector.broadcast %jit3A_663 : i32 to vector<16xi32>
      %select_n3A_665 = arith.select %eq3A_662, %shift_left3A_631, %broadcast_in_dim3A_664 : vector<16xi1>, vector<16xi32>
      %or3A_666 = arith.ori %or3A_592, %select_n3A_665 : vector<16xi32>
      %eq3A_667 = arith.constant 5 : i32
      %eq3A_668 = vector.broadcast %eq3A_667 : i32 to vector<16xi32>
      %eq3A_669 = arith.cmpi eq, %shift_right_logical3A_627, %eq3A_668 : vector<16xi32>
      %jit3A_670 = arith.constant 0 : i32
      %broadcast_in_dim3A_671 = vector.broadcast %jit3A_670 : i32 to vector<16xi32>
      %select_n3A_672 = arith.select %eq3A_669, %shift_left3A_631, %broadcast_in_dim3A_671 : vector<16xi1>, vector<16xi32>
      %or3A_673 = arith.ori %or3A_599, %select_n3A_672 : vector<16xi32>
      %eq3A_674 = arith.constant 6 : i32
      %eq3A_675 = vector.broadcast %eq3A_674 : i32 to vector<16xi32>
      %eq3A_676 = arith.cmpi eq, %shift_right_logical3A_627, %eq3A_675 : vector<16xi32>
      %jit3A_677 = arith.constant 0 : i32
      %broadcast_in_dim3A_678 = vector.broadcast %jit3A_677 : i32 to vector<16xi32>
      %select_n3A_679 = arith.select %eq3A_676, %shift_left3A_631, %broadcast_in_dim3A_678 : vector<16xi1>, vector<16xi32>
      %or3A_680 = arith.ori %or3A_606, %select_n3A_679 : vector<16xi32>
      %eq3A_681 = arith.constant 7 : i32
      %eq3A_682 = vector.broadcast %eq3A_681 : i32 to vector<16xi32>
      %eq3A_683 = arith.cmpi eq, %shift_right_logical3A_627, %eq3A_682 : vector<16xi32>
      %jit3A_684 = arith.constant 0 : i32
      %broadcast_in_dim3A_685 = vector.broadcast %jit3A_684 : i32 to vector<16xi32>
      %select_n3A_686 = arith.select %eq3A_683, %shift_left3A_631, %broadcast_in_dim3A_685 : vector<16xi1>, vector<16xi32>
      %or3A_687 = arith.ori %or3A_613, %select_n3A_686 : vector<16xi32>
      %eq3A_688 = arith.constant 8 : i32
      %eq3A_689 = vector.broadcast %eq3A_688 : i32 to vector<16xi32>
      %eq3A_690 = arith.cmpi eq, %shift_right_logical3A_627, %eq3A_689 : vector<16xi32>
      %jit3A_691 = arith.constant 0 : i32
      %broadcast_in_dim3A_692 = vector.broadcast %jit3A_691 : i32 to vector<16xi32>
      %select_n3A_693 = arith.select %eq3A_690, %shift_left3A_631, %broadcast_in_dim3A_692 : vector<16xi1>, vector<16xi32>
      %or3A_694 = arith.ori %or3A_620, %select_n3A_693 : vector<16xi32>
      %add3A_695 = arith.constant 9 : i32
      %add3A_696 = vector.broadcast %add3A_695 : i32 to vector<16xi32>
      %add3A_697 = arith.addi %add3A_18, %add3A_696 : vector<16xi32>
      %gather3A_698 = tpu.vector_load_idx %arg4[%add3A_697] : memref<5120xi32, #tpu.memory_space<vmem>>[vector<16xi32>], vector<16xi32>,
      %shift_right_logical3A_699 = arith.constant 5 : i32
      %shift_right_logical3A_700 = vector.broadcast %shift_right_logical3A_699 : i32 to vector<16xi32>
      %shift_right_logical3A_701 = arith.shrui %gather3A_698, %shift_right_logical3A_700 : vector<16xi32>
      %and3A_702 = arith.constant 31 : i32
      %and3A_703 = vector.broadcast %and3A_702 : i32 to vector<16xi32>
      %and3A_704 = arith.andi %gather3A_698, %and3A_703 : vector<16xi32>
      %shift_left3A_705 = arith.shli %broadcast_in_dim3A_6, %and3A_704 : vector<16xi32>
      %eq3A_706 = arith.constant 0 : i32
      %eq3A_707 = vector.broadcast %eq3A_706 : i32 to vector<16xi32>
      %eq3A_708 = arith.cmpi eq, %shift_right_logical3A_701, %eq3A_707 : vector<16xi32>
      %jit3A_709 = arith.constant 0 : i32
      %broadcast_in_dim3A_710 = vector.broadcast %jit3A_709 : i32 to vector<16xi32>
      %select_n3A_711 = arith.select %eq3A_708, %shift_left3A_705, %broadcast_in_dim3A_710 : vector<16xi1>, vector<16xi32>
      %or3A_712 = arith.ori %or3A_638, %select_n3A_711 : vector<16xi32>
      %eq3A_713 = arith.constant 1 : i32
      %eq3A_714 = vector.broadcast %eq3A_713 : i32 to vector<16xi32>
      %eq3A_715 = arith.cmpi eq, %shift_right_logical3A_701, %eq3A_714 : vector<16xi32>
      %jit3A_716 = arith.constant 0 : i32
      %broadcast_in_dim3A_717 = vector.broadcast %jit3A_716 : i32 to vector<16xi32>
      %select_n3A_718 = arith.select %eq3A_715, %shift_left3A_705, %broadcast_in_dim3A_717 : vector<16xi1>, vector<16xi32>
      %or3A_719 = arith.ori %or3A_645, %select_n3A_718 : vector<16xi32>
      %eq3A_720 = arith.constant 2 : i32
      %eq3A_721 = vector.broadcast %eq3A_720 : i32 to vector<16xi32>
      %eq3A_722 = arith.cmpi eq, %shift_right_logical3A_701, %eq3A_721 : vector<16xi32>
      %jit3A_723 = arith.constant 0 : i32
      %broadcast_in_dim3A_724 = vector.broadcast %jit3A_723 : i32 to vector<16xi32>
      %select_n3A_725 = arith.select %eq3A_722, %shift_left3A_705, %broadcast_in_dim3A_724 : vector<16xi1>, vector<16xi32>
      %or3A_726 = arith.ori %or3A_652, %select_n3A_725 : vector<16xi32>
      %eq3A_727 = arith.constant 3 : i32
      %eq3A_728 = vector.broadcast %eq3A_727 : i32 to vector<16xi32>
      %eq3A_729 = arith.cmpi eq, %shift_right_logical3A_701, %eq3A_728 : vector<16xi32>
      %jit3A_730 = arith.constant 0 : i32
      %broadcast_in_dim3A_731 = vector.broadcast %jit3A_730 : i32 to vector<16xi32>
      %select_n3A_732 = arith.select %eq3A_729, %shift_left3A_705, %broadcast_in_dim3A_731 : vector<16xi1>, vector<16xi32>
      %or3A_733 = arith.ori %or3A_659, %select_n3A_732 : vector<16xi32>
      %eq3A_734 = arith.constant 4 : i32
      %eq3A_735 = vector.broadcast %eq3A_734 : i32 to vector<16xi32>
      %eq3A_736 = arith.cmpi eq, %shift_right_logical3A_701, %eq3A_735 : vector<16xi32>
      %jit3A_737 = arith.constant 0 : i32
      %broadcast_in_dim3A_738 = vector.broadcast %jit3A_737 : i32 to vector<16xi32>
      %select_n3A_739 = arith.select %eq3A_736, %shift_left3A_705, %broadcast_in_dim3A_738 : vector<16xi1>, vector<16xi32>
      %or3A_740 = arith.ori %or3A_666, %select_n3A_739 : vector<16xi32>
      %eq3A_741 = arith.constant 5 : i32
      %eq3A_742 = vector.broadcast %eq3A_741 : i32 to vector<16xi32>
      %eq3A_743 = arith.cmpi eq, %shift_right_logical3A_701, %eq3A_742 : vector<16xi32>
      %jit3A_744 = arith.constant 0 : i32
      %broadcast_in_dim3A_745 = vector.broadcast %jit3A_744 : i32 to vector<16xi32>
      %select_n3A_746 = arith.select %eq3A_743, %shift_left3A_705, %broadcast_in_dim3A_745 : vector<16xi1>, vector<16xi32>
      %or3A_747 = arith.ori %or3A_673, %select_n3A_746 : vector<16xi32>
      %eq3A_748 = arith.constant 6 : i32
      %eq3A_749 = vector.broadcast %eq3A_748 : i32 to vector<16xi32>
      %eq3A_750 = arith.cmpi eq, %shift_right_logical3A_701, %eq3A_749 : vector<16xi32>
      %jit3A_751 = arith.constant 0 : i32
      %broadcast_in_dim3A_752 = vector.broadcast %jit3A_751 : i32 to vector<16xi32>
      %select_n3A_753 = arith.select %eq3A_750, %shift_left3A_705, %broadcast_in_dim3A_752 : vector<16xi1>, vector<16xi32>
      %or3A_754 = arith.ori %or3A_680, %select_n3A_753 : vector<16xi32>
      %eq3A_755 = arith.constant 7 : i32
      %eq3A_756 = vector.broadcast %eq3A_755 : i32 to vector<16xi32>
      %eq3A_757 = arith.cmpi eq, %shift_right_logical3A_701, %eq3A_756 : vector<16xi32>
      %jit3A_758 = arith.constant 0 : i32
      %broadcast_in_dim3A_759 = vector.broadcast %jit3A_758 : i32 to vector<16xi32>
      %select_n3A_760 = arith.select %eq3A_757, %shift_left3A_705, %broadcast_in_dim3A_759 : vector<16xi1>, vector<16xi32>
      %or3A_761 = arith.ori %or3A_687, %select_n3A_760 : vector<16xi32>
      %eq3A_762 = arith.constant 8 : i32
      %eq3A_763 = vector.broadcast %eq3A_762 : i32 to vector<16xi32>
      %eq3A_764 = arith.cmpi eq, %shift_right_logical3A_701, %eq3A_763 : vector<16xi32>
      %jit3A_765 = arith.constant 0 : i32
      %broadcast_in_dim3A_766 = vector.broadcast %jit3A_765 : i32 to vector<16xi32>
      %select_n3A_767 = arith.select %eq3A_764, %shift_left3A_705, %broadcast_in_dim3A_766 : vector<16xi1>, vector<16xi32>
      %or3A_768 = arith.ori %or3A_694, %select_n3A_767 : vector<16xi32>
      %add3A_769 = arith.constant 10 : i32
      %add3A_770 = vector.broadcast %add3A_769 : i32 to vector<16xi32>
      %add3A_771 = arith.addi %add3A_18, %add3A_770 : vector<16xi32>
      %gather3A_772 = tpu.vector_load_idx %arg4[%add3A_771] : memref<5120xi32, #tpu.memory_space<vmem>>[vector<16xi32>], vector<16xi32>,
      %shift_right_logical3A_773 = arith.constant 5 : i32
      %shift_right_logical3A_774 = vector.broadcast %shift_right_logical3A_773 : i32 to vector<16xi32>
      %shift_right_logical3A_775 = arith.shrui %gather3A_772, %shift_right_logical3A_774 : vector<16xi32>
      %and3A_776 = arith.constant 31 : i32
      %and3A_777 = vector.broadcast %and3A_776 : i32 to vector<16xi32>
      %and3A_778 = arith.andi %gather3A_772, %and3A_777 : vector<16xi32>
      %shift_left3A_779 = arith.shli %broadcast_in_dim3A_6, %and3A_778 : vector<16xi32>
      %eq3A_780 = arith.constant 0 : i32
      %eq3A_781 = vector.broadcast %eq3A_780 : i32 to vector<16xi32>
      %eq3A_782 = arith.cmpi eq, %shift_right_logical3A_775, %eq3A_781 : vector<16xi32>
      %jit3A_783 = arith.constant 0 : i32
      %broadcast_in_dim3A_784 = vector.broadcast %jit3A_783 : i32 to vector<16xi32>
      %select_n3A_785 = arith.select %eq3A_782, %shift_left3A_779, %broadcast_in_dim3A_784 : vector<16xi1>, vector<16xi32>
      %or3A_786 = arith.ori %or3A_712, %select_n3A_785 : vector<16xi32>
      %eq3A_787 = arith.constant 1 : i32
      %eq3A_788 = vector.broadcast %eq3A_787 : i32 to vector<16xi32>
      %eq3A_789 = arith.cmpi eq, %shift_right_logical3A_775, %eq3A_788 : vector<16xi32>
      %jit3A_790 = arith.constant 0 : i32
      %broadcast_in_dim3A_791 = vector.broadcast %jit3A_790 : i32 to vector<16xi32>
      %select_n3A_792 = arith.select %eq3A_789, %shift_left3A_779, %broadcast_in_dim3A_791 : vector<16xi1>, vector<16xi32>
      %or3A_793 = arith.ori %or3A_719, %select_n3A_792 : vector<16xi32>
      %eq3A_794 = arith.constant 2 : i32
      %eq3A_795 = vector.broadcast %eq3A_794 : i32 to vector<16xi32>
      %eq3A_796 = arith.cmpi eq, %shift_right_logical3A_775, %eq3A_795 : vector<16xi32>
      %jit3A_797 = arith.constant 0 : i32
      %broadcast_in_dim3A_798 = vector.broadcast %jit3A_797 : i32 to vector<16xi32>
      %select_n3A_799 = arith.select %eq3A_796, %shift_left3A_779, %broadcast_in_dim3A_798 : vector<16xi1>, vector<16xi32>
      %or3A_800 = arith.ori %or3A_726, %select_n3A_799 : vector<16xi32>
      %eq3A_801 = arith.constant 3 : i32
      %eq3A_802 = vector.broadcast %eq3A_801 : i32 to vector<16xi32>
      %eq3A_803 = arith.cmpi eq, %shift_right_logical3A_775, %eq3A_802 : vector<16xi32>
      %jit3A_804 = arith.constant 0 : i32
      %broadcast_in_dim3A_805 = vector.broadcast %jit3A_804 : i32 to vector<16xi32>
      %select_n3A_806 = arith.select %eq3A_803, %shift_left3A_779, %broadcast_in_dim3A_805 : vector<16xi1>, vector<16xi32>
      %or3A_807 = arith.ori %or3A_733, %select_n3A_806 : vector<16xi32>
      %eq3A_808 = arith.constant 4 : i32
      %eq3A_809 = vector.broadcast %eq3A_808 : i32 to vector<16xi32>
      %eq3A_810 = arith.cmpi eq, %shift_right_logical3A_775, %eq3A_809 : vector<16xi32>
      %jit3A_811 = arith.constant 0 : i32
      %broadcast_in_dim3A_812 = vector.broadcast %jit3A_811 : i32 to vector<16xi32>
      %select_n3A_813 = arith.select %eq3A_810, %shift_left3A_779, %broadcast_in_dim3A_812 : vector<16xi1>, vector<16xi32>
      %or3A_814 = arith.ori %or3A_740, %select_n3A_813 : vector<16xi32>
      %eq3A_815 = arith.constant 5 : i32
      %eq3A_816 = vector.broadcast %eq3A_815 : i32 to vector<16xi32>
      %eq3A_817 = arith.cmpi eq, %shift_right_logical3A_775, %eq3A_816 : vector<16xi32>
      %jit3A_818 = arith.constant 0 : i32
      %broadcast_in_dim3A_819 = vector.broadcast %jit3A_818 : i32 to vector<16xi32>
      %select_n3A_820 = arith.select %eq3A_817, %shift_left3A_779, %broadcast_in_dim3A_819 : vector<16xi1>, vector<16xi32>
      %or3A_821 = arith.ori %or3A_747, %select_n3A_820 : vector<16xi32>
      %eq3A_822 = arith.constant 6 : i32
      %eq3A_823 = vector.broadcast %eq3A_822 : i32 to vector<16xi32>
      %eq3A_824 = arith.cmpi eq, %shift_right_logical3A_775, %eq3A_823 : vector<16xi32>
      %jit3A_825 = arith.constant 0 : i32
      %broadcast_in_dim3A_826 = vector.broadcast %jit3A_825 : i32 to vector<16xi32>
      %select_n3A_827 = arith.select %eq3A_824, %shift_left3A_779, %broadcast_in_dim3A_826 : vector<16xi1>, vector<16xi32>
      %or3A_828 = arith.ori %or3A_754, %select_n3A_827 : vector<16xi32>
      %eq3A_829 = arith.constant 7 : i32
      %eq3A_830 = vector.broadcast %eq3A_829 : i32 to vector<16xi32>
      %eq3A_831 = arith.cmpi eq, %shift_right_logical3A_775, %eq3A_830 : vector<16xi32>
      %jit3A_832 = arith.constant 0 : i32
      %broadcast_in_dim3A_833 = vector.broadcast %jit3A_832 : i32 to vector<16xi32>
      %select_n3A_834 = arith.select %eq3A_831, %shift_left3A_779, %broadcast_in_dim3A_833 : vector<16xi1>, vector<16xi32>
      %or3A_835 = arith.ori %or3A_761, %select_n3A_834 : vector<16xi32>
      %eq3A_836 = arith.constant 8 : i32
      %eq3A_837 = vector.broadcast %eq3A_836 : i32 to vector<16xi32>
      %eq3A_838 = arith.cmpi eq, %shift_right_logical3A_775, %eq3A_837 : vector<16xi32>
      %jit3A_839 = arith.constant 0 : i32
      %broadcast_in_dim3A_840 = vector.broadcast %jit3A_839 : i32 to vector<16xi32>
      %select_n3A_841 = arith.select %eq3A_838, %shift_left3A_779, %broadcast_in_dim3A_840 : vector<16xi1>, vector<16xi32>
      %or3A_842 = arith.ori %or3A_768, %select_n3A_841 : vector<16xi32>
      %add3A_843 = arith.constant 11 : i32
      %add3A_844 = vector.broadcast %add3A_843 : i32 to vector<16xi32>
      %add3A_845 = arith.addi %add3A_18, %add3A_844 : vector<16xi32>
      %gather3A_846 = tpu.vector_load_idx %arg4[%add3A_845] : memref<5120xi32, #tpu.memory_space<vmem>>[vector<16xi32>], vector<16xi32>,
      %shift_right_logical3A_847 = arith.constant 5 : i32
      %shift_right_logical3A_848 = vector.broadcast %shift_right_logical3A_847 : i32 to vector<16xi32>
      %shift_right_logical3A_849 = arith.shrui %gather3A_846, %shift_right_logical3A_848 : vector<16xi32>
      %and3A_850 = arith.constant 31 : i32
      %and3A_851 = vector.broadcast %and3A_850 : i32 to vector<16xi32>
      %and3A_852 = arith.andi %gather3A_846, %and3A_851 : vector<16xi32>
      %shift_left3A_853 = arith.shli %broadcast_in_dim3A_6, %and3A_852 : vector<16xi32>
      %eq3A_854 = arith.constant 0 : i32
      %eq3A_855 = vector.broadcast %eq3A_854 : i32 to vector<16xi32>
      %eq3A_856 = arith.cmpi eq, %shift_right_logical3A_849, %eq3A_855 : vector<16xi32>
      %jit3A_857 = arith.constant 0 : i32
      %broadcast_in_dim3A_858 = vector.broadcast %jit3A_857 : i32 to vector<16xi32>
      %select_n3A_859 = arith.select %eq3A_856, %shift_left3A_853, %broadcast_in_dim3A_858 : vector<16xi1>, vector<16xi32>
      %or3A_860 = arith.ori %or3A_786, %select_n3A_859 : vector<16xi32>
      %eq3A_861 = arith.constant 1 : i32
      %eq3A_862 = vector.broadcast %eq3A_861 : i32 to vector<16xi32>
      %eq3A_863 = arith.cmpi eq, %shift_right_logical3A_849, %eq3A_862 : vector<16xi32>
      %jit3A_864 = arith.constant 0 : i32
      %broadcast_in_dim3A_865 = vector.broadcast %jit3A_864 : i32 to vector<16xi32>
      %select_n3A_866 = arith.select %eq3A_863, %shift_left3A_853, %broadcast_in_dim3A_865 : vector<16xi1>, vector<16xi32>
      %or3A_867 = arith.ori %or3A_793, %select_n3A_866 : vector<16xi32>
      %eq3A_868 = arith.constant 2 : i32
      %eq3A_869 = vector.broadcast %eq3A_868 : i32 to vector<16xi32>
      %eq3A_870 = arith.cmpi eq, %shift_right_logical3A_849, %eq3A_869 : vector<16xi32>
      %jit3A_871 = arith.constant 0 : i32
      %broadcast_in_dim3A_872 = vector.broadcast %jit3A_871 : i32 to vector<16xi32>
      %select_n3A_873 = arith.select %eq3A_870, %shift_left3A_853, %broadcast_in_dim3A_872 : vector<16xi1>, vector<16xi32>
      %or3A_874 = arith.ori %or3A_800, %select_n3A_873 : vector<16xi32>
      %eq3A_875 = arith.constant 3 : i32
      %eq3A_876 = vector.broadcast %eq3A_875 : i32 to vector<16xi32>
      %eq3A_877 = arith.cmpi eq, %shift_right_logical3A_849, %eq3A_876 : vector<16xi32>
      %jit3A_878 = arith.constant 0 : i32
      %broadcast_in_dim3A_879 = vector.broadcast %jit3A_878 : i32 to vector<16xi32>
      %select_n3A_880 = arith.select %eq3A_877, %shift_left3A_853, %broadcast_in_dim3A_879 : vector<16xi1>, vector<16xi32>
      %or3A_881 = arith.ori %or3A_807, %select_n3A_880 : vector<16xi32>
      %eq3A_882 = arith.constant 4 : i32
      %eq3A_883 = vector.broadcast %eq3A_882 : i32 to vector<16xi32>
      %eq3A_884 = arith.cmpi eq, %shift_right_logical3A_849, %eq3A_883 : vector<16xi32>
      %jit3A_885 = arith.constant 0 : i32
      %broadcast_in_dim3A_886 = vector.broadcast %jit3A_885 : i32 to vector<16xi32>
      %select_n3A_887 = arith.select %eq3A_884, %shift_left3A_853, %broadcast_in_dim3A_886 : vector<16xi1>, vector<16xi32>
      %or3A_888 = arith.ori %or3A_814, %select_n3A_887 : vector<16xi32>
      %eq3A_889 = arith.constant 5 : i32
      %eq3A_890 = vector.broadcast %eq3A_889 : i32 to vector<16xi32>
      %eq3A_891 = arith.cmpi eq, %shift_right_logical3A_849, %eq3A_890 : vector<16xi32>
      %jit3A_892 = arith.constant 0 : i32
      %broadcast_in_dim3A_893 = vector.broadcast %jit3A_892 : i32 to vector<16xi32>
      %select_n3A_894 = arith.select %eq3A_891, %shift_left3A_853, %broadcast_in_dim3A_893 : vector<16xi1>, vector<16xi32>
      %or3A_895 = arith.ori %or3A_821, %select_n3A_894 : vector<16xi32>
      %eq3A_896 = arith.constant 6 : i32
      %eq3A_897 = vector.broadcast %eq3A_896 : i32 to vector<16xi32>
      %eq3A_898 = arith.cmpi eq, %shift_right_logical3A_849, %eq3A_897 : vector<16xi32>
      %jit3A_899 = arith.constant 0 : i32
      %broadcast_in_dim3A_900 = vector.broadcast %jit3A_899 : i32 to vector<16xi32>
      %select_n3A_901 = arith.select %eq3A_898, %shift_left3A_853, %broadcast_in_dim3A_900 : vector<16xi1>, vector<16xi32>
      %or3A_902 = arith.ori %or3A_828, %select_n3A_901 : vector<16xi32>
      %eq3A_903 = arith.constant 7 : i32
      %eq3A_904 = vector.broadcast %eq3A_903 : i32 to vector<16xi32>
      %eq3A_905 = arith.cmpi eq, %shift_right_logical3A_849, %eq3A_904 : vector<16xi32>
      %jit3A_906 = arith.constant 0 : i32
      %broadcast_in_dim3A_907 = vector.broadcast %jit3A_906 : i32 to vector<16xi32>
      %select_n3A_908 = arith.select %eq3A_905, %shift_left3A_853, %broadcast_in_dim3A_907 : vector<16xi1>, vector<16xi32>
      %or3A_909 = arith.ori %or3A_835, %select_n3A_908 : vector<16xi32>
      %eq3A_910 = arith.constant 8 : i32
      %eq3A_911 = vector.broadcast %eq3A_910 : i32 to vector<16xi32>
      %eq3A_912 = arith.cmpi eq, %shift_right_logical3A_849, %eq3A_911 : vector<16xi32>
      %jit3A_913 = arith.constant 0 : i32
      %broadcast_in_dim3A_914 = vector.broadcast %jit3A_913 : i32 to vector<16xi32>
      %select_n3A_915 = arith.select %eq3A_912, %shift_left3A_853, %broadcast_in_dim3A_914 : vector<16xi1>, vector<16xi32>
      %or3A_916 = arith.ori %or3A_842, %select_n3A_915 : vector<16xi32>
      %add3A_917 = arith.constant 12 : i32
      %add3A_918 = vector.broadcast %add3A_917 : i32 to vector<16xi32>
      %add3A_919 = arith.addi %add3A_18, %add3A_918 : vector<16xi32>
      %gather3A_920 = tpu.vector_load_idx %arg4[%add3A_919] : memref<5120xi32, #tpu.memory_space<vmem>>[vector<16xi32>], vector<16xi32>,
      %shift_right_logical3A_921 = arith.constant 5 : i32
      %shift_right_logical3A_922 = vector.broadcast %shift_right_logical3A_921 : i32 to vector<16xi32>
      %shift_right_logical3A_923 = arith.shrui %gather3A_920, %shift_right_logical3A_922 : vector<16xi32>
      %and3A_924 = arith.constant 31 : i32
      %and3A_925 = vector.broadcast %and3A_924 : i32 to vector<16xi32>
      %and3A_926 = arith.andi %gather3A_920, %and3A_925 : vector<16xi32>
      %shift_left3A_927 = arith.shli %broadcast_in_dim3A_6, %and3A_926 : vector<16xi32>
      %eq3A_928 = arith.constant 0 : i32
      %eq3A_929 = vector.broadcast %eq3A_928 : i32 to vector<16xi32>
      %eq3A_930 = arith.cmpi eq, %shift_right_logical3A_923, %eq3A_929 : vector<16xi32>
      %jit3A_931 = arith.constant 0 : i32
      %broadcast_in_dim3A_932 = vector.broadcast %jit3A_931 : i32 to vector<16xi32>
      %select_n3A_933 = arith.select %eq3A_930, %shift_left3A_927, %broadcast_in_dim3A_932 : vector<16xi1>, vector<16xi32>
      %or3A_934 = arith.ori %or3A_860, %select_n3A_933 : vector<16xi32>
      %eq3A_935 = arith.constant 1 : i32
      %eq3A_936 = vector.broadcast %eq3A_935 : i32 to vector<16xi32>
      %eq3A_937 = arith.cmpi eq, %shift_right_logical3A_923, %eq3A_936 : vector<16xi32>
      %jit3A_938 = arith.constant 0 : i32
      %broadcast_in_dim3A_939 = vector.broadcast %jit3A_938 : i32 to vector<16xi32>
      %select_n3A_940 = arith.select %eq3A_937, %shift_left3A_927, %broadcast_in_dim3A_939 : vector<16xi1>, vector<16xi32>
      %or3A_941 = arith.ori %or3A_867, %select_n3A_940 : vector<16xi32>
      %eq3A_942 = arith.constant 2 : i32
      %eq3A_943 = vector.broadcast %eq3A_942 : i32 to vector<16xi32>
      %eq3A_944 = arith.cmpi eq, %shift_right_logical3A_923, %eq3A_943 : vector<16xi32>
      %jit3A_945 = arith.constant 0 : i32
      %broadcast_in_dim3A_946 = vector.broadcast %jit3A_945 : i32 to vector<16xi32>
      %select_n3A_947 = arith.select %eq3A_944, %shift_left3A_927, %broadcast_in_dim3A_946 : vector<16xi1>, vector<16xi32>
      %or3A_948 = arith.ori %or3A_874, %select_n3A_947 : vector<16xi32>
      %eq3A_949 = arith.constant 3 : i32
      %eq3A_950 = vector.broadcast %eq3A_949 : i32 to vector<16xi32>
      %eq3A_951 = arith.cmpi eq, %shift_right_logical3A_923, %eq3A_950 : vector<16xi32>
      %jit3A_952 = arith.constant 0 : i32
      %broadcast_in_dim3A_953 = vector.broadcast %jit3A_952 : i32 to vector<16xi32>
      %select_n3A_954 = arith.select %eq3A_951, %shift_left3A_927, %broadcast_in_dim3A_953 : vector<16xi1>, vector<16xi32>
      %or3A_955 = arith.ori %or3A_881, %select_n3A_954 : vector<16xi32>
      %eq3A_956 = arith.constant 4 : i32
      %eq3A_957 = vector.broadcast %eq3A_956 : i32 to vector<16xi32>
      %eq3A_958 = arith.cmpi eq, %shift_right_logical3A_923, %eq3A_957 : vector<16xi32>
      %jit3A_959 = arith.constant 0 : i32
      %broadcast_in_dim3A_960 = vector.broadcast %jit3A_959 : i32 to vector<16xi32>
      %select_n3A_961 = arith.select %eq3A_958, %shift_left3A_927, %broadcast_in_dim3A_960 : vector<16xi1>, vector<16xi32>
      %or3A_962 = arith.ori %or3A_888, %select_n3A_961 : vector<16xi32>
      %eq3A_963 = arith.constant 5 : i32
      %eq3A_964 = vector.broadcast %eq3A_963 : i32 to vector<16xi32>
      %eq3A_965 = arith.cmpi eq, %shift_right_logical3A_923, %eq3A_964 : vector<16xi32>
      %jit3A_966 = arith.constant 0 : i32
      %broadcast_in_dim3A_967 = vector.broadcast %jit3A_966 : i32 to vector<16xi32>
      %select_n3A_968 = arith.select %eq3A_965, %shift_left3A_927, %broadcast_in_dim3A_967 : vector<16xi1>, vector<16xi32>
      %or3A_969 = arith.ori %or3A_895, %select_n3A_968 : vector<16xi32>
      %eq3A_970 = arith.constant 6 : i32
      %eq3A_971 = vector.broadcast %eq3A_970 : i32 to vector<16xi32>
      %eq3A_972 = arith.cmpi eq, %shift_right_logical3A_923, %eq3A_971 : vector<16xi32>
      %jit3A_973 = arith.constant 0 : i32
      %broadcast_in_dim3A_974 = vector.broadcast %jit3A_973 : i32 to vector<16xi32>
      %select_n3A_975 = arith.select %eq3A_972, %shift_left3A_927, %broadcast_in_dim3A_974 : vector<16xi1>, vector<16xi32>
      %or3A_976 = arith.ori %or3A_902, %select_n3A_975 : vector<16xi32>
      %eq3A_977 = arith.constant 7 : i32
      %eq3A_978 = vector.broadcast %eq3A_977 : i32 to vector<16xi32>
      %eq3A_979 = arith.cmpi eq, %shift_right_logical3A_923, %eq3A_978 : vector<16xi32>
      %jit3A_980 = arith.constant 0 : i32
      %broadcast_in_dim3A_981 = vector.broadcast %jit3A_980 : i32 to vector<16xi32>
      %select_n3A_982 = arith.select %eq3A_979, %shift_left3A_927, %broadcast_in_dim3A_981 : vector<16xi1>, vector<16xi32>
      %or3A_983 = arith.ori %or3A_909, %select_n3A_982 : vector<16xi32>
      %eq3A_984 = arith.constant 8 : i32
      %eq3A_985 = vector.broadcast %eq3A_984 : i32 to vector<16xi32>
      %eq3A_986 = arith.cmpi eq, %shift_right_logical3A_923, %eq3A_985 : vector<16xi32>
      %jit3A_987 = arith.constant 0 : i32
      %broadcast_in_dim3A_988 = vector.broadcast %jit3A_987 : i32 to vector<16xi32>
      %select_n3A_989 = arith.select %eq3A_986, %shift_left3A_927, %broadcast_in_dim3A_988 : vector<16xi1>, vector<16xi32>
      %or3A_990 = arith.ori %or3A_916, %select_n3A_989 : vector<16xi32>
      %add3A_991 = arith.constant 13 : i32
      %add3A_992 = vector.broadcast %add3A_991 : i32 to vector<16xi32>
      %add3A_993 = arith.addi %add3A_18, %add3A_992 : vector<16xi32>
      %gather3A_994 = tpu.vector_load_idx %arg4[%add3A_993] : memref<5120xi32, #tpu.memory_space<vmem>>[vector<16xi32>], vector<16xi32>,
      %shift_right_logical3A_995 = arith.constant 5 : i32
      %shift_right_logical3A_996 = vector.broadcast %shift_right_logical3A_995 : i32 to vector<16xi32>
      %shift_right_logical3A_997 = arith.shrui %gather3A_994, %shift_right_logical3A_996 : vector<16xi32>
      %and3A_998 = arith.constant 31 : i32
      %and3A_999 = vector.broadcast %and3A_998 : i32 to vector<16xi32>
      %and3A_1000 = arith.andi %gather3A_994, %and3A_999 : vector<16xi32>
      %shift_left3A_1001 = arith.shli %broadcast_in_dim3A_6, %and3A_1000 : vector<16xi32>
      %eq3A_1002 = arith.constant 0 : i32
      %eq3A_1003 = vector.broadcast %eq3A_1002 : i32 to vector<16xi32>
      %eq3A_1004 = arith.cmpi eq, %shift_right_logical3A_997, %eq3A_1003 : vector<16xi32>
      %jit3A_1005 = arith.constant 0 : i32
      %broadcast_in_dim3A_1006 = vector.broadcast %jit3A_1005 : i32 to vector<16xi32>
      %select_n3A_1007 = arith.select %eq3A_1004, %shift_left3A_1001, %broadcast_in_dim3A_1006 : vector<16xi1>, vector<16xi32>
      %or3A_1008 = arith.ori %or3A_934, %select_n3A_1007 : vector<16xi32>
      %eq3A_1009 = arith.constant 1 : i32
      %eq3A_1010 = vector.broadcast %eq3A_1009 : i32 to vector<16xi32>
      %eq3A_1011 = arith.cmpi eq, %shift_right_logical3A_997, %eq3A_1010 : vector<16xi32>
      %jit3A_1012 = arith.constant 0 : i32
      %broadcast_in_dim3A_1013 = vector.broadcast %jit3A_1012 : i32 to vector<16xi32>
      %select_n3A_1014 = arith.select %eq3A_1011, %shift_left3A_1001, %broadcast_in_dim3A_1013 : vector<16xi1>, vector<16xi32>
      %or3A_1015 = arith.ori %or3A_941, %select_n3A_1014 : vector<16xi32>
      %eq3A_1016 = arith.constant 2 : i32
      %eq3A_1017 = vector.broadcast %eq3A_1016 : i32 to vector<16xi32>
      %eq3A_1018 = arith.cmpi eq, %shift_right_logical3A_997, %eq3A_1017 : vector<16xi32>
      %jit3A_1019 = arith.constant 0 : i32
      %broadcast_in_dim3A_1020 = vector.broadcast %jit3A_1019 : i32 to vector<16xi32>
      %select_n3A_1021 = arith.select %eq3A_1018, %shift_left3A_1001, %broadcast_in_dim3A_1020 : vector<16xi1>, vector<16xi32>
      %or3A_1022 = arith.ori %or3A_948, %select_n3A_1021 : vector<16xi32>
      %eq3A_1023 = arith.constant 3 : i32
      %eq3A_1024 = vector.broadcast %eq3A_1023 : i32 to vector<16xi32>
      %eq3A_1025 = arith.cmpi eq, %shift_right_logical3A_997, %eq3A_1024 : vector<16xi32>
      %jit3A_1026 = arith.constant 0 : i32
      %broadcast_in_dim3A_1027 = vector.broadcast %jit3A_1026 : i32 to vector<16xi32>
      %select_n3A_1028 = arith.select %eq3A_1025, %shift_left3A_1001, %broadcast_in_dim3A_1027 : vector<16xi1>, vector<16xi32>
      %or3A_1029 = arith.ori %or3A_955, %select_n3A_1028 : vector<16xi32>
      %eq3A_1030 = arith.constant 4 : i32
      %eq3A_1031 = vector.broadcast %eq3A_1030 : i32 to vector<16xi32>
      %eq3A_1032 = arith.cmpi eq, %shift_right_logical3A_997, %eq3A_1031 : vector<16xi32>
      %jit3A_1033 = arith.constant 0 : i32
      %broadcast_in_dim3A_1034 = vector.broadcast %jit3A_1033 : i32 to vector<16xi32>
      %select_n3A_1035 = arith.select %eq3A_1032, %shift_left3A_1001, %broadcast_in_dim3A_1034 : vector<16xi1>, vector<16xi32>
      %or3A_1036 = arith.ori %or3A_962, %select_n3A_1035 : vector<16xi32>
      %eq3A_1037 = arith.constant 5 : i32
      %eq3A_1038 = vector.broadcast %eq3A_1037 : i32 to vector<16xi32>
      %eq3A_1039 = arith.cmpi eq, %shift_right_logical3A_997, %eq3A_1038 : vector<16xi32>
      %jit3A_1040 = arith.constant 0 : i32
      %broadcast_in_dim3A_1041 = vector.broadcast %jit3A_1040 : i32 to vector<16xi32>
      %select_n3A_1042 = arith.select %eq3A_1039, %shift_left3A_1001, %broadcast_in_dim3A_1041 : vector<16xi1>, vector<16xi32>
      %or3A_1043 = arith.ori %or3A_969, %select_n3A_1042 : vector<16xi32>
      %eq3A_1044 = arith.constant 6 : i32
      %eq3A_1045 = vector.broadcast %eq3A_1044 : i32 to vector<16xi32>
      %eq3A_1046 = arith.cmpi eq, %shift_right_logical3A_997, %eq3A_1045 : vector<16xi32>
      %jit3A_1047 = arith.constant 0 : i32
      %broadcast_in_dim3A_1048 = vector.broadcast %jit3A_1047 : i32 to vector<16xi32>
      %select_n3A_1049 = arith.select %eq3A_1046, %shift_left3A_1001, %broadcast_in_dim3A_1048 : vector<16xi1>, vector<16xi32>
      %or3A_1050 = arith.ori %or3A_976, %select_n3A_1049 : vector<16xi32>
      %eq3A_1051 = arith.constant 7 : i32
      %eq3A_1052 = vector.broadcast %eq3A_1051 : i32 to vector<16xi32>
      %eq3A_1053 = arith.cmpi eq, %shift_right_logical3A_997, %eq3A_1052 : vector<16xi32>
      %jit3A_1054 = arith.constant 0 : i32
      %broadcast_in_dim3A_1055 = vector.broadcast %jit3A_1054 : i32 to vector<16xi32>
      %select_n3A_1056 = arith.select %eq3A_1053, %shift_left3A_1001, %broadcast_in_dim3A_1055 : vector<16xi1>, vector<16xi32>
      %or3A_1057 = arith.ori %or3A_983, %select_n3A_1056 : vector<16xi32>
      %eq3A_1058 = arith.constant 8 : i32
      %eq3A_1059 = vector.broadcast %eq3A_1058 : i32 to vector<16xi32>
      %eq3A_1060 = arith.cmpi eq, %shift_right_logical3A_997, %eq3A_1059 : vector<16xi32>
      %jit3A_1061 = arith.constant 0 : i32
      %broadcast_in_dim3A_1062 = vector.broadcast %jit3A_1061 : i32 to vector<16xi32>
      %select_n3A_1063 = arith.select %eq3A_1060, %shift_left3A_1001, %broadcast_in_dim3A_1062 : vector<16xi1>, vector<16xi32>
      %or3A_1064 = arith.ori %or3A_990, %select_n3A_1063 : vector<16xi32>
      %add3A_1065 = arith.constant 14 : i32
      %add3A_1066 = vector.broadcast %add3A_1065 : i32 to vector<16xi32>
      %add3A_1067 = arith.addi %add3A_18, %add3A_1066 : vector<16xi32>
      %gather3A_1068 = tpu.vector_load_idx %arg4[%add3A_1067] : memref<5120xi32, #tpu.memory_space<vmem>>[vector<16xi32>], vector<16xi32>,
      %shift_right_logical3A_1069 = arith.constant 5 : i32
      %shift_right_logical3A_1070 = vector.broadcast %shift_right_logical3A_1069 : i32 to vector<16xi32>
      %shift_right_logical3A_1071 = arith.shrui %gather3A_1068, %shift_right_logical3A_1070 : vector<16xi32>
      %and3A_1072 = arith.constant 31 : i32
      %and3A_1073 = vector.broadcast %and3A_1072 : i32 to vector<16xi32>
      %and3A_1074 = arith.andi %gather3A_1068, %and3A_1073 : vector<16xi32>
      %shift_left3A_1075 = arith.shli %broadcast_in_dim3A_6, %and3A_1074 : vector<16xi32>
      %eq3A_1076 = arith.constant 0 : i32
      %eq3A_1077 = vector.broadcast %eq3A_1076 : i32 to vector<16xi32>
      %eq3A_1078 = arith.cmpi eq, %shift_right_logical3A_1071, %eq3A_1077 : vector<16xi32>
      %jit3A_1079 = arith.constant 0 : i32
      %broadcast_in_dim3A_1080 = vector.broadcast %jit3A_1079 : i32 to vector<16xi32>
      %select_n3A_1081 = arith.select %eq3A_1078, %shift_left3A_1075, %broadcast_in_dim3A_1080 : vector<16xi1>, vector<16xi32>
      %or3A_1082 = arith.ori %or3A_1008, %select_n3A_1081 : vector<16xi32>
      %eq3A_1083 = arith.constant 1 : i32
      %eq3A_1084 = vector.broadcast %eq3A_1083 : i32 to vector<16xi32>
      %eq3A_1085 = arith.cmpi eq, %shift_right_logical3A_1071, %eq3A_1084 : vector<16xi32>
      %jit3A_1086 = arith.constant 0 : i32
      %broadcast_in_dim3A_1087 = vector.broadcast %jit3A_1086 : i32 to vector<16xi32>
      %select_n3A_1088 = arith.select %eq3A_1085, %shift_left3A_1075, %broadcast_in_dim3A_1087 : vector<16xi1>, vector<16xi32>
      %or3A_1089 = arith.ori %or3A_1015, %select_n3A_1088 : vector<16xi32>
      %eq3A_1090 = arith.constant 2 : i32
      %eq3A_1091 = vector.broadcast %eq3A_1090 : i32 to vector<16xi32>
      %eq3A_1092 = arith.cmpi eq, %shift_right_logical3A_1071, %eq3A_1091 : vector<16xi32>
      %jit3A_1093 = arith.constant 0 : i32
      %broadcast_in_dim3A_1094 = vector.broadcast %jit3A_1093 : i32 to vector<16xi32>
      %select_n3A_1095 = arith.select %eq3A_1092, %shift_left3A_1075, %broadcast_in_dim3A_1094 : vector<16xi1>, vector<16xi32>
      %or3A_1096 = arith.ori %or3A_1022, %select_n3A_1095 : vector<16xi32>
      %eq3A_1097 = arith.constant 3 : i32
      %eq3A_1098 = vector.broadcast %eq3A_1097 : i32 to vector<16xi32>
      %eq3A_1099 = arith.cmpi eq, %shift_right_logical3A_1071, %eq3A_1098 : vector<16xi32>
      %jit3A_1100 = arith.constant 0 : i32
      %broadcast_in_dim3A_1101 = vector.broadcast %jit3A_1100 : i32 to vector<16xi32>
      %select_n3A_1102 = arith.select %eq3A_1099, %shift_left3A_1075, %broadcast_in_dim3A_1101 : vector<16xi1>, vector<16xi32>
      %or3A_1103 = arith.ori %or3A_1029, %select_n3A_1102 : vector<16xi32>
      %eq3A_1104 = arith.constant 4 : i32
      %eq3A_1105 = vector.broadcast %eq3A_1104 : i32 to vector<16xi32>
      %eq3A_1106 = arith.cmpi eq, %shift_right_logical3A_1071, %eq3A_1105 : vector<16xi32>
      %jit3A_1107 = arith.constant 0 : i32
      %broadcast_in_dim3A_1108 = vector.broadcast %jit3A_1107 : i32 to vector<16xi32>
      %select_n3A_1109 = arith.select %eq3A_1106, %shift_left3A_1075, %broadcast_in_dim3A_1108 : vector<16xi1>, vector<16xi32>
      %or3A_1110 = arith.ori %or3A_1036, %select_n3A_1109 : vector<16xi32>
      %eq3A_1111 = arith.constant 5 : i32
      %eq3A_1112 = vector.broadcast %eq3A_1111 : i32 to vector<16xi32>
      %eq3A_1113 = arith.cmpi eq, %shift_right_logical3A_1071, %eq3A_1112 : vector<16xi32>
      %jit3A_1114 = arith.constant 0 : i32
      %broadcast_in_dim3A_1115 = vector.broadcast %jit3A_1114 : i32 to vector<16xi32>
      %select_n3A_1116 = arith.select %eq3A_1113, %shift_left3A_1075, %broadcast_in_dim3A_1115 : vector<16xi1>, vector<16xi32>
      %or3A_1117 = arith.ori %or3A_1043, %select_n3A_1116 : vector<16xi32>
      %eq3A_1118 = arith.constant 6 : i32
      %eq3A_1119 = vector.broadcast %eq3A_1118 : i32 to vector<16xi32>
      %eq3A_1120 = arith.cmpi eq, %shift_right_logical3A_1071, %eq3A_1119 : vector<16xi32>
      %jit3A_1121 = arith.constant 0 : i32
      %broadcast_in_dim3A_1122 = vector.broadcast %jit3A_1121 : i32 to vector<16xi32>
      %select_n3A_1123 = arith.select %eq3A_1120, %shift_left3A_1075, %broadcast_in_dim3A_1122 : vector<16xi1>, vector<16xi32>
      %or3A_1124 = arith.ori %or3A_1050, %select_n3A_1123 : vector<16xi32>
      %eq3A_1125 = arith.constant 7 : i32
      %eq3A_1126 = vector.broadcast %eq3A_1125 : i32 to vector<16xi32>
      %eq3A_1127 = arith.cmpi eq, %shift_right_logical3A_1071, %eq3A_1126 : vector<16xi32>
      %jit3A_1128 = arith.constant 0 : i32
      %broadcast_in_dim3A_1129 = vector.broadcast %jit3A_1128 : i32 to vector<16xi32>
      %select_n3A_1130 = arith.select %eq3A_1127, %shift_left3A_1075, %broadcast_in_dim3A_1129 : vector<16xi1>, vector<16xi32>
      %or3A_1131 = arith.ori %or3A_1057, %select_n3A_1130 : vector<16xi32>
      %eq3A_1132 = arith.constant 8 : i32
      %eq3A_1133 = vector.broadcast %eq3A_1132 : i32 to vector<16xi32>
      %eq3A_1134 = arith.cmpi eq, %shift_right_logical3A_1071, %eq3A_1133 : vector<16xi32>
      %jit3A_1135 = arith.constant 0 : i32
      %broadcast_in_dim3A_1136 = vector.broadcast %jit3A_1135 : i32 to vector<16xi32>
      %select_n3A_1137 = arith.select %eq3A_1134, %shift_left3A_1075, %broadcast_in_dim3A_1136 : vector<16xi1>, vector<16xi32>
      %or3A_1138 = arith.ori %or3A_1064, %select_n3A_1137 : vector<16xi32>
      %add3A_1139 = arith.constant 15 : i32
      %add3A_1140 = vector.broadcast %add3A_1139 : i32 to vector<16xi32>
      %add3A_1141 = arith.addi %add3A_18, %add3A_1140 : vector<16xi32>
      %gather3A_1142 = tpu.vector_load_idx %arg4[%add3A_1141] : memref<5120xi32, #tpu.memory_space<vmem>>[vector<16xi32>], vector<16xi32>,
      %shift_right_logical3A_1143 = arith.constant 5 : i32
      %shift_right_logical3A_1144 = vector.broadcast %shift_right_logical3A_1143 : i32 to vector<16xi32>
      %shift_right_logical3A_1145 = arith.shrui %gather3A_1142, %shift_right_logical3A_1144 : vector<16xi32>
      %and3A_1146 = arith.constant 31 : i32
      %and3A_1147 = vector.broadcast %and3A_1146 : i32 to vector<16xi32>
      %and3A_1148 = arith.andi %gather3A_1142, %and3A_1147 : vector<16xi32>
      %shift_left3A_1149 = arith.shli %broadcast_in_dim3A_6, %and3A_1148 : vector<16xi32>
      %eq3A_1150 = arith.constant 0 : i32
      %eq3A_1151 = vector.broadcast %eq3A_1150 : i32 to vector<16xi32>
      %eq3A_1152 = arith.cmpi eq, %shift_right_logical3A_1145, %eq3A_1151 : vector<16xi32>
      %jit3A_1153 = arith.constant 0 : i32
      %broadcast_in_dim3A_1154 = vector.broadcast %jit3A_1153 : i32 to vector<16xi32>
      %select_n3A_1155 = arith.select %eq3A_1152, %shift_left3A_1149, %broadcast_in_dim3A_1154 : vector<16xi1>, vector<16xi32>
      %or3A_1156 = arith.ori %or3A_1082, %select_n3A_1155 : vector<16xi32>
      %eq3A_1157 = arith.constant 1 : i32
      %eq3A_1158 = vector.broadcast %eq3A_1157 : i32 to vector<16xi32>
      %eq3A_1159 = arith.cmpi eq, %shift_right_logical3A_1145, %eq3A_1158 : vector<16xi32>
      %jit3A_1160 = arith.constant 0 : i32
      %broadcast_in_dim3A_1161 = vector.broadcast %jit3A_1160 : i32 to vector<16xi32>
      %select_n3A_1162 = arith.select %eq3A_1159, %shift_left3A_1149, %broadcast_in_dim3A_1161 : vector<16xi1>, vector<16xi32>
      %or3A_1163 = arith.ori %or3A_1089, %select_n3A_1162 : vector<16xi32>
      %eq3A_1164 = arith.constant 2 : i32
      %eq3A_1165 = vector.broadcast %eq3A_1164 : i32 to vector<16xi32>
      %eq3A_1166 = arith.cmpi eq, %shift_right_logical3A_1145, %eq3A_1165 : vector<16xi32>
      %jit3A_1167 = arith.constant 0 : i32
      %broadcast_in_dim3A_1168 = vector.broadcast %jit3A_1167 : i32 to vector<16xi32>
      %select_n3A_1169 = arith.select %eq3A_1166, %shift_left3A_1149, %broadcast_in_dim3A_1168 : vector<16xi1>, vector<16xi32>
      %or3A_1170 = arith.ori %or3A_1096, %select_n3A_1169 : vector<16xi32>
      %eq3A_1171 = arith.constant 3 : i32
      %eq3A_1172 = vector.broadcast %eq3A_1171 : i32 to vector<16xi32>
      %eq3A_1173 = arith.cmpi eq, %shift_right_logical3A_1145, %eq3A_1172 : vector<16xi32>
      %jit3A_1174 = arith.constant 0 : i32
      %broadcast_in_dim3A_1175 = vector.broadcast %jit3A_1174 : i32 to vector<16xi32>
      %select_n3A_1176 = arith.select %eq3A_1173, %shift_left3A_1149, %broadcast_in_dim3A_1175 : vector<16xi1>, vector<16xi32>
      %or3A_1177 = arith.ori %or3A_1103, %select_n3A_1176 : vector<16xi32>
      %eq3A_1178 = arith.constant 4 : i32
      %eq3A_1179 = vector.broadcast %eq3A_1178 : i32 to vector<16xi32>
      %eq3A_1180 = arith.cmpi eq, %shift_right_logical3A_1145, %eq3A_1179 : vector<16xi32>
      %jit3A_1181 = arith.constant 0 : i32
      %broadcast_in_dim3A_1182 = vector.broadcast %jit3A_1181 : i32 to vector<16xi32>
      %select_n3A_1183 = arith.select %eq3A_1180, %shift_left3A_1149, %broadcast_in_dim3A_1182 : vector<16xi1>, vector<16xi32>
      %or3A_1184 = arith.ori %or3A_1110, %select_n3A_1183 : vector<16xi32>
      %eq3A_1185 = arith.constant 5 : i32
      %eq3A_1186 = vector.broadcast %eq3A_1185 : i32 to vector<16xi32>
      %eq3A_1187 = arith.cmpi eq, %shift_right_logical3A_1145, %eq3A_1186 : vector<16xi32>
      %jit3A_1188 = arith.constant 0 : i32
      %broadcast_in_dim3A_1189 = vector.broadcast %jit3A_1188 : i32 to vector<16xi32>
      %select_n3A_1190 = arith.select %eq3A_1187, %shift_left3A_1149, %broadcast_in_dim3A_1189 : vector<16xi1>, vector<16xi32>
      %or3A_1191 = arith.ori %or3A_1117, %select_n3A_1190 : vector<16xi32>
      %eq3A_1192 = arith.constant 6 : i32
      %eq3A_1193 = vector.broadcast %eq3A_1192 : i32 to vector<16xi32>
      %eq3A_1194 = arith.cmpi eq, %shift_right_logical3A_1145, %eq3A_1193 : vector<16xi32>
      %jit3A_1195 = arith.constant 0 : i32
      %broadcast_in_dim3A_1196 = vector.broadcast %jit3A_1195 : i32 to vector<16xi32>
      %select_n3A_1197 = arith.select %eq3A_1194, %shift_left3A_1149, %broadcast_in_dim3A_1196 : vector<16xi1>, vector<16xi32>
      %or3A_1198 = arith.ori %or3A_1124, %select_n3A_1197 : vector<16xi32>
      %eq3A_1199 = arith.constant 7 : i32
      %eq3A_1200 = vector.broadcast %eq3A_1199 : i32 to vector<16xi32>
      %eq3A_1201 = arith.cmpi eq, %shift_right_logical3A_1145, %eq3A_1200 : vector<16xi32>
      %jit3A_1202 = arith.constant 0 : i32
      %broadcast_in_dim3A_1203 = vector.broadcast %jit3A_1202 : i32 to vector<16xi32>
      %select_n3A_1204 = arith.select %eq3A_1201, %shift_left3A_1149, %broadcast_in_dim3A_1203 : vector<16xi1>, vector<16xi32>
      %or3A_1205 = arith.ori %or3A_1131, %select_n3A_1204 : vector<16xi32>
      %eq3A_1206 = arith.constant 8 : i32
      %eq3A_1207 = vector.broadcast %eq3A_1206 : i32 to vector<16xi32>
      %eq3A_1208 = arith.cmpi eq, %shift_right_logical3A_1145, %eq3A_1207 : vector<16xi32>
      %jit3A_1209 = arith.constant 0 : i32
      %broadcast_in_dim3A_1210 = vector.broadcast %jit3A_1209 : i32 to vector<16xi32>
      %select_n3A_1211 = arith.select %eq3A_1208, %shift_left3A_1149, %broadcast_in_dim3A_1210 : vector<16xi1>, vector<16xi32>
      %or3A_1212 = arith.ori %or3A_1138, %select_n3A_1211 : vector<16xi32>
      %add3A_1213 = arith.constant 16 : i32
      %add3A_1214 = vector.broadcast %add3A_1213 : i32 to vector<16xi32>
      %add3A_1215 = arith.addi %add3A_18, %add3A_1214 : vector<16xi32>
      %gather3A_1216 = tpu.vector_load_idx %arg4[%add3A_1215] : memref<5120xi32, #tpu.memory_space<vmem>>[vector<16xi32>], vector<16xi32>,
      %shift_right_logical3A_1217 = arith.constant 5 : i32
      %shift_right_logical3A_1218 = vector.broadcast %shift_right_logical3A_1217 : i32 to vector<16xi32>
      %shift_right_logical3A_1219 = arith.shrui %gather3A_1216, %shift_right_logical3A_1218 : vector<16xi32>
      %and3A_1220 = arith.constant 31 : i32
      %and3A_1221 = vector.broadcast %and3A_1220 : i32 to vector<16xi32>
      %and3A_1222 = arith.andi %gather3A_1216, %and3A_1221 : vector<16xi32>
      %shift_left3A_1223 = arith.shli %broadcast_in_dim3A_6, %and3A_1222 : vector<16xi32>
      %eq3A_1224 = arith.constant 0 : i32
      %eq3A_1225 = vector.broadcast %eq3A_1224 : i32 to vector<16xi32>
      %eq3A_1226 = arith.cmpi eq, %shift_right_logical3A_1219, %eq3A_1225 : vector<16xi32>
      %jit3A_1227 = arith.constant 0 : i32
      %broadcast_in_dim3A_1228 = vector.broadcast %jit3A_1227 : i32 to vector<16xi32>
      %select_n3A_1229 = arith.select %eq3A_1226, %shift_left3A_1223, %broadcast_in_dim3A_1228 : vector<16xi1>, vector<16xi32>
      %or3A_1230 = arith.ori %or3A_1156, %select_n3A_1229 : vector<16xi32>
      %eq3A_1231 = arith.constant 1 : i32
      %eq3A_1232 = vector.broadcast %eq3A_1231 : i32 to vector<16xi32>
      %eq3A_1233 = arith.cmpi eq, %shift_right_logical3A_1219, %eq3A_1232 : vector<16xi32>
      %jit3A_1234 = arith.constant 0 : i32
      %broadcast_in_dim3A_1235 = vector.broadcast %jit3A_1234 : i32 to vector<16xi32>
      %select_n3A_1236 = arith.select %eq3A_1233, %shift_left3A_1223, %broadcast_in_dim3A_1235 : vector<16xi1>, vector<16xi32>
      %or3A_1237 = arith.ori %or3A_1163, %select_n3A_1236 : vector<16xi32>
      %eq3A_1238 = arith.constant 2 : i32
      %eq3A_1239 = vector.broadcast %eq3A_1238 : i32 to vector<16xi32>
      %eq3A_1240 = arith.cmpi eq, %shift_right_logical3A_1219, %eq3A_1239 : vector<16xi32>
      %jit3A_1241 = arith.constant 0 : i32
      %broadcast_in_dim3A_1242 = vector.broadcast %jit3A_1241 : i32 to vector<16xi32>
      %select_n3A_1243 = arith.select %eq3A_1240, %shift_left3A_1223, %broadcast_in_dim3A_1242 : vector<16xi1>, vector<16xi32>
      %or3A_1244 = arith.ori %or3A_1170, %select_n3A_1243 : vector<16xi32>
      %eq3A_1245 = arith.constant 3 : i32
      %eq3A_1246 = vector.broadcast %eq3A_1245 : i32 to vector<16xi32>
      %eq3A_1247 = arith.cmpi eq, %shift_right_logical3A_1219, %eq3A_1246 : vector<16xi32>
      %jit3A_1248 = arith.constant 0 : i32
      %broadcast_in_dim3A_1249 = vector.broadcast %jit3A_1248 : i32 to vector<16xi32>
      %select_n3A_1250 = arith.select %eq3A_1247, %shift_left3A_1223, %broadcast_in_dim3A_1249 : vector<16xi1>, vector<16xi32>
      %or3A_1251 = arith.ori %or3A_1177, %select_n3A_1250 : vector<16xi32>
      %eq3A_1252 = arith.constant 4 : i32
      %eq3A_1253 = vector.broadcast %eq3A_1252 : i32 to vector<16xi32>
      %eq3A_1254 = arith.cmpi eq, %shift_right_logical3A_1219, %eq3A_1253 : vector<16xi32>
      %jit3A_1255 = arith.constant 0 : i32
      %broadcast_in_dim3A_1256 = vector.broadcast %jit3A_1255 : i32 to vector<16xi32>
      %select_n3A_1257 = arith.select %eq3A_1254, %shift_left3A_1223, %broadcast_in_dim3A_1256 : vector<16xi1>, vector<16xi32>
      %or3A_1258 = arith.ori %or3A_1184, %select_n3A_1257 : vector<16xi32>
      %eq3A_1259 = arith.constant 5 : i32
      %eq3A_1260 = vector.broadcast %eq3A_1259 : i32 to vector<16xi32>
      %eq3A_1261 = arith.cmpi eq, %shift_right_logical3A_1219, %eq3A_1260 : vector<16xi32>
      %jit3A_1262 = arith.constant 0 : i32
      %broadcast_in_dim3A_1263 = vector.broadcast %jit3A_1262 : i32 to vector<16xi32>
      %select_n3A_1264 = arith.select %eq3A_1261, %shift_left3A_1223, %broadcast_in_dim3A_1263 : vector<16xi1>, vector<16xi32>
      %or3A_1265 = arith.ori %or3A_1191, %select_n3A_1264 : vector<16xi32>
      %eq3A_1266 = arith.constant 6 : i32
      %eq3A_1267 = vector.broadcast %eq3A_1266 : i32 to vector<16xi32>
      %eq3A_1268 = arith.cmpi eq, %shift_right_logical3A_1219, %eq3A_1267 : vector<16xi32>
      %jit3A_1269 = arith.constant 0 : i32
      %broadcast_in_dim3A_1270 = vector.broadcast %jit3A_1269 : i32 to vector<16xi32>
      %select_n3A_1271 = arith.select %eq3A_1268, %shift_left3A_1223, %broadcast_in_dim3A_1270 : vector<16xi1>, vector<16xi32>
      %or3A_1272 = arith.ori %or3A_1198, %select_n3A_1271 : vector<16xi32>
      %eq3A_1273 = arith.constant 7 : i32
      %eq3A_1274 = vector.broadcast %eq3A_1273 : i32 to vector<16xi32>
      %eq3A_1275 = arith.cmpi eq, %shift_right_logical3A_1219, %eq3A_1274 : vector<16xi32>
      %jit3A_1276 = arith.constant 0 : i32
      %broadcast_in_dim3A_1277 = vector.broadcast %jit3A_1276 : i32 to vector<16xi32>
      %select_n3A_1278 = arith.select %eq3A_1275, %shift_left3A_1223, %broadcast_in_dim3A_1277 : vector<16xi1>, vector<16xi32>
      %or3A_1279 = arith.ori %or3A_1205, %select_n3A_1278 : vector<16xi32>
      %eq3A_1280 = arith.constant 8 : i32
      %eq3A_1281 = vector.broadcast %eq3A_1280 : i32 to vector<16xi32>
      %eq3A_1282 = arith.cmpi eq, %shift_right_logical3A_1219, %eq3A_1281 : vector<16xi32>
      %jit3A_1283 = arith.constant 0 : i32
      %broadcast_in_dim3A_1284 = vector.broadcast %jit3A_1283 : i32 to vector<16xi32>
      %select_n3A_1285 = arith.select %eq3A_1282, %shift_left3A_1223, %broadcast_in_dim3A_1284 : vector<16xi1>, vector<16xi32>
      %or3A_1286 = arith.ori %or3A_1212, %select_n3A_1285 : vector<16xi32>
      %add3A_1287 = arith.constant 17 : i32
      %add3A_1288 = vector.broadcast %add3A_1287 : i32 to vector<16xi32>
      %add3A_1289 = arith.addi %add3A_18, %add3A_1288 : vector<16xi32>
      %gather3A_1290 = tpu.vector_load_idx %arg4[%add3A_1289] : memref<5120xi32, #tpu.memory_space<vmem>>[vector<16xi32>], vector<16xi32>,
      %shift_right_logical3A_1291 = arith.constant 5 : i32
      %shift_right_logical3A_1292 = vector.broadcast %shift_right_logical3A_1291 : i32 to vector<16xi32>
      %shift_right_logical3A_1293 = arith.shrui %gather3A_1290, %shift_right_logical3A_1292 : vector<16xi32>
      %and3A_1294 = arith.constant 31 : i32
      %and3A_1295 = vector.broadcast %and3A_1294 : i32 to vector<16xi32>
      %and3A_1296 = arith.andi %gather3A_1290, %and3A_1295 : vector<16xi32>
      %shift_left3A_1297 = arith.shli %broadcast_in_dim3A_6, %and3A_1296 : vector<16xi32>
      %eq3A_1298 = arith.constant 0 : i32
      %eq3A_1299 = vector.broadcast %eq3A_1298 : i32 to vector<16xi32>
      %eq3A_1300 = arith.cmpi eq, %shift_right_logical3A_1293, %eq3A_1299 : vector<16xi32>
      %jit3A_1301 = arith.constant 0 : i32
      %broadcast_in_dim3A_1302 = vector.broadcast %jit3A_1301 : i32 to vector<16xi32>
      %select_n3A_1303 = arith.select %eq3A_1300, %shift_left3A_1297, %broadcast_in_dim3A_1302 : vector<16xi1>, vector<16xi32>
      %or3A_1304 = arith.ori %or3A_1230, %select_n3A_1303 : vector<16xi32>
      %eq3A_1305 = arith.constant 1 : i32
      %eq3A_1306 = vector.broadcast %eq3A_1305 : i32 to vector<16xi32>
      %eq3A_1307 = arith.cmpi eq, %shift_right_logical3A_1293, %eq3A_1306 : vector<16xi32>
      %jit3A_1308 = arith.constant 0 : i32
      %broadcast_in_dim3A_1309 = vector.broadcast %jit3A_1308 : i32 to vector<16xi32>
      %select_n3A_1310 = arith.select %eq3A_1307, %shift_left3A_1297, %broadcast_in_dim3A_1309 : vector<16xi1>, vector<16xi32>
      %or3A_1311 = arith.ori %or3A_1237, %select_n3A_1310 : vector<16xi32>
      %eq3A_1312 = arith.constant 2 : i32
      %eq3A_1313 = vector.broadcast %eq3A_1312 : i32 to vector<16xi32>
      %eq3A_1314 = arith.cmpi eq, %shift_right_logical3A_1293, %eq3A_1313 : vector<16xi32>
      %jit3A_1315 = arith.constant 0 : i32
      %broadcast_in_dim3A_1316 = vector.broadcast %jit3A_1315 : i32 to vector<16xi32>
      %select_n3A_1317 = arith.select %eq3A_1314, %shift_left3A_1297, %broadcast_in_dim3A_1316 : vector<16xi1>, vector<16xi32>
      %or3A_1318 = arith.ori %or3A_1244, %select_n3A_1317 : vector<16xi32>
      %eq3A_1319 = arith.constant 3 : i32
      %eq3A_1320 = vector.broadcast %eq3A_1319 : i32 to vector<16xi32>
      %eq3A_1321 = arith.cmpi eq, %shift_right_logical3A_1293, %eq3A_1320 : vector<16xi32>
      %jit3A_1322 = arith.constant 0 : i32
      %broadcast_in_dim3A_1323 = vector.broadcast %jit3A_1322 : i32 to vector<16xi32>
      %select_n3A_1324 = arith.select %eq3A_1321, %shift_left3A_1297, %broadcast_in_dim3A_1323 : vector<16xi1>, vector<16xi32>
      %or3A_1325 = arith.ori %or3A_1251, %select_n3A_1324 : vector<16xi32>
      %eq3A_1326 = arith.constant 4 : i32
      %eq3A_1327 = vector.broadcast %eq3A_1326 : i32 to vector<16xi32>
      %eq3A_1328 = arith.cmpi eq, %shift_right_logical3A_1293, %eq3A_1327 : vector<16xi32>
      %jit3A_1329 = arith.constant 0 : i32
      %broadcast_in_dim3A_1330 = vector.broadcast %jit3A_1329 : i32 to vector<16xi32>
      %select_n3A_1331 = arith.select %eq3A_1328, %shift_left3A_1297, %broadcast_in_dim3A_1330 : vector<16xi1>, vector<16xi32>
      %or3A_1332 = arith.ori %or3A_1258, %select_n3A_1331 : vector<16xi32>
      %eq3A_1333 = arith.constant 5 : i32
      %eq3A_1334 = vector.broadcast %eq3A_1333 : i32 to vector<16xi32>
      %eq3A_1335 = arith.cmpi eq, %shift_right_logical3A_1293, %eq3A_1334 : vector<16xi32>
      %jit3A_1336 = arith.constant 0 : i32
      %broadcast_in_dim3A_1337 = vector.broadcast %jit3A_1336 : i32 to vector<16xi32>
      %select_n3A_1338 = arith.select %eq3A_1335, %shift_left3A_1297, %broadcast_in_dim3A_1337 : vector<16xi1>, vector<16xi32>
      %or3A_1339 = arith.ori %or3A_1265, %select_n3A_1338 : vector<16xi32>
      %eq3A_1340 = arith.constant 6 : i32
      %eq3A_1341 = vector.broadcast %eq3A_1340 : i32 to vector<16xi32>
      %eq3A_1342 = arith.cmpi eq, %shift_right_logical3A_1293, %eq3A_1341 : vector<16xi32>
      %jit3A_1343 = arith.constant 0 : i32
      %broadcast_in_dim3A_1344 = vector.broadcast %jit3A_1343 : i32 to vector<16xi32>
      %select_n3A_1345 = arith.select %eq3A_1342, %shift_left3A_1297, %broadcast_in_dim3A_1344 : vector<16xi1>, vector<16xi32>
      %or3A_1346 = arith.ori %or3A_1272, %select_n3A_1345 : vector<16xi32>
      %eq3A_1347 = arith.constant 7 : i32
      %eq3A_1348 = vector.broadcast %eq3A_1347 : i32 to vector<16xi32>
      %eq3A_1349 = arith.cmpi eq, %shift_right_logical3A_1293, %eq3A_1348 : vector<16xi32>
      %jit3A_1350 = arith.constant 0 : i32
      %broadcast_in_dim3A_1351 = vector.broadcast %jit3A_1350 : i32 to vector<16xi32>
      %select_n3A_1352 = arith.select %eq3A_1349, %shift_left3A_1297, %broadcast_in_dim3A_1351 : vector<16xi1>, vector<16xi32>
      %or3A_1353 = arith.ori %or3A_1279, %select_n3A_1352 : vector<16xi32>
      %eq3A_1354 = arith.constant 8 : i32
      %eq3A_1355 = vector.broadcast %eq3A_1354 : i32 to vector<16xi32>
      %eq3A_1356 = arith.cmpi eq, %shift_right_logical3A_1293, %eq3A_1355 : vector<16xi32>
      %jit3A_1357 = arith.constant 0 : i32
      %broadcast_in_dim3A_1358 = vector.broadcast %jit3A_1357 : i32 to vector<16xi32>
      %select_n3A_1359 = arith.select %eq3A_1356, %shift_left3A_1297, %broadcast_in_dim3A_1358 : vector<16xi1>, vector<16xi32>
      %or3A_1360 = arith.ori %or3A_1286, %select_n3A_1359 : vector<16xi32>
      %add3A_1361 = arith.constant 18 : i32
      %add3A_1362 = vector.broadcast %add3A_1361 : i32 to vector<16xi32>
      %add3A_1363 = arith.addi %add3A_18, %add3A_1362 : vector<16xi32>
      %gather3A_1364 = tpu.vector_load_idx %arg4[%add3A_1363] : memref<5120xi32, #tpu.memory_space<vmem>>[vector<16xi32>], vector<16xi32>,
      %shift_right_logical3A_1365 = arith.constant 5 : i32
      %shift_right_logical3A_1366 = vector.broadcast %shift_right_logical3A_1365 : i32 to vector<16xi32>
      %shift_right_logical3A_1367 = arith.shrui %gather3A_1364, %shift_right_logical3A_1366 : vector<16xi32>
      %and3A_1368 = arith.constant 31 : i32
      %and3A_1369 = vector.broadcast %and3A_1368 : i32 to vector<16xi32>
      %and3A_1370 = arith.andi %gather3A_1364, %and3A_1369 : vector<16xi32>
      %shift_left3A_1371 = arith.shli %broadcast_in_dim3A_6, %and3A_1370 : vector<16xi32>
      %eq3A_1372 = arith.constant 0 : i32
      %eq3A_1373 = vector.broadcast %eq3A_1372 : i32 to vector<16xi32>
      %eq3A_1374 = arith.cmpi eq, %shift_right_logical3A_1367, %eq3A_1373 : vector<16xi32>
      %jit3A_1375 = arith.constant 0 : i32
      %broadcast_in_dim3A_1376 = vector.broadcast %jit3A_1375 : i32 to vector<16xi32>
      %select_n3A_1377 = arith.select %eq3A_1374, %shift_left3A_1371, %broadcast_in_dim3A_1376 : vector<16xi1>, vector<16xi32>
      %or3A_1378 = arith.ori %or3A_1304, %select_n3A_1377 : vector<16xi32>
      %eq3A_1379 = arith.constant 1 : i32
      %eq3A_1380 = vector.broadcast %eq3A_1379 : i32 to vector<16xi32>
      %eq3A_1381 = arith.cmpi eq, %shift_right_logical3A_1367, %eq3A_1380 : vector<16xi32>
      %jit3A_1382 = arith.constant 0 : i32
      %broadcast_in_dim3A_1383 = vector.broadcast %jit3A_1382 : i32 to vector<16xi32>
      %select_n3A_1384 = arith.select %eq3A_1381, %shift_left3A_1371, %broadcast_in_dim3A_1383 : vector<16xi1>, vector<16xi32>
      %or3A_1385 = arith.ori %or3A_1311, %select_n3A_1384 : vector<16xi32>
      %eq3A_1386 = arith.constant 2 : i32
      %eq3A_1387 = vector.broadcast %eq3A_1386 : i32 to vector<16xi32>
      %eq3A_1388 = arith.cmpi eq, %shift_right_logical3A_1367, %eq3A_1387 : vector<16xi32>
      %jit3A_1389 = arith.constant 0 : i32
      %broadcast_in_dim3A_1390 = vector.broadcast %jit3A_1389 : i32 to vector<16xi32>
      %select_n3A_1391 = arith.select %eq3A_1388, %shift_left3A_1371, %broadcast_in_dim3A_1390 : vector<16xi1>, vector<16xi32>
      %or3A_1392 = arith.ori %or3A_1318, %select_n3A_1391 : vector<16xi32>
      %eq3A_1393 = arith.constant 3 : i32
      %eq3A_1394 = vector.broadcast %eq3A_1393 : i32 to vector<16xi32>
      %eq3A_1395 = arith.cmpi eq, %shift_right_logical3A_1367, %eq3A_1394 : vector<16xi32>
      %jit3A_1396 = arith.constant 0 : i32
      %broadcast_in_dim3A_1397 = vector.broadcast %jit3A_1396 : i32 to vector<16xi32>
      %select_n3A_1398 = arith.select %eq3A_1395, %shift_left3A_1371, %broadcast_in_dim3A_1397 : vector<16xi1>, vector<16xi32>
      %or3A_1399 = arith.ori %or3A_1325, %select_n3A_1398 : vector<16xi32>
      %eq3A_1400 = arith.constant 4 : i32
      %eq3A_1401 = vector.broadcast %eq3A_1400 : i32 to vector<16xi32>
      %eq3A_1402 = arith.cmpi eq, %shift_right_logical3A_1367, %eq3A_1401 : vector<16xi32>
      %jit3A_1403 = arith.constant 0 : i32
      %broadcast_in_dim3A_1404 = vector.broadcast %jit3A_1403 : i32 to vector<16xi32>
      %select_n3A_1405 = arith.select %eq3A_1402, %shift_left3A_1371, %broadcast_in_dim3A_1404 : vector<16xi1>, vector<16xi32>
      %or3A_1406 = arith.ori %or3A_1332, %select_n3A_1405 : vector<16xi32>
      %eq3A_1407 = arith.constant 5 : i32
      %eq3A_1408 = vector.broadcast %eq3A_1407 : i32 to vector<16xi32>
      %eq3A_1409 = arith.cmpi eq, %shift_right_logical3A_1367, %eq3A_1408 : vector<16xi32>
      %jit3A_1410 = arith.constant 0 : i32
      %broadcast_in_dim3A_1411 = vector.broadcast %jit3A_1410 : i32 to vector<16xi32>
      %select_n3A_1412 = arith.select %eq3A_1409, %shift_left3A_1371, %broadcast_in_dim3A_1411 : vector<16xi1>, vector<16xi32>
      %or3A_1413 = arith.ori %or3A_1339, %select_n3A_1412 : vector<16xi32>
      %eq3A_1414 = arith.constant 6 : i32
      %eq3A_1415 = vector.broadcast %eq3A_1414 : i32 to vector<16xi32>
      %eq3A_1416 = arith.cmpi eq, %shift_right_logical3A_1367, %eq3A_1415 : vector<16xi32>
      %jit3A_1417 = arith.constant 0 : i32
      %broadcast_in_dim3A_1418 = vector.broadcast %jit3A_1417 : i32 to vector<16xi32>
      %select_n3A_1419 = arith.select %eq3A_1416, %shift_left3A_1371, %broadcast_in_dim3A_1418 : vector<16xi1>, vector<16xi32>
      %or3A_1420 = arith.ori %or3A_1346, %select_n3A_1419 : vector<16xi32>
      %eq3A_1421 = arith.constant 7 : i32
      %eq3A_1422 = vector.broadcast %eq3A_1421 : i32 to vector<16xi32>
      %eq3A_1423 = arith.cmpi eq, %shift_right_logical3A_1367, %eq3A_1422 : vector<16xi32>
      %jit3A_1424 = arith.constant 0 : i32
      %broadcast_in_dim3A_1425 = vector.broadcast %jit3A_1424 : i32 to vector<16xi32>
      %select_n3A_1426 = arith.select %eq3A_1423, %shift_left3A_1371, %broadcast_in_dim3A_1425 : vector<16xi1>, vector<16xi32>
      %or3A_1427 = arith.ori %or3A_1353, %select_n3A_1426 : vector<16xi32>
      %eq3A_1428 = arith.constant 8 : i32
      %eq3A_1429 = vector.broadcast %eq3A_1428 : i32 to vector<16xi32>
      %eq3A_1430 = arith.cmpi eq, %shift_right_logical3A_1367, %eq3A_1429 : vector<16xi32>
      %jit3A_1431 = arith.constant 0 : i32
      %broadcast_in_dim3A_1432 = vector.broadcast %jit3A_1431 : i32 to vector<16xi32>
      %select_n3A_1433 = arith.select %eq3A_1430, %shift_left3A_1371, %broadcast_in_dim3A_1432 : vector<16xi1>, vector<16xi32>
      %or3A_1434 = arith.ori %or3A_1360, %select_n3A_1433 : vector<16xi32>
      %add3A_1435 = arith.constant 19 : i32
      %add3A_1436 = vector.broadcast %add3A_1435 : i32 to vector<16xi32>
      %add3A_1437 = arith.addi %add3A_18, %add3A_1436 : vector<16xi32>
      %gather3A_1438 = tpu.vector_load_idx %arg4[%add3A_1437] : memref<5120xi32, #tpu.memory_space<vmem>>[vector<16xi32>], vector<16xi32>,
      %shift_right_logical3A_1439 = arith.constant 5 : i32
      %shift_right_logical3A_1440 = vector.broadcast %shift_right_logical3A_1439 : i32 to vector<16xi32>
      %shift_right_logical3A_1441 = arith.shrui %gather3A_1438, %shift_right_logical3A_1440 : vector<16xi32>
      %and3A_1442 = arith.constant 31 : i32
      %and3A_1443 = vector.broadcast %and3A_1442 : i32 to vector<16xi32>
      %and3A_1444 = arith.andi %gather3A_1438, %and3A_1443 : vector<16xi32>
      %shift_left3A_1445 = arith.shli %broadcast_in_dim3A_6, %and3A_1444 : vector<16xi32>
      %eq3A_1446 = arith.constant 0 : i32
      %eq3A_1447 = vector.broadcast %eq3A_1446 : i32 to vector<16xi32>
      %eq3A_1448 = arith.cmpi eq, %shift_right_logical3A_1441, %eq3A_1447 : vector<16xi32>
      %jit3A_1449 = arith.constant 0 : i32
      %broadcast_in_dim3A_1450 = vector.broadcast %jit3A_1449 : i32 to vector<16xi32>
      %select_n3A_1451 = arith.select %eq3A_1448, %shift_left3A_1445, %broadcast_in_dim3A_1450 : vector<16xi1>, vector<16xi32>
      %or3A_1452 = arith.ori %or3A_1378, %select_n3A_1451 : vector<16xi32>
      %eq3A_1453 = arith.constant 1 : i32
      %eq3A_1454 = vector.broadcast %eq3A_1453 : i32 to vector<16xi32>
      %eq3A_1455 = arith.cmpi eq, %shift_right_logical3A_1441, %eq3A_1454 : vector<16xi32>
      %jit3A_1456 = arith.constant 0 : i32
      %broadcast_in_dim3A_1457 = vector.broadcast %jit3A_1456 : i32 to vector<16xi32>
      %select_n3A_1458 = arith.select %eq3A_1455, %shift_left3A_1445, %broadcast_in_dim3A_1457 : vector<16xi1>, vector<16xi32>
      %or3A_1459 = arith.ori %or3A_1385, %select_n3A_1458 : vector<16xi32>
      %eq3A_1460 = arith.constant 2 : i32
      %eq3A_1461 = vector.broadcast %eq3A_1460 : i32 to vector<16xi32>
      %eq3A_1462 = arith.cmpi eq, %shift_right_logical3A_1441, %eq3A_1461 : vector<16xi32>
      %jit3A_1463 = arith.constant 0 : i32
      %broadcast_in_dim3A_1464 = vector.broadcast %jit3A_1463 : i32 to vector<16xi32>
      %select_n3A_1465 = arith.select %eq3A_1462, %shift_left3A_1445, %broadcast_in_dim3A_1464 : vector<16xi1>, vector<16xi32>
      %or3A_1466 = arith.ori %or3A_1392, %select_n3A_1465 : vector<16xi32>
      %eq3A_1467 = arith.constant 3 : i32
      %eq3A_1468 = vector.broadcast %eq3A_1467 : i32 to vector<16xi32>
      %eq3A_1469 = arith.cmpi eq, %shift_right_logical3A_1441, %eq3A_1468 : vector<16xi32>
      %jit3A_1470 = arith.constant 0 : i32
      %broadcast_in_dim3A_1471 = vector.broadcast %jit3A_1470 : i32 to vector<16xi32>
      %select_n3A_1472 = arith.select %eq3A_1469, %shift_left3A_1445, %broadcast_in_dim3A_1471 : vector<16xi1>, vector<16xi32>
      %or3A_1473 = arith.ori %or3A_1399, %select_n3A_1472 : vector<16xi32>
      %eq3A_1474 = arith.constant 4 : i32
      %eq3A_1475 = vector.broadcast %eq3A_1474 : i32 to vector<16xi32>
      %eq3A_1476 = arith.cmpi eq, %shift_right_logical3A_1441, %eq3A_1475 : vector<16xi32>
      %jit3A_1477 = arith.constant 0 : i32
      %broadcast_in_dim3A_1478 = vector.broadcast %jit3A_1477 : i32 to vector<16xi32>
      %select_n3A_1479 = arith.select %eq3A_1476, %shift_left3A_1445, %broadcast_in_dim3A_1478 : vector<16xi1>, vector<16xi32>
      %or3A_1480 = arith.ori %or3A_1406, %select_n3A_1479 : vector<16xi32>
      %eq3A_1481 = arith.constant 5 : i32
      %eq3A_1482 = vector.broadcast %eq3A_1481 : i32 to vector<16xi32>
      %eq3A_1483 = arith.cmpi eq, %shift_right_logical3A_1441, %eq3A_1482 : vector<16xi32>
      %jit3A_1484 = arith.constant 0 : i32
      %broadcast_in_dim3A_1485 = vector.broadcast %jit3A_1484 : i32 to vector<16xi32>
      %select_n3A_1486 = arith.select %eq3A_1483, %shift_left3A_1445, %broadcast_in_dim3A_1485 : vector<16xi1>, vector<16xi32>
      %or3A_1487 = arith.ori %or3A_1413, %select_n3A_1486 : vector<16xi32>
      %eq3A_1488 = arith.constant 6 : i32
      %eq3A_1489 = vector.broadcast %eq3A_1488 : i32 to vector<16xi32>
      %eq3A_1490 = arith.cmpi eq, %shift_right_logical3A_1441, %eq3A_1489 : vector<16xi32>
      %jit3A_1491 = arith.constant 0 : i32
      %broadcast_in_dim3A_1492 = vector.broadcast %jit3A_1491 : i32 to vector<16xi32>
      %select_n3A_1493 = arith.select %eq3A_1490, %shift_left3A_1445, %broadcast_in_dim3A_1492 : vector<16xi1>, vector<16xi32>
      %or3A_1494 = arith.ori %or3A_1420, %select_n3A_1493 : vector<16xi32>
      %eq3A_1495 = arith.constant 7 : i32
      %eq3A_1496 = vector.broadcast %eq3A_1495 : i32 to vector<16xi32>
      %eq3A_1497 = arith.cmpi eq, %shift_right_logical3A_1441, %eq3A_1496 : vector<16xi32>
      %jit3A_1498 = arith.constant 0 : i32
      %broadcast_in_dim3A_1499 = vector.broadcast %jit3A_1498 : i32 to vector<16xi32>
      %select_n3A_1500 = arith.select %eq3A_1497, %shift_left3A_1445, %broadcast_in_dim3A_1499 : vector<16xi1>, vector<16xi32>
      %or3A_1501 = arith.ori %or3A_1427, %select_n3A_1500 : vector<16xi32>
      %eq3A_1502 = arith.constant 8 : i32
      %eq3A_1503 = vector.broadcast %eq3A_1502 : i32 to vector<16xi32>
      %eq3A_1504 = arith.cmpi eq, %shift_right_logical3A_1441, %eq3A_1503 : vector<16xi32>
      %jit3A_1505 = arith.constant 0 : i32
      %broadcast_in_dim3A_1506 = vector.broadcast %jit3A_1505 : i32 to vector<16xi32>
      %select_n3A_1507 = arith.select %eq3A_1504, %shift_left3A_1445, %broadcast_in_dim3A_1506 : vector<16xi1>, vector<16xi32>
      %or3A_1508 = arith.ori %or3A_1434, %select_n3A_1507 : vector<16xi32>
      %mul3A_1509 = arith.constant 16 : i32
      %mul3A_1510 = arith.muli %scan3A_14, %mul3A_1509 : i32
      %add3A_1511 = vector.broadcast %mul3A_1510 : i32 to vector<16xi32>
      %add3A_1512 = arith.addi %add3A_1511, %iota3A : vector<16xi32>
      %mul3A_1513 = arith.constant 16 : i32
      %mul3A_1514 = vector.broadcast %mul3A_1513 : i32 to vector<16xi32>
      %mul3A_1515 = arith.muli %add3A_1512, %mul3A_1514 : vector<16xi32>
      %add3A_1516 = arith.constant 0 : i32
      %add3A_1517 = vector.broadcast %add3A_1516 : i32 to vector<16xi32>
      %add3A_1518 = arith.addi %mul3A_1515, %add3A_1517 : vector<16xi32>
      tpu.vector_store_idx %arg5[%add3A_1518], %or3A_1452 : memref<4096xi32, #tpu.memory_space<vmem>>[vector<16xi32>], vector<16xi32>,
      %add3A_1519 = arith.constant 1 : i32
      %add3A_1520 = vector.broadcast %add3A_1519 : i32 to vector<16xi32>
      %add3A_1521 = arith.addi %mul3A_1515, %add3A_1520 : vector<16xi32>
      tpu.vector_store_idx %arg5[%add3A_1521], %or3A_1459 : memref<4096xi32, #tpu.memory_space<vmem>>[vector<16xi32>], vector<16xi32>,
      %add3A_1522 = arith.constant 2 : i32
      %add3A_1523 = vector.broadcast %add3A_1522 : i32 to vector<16xi32>
      %add3A_1524 = arith.addi %mul3A_1515, %add3A_1523 : vector<16xi32>
      tpu.vector_store_idx %arg5[%add3A_1524], %or3A_1466 : memref<4096xi32, #tpu.memory_space<vmem>>[vector<16xi32>], vector<16xi32>,
      %add3A_1525 = arith.constant 3 : i32
      %add3A_1526 = vector.broadcast %add3A_1525 : i32 to vector<16xi32>
      %add3A_1527 = arith.addi %mul3A_1515, %add3A_1526 : vector<16xi32>
      tpu.vector_store_idx %arg5[%add3A_1527], %or3A_1473 : memref<4096xi32, #tpu.memory_space<vmem>>[vector<16xi32>], vector<16xi32>,
      %add3A_1528 = arith.constant 4 : i32
      %add3A_1529 = vector.broadcast %add3A_1528 : i32 to vector<16xi32>
      %add3A_1530 = arith.addi %mul3A_1515, %add3A_1529 : vector<16xi32>
      tpu.vector_store_idx %arg5[%add3A_1530], %or3A_1480 : memref<4096xi32, #tpu.memory_space<vmem>>[vector<16xi32>], vector<16xi32>,
      %add3A_1531 = arith.constant 5 : i32
      %add3A_1532 = vector.broadcast %add3A_1531 : i32 to vector<16xi32>
      %add3A_1533 = arith.addi %mul3A_1515, %add3A_1532 : vector<16xi32>
      tpu.vector_store_idx %arg5[%add3A_1533], %or3A_1487 : memref<4096xi32, #tpu.memory_space<vmem>>[vector<16xi32>], vector<16xi32>,
      %add3A_1534 = arith.constant 6 : i32
      %add3A_1535 = vector.broadcast %add3A_1534 : i32 to vector<16xi32>
      %add3A_1536 = arith.addi %mul3A_1515, %add3A_1535 : vector<16xi32>
      tpu.vector_store_idx %arg5[%add3A_1536], %or3A_1494 : memref<4096xi32, #tpu.memory_space<vmem>>[vector<16xi32>], vector<16xi32>,
      %add3A_1537 = arith.constant 7 : i32
      %add3A_1538 = vector.broadcast %add3A_1537 : i32 to vector<16xi32>
      %add3A_1539 = arith.addi %mul3A_1515, %add3A_1538 : vector<16xi32>
      tpu.vector_store_idx %arg5[%add3A_1539], %or3A_1501 : memref<4096xi32, #tpu.memory_space<vmem>>[vector<16xi32>], vector<16xi32>,
      %add3A_1540 = arith.constant 8 : i32
      %add3A_1541 = vector.broadcast %add3A_1540 : i32 to vector<16xi32>
      %add3A_1542 = arith.addi %mul3A_1515, %add3A_1541 : vector<16xi32>
      tpu.vector_store_idx %arg5[%add3A_1542], %or3A_1508 : memref<4096xi32, #tpu.memory_space<vmem>>[vector<16xi32>], vector<16xi32>,
    }
    %scan3A_11 = arith.constant 16 : i32
    %mul3A_12 = arith.constant 4096 : i32
    %mul3A_13 = arith.muli %add3A, %mul3A_12 : i32
    "tpu.region"() ({
      %run_scoped3A = tpu.sem_alloc : memref<!tpu.dma_semaphore, #tpu.memory_space<semaphore_mem>>
      %dma_start3A = tpu.memref_slice %arg3[%mul3A_13] : memref<131072xi32, #tpu.memory_space<hbm>> -> memref<4096xi32, #tpu.memory_space<hbm>>
      %dma_start3A_14 = tpu.memref_slice %arg3[%mul3A_13] : memref<131072xi32, #tpu.memory_space<hbm>> -> memref<4096xi32, #tpu.memory_space<hbm>>
      tpu.enqueue_dma source(%arg5 : memref<4096xi32, #tpu.memory_space<vmem>>) target(%dma_start3A_14 : memref<4096xi32, #tpu.memory_space<hbm>>) target_semaphore(%run_scoped3A : memref<!tpu.dma_semaphore, #tpu.memory_space<semaphore_mem>>)
      %dma_wait3A = tpu.memref_slice %arg3[%mul3A_13] : memref<131072xi32, #tpu.memory_space<hbm>> -> memref<4096xi32, #tpu.memory_space<hbm>>
      %dma_wait3A_15 = tpu.memref_slice %arg3[%mul3A_13] : memref<131072xi32, #tpu.memory_space<hbm>> -> memref<4096xi32, #tpu.memory_space<hbm>>
      tpu.wait_dma2 semaphore(%run_scoped3A : memref<!tpu.dma_semaphore, #tpu.memory_space<semaphore_mem>>) src(%arg5 : memref<4096xi32, #tpu.memory_space<vmem>>) dst(%dma_wait3A_15 : memref<4096xi32, #tpu.memory_space<hbm>>)
      tpu.yield
    }) : () -> ()
    return
  }
}

module attributes {stable_mosaic.version = 14 : i64} {
  func.func @_body(%arg0: i32, %arg1: memref<2048x16xi32, #tpu.memory_space<vmem>>, %arg2: memref<2048x16xi32, #tpu.memory_space<vmem>>, %arg3: memref<280x1024xf32, #tpu.memory_space<vmem>>, %arg4: memref<1x1024xf32, #tpu.memory_space<vmem>>, %arg5: memref<2048x1024xf32, #tpu.memory_space<vmem>>) attributes {dimension_semantics = [#tpu.dimension_semantics<arbitrary>], iteration_bounds = array<i64: 8>, scalar_prefetch = 0 : i64, scratch_operands = 0 : i64, tpu.core_type = #tpu.core_type<tc>, window_params = [{transform_indices = @transform_0, window_bounds = array<i64: 2048, 16>}, {transform_indices = @transform_1, window_bounds = array<i64: 2048, 16>}, {pipeline_mode = #tpu.pipeline_mode<synchronous>, transform_indices = @transform_2, window_bounds = array<i64: 280, 1024>}, {pipeline_mode = #tpu.pipeline_mode<synchronous>, transform_indices = @transform_3, window_bounds = array<i64: 1, 1024>}, {transform_indices = @transform_4, window_bounds = array<i64: 2048, 1024>}]} {
    %lt3A = arith.constant 4 : i32
    %lt3A_0 = arith.cmpi slt, %arg0, %lt3A : i32
    %get3A = arith.constant 0 : index
    %get3A_1 = arith.constant 0 : index
    %get3A_2 = vector.load %arg1[%get3A, %get3A_1] : memref<2048x16xi32, #tpu.memory_space<vmem>>, vector<2048x16xi32>
    %get3A_3 = arith.constant 0 : index
    %get3A_4 = arith.constant 0 : index
    %get3A_5 = vector.load %arg2[%get3A_3, %get3A_4] : memref<2048x16xi32, #tpu.memory_space<vmem>>, vector<2048x16xi32>
    %select_n3A = arith.select %lt3A_0, %get3A_2, %get3A_5 : vector<2048x16xi32>
    %iota3A = tpu.iota {dimensions = array<i32: 1>} : vector<1x280xi32>
    %iota3A_6 = vector.shape_cast %iota3A : vector<1x280xi32> to vector<280xi32>
    %broadcast_in_dim3A = vector.shape_cast %iota3A_6 : vector<280xi32> to vector<1x280xi32>
    %jit3A = arith.constant 32 : i32
    %div3A = vector.broadcast %jit3A : i32 to vector<1x280xi32>
    %div3A_7 = arith.divsi %broadcast_in_dim3A, %div3A : vector<1x280xi32>
    %sign3A = arith.constant 0 : i32
    %sign3A_8 = vector.broadcast %sign3A : i32 to vector<1x280xi32>
    %sign3A_9 = arith.cmpi sgt, %broadcast_in_dim3A, %sign3A_8 : vector<1x280xi32>
    %sign3A_10 = arith.extui %sign3A_9 : vector<1x280xi1> to vector<1x280xi32>
    %sign3A_11 = arith.constant 0 : i32
    %sign3A_12 = vector.broadcast %sign3A_11 : i32 to vector<1x280xi32>
    %sign3A_13 = arith.cmpi slt, %broadcast_in_dim3A, %sign3A_12 : vector<1x280xi32>
    %sign3A_14 = arith.extui %sign3A_13 : vector<1x280xi1> to vector<1x280xi32>
    %sign3A_15 = arith.subi %sign3A_10, %sign3A_14 : vector<1x280xi32>
    %sign3A_16 = arith.constant 0 : i32
    %sign3A_17 = arith.cmpi sgt, %jit3A, %sign3A_16 : i32
    %sign3A_18 = arith.extui %sign3A_17 : i1 to i32
    %sign3A_19 = arith.constant 0 : i32
    %sign3A_20 = arith.cmpi slt, %jit3A, %sign3A_19 : i32
    %sign3A_21 = arith.extui %sign3A_20 : i1 to i32
    %sign3A_22 = arith.subi %sign3A_18, %sign3A_21 : i32
    %ne3A = vector.broadcast %sign3A_22 : i32 to vector<1x280xi32>
    %ne3A_23 = arith.cmpi ne, %sign3A_15, %ne3A : vector<1x280xi32>
    %rem3A = vector.broadcast %jit3A : i32 to vector<1x280xi32>
    %rem3A_24 = arith.remsi %broadcast_in_dim3A, %rem3A : vector<1x280xi32>
    %ne3A_25 = arith.constant 0 : i32
    %ne3A_26 = vector.broadcast %ne3A_25 : i32 to vector<1x280xi32>
    %ne3A_27 = arith.cmpi ne, %rem3A_24, %ne3A_26 : vector<1x280xi32>
    %and3A = arith.andi %ne3A_23, %ne3A_27 : vector<1x280xi1>
    %sub3A = arith.constant 1 : i32
    %sub3A_28 = vector.broadcast %sub3A : i32 to vector<1x280xi32>
    %sub3A_29 = arith.subi %div3A_7, %sub3A_28 : vector<1x280xi32>
    %select_n3A_30 = arith.select %and3A, %sub3A_29, %div3A_7 : vector<1x280xi1>, vector<1x280xi32>
    %broadcast_in_dim3A_31 = vector.shape_cast %select_n3A_30 : vector<1x280xi32> to vector<1x280xi32>
    %broadcast_in_dim3A_32 = vector.broadcast %broadcast_in_dim3A_31 : vector<1x280xi32> to vector<2048x280xi32>
    %lt3A_33 = arith.constant 0 : i32
    %lt3A_34 = vector.broadcast %lt3A_33 : i32 to vector<2048x280xi32>
    %lt3A_35 = arith.cmpi slt, %broadcast_in_dim3A_32, %lt3A_34 : vector<2048x280xi32>
    %add3A = arith.constant 16 : i32
    %add3A_36 = vector.broadcast %add3A : i32 to vector<2048x280xi32>
    %add3A_37 = arith.addi %broadcast_in_dim3A_32, %add3A_36 : vector<2048x280xi32>
    %select_n3A_38 = arith.select %lt3A_35, %add3A_37, %broadcast_in_dim3A_32 : vector<2048x280xi1>, vector<2048x280xi32>
    %reshape3A = vector.shape_cast %select_n3A_38 : vector<2048x280xi32> to vector<2048x280x1xi32>
    %gather3A = vector.shape_cast %reshape3A : vector<2048x280x1xi32> to vector<2048x280xi32>
    %gather3A_39 = tpu.dynamic_gather %select_n3A[%gather3A] in [1] : vector<2048x16xi32>, vector<2048x280xi32> -> vector<2048x280xi32>
    %iota3A_40 = tpu.iota {dimensions = array<i32: 1>} : vector<1x280xi32>
    %jit3A_41 = arith.constant 32 : i32
    %eq3A = arith.constant 0 : i32
    %eq3A_42 = arith.cmpi eq, %jit3A_41, %eq3A : i32
    %jit3A_43 = arith.constant 1 : i32
    %select_n3A_44 = arith.select %eq3A_42, %jit3A_43, %jit3A_41 : i32
    %rem3A_45 = vector.broadcast %select_n3A_44 : i32 to vector<1x280xi32>
    %rem3A_46 = arith.remsi %iota3A_40, %rem3A_45 : vector<1x280xi32>
    %ne3A_47 = arith.constant 0 : i32
    %ne3A_48 = vector.broadcast %ne3A_47 : i32 to vector<1x280xi32>
    %ne3A_49 = arith.cmpi ne, %rem3A_46, %ne3A_48 : vector<1x280xi32>
    %lt3A_50 = arith.constant 0 : i32
    %lt3A_51 = vector.broadcast %lt3A_50 : i32 to vector<1x280xi32>
    %lt3A_52 = arith.cmpi slt, %rem3A_46, %lt3A_51 : vector<1x280xi32>
    %lt3A_53 = arith.constant 0 : i32
    %lt3A_54 = arith.cmpi slt, %select_n3A_44, %lt3A_53 : i32
    %ne3A_55 = vector.broadcast %lt3A_54 : i1 to vector<1x280xi1>
    %ne3A_56 = vector.broadcast %ne3A_55 : vector<1x280xi1> to vector<1x280xi1>
    %ne3A_57 = arith.xori %lt3A_52, %ne3A_56 : vector<1x280xi1>
    %and3A_58 = arith.andi %ne3A_57, %ne3A_49 : vector<1x280xi1>
    %add3A_59 = vector.broadcast %select_n3A_44 : i32 to vector<1x280xi32>
    %add3A_60 = arith.addi %rem3A_46, %add3A_59 : vector<1x280xi32>
    %select_n3A_61 = arith.select %and3A_58, %add3A_60, %rem3A_46 : vector<1x280xi1>, vector<1x280xi32>
    %shift_right_logical3A = vector.broadcast %select_n3A_61 : vector<1x280xi32> to vector<2048x280xi32>
    %shift_right_logical3A_62 = arith.shrui %gather3A_39, %shift_right_logical3A : vector<2048x280xi32>
    %and3A_63 = arith.constant 1 : i32
    %and3A_64 = vector.broadcast %and3A_63 : i32 to vector<2048x280xi32>
    %and3A_65 = arith.andi %shift_right_logical3A_62, %and3A_64 : vector<2048x280xi32>
    %convert_element_type3A = arith.sitofp %and3A_65 : vector<2048x280xi32> to vector<2048x280xbf16>
    %get3A_66 = arith.constant 0 : index
    %get3A_67 = arith.constant 0 : index
    %get3A_68 = vector.load %arg3[%get3A_66, %get3A_67] : memref<280x1024xf32, #tpu.memory_space<vmem>>, vector<280x1024xf32>
    %convert_element_type3A_69 = arith.truncf %get3A_68 : vector<280x1024xf32> to vector<280x1024xbf16>
    %dot_general3A = arith.constant dense<0.000000e+00> : vector<2048x1024xf32>
    %dot_general3A_70 = tpu.matmul %convert_element_type3A, %convert_element_type3A_69, %dot_general3A {dimension_numbers = #tpu.dot_dimension_numbers<[1], [0], [0], [1], [0, 0, 1, 1], [], []>, transpose_lhs_hint = false} : vector<2048x280xbf16>, vector<280x1024xbf16>, vector<2048x1024xf32> -> vector<2048x1024xf32>
    %get3A_71 = arith.constant 0 : index
    %get3A_72 = arith.constant 0 : index
    %get3A_73 = vector.load %arg4[%get3A_71, %get3A_72] : memref<1x1024xf32, #tpu.memory_space<vmem>>, vector<1x1024xf32>
    %add3A_74 = vector.broadcast %get3A_73 : vector<1x1024xf32> to vector<2048x1024xf32>
    %add3A_75 = arith.addf %dot_general3A_70, %add3A_74 : vector<2048x1024xf32>
    %swap3A = arith.constant 0 : index
    %swap3A_76 = arith.constant 0 : index
    %swap3A_77 = vector.load %arg5[%swap3A, %swap3A_76] : memref<2048x1024xf32, #tpu.memory_space<vmem>>, vector<2048x1024xf32>
    tpu.vector_store %arg5[%swap3A, %swap3A_76], %add3A_75 {strides = array<i32>} : memref<2048x1024xf32, #tpu.memory_space<vmem>>, vector<2048x1024xf32>,
    return
  }
  func.func @transform_0(%arg0: i32) -> (i32, i32) {
    %min3A = arith.constant 3 : i32
    %min3A_0 = arith.minsi %arg0, %min3A : i32
    %c0_i32 = arith.constant 0 : i32
    %c0_i32_1 = arith.constant 0 : i32
    return %min3A_0, %c0_i32 : i32, i32
  }
  func.func @transform_1(%arg0: i32) -> (i32, i32) {
    %sub3A = arith.constant 4 : i32
    %sub3A_0 = arith.subi %arg0, %sub3A : i32
    %max3A = arith.constant 0 : i32
    %max3A_1 = arith.maxsi %sub3A_0, %max3A : i32
    %c0_i32 = arith.constant 0 : i32
    %c0_i32_2 = arith.constant 0 : i32
    return %max3A_1, %c0_i32 : i32, i32
  }
  func.func @transform_2(%arg0: i32) -> (i32, i32) {
    %c0_i32 = arith.constant 0 : i32
    %c0_i32_0 = arith.constant 0 : i32
    %c0_i32_1 = arith.constant 0 : i32
    return %c0_i32, %c0_i32_0 : i32, i32
  }
  func.func @transform_3(%arg0: i32) -> (i32, i32) {
    %c0_i32 = arith.constant 0 : i32
    %c0_i32_0 = arith.constant 0 : i32
    %c0_i32_1 = arith.constant 0 : i32
    return %c0_i32, %c0_i32_0 : i32, i32
  }
  func.func @transform_4(%arg0: i32) -> (i32, i32) {
    %c0_i32 = arith.constant 0 : i32
    %c0_i32_0 = arith.constant 0 : i32
    return %arg0, %c0_i32 : i32, i32
  }
}

</mosaic_0001>

<sc_bundles>
// kernel: kernel.5.cloned.1.call-start
scs
__scs_entry_jumppad:
0x0: {  	(pc) =	sbr.rel $0x88, $3  }
0x1: {  	(tag) =	ssettag $0x0;
	lr =	simm.s32 $0x1  }
0x2: {  	[smem:$0x3F9E] =	sst lr;
	_ =	strace $0xD0000000  }
0x3: {  	_ = 	snop  }
0x4: {  	_ = 	snop  }
0x5: {  	_ = 	snop  }
0x6: {  	_ = 	snop  }
0x7: {  	_ = 	snop  }
__scs_overlays_trampoline_lowered:
0x8: {  	[smem:$0x3FAD] =	sst s0  }
0x9: {  	[smem:$0x3FAE] =	sst s1  }
0xa: {  	[smem:$0x3FAF] =	sst s2  }
0xb: {  	[smem:$0x3FB0] =	sst s3  }
0xc: {  	[smem:$0x3FB1] =	sst s4  }
0xd: {  	[smem:$0x3FB2] =	sst s5  }
0xe: {  	[smem:$0x3FB3] =	sst s6  }
0xf: {  	[smem:$0x3FB4] =	sst s7  }
0x10: {  	[smem:$0x3FB5] =	sst s8  }
0x11: {  	[smem:$0x3FB6] =	sst s9;
	s0 =	simm.s32 @!p0 $0x0  }
0x12: {  	s1 =	sld [smem:$0x3F9C];
	s0 =	simm.s32 @p0 $0x1  }
0x13: {  	[smem:$0x3FB7] =	sst s0;
	s0 =	simm.s32 @!p1 $0x0  }
0x14: {  	s2 =	sld [smem:$0x3F9B];
	s0 =	simm.s32 @p1 $0x1  }
0x15: {  	[smem:$0x3FB8] =	sst s0;
	s0 =	simm.s32 @!p2 $0x0  }
0x16: {  	s3 =	sld [smem:$0x3FDB];
	s0 =	simm.s32 @p2 $0x1  }
0x17: {  	s4 =	simm.s32 $0x1BF5;
	[smem:$0x3FBA] =	sst s0  }
0x18: {  	s0 =	sld [smem:$0x3F9D];
	_ =	swait.ge [sflag:s4], $0x0  }
0x19: {  	s7 =	sld [smem:$0x3F9E]  }
0x1a: {  	s8 =	sadd.s32 $0xFFFFE003, lr  }
0x1b: {  	s9 =	sadd.s32 $0xFFFFFEF7, lr;
	s5 =	simm.s32 $0xFFFFFFFF;
	p2 =	slt.u32 s8, $0xFFFFF086  }
0x1c: {  	p1 =	slt.u32 s9, $0xF7A;
	s5 =	simm.s32 @!p2 $0x0  }
0x1d: {  	s5 =	simm.s32 @p1 $0x1;
	p0 =	seq.s32 s7, s2  }
0x1e: {  	s7 =	smul.u32 @!p0 $0xF7A, s2;
	p2 =	seq.s32 @!p0 s5, $0x0  }
0x1f: {  	s9 =	smul.u32 $0xF7A, s1;
	s8 =	simm.s32 @!p0 $0x1BF5;
	p2 =	por !p2, p0  }
0x20: {  	[sflag:s8] =	ssyncset.s32 @!p0 $0xFFFFF086;
	s6 =	sadd.s32 @!p0 s3, s7;
	s7 =	simm.s32 @!p0 $0x108  }
0x21: {  	s3 =	sadd.s32 s3, s9;
	s6 =	sadd.s32 @!p0 $0x88, s6;
	s7 =	simm.s32 @p2 $0x1082  }
0x22: {  	[simem:s7], [sflag:s8] =	dma.local @!p0 [hbm:s6], $0xF7A  }
0x23: {  	s9 =	sor.u32 $0xD0000000, s2;
	s6 =	simm.s32 $0x108;
	_ =	swait.ge @!p0 [sflag:s8], $0x0  }
0x24: {  	s3 =	sadd.s32 $0x88, s3;
	s6 =	simm.s32 @!p1 $0x1082;
	[sflag:s4] =	ssyncset.s32 $0xFFFFF086  }
0x25: {  	[simem:s6], [sflag:s4] =	dma.local [hbm:s3], $0xF7A  }
0x26: {  	[smem:$0x3F9E] =	sst s1;
	(tag) =	ssettag s2;
	_ =	strace s9  }
0x27: {  	s1 =	sld [smem:$0x3FAE]  }
0x28: {  	s2 =	sld [smem:$0x3FAF]  }
0x29: {  	s4 =	sld [smem:$0x3FB1]  }
0x2a: {  	p0 =	seq.s32 s5, $0x0;
	s5 =	sld [smem:$0x3FB2]  }
0x2b: {  	s6 =	sld [smem:$0x3FB3]  }
0x2c: {  	s7 =	sld [smem:$0x3FB4]  }
0x2d: {  	s3 =	simm.s32 $0x108;
	s8 =	sld [smem:$0x3FB5]  }
0x2e: {  	s3 =	simm.s32 @!p0 $0x1082;
	s9 =	sld [smem:$0x3FB6]  }
0x2f: {  	lr =	sadd.s32 s0, s3;
	s0 =	sld [smem:$0x3FAD]  }
0x30: {  	s3 =	sld [smem:$0x3FB0]  }
0x31: {  	[smem:$0x3FB9] =	sst s10  }
0x32: {  	s10 =	sld [smem:$0x3FB7];
	_ =	sdelay $0x3  }
0x33: {  	p0 =	seq.s32 s10, $0x1;
	s10 =	sld [smem:$0x3FB9];
	_ =	sdelay $0x3  }
0x34: {  	[smem:$0x3FB9] =	sst s10  }
0x35: {  	s10 =	sld [smem:$0x3FB8];
	_ =	sdelay $0x3  }
0x36: {  	p1 =	seq.s32 s10, $0x1;
	s10 =	sld [smem:$0x3FB9];
	_ =	sdelay $0x3  }
0x37: {  	[smem:$0x3FB9] =	sst s10  }
0x38: {  	s10 =	sld [smem:$0x3FBA]  }
0x39: {  	_ = 	snop;
	(pc) =	sbr.ind lr, $3  }
0x3a: {  	_ = 	snop  }
0x3b: {  	_ = 	snop  }
0x3c: {  	p2 =	seq.s32 s10, $0x1;
	s10 =	sld [smem:$0x3FB9]  }
0x3d: {  	_ =	shalt  }
0x3e: {  	_ =	shalt  }
0x3f: {  	_ =	shalt  }
0x40: {  	_ =	shalt  }
0x41: {  	_ =	shalt  }
0x42: {  	_ =	shalt  }
0x43: {  	_ =	shalt  }
0x44: {  	_ =	shalt  }
0x45: {  	_ =	shalt  }
0x46: {  	_ =	shalt  }
0x47: {  	_ =	shalt  }
0x48: {  	_ =	shalt  }
0x49: {  	_ =	shalt  }
0x4a: {  	_ =	shalt  }
0x4b: {  	_ =	shalt  }
0x4c: {  	_ =	shalt  }
0x4d: {  	_ =	shalt  }
0x4e: {  	_ =	shalt  }
0x4f: {  	_ =	shalt  }
0x50: {  	_ =	shalt  }
0x51: {  	_ =	shalt  }
0x52: {  	_ =	shalt  }
0x53: {  	_ =	shalt  }
0x54: {  	_ =	shalt  }
0x55: {  	_ =	shalt  }
0x56: {  	_ =	shalt  }
0x57: {  	_ =	shalt  }
0x58: {  	_ =	shalt  }
0x59: {  	_ =	shalt  }
0x5a: {  	_ =	shalt  }
0x5b: {  	_ =	shalt  }
0x5c: {  	_ =	shalt  }
0x5d: {  	_ =	shalt  }
0x5e: {  	_ =	shalt  }
0x5f: {  	_ =	shalt  }
0x60: {  	_ =	shalt  }
0x61: {  	_ =	shalt  }
0x62: {  	_ =	shalt  }
0x63: {  	_ =	shalt  }
0x64: {  	_ =	shalt  }
0x65: {  	_ =	shalt  }
0x66: {  	_ =	shalt  }
0x67: {  	_ =	shalt  }
0x68: {  	_ =	shalt  }
0x69: {  	_ =	shalt  }
0x6a: {  	_ =	shalt  }
0x6b: {  	_ =	shalt  }
0x6c: {  	_ =	shalt  }
0x6d: {  	_ =	shalt  }
0x6e: {  	_ =	shalt  }
0x6f: {  	_ =	shalt  }
0x70: {  	_ =	shalt  }
0x71: {  	_ =	shalt  }
0x72: {  	_ =	shalt  }
0x73: {  	_ =	shalt  }
0x74: {  	_ =	shalt  }
0x75: {  	_ =	shalt  }
0x76: {  	_ =	shalt  }
0x77: {  	_ =	shalt  }
0x78: {  	_ =	shalt  }
0x79: {  	_ =	shalt  }
0x7a: {  	_ =	shalt  }
0x7b: {  	_ =	shalt  }
0x7c: {  	_ =	shalt  }
0x7d: {  	_ =	shalt  }
0x7e: {  	_ =	shalt  }
0x7f: {  	_ =	shalt  }
0x80: {  	_ =	shalt  }
0x81: {  	_ =	shalt  }
0x82: {  	_ =	shalt  }
0x83: {  	_ =	shalt  }
0x84: {  	_ =	shalt  }
0x85: {  	_ =	shalt  }
0x86: {  	_ =	shalt  }
0x87: {  	_ =	shalt  }
.Lfunc_end0:
.L_simem_size_0:
called_computation_lowered:
.L_overlay_start_0:
0x88: {  	s2 =	sld [smem:$0x3FD9]  }
0x89: {  	s3 =	sld [smem:$0x3FFE];
	_ =	sdelay $0x1  }
0x8a: {  	s1 =	srdreg.scid  }
0x8b: {  	s0 =	sand.u32 $0x1, s1  }
0x8c: {  	s17 =	sshll.u32 s0, $0xA;
	s2 =	sadd.s32 s3, s2  }
0x8d: {  	s2 =	sadd.s32 s2, s17  }
0x8e: {  	[smem:$0x3FC5] =	sst s2  }
0x8f: {  	_ = 	snop  }
0x90: {  	s18 =	sld [smem:$0x3FD0];
	(tm) =	ssettm $0x1  }
0x91: {  	s19 =	sld [smem:$0x3FFB];
	_ =	sdelay $0x3  }
0x92: {  	_ =	strace s19  }
0x93: {  	s2 =	sld [smem:$0x3FFC];
	_ =	sdelay $0x3  }
0x94: {  	_ =	strace s2  }
0x95: {  	s2 =	sld [smem:$0x3FFD];
	_ =	sdelay $0x3  }
0x96: {  	_ =	strace s2  }
0x97: {  	_ =	strace $0x8FFFFFFF  }
0x98: {  	s20 =	sld [smem:$0x3FDB];
	_ =	sdelay $0x1  }
0x99: {  	s4 =	simm.s32 $_scs_section_size  }
0x9a: {  	s5 =	simm.s32 $_size__tile_overlayer_lowered;
	s6 =	simm.s32 $_tile_overlayer_lowered  }
0x9b: {  	s7 =	simm.s32 $0x1BFF;
	s21 =	sshll.u32 s6, $0x1;
	s4 =	sadd.s32 s4, s20  }
0x9c: {  	s22 =	simm.s32 $0x0;
	s5 =	sshll.u32 s5, $0x1;
	s6 =	sadd.s32 s21, s4  }
0x9d: {  	[timem:s22], [sflag:s7] =	dma.local [hbm:s6], s5  }
0x9e: {  	_ =	swait.ge [sflag:s7], s5  }
0x9f: {  	s5 =	ssub.s32 $0x0, s5;
	[sflag:s7] =	ssyncset.done $0x0  }
0xa0: {  	[sflag:s7] =	ssyncadd.s32 s5;
	_ =	sdelay $0x1  }
0xa1: {  	s23 =	simm.s32 $0x1B8B  }
0xa2: {  	_ =	swait.ge [sflag:s23], $0x1  }
0xa3: {  	[sflag:s23] =	ssyncset.done $0x0  }
0xa4: {  	[sflag:s23] =	ssyncadd.s32 $0xFFFFFFFF  }
0xa5: {  	s5 =	sld [smem:$0x0]  }
0xa6: {  	s6 =	sand.u32 $0xFFFFFFFE, s1  }
0xa7: {  	p0 =	sne.s32 s1, s6  }
0xa8: {  	s6 =	sshll.u32 @p0 s6, $0xE  }
0xa9: {  	s6 =	sadd.s32 @p0 $0x11B8D, s6;
	s7 =	sshll.u32 @p0 s5, $0x11  }
0xaa: {  	s6 =	sor.u32 @p0 s7, s6  }
0xab: {  	[sflag:s6] =	ssyncadd.remote.s32 @p0 $0x1;
	_ =	sdelay $0x1  }
0xac: {  	s6 =	simm.s32 @p0 $0x1B8D  }
0xad: {  	_ =	swait.eq @p0 [sflag:s6], $0x1  }
0xae: {  	[sflag:s6] =	ssyncadd.s32 @p0 $0xFFFFFFFF  }
0xaf: {  	s7 =	sshll.u32 @!p0 s1, $0xE  }
0xb0: {  	s7 =	sor.u32 @!p0 $0x4000, s7;
	s6 =	simm.s32 @!p0 $0x1B8D  }
0xb1: {  	s5 =	sshll.u32 @!p0 s5, $0x11;
	s7 =	sadd.s32 @!p0 $0x11B8D, s7;
	_ =	swait.eq @!p0 [sflag:s6], $0x1  }
0xb2: {  	s5 =	sor.u32 @!p0 s5, s7;
	[sflag:s6] =	ssyncadd.s32 @!p0 $0xFFFFFFFF  }
0xb3: {  	s25 =	simm.s32 $0x1B8E;
	s24 =	sld [smem:$0x3FFE];
	[sflag:s5] =	ssyncadd.remote.s32 @!p0 $0x1  }
0xb4: {  	s26 =	simm.s32 $execute0_lowered;
	[smem:$0x3FD2] =	sst s25  }
0xb5: {  	s6 =	sshll.u32 s26, $0x1;
	_ =	strace $0x80000049;
	[dreg:$0x1] =	wrdreg $0xFFFFFFFF  }
0xb6: {  	s28 =	simm.s32 $_size_execute0_lowered;
	s4 =	sadd.s32 s4, s6;
	[dreg:$0x0] =	wrdreg $0x0  }
0xb7: {  	s6 =	sshll.u32 s28, $0x1;
	[dreg:$0x2] =	wrdreg s4  }
0xb8: {  	[dreg:$0x3] =	wrdreg s6  }
0xb9: {  	[dreg:$0x4] =	wrdreg $0xC0  }
0xba: {  	_ =	task [dreg:s22], $0x5FFFF  }
0xbb: {  	[dreg:$0x1] =	wrdreg $0xFFFFFFFF  }
0xbc: {  	[dreg:$0x0] =	wrdreg $0x60  }
0xbd: {  	[dreg:$0x2] =	wrdreg s18  }
0xbe: {  	[dreg:$0x3] =	wrdreg s24  }
0xbf: {  	[dreg:$0x4] =	wrdreg $0x9  }
0xc0: {  	_ =	task.clear_ibuf [dreg:s22], $0x5FFFF;
	_ =	strace $0x90000049  }
0xc1: {  	s29 =	simm.s32 $0x9;
	_ =	strace $0x8000004B  }
0xc2: {  	_ =	swait.ge [sflag:s29], $0x1  }
0xc3: {  	[sflag:s29] =	ssyncadd.s32 $0xFFFFFFFF  }
0xc4: {  	_ =	strace $0x9000004B  }
0xc5: {  	_ =	sfence  }
0xc6: {  	s30 =	sld [smem:$0x0];
	_ =	sdelay $0x2  }
0xc7: {  	s31 =	sshll.u32 s1, $0xD;
	s1 =	sshrl.u32 s1, $0x2  }
0xc8: {  	s4 =	sand.u32 $0x4000, s31;
	s1 =	sadd.s32 s1, s30  }
0xc9: {  	s0 =	sor.u32 s4, s0;
	s1 =	sshll.u32 s1, $0x11  }
0xca: {  	s0 =	sor.u32 s1, s0  }
0xcb: {  	s0 =	sadd.s32 $0x8F2B, s0  }
0xcc: {  	[sflag:s0] =	ssyncadd.remote.s32 $0x1  }
0xcd: {  	_ =	sfence.sel $0xFFFF  }
0xce: {  	[dreg:$0x0] =	wrdreg $0xFFFFFFFF;
	(pc) =	sbr.abs _section_cstart, $3  }
0xcf: {  	[dreg:$0x1] =	wrdreg $0xFFFFFFFF  }
0xd0: {  	_ =	task.clear_ibuf [dreg:s22], $0x2FFFF;
	_ =	strace $0x9FFFFFFF  }
0xd1: {  	(tm) =	ssettm $0x7FFFFFFF  }
tec
execute0_lowered:
.L_overlay_start_1:
0x0: {  	(tag) =	ssettag $0x1  }
0x1: {  	s3 =	rddreg [dreg:$0x0];
	v2 =	vlaneseq.u32  }
0x2: {  	s4 =	rddreg [dreg:$0x1];
	v0 =	vmul.u32 $0x14, v2  }
0x3: {  	s0 =	rddreg [dreg:$0x2]  }
0x4: {  	s5 =	srdreg.scid;
	s1 =	stileid.u32;
	v1 =	vimm.s32 $0x1;
	v2 =	vmul.u32 $0x10, v2;
	v3 =	vor.u32 $0x1, v0  }
0x5: {  	s2 =	simm.s32 $0x0;
	s5 =	sand.u32 $0x1, s5;
	s6 =	sshll.u32 s1, $0x1;
	v4 =	vor.u32 $0x2, v0;
	v5 =	vor.u32 $0x3, v0;
	v6 =	vadd.s32 $0x4, v0  }
0x6: {  	[smem:$0x7FF] =	sst s2;
	s6 =	sor.u32 s5, s6;
	s5 =	ssub.s32 $0x2, s5;
	v7 =	vadd.s32 $0x5, v0;
	v8 =	vadd.s32 $0x6, v0;
	v9 =	vadd.s32 $0x7, v0  }
0x7: {  	s7 =	sshll.u32 s6, $0x9;
	s8 =	sshrl.u32 s5, $0x1;
	s6 =	smul.u32 $0x280, s6;
	v10 =	vadd.s32 $0x8, v0;
	v11 =	vadd.s32 $0x9, v0;
	v12 =	vadd.s32 $0xA, v0  }
0x8: {  	_ =	strace $0x8000004A;
	v13 =	vadd.s32 $0xB, v0;
	v14 =	vadd.s32 $0xC, v0;
	v15 =	vadd.s32 $0xD, v0;
	s4 =	sadd.s32 s7, s4;
	s5 =	ssub.s32 s5, s8  }
0x9: {  	v16 =	vadd.s32 $0xE, v0;
	v17 =	vadd.s32 $0xF, v0;
	v18 =	vadd.s32 $0x10, v0;
	s7 =	simm.s32 $0x1400;
	s8 =	simm.s32 $0x0;
	s3 =	sadd.s32 s3, s6  }
0xa: {  	v19 =	vadd.s32 $0x11, v0;
	v20 =	vadd.s32 $0x12, v0;
	v21 =	vadd.s32 $0x13, v0;
	s4 =	sadd.s32 $0x9E00, s4;
	s5 =	smax.u32 s5, $0x1;
	s6 =	simm.s32 $0x1  }
.LBB2_1:
0xb: {  	[tilespmem:s2], [sflag:$0x1] =	stream.linear.gather [hbm4b:s3+s2], $0x1400, $0x38;
	[tilespmem:$0x2400] =	vst v63  }
0xc: {  	_ =	swait.ge [sflag:s6], $0x1400  }
0xd: {  	[sflag:s6] =	ssyncset.done $0x0  }
0xe: {  	s9 =	simm.s32 $0x0;
	s10 =	simm.s32 $0x0;
	[sflag:s6] =	ssyncadd.s32 $0xFFFFEC00  }
.LBB2_2:
0xf: {  	v22 =	vadd.s32 s10, v0  }
0x10: {  	v23 =	vadd.s32 s10, v3  }
0x11: {  	v34 =	vadd.s32 s10, v4  }
0x12: {  	v35 =	vadd.s32 s10, v5;
	_ =	sdelay $0x1  }
0x13: {  	v22 =	vld.idx.msk [tilespmem:v22+s2+$0x0], $0xffff  }
0x14: {  	v23 =	vld.idx.msk [tilespmem:v23+s2+$0x0], $0xffff  }
0x15: {  	v34 =	vld.idx.msk [tilespmem:v34+s2+$0x0], $0xffff  }
0x16: {  	v35 =	vld.idx.msk [tilespmem:v35+s2+$0x0], $0xffff;
	_ =	sdelay $0x2  }
0x17: {  	v54 =	vadd.s32 s10, v7;
	v24 =	vshrl.u32 v22, $0x5  }
0x18: {  	v22 =	vand.u32 $0x1F, v22;
	v33 =	vshrl.u32 v23, $0x5;
	v23 =	vand.u32 $0x1F, v23  }
0x19: {  	v63 =	vshrl.u32 v34, $0x5;
	v34 =	vand.u32 $0x1F, v34;
	v43 =	vshrl.u32 v35, $0x5  }
0x1a: {  	v35 =	vand.u32 $0x1F, v35;
	v22 =	vshll.u32 v1, v22;
	vm0 =	veq.s32 v24, $0x0  }
0x1b: {  	vm1 =	veq.s32 v24, $0x1;
	vm7 =	veq.s32 v24, $0x2;
	vm8 =	veq.s32 v24, $0x3  }
0x1c: {  	vm2 =	veq.s32 v24, $0x4;
	vm9 =	veq.s32 v24, $0x5;
	vm10 =	veq.s32 v24, $0x6  }
0x1d: {  	vm11 =	veq.s32 v24, $0x7;
	vm12 =	veq.s32 v24, $0x8;
	v23 =	vshll.u32 v1, v23  }
0x1e: {  	vm13 =	veq.s32 v33, $0x0;
	vm14 =	veq.s32 v33, $0x1;
	vm15 =	veq.s32 v33, $0x2  }
0x1f: {  	vm4 =	veq.s32 v33, $0x3;
	vm5 =	veq.s32 v33, $0x4;
	vm6 =	veq.s32 v33, $0x5  }
0x20: {  	v34 =	vshll.u32 v1, v34;
	v35 =	vshll.u32 v1, v35;
	v25 =	vnsel vm0, $0x0, v22  }
0x21: {  	v26 =	vnsel vm1, $0x0, v22;
	v27 =	vnsel vm7, $0x0, v22;
	v28 =	vnsel vm8, $0x0, v22  }
0x22: {  	v29 =	vnsel vm2, $0x0, v22;
	v30 =	vnsel vm9, $0x0, v22;
	v31 =	vnsel vm10, $0x0, v22  }
0x23: {  	v32 =	vnsel vm11, $0x0, v22;
	v22 =	vnsel vm12, $0x0, v22;
	v55 =	vnsel vm13, $0x0, v23  }
0x24: {  	v56 =	vnsel vm14, $0x0, v23;
	v57 =	vnsel vm15, $0x0, v23;
	v58 =	vnsel vm4, $0x0, v23  }
0x25: {  	v59 =	vnsel vm5, $0x0, v23;
	v60 =	vnsel vm6, $0x0, v23;
	vm7 =	veq.s32 v33, $0x6  }
0x26: {  	vm8 =	veq.s32 v33, $0x7;
	vm9 =	veq.s32 v33, $0x8;
	vm10 =	veq.s32 v63, $0x0  }
0x27: {  	vm11 =	veq.s32 v63, $0x1;
	vm12 =	veq.s32 v63, $0x2;
	vm13 =	veq.s32 v63, $0x3  }
0x28: {  	vm14 =	veq.s32 v63, $0x4;
	vm15 =	veq.s32 v63, $0x5;
	vm4 =	veq.s32 v63, $0x6  }
0x29: {  	vm5 =	veq.s32 v63, $0x7;
	vm6 =	veq.s32 v63, $0x8;
	v24 =	vor.u32 v25, v55  }
0x2a: {  	v25 =	vor.u32 v26, v56;
	v26 =	vor.u32 v27, v57;
	v27 =	vor.u32 v28, v58  }
0x2b: {  	v28 =	vor.u32 v29, v59;
	v29 =	vor.u32 v30, v60;
	v61 =	vnsel vm7, $0x0, v23  }
0x2c: {  	v62 =	vnsel vm8, $0x0, v23;
	v23 =	vnsel vm9, $0x0, v23;
	v36 =	vnsel vm10, $0x0, v34  }
0x2d: {  	v37 =	vnsel vm12, $0x0, v34;
	v38 =	vnsel vm13, $0x0, v34;
	v39 =	vnsel vm14, $0x0, v34  }
0x2e: {  	v40 =	vnsel vm15, $0x0, v34;
	v41 =	vnsel vm4, $0x0, v34;
	v42 =	vnsel vm5, $0x0, v34  }
0x2f: {  	v33 =	vnsel vm6, $0x0, v34;
	vm7 =	veq.s32 v43, $0x0;
	vm8 =	veq.s32 v43, $0x1  }
0x30: {  	vm9 =	veq.s32 v43, $0x2;
	vm10 =	veq.s32 v43, $0x3;
	vm12 =	veq.s32 v43, $0x5  }
0x31: {  	vm13 =	veq.s32 v43, $0x6;
	vm14 =	veq.s32 v43, $0x7;
	vm15 =	veq.s32 v43, $0x8  }
0x32: {  	v30 =	vor.u32 v31, v61;
	v31 =	vor.u32 v32, v62;
	v22 =	vor.u32 v22, v23  }
0x33: {  	v23 =	vnsel vm11, $0x0, v34;
	v24 =	vor.u32 v36, v24;
	v26 =	vor.u32 v37, v26  }
0x34: {  	v28 =	vor.u32 v39, v28;
	v36 =	vadd.s32 s10, v6;
	v44 =	vnsel vm7, $0x0, v35  }
0x35: {  	v45 =	vnsel vm8, $0x0, v35;
	v46 =	vnsel vm9, $0x0, v35;
	v47 =	vnsel vm10, $0x0, v35  }
0x36: {  	vm11 =	veq.s32 v43, $0x4;
	v49 =	vnsel vm12, $0x0, v35;
	v50 =	vnsel vm13, $0x0, v35  }
0x37: {  	v51 =	vnsel vm14, $0x0, v35;
	v34 =	vnsel vm15, $0x0, v35;
	v23 =	vor.u32 v23, v25  }
0x38: {  	v25 =	vor.u32 v38, v27;
	v27 =	vor.u32 v40, v29;
	v22 =	vor.u32 v33, v22;
	v33 =	vld.idx.msk [tilespmem:v54+s2+$0x0], $0xffff  }
0x39: {  	v30 =	vor.u32 v41, v30;
	v29 =	vor.u32 v42, v31;
	v24 =	vor.u32 v44, v24  }
0x3a: {  	v48 =	vnsel vm11, $0x0, v35;
	v26 =	vor.u32 v46, v26;
	v46 =	vadd.s32 s10, v9  }
0x3b: {  	v23 =	vor.u32 v45, v23;
	v25 =	vor.u32 v47, v25;
	v28 =	vor.u32 v48, v28;
	v36 =	vld.idx.msk [tilespmem:v36+s2+$0x0], $0xffff  }
0x3c: {  	v27 =	vor.u32 v49, v27;
	v30 =	vor.u32 v50, v30;
	v29 =	vor.u32 v51, v29  }
0x3d: {  	v22 =	vor.u32 v34, v22;
	v63 =	vshrl.u32 v33, $0x5;
	v33 =	vand.u32 $0x1F, v33  }
0x3e: {  	v33 =	vshll.u32 v1, v33;
	vm13 =	veq.s32 v63, $0x0;
	vm14 =	veq.s32 v63, $0x1  }
0x3f: {  	vm15 =	veq.s32 v63, $0x2;
	v37 =	vnsel vm13, $0x0, v33;
	v38 =	vnsel vm14, $0x0, v33  }
0x40: {  	v39 =	vnsel vm15, $0x0, v33;
	v52 =	vshrl.u32 v36, $0x5;
	v53 =	vand.u32 $0x1F, v36  }
0x41: {  	v36 =	vadd.s32 s10, v8;
	v32 =	vshll.u32 v1, v53;
	vm4 =	veq.s32 v52, $0x0  }
0x42: {  	vm5 =	veq.s32 v52, $0x1;
	vm6 =	veq.s32 v52, $0x2;
	vm7 =	veq.s32 v52, $0x3  }
0x43: {  	vm8 =	veq.s32 v52, $0x4;
	vm9 =	veq.s32 v52, $0x5;
	vm10 =	veq.s32 v52, $0x6  }
0x44: {  	vm11 =	veq.s32 v52, $0x7;
	vm12 =	veq.s32 v52, $0x8;
	v55 =	vnsel vm4, $0x0, v32  }
0x45: {  	v56 =	vnsel vm5, $0x0, v32;
	v57 =	vnsel vm6, $0x0, v32;
	v58 =	vnsel vm7, $0x0, v32  }
0x46: {  	v59 =	vnsel vm8, $0x0, v32;
	v60 =	vnsel vm9, $0x0, v32;
	v61 =	vnsel vm10, $0x0, v32  }
0x47: {  	v62 =	vnsel vm11, $0x0, v32;
	v32 =	vnsel vm12, $0x0, v32;
	vm4 =	veq.s32 v63, $0x3  }
0x48: {  	vm5 =	veq.s32 v63, $0x4;
	vm6 =	veq.s32 v63, $0x5;
	vm7 =	veq.s32 v63, $0x6  }
0x49: {  	vm8 =	veq.s32 v63, $0x7;
	vm9 =	veq.s32 v63, $0x8;
	v24 =	vor.u32 v55, v24  }
0x4a: {  	v23 =	vor.u32 v56, v23;
	v26 =	vor.u32 v57, v26;
	v25 =	vor.u32 v58, v25  }
0x4b: {  	v28 =	vor.u32 v59, v28;
	v27 =	vor.u32 v60, v27;
	v30 =	vor.u32 v61, v30  }
0x4c: {  	v29 =	vor.u32 v62, v29;
	v22 =	vor.u32 v32, v22;
	v40 =	vnsel vm4, $0x0, v33  }
0x4d: {  	v41 =	vnsel vm5, $0x0, v33;
	v42 =	vnsel vm6, $0x0, v33;
	v43 =	vnsel vm7, $0x0, v33;
	v35 =	vld.idx.msk [tilespmem:v36+s2+$0x0], $0xffff  }
0x4e: {  	v44 =	vnsel vm8, $0x0, v33;
	v31 =	vnsel vm9, $0x0, v33;
	v57 =	vadd.s32 s10, v10;
	v36 =	vld.idx.msk [tilespmem:v46+s2+$0x0], $0xffff  }
0x4f: {  	v24 =	vor.u32 v37, v24;
	v23 =	vor.u32 v38, v23;
	v26 =	vor.u32 v39, v26  }
0x50: {  	v25 =	vor.u32 v40, v25;
	v28 =	vor.u32 v41, v28;
	v27 =	vor.u32 v42, v27  }
0x51: {  	v30 =	vor.u32 v43, v30;
	v29 =	vor.u32 v44, v29;
	v22 =	vor.u32 v31, v22  }
0x52: {  	v40 =	vadd.s32 s10, v11;
	v45 =	vshrl.u32 v35, $0x5;
	v35 =	vand.u32 $0x1F, v35  }
0x53: {  	v55 =	vshrl.u32 v36, $0x5;
	v56 =	vand.u32 $0x1F, v36;
	v35 =	vshll.u32 v1, v35  }
0x54: {  	vm10 =	veq.s32 v45, $0x0;
	vm11 =	veq.s32 v45, $0x1;
	vm12 =	veq.s32 v45, $0x2  }
0x55: {  	vm13 =	veq.s32 v45, $0x3;
	vm14 =	veq.s32 v45, $0x4;
	vm15 =	veq.s32 v45, $0x5  }
0x56: {  	vm4 =	veq.s32 v45, $0x6;
	vm5 =	veq.s32 v45, $0x7;
	vm6 =	veq.s32 v45, $0x8  }
0x57: {  	v32 =	vshll.u32 v1, v56;
	vm7 =	veq.s32 v55, $0x0;
	vm8 =	veq.s32 v55, $0x1  }
0x58: {  	vm9 =	veq.s32 v55, $0x2;
	v47 =	vnsel vm10, $0x0, v35;
	v48 =	vnsel vm11, $0x0, v35  }
0x59: {  	v49 =	vnsel vm12, $0x0, v35;
	v50 =	vnsel vm13, $0x0, v35;
	v51 =	vnsel vm14, $0x0, v35  }
0x5a: {  	v52 =	vnsel vm15, $0x0, v35;
	v53 =	vnsel vm4, $0x0, v35;
	v54 =	vnsel vm5, $0x0, v35  }
0x5b: {  	v58 =	vnsel vm6, $0x0, v35;
	v59 =	vnsel vm7, $0x0, v32;
	v60 =	vnsel vm8, $0x0, v32  }
0x5c: {  	v61 =	vnsel vm9, $0x0, v32;
	vm10 =	veq.s32 v55, $0x3;
	vm11 =	veq.s32 v55, $0x4  }
0x5d: {  	vm12 =	veq.s32 v55, $0x5;
	vm13 =	veq.s32 v55, $0x6;
	vm14 =	veq.s32 v55, $0x7  }
0x5e: {  	v33 =	vld.idx.msk [tilespmem:v57+s2+$0x0], $0xffff;
	vm15 =	veq.s32 v55, $0x8;
	v24 =	vor.u32 v47, v24;
	v23 =	vor.u32 v48, v23  }
0x5f: {  	v26 =	vor.u32 v49, v26;
	v25 =	vor.u32 v50, v25;
	v28 =	vor.u32 v51, v28  }
0x60: {  	v27 =	vor.u32 v52, v27;
	v30 =	vor.u32 v53, v30;
	v29 =	vor.u32 v54, v29  }
0x61: {  	v22 =	vor.u32 v58, v22;
	v62 =	vnsel vm10, $0x0, v32;
	v63 =	vnsel vm11, $0x0, v32  }
0x62: {  	v36 =	vnsel vm12, $0x0, v32;
	v37 =	vnsel vm13, $0x0, v32;
	v38 =	vnsel vm14, $0x0, v32  }
0x63: {  	v39 =	vshrl.u32 v33, $0x5;
	v33 =	vand.u32 $0x1F, v33;
	v32 =	vnsel vm15, $0x0, v32  }
0x64: {  	v50 =	vadd.s32 s10, v12;
	v24 =	vor.u32 v59, v24;
	v23 =	vor.u32 v60, v23  }
0x65: {  	v26 =	vor.u32 v61, v26;
	v25 =	vor.u32 v62, v25;
	v28 =	vor.u32 v63, v28  }
0x66: {  	v27 =	vor.u32 v36, v27;
	v30 =	vor.u32 v37, v30;
	v33 =	vshll.u32 v1, v33  }
0x67: {  	vm4 =	veq.s32 v39, $0x0;
	v29 =	vor.u32 v38, v29;
	vm5 =	veq.s32 v39, $0x1  }
0x68: {  	v22 =	vor.u32 v32, v22;
	vm6 =	veq.s32 v39, $0x2;
	vm7 =	veq.s32 v39, $0x3  }
0x69: {  	vm8 =	veq.s32 v39, $0x4;
	vm9 =	veq.s32 v39, $0x5;
	vm10 =	veq.s32 v39, $0x6  }
0x6a: {  	vm11 =	veq.s32 v39, $0x7;
	vm12 =	veq.s32 v39, $0x8;
	v61 =	vadd.s32 s10, v13  }
0x6b: {  	v41 =	vnsel vm4, $0x0, v33;
	v42 =	vnsel vm5, $0x0, v33;
	v43 =	vnsel vm6, $0x0, v33  }
0x6c: {  	v35 =	vld.idx.msk [tilespmem:v40+s2+$0x0], $0xffff;
	v44 =	vnsel vm7, $0x0, v33;
	v45 =	vnsel vm8, $0x0, v33;
	v46 =	vnsel vm9, $0x0, v33  }
0x6d: {  	v47 =	vnsel vm10, $0x0, v33;
	v48 =	vnsel vm11, $0x0, v33;
	v31 =	vnsel vm12, $0x0, v33  }
0x6e: {  	v24 =	vor.u32 v41, v24;
	v23 =	vor.u32 v42, v23;
	v26 =	vor.u32 v43, v26  }
0x6f: {  	v25 =	vor.u32 v44, v25;
	v28 =	vor.u32 v45, v28;
	v27 =	vor.u32 v46, v27  }
0x70: {  	v30 =	vor.u32 v47, v30;
	v29 =	vor.u32 v48, v29;
	v22 =	vor.u32 v31, v22  }
0x71: {  	v44 =	vadd.s32 s10, v14;
	v49 =	vshrl.u32 v35, $0x5;
	v35 =	vand.u32 $0x1F, v35  }
0x72: {  	v35 =	vshll.u32 v1, v35;
	vm13 =	veq.s32 v49, $0x0;
	vm14 =	veq.s32 v49, $0x1  }
0x73: {  	vm15 =	veq.s32 v49, $0x2;
	vm4 =	veq.s32 v49, $0x3;
	vm5 =	veq.s32 v49, $0x4  }
0x74: {  	vm6 =	veq.s32 v49, $0x5;
	vm7 =	veq.s32 v49, $0x6;
	vm8 =	veq.s32 v49, $0x7  }
0x75: {  	vm9 =	veq.s32 v49, $0x8;
	v51 =	vnsel vm13, $0x0, v35;
	v52 =	vnsel vm14, $0x0, v35  }
0x76: {  	v36 =	vld.idx.msk [tilespmem:v50+s2+$0x0], $0xffff;
	v53 =	vnsel vm15, $0x0, v35;
	v54 =	vnsel vm4, $0x0, v35;
	v55 =	vnsel vm5, $0x0, v35  }
0x77: {  	v56 =	vnsel vm6, $0x0, v35;
	v57 =	vnsel vm7, $0x0, v35;
	v58 =	vnsel vm8, $0x0, v35  }
0x78: {  	v62 =	vnsel vm9, $0x0, v35;
	v24 =	vor.u32 v51, v24;
	v23 =	vor.u32 v52, v23  }
0x79: {  	v26 =	vor.u32 v53, v26;
	v25 =	vor.u32 v54, v25;
	v28 =	vor.u32 v55, v28  }
0x7a: {  	v33 =	vld.idx.msk [tilespmem:v61+s2+$0x0], $0xffff;
	v27 =	vor.u32 v56, v27;
	v30 =	vor.u32 v57, v30;
	v29 =	vor.u32 v58, v29  }
0x7b: {  	v22 =	vor.u32 v62, v22;
	v59 =	vshrl.u32 v36, $0x5;
	v60 =	vand.u32 $0x1F, v36  }
0x7c: {  	v54 =	vadd.s32 s10, v15;
	v32 =	vshll.u32 v1, v60;
	vm10 =	veq.s32 v59, $0x0  }
0x7d: {  	vm11 =	veq.s32 v59, $0x1;
	vm12 =	veq.s32 v59, $0x2;
	vm13 =	veq.s32 v59, $0x3  }
0x7e: {  	vm14 =	veq.s32 v59, $0x4;
	vm15 =	veq.s32 v59, $0x5;
	vm4 =	veq.s32 v59, $0x6  }
0x7f: {  	vm5 =	veq.s32 v59, $0x7;
	vm6 =	veq.s32 v59, $0x8;
	v43 =	vshrl.u32 v33, $0x5  }
0x80: {  	v33 =	vand.u32 $0x1F, v33;
	v63 =	vnsel vm10, $0x0, v32;
	v36 =	vnsel vm11, $0x0, v32  }
0x81: {  	v37 =	vnsel vm12, $0x0, v32;
	v38 =	vnsel vm13, $0x0, v32;
	v39 =	vnsel vm14, $0x0, v32  }
0x82: {  	v40 =	vnsel vm15, $0x0, v32;
	v41 =	vnsel vm4, $0x0, v32;
	v42 =	vnsel vm5, $0x0, v32  }
0x83: {  	v32 =	vnsel vm6, $0x0, v32;
	v33 =	vshll.u32 v1, v33;
	vm7 =	veq.s32 v43, $0x0  }
0x84: {  	vm8 =	veq.s32 v43, $0x1;
	vm9 =	veq.s32 v43, $0x2;
	vm10 =	veq.s32 v43, $0x3  }
0x85: {  	vm11 =	veq.s32 v43, $0x4;
	vm12 =	veq.s32 v43, $0x5;
	vm13 =	veq.s32 v43, $0x6  }
0x86: {  	vm14 =	veq.s32 v43, $0x7;
	vm15 =	veq.s32 v43, $0x8;
	v24 =	vor.u32 v63, v24  }
0x87: {  	v35 =	vld.idx.msk [tilespmem:v44+s2+$0x0], $0xffff;
	v23 =	vor.u32 v36, v23;
	v26 =	vor.u32 v37, v26;
	v25 =	vor.u32 v38, v25  }
0x88: {  	v28 =	vor.u32 v39, v28;
	v27 =	vor.u32 v40, v27;
	v30 =	vor.u32 v41, v30  }
0x89: {  	v29 =	vor.u32 v42, v29;
	v45 =	vnsel vm7, $0x0, v33;
	v22 =	vor.u32 v32, v22  }
0x8a: {  	v46 =	vnsel vm8, $0x0, v33;
	v47 =	vnsel vm9, $0x0, v33;
	v48 =	vnsel vm10, $0x0, v33  }
0x8b: {  	v49 =	vnsel vm11, $0x0, v33;
	v50 =	vnsel vm12, $0x0, v33;
	v51 =	vnsel vm13, $0x0, v33  }
0x8c: {  	v52 =	vnsel vm14, $0x0, v33;
	v31 =	vnsel vm15, $0x0, v33;
	v53 =	vshrl.u32 v35, $0x5  }
0x8d: {  	v35 =	vand.u32 $0x1F, v35;
	v37 =	vadd.s32 s10, v16;
	v24 =	vor.u32 v45, v24  }
0x8e: {  	v23 =	vor.u32 v46, v23;
	v26 =	vor.u32 v47, v26;
	v25 =	vor.u32 v48, v25  }
0x8f: {  	v28 =	vor.u32 v49, v28;
	v27 =	vor.u32 v50, v27;
	v35 =	vshll.u32 v1, v35  }
0x90: {  	vm4 =	veq.s32 v53, $0x0;
	v30 =	vor.u32 v51, v30;
	vm5 =	veq.s32 v53, $0x1  }
0x91: {  	v29 =	vor.u32 v52, v29;
	vm6 =	veq.s32 v53, $0x2;
	v22 =	vor.u32 v31, v22  }
0x92: {  	vm7 =	veq.s32 v53, $0x3;
	vm8 =	veq.s32 v53, $0x4;
	vm9 =	veq.s32 v53, $0x5  }
0x93: {  	vm10 =	veq.s32 v53, $0x6;
	vm11 =	veq.s32 v53, $0x7;
	vm12 =	veq.s32 v53, $0x8  }
0x94: {  	v48 =	vadd.s32 s10, v17;
	v55 =	vnsel vm4, $0x0, v35;
	v56 =	vnsel vm5, $0x0, v35  }
0x95: {  	v36 =	vld.idx.msk [tilespmem:v54+s2+$0x0], $0xffff;
	v57 =	vnsel vm6, $0x0, v35;
	v58 =	vnsel vm7, $0x0, v35;
	v59 =	vnsel vm8, $0x0, v35  }
0x96: {  	v60 =	vnsel vm9, $0x0, v35;
	v61 =	vnsel vm10, $0x0, v35;
	v62 =	vnsel vm11, $0x0, v35  }
0x97: {  	v38 =	vnsel vm12, $0x0, v35;
	v24 =	vor.u32 v55, v24;
	v23 =	vor.u32 v56, v23  }
0x98: {  	v26 =	vor.u32 v57, v26;
	v25 =	vor.u32 v58, v25;
	v28 =	vor.u32 v59, v28  }
0x99: {  	v27 =	vor.u32 v60, v27;
	v30 =	vor.u32 v61, v30;
	v29 =	vor.u32 v62, v29  }
0x9a: {  	v22 =	vor.u32 v38, v22;
	v63 =	vshrl.u32 v36, $0x5;
	v36 =	vand.u32 $0x1F, v36  }
0x9b: {  	v58 =	vadd.s32 s10, v18;
	v32 =	vshll.u32 v1, v36;
	vm13 =	veq.s32 v63, $0x0  }
0x9c: {  	vm14 =	veq.s32 v63, $0x1;
	vm15 =	veq.s32 v63, $0x2;
	vm4 =	veq.s32 v63, $0x3  }
0x9d: {  	vm5 =	veq.s32 v63, $0x4;
	vm6 =	veq.s32 v63, $0x5;
	vm7 =	veq.s32 v63, $0x6  }
0x9e: {  	vm8 =	veq.s32 v63, $0x7;
	vm9 =	veq.s32 v63, $0x8;
	v39 =	vnsel vm13, $0x0, v32  }
0x9f: {  	v33 =	vld.idx.msk [tilespmem:v37+s2+$0x0], $0xffff;
	v40 =	vnsel vm14, $0x0, v32;
	v41 =	vnsel vm15, $0x0, v32;
	v42 =	vnsel vm4, $0x0, v32  }
0xa0: {  	v43 =	vnsel vm5, $0x0, v32;
	v44 =	vnsel vm6, $0x0, v32;
	v45 =	vnsel vm7, $0x0, v32  }
0xa1: {  	v46 =	vnsel vm8, $0x0, v32;
	v32 =	vnsel vm9, $0x0, v32;
	v24 =	vor.u32 v39, v24  }
0xa2: {  	v23 =	vor.u32 v40, v23;
	v26 =	vor.u32 v41, v26;
	v25 =	vor.u32 v42, v25  }
0xa3: {  	v28 =	vor.u32 v43, v28;
	v27 =	vor.u32 v44, v27;
	v30 =	vor.u32 v45, v30  }
0xa4: {  	v35 =	vld.idx.msk [tilespmem:v48+s2+$0x0], $0xffff;
	v29 =	vor.u32 v46, v29;
	v47 =	vshrl.u32 v33, $0x5;
	v33 =	vand.u32 $0x1F, v33  }
0xa5: {  	v22 =	vor.u32 v32, v22;
	v42 =	vadd.s32 s10, v19;
	v33 =	vshll.u32 v1, v33  }
0xa6: {  	vm10 =	veq.s32 v47, $0x0;
	vm11 =	veq.s32 v47, $0x1;
	vm12 =	veq.s32 v47, $0x2  }
0xa7: {  	vm13 =	veq.s32 v47, $0x3;
	vm14 =	veq.s32 v47, $0x4;
	vm15 =	veq.s32 v47, $0x5  }
0xa8: {  	vm4 =	veq.s32 v47, $0x6;
	vm5 =	veq.s32 v47, $0x7;
	vm6 =	veq.s32 v47, $0x8  }
0xa9: {  	v57 =	vshrl.u32 v35, $0x5;
	v35 =	vand.u32 $0x1F, v35;
	v49 =	vnsel vm10, $0x0, v33  }
0xaa: {  	v50 =	vnsel vm11, $0x0, v33;
	v51 =	vnsel vm12, $0x0, v33;
	v52 =	vnsel vm13, $0x0, v33  }
0xab: {  	v53 =	vnsel vm14, $0x0, v33;
	v54 =	vnsel vm15, $0x0, v33;
	v55 =	vnsel vm4, $0x0, v33  }
0xac: {  	v56 =	vnsel vm5, $0x0, v33;
	v31 =	vnsel vm6, $0x0, v33;
	v35 =	vshll.u32 v1, v35  }
0xad: {  	vm7 =	veq.s32 v57, $0x0;
	vm8 =	veq.s32 v57, $0x1;
	vm9 =	veq.s32 v57, $0x2  }
0xae: {  	vm10 =	veq.s32 v57, $0x3;
	vm11 =	veq.s32 v57, $0x4;
	vm12 =	veq.s32 v57, $0x5  }
0xaf: {  	vm13 =	veq.s32 v57, $0x6;
	vm14 =	veq.s32 v57, $0x7;
	vm15 =	veq.s32 v57, $0x8  }
0xb0: {  	v36 =	vld.idx.msk [tilespmem:v58+s2+$0x0], $0xffff;
	v24 =	vor.u32 v49, v24;
	v23 =	vor.u32 v50, v23;
	v26 =	vor.u32 v51, v26  }
0xb1: {  	v25 =	vor.u32 v52, v25;
	v28 =	vor.u32 v53, v28;
	v27 =	vor.u32 v54, v27  }
0xb2: {  	v30 =	vor.u32 v55, v30;
	v59 =	vnsel vm7, $0x0, v35;
	v29 =	vor.u32 v56, v29  }
0xb3: {  	v60 =	vnsel vm8, $0x0, v35;
	v22 =	vor.u32 v31, v22;
	v61 =	vnsel vm9, $0x0, v35  }
0xb4: {  	v62 =	vnsel vm10, $0x0, v35;
	v63 =	vnsel vm11, $0x0, v35;
	v37 =	vnsel vm12, $0x0, v35  }
0xb5: {  	v38 =	vnsel vm13, $0x0, v35;
	v39 =	vnsel vm14, $0x0, v35;
	v40 =	vshrl.u32 v36, $0x5  }
0xb6: {  	v41 =	vand.u32 $0x1F, v36;
	v43 =	vnsel vm15, $0x0, v35;
	v53 =	vadd.s32 s10, v20  }
0xb7: {  	v24 =	vor.u32 v59, v24;
	v23 =	vor.u32 v60, v23;
	v26 =	vor.u32 v61, v26  }
0xb8: {  	v25 =	vor.u32 v62, v25;
	v28 =	vor.u32 v63, v28;
	v27 =	vor.u32 v37, v27  }
0xb9: {  	v30 =	vor.u32 v38, v30;
	v29 =	vor.u32 v39, v29;
	v32 =	vshll.u32 v1, v41  }
0xba: {  	vm4 =	veq.s32 v40, $0x0;
	v22 =	vor.u32 v43, v22;
	vm5 =	veq.s32 v40, $0x1  }
0xbb: {  	vm6 =	veq.s32 v40, $0x2;
	vm7 =	veq.s32 v40, $0x3;
	vm8 =	veq.s32 v40, $0x4  }
0xbc: {  	vm9 =	veq.s32 v40, $0x5;
	vm10 =	veq.s32 v40, $0x6;
	vm11 =	veq.s32 v40, $0x7  }
0xbd: {  	vm12 =	veq.s32 v40, $0x8;
	v63 =	vadd.s32 s10, v21;
	v44 =	vnsel vm4, $0x0, v32  }
0xbe: {  	v33 =	vld.idx.msk [tilespmem:v42+s2+$0x0], $0xffff;
	v45 =	vnsel vm5, $0x0, v32;
	v46 =	vnsel vm6, $0x0, v32;
	v47 =	vnsel vm7, $0x0, v32  }
0xbf: {  	v48 =	vnsel vm8, $0x0, v32;
	v49 =	vnsel vm9, $0x0, v32;
	v50 =	vnsel vm10, $0x0, v32  }
0xc0: {  	v51 =	vnsel vm11, $0x0, v32;
	v32 =	vnsel vm12, $0x0, v32;
	v24 =	vor.u32 v44, v24  }
0xc1: {  	v23 =	vor.u32 v45, v23;
	v26 =	vor.u32 v46, v26;
	v25 =	vor.u32 v47, v25  }
0xc2: {  	v28 =	vor.u32 v48, v28;
	v27 =	vor.u32 v49, v27;
	v30 =	vor.u32 v50, v30  }
0xc3: {  	v29 =	vor.u32 v51, v29;
	v52 =	vshrl.u32 v33, $0x5;
	v33 =	vand.u32 $0x1F, v33  }
0xc4: {  	v22 =	vor.u32 v32, v22;
	v50 =	vmov s9;
	v33 =	vshll.u32 v1, v33  }
0xc5: {  	vm13 =	veq.s32 v52, $0x0;
	vm14 =	veq.s32 v52, $0x1;
	vm15 =	veq.s32 v52, $0x2  }
0xc6: {  	vm4 =	veq.s32 v52, $0x3;
	vm5 =	veq.s32 v52, $0x4;
	vm6 =	veq.s32 v52, $0x5  }
0xc7: {  	vm7 =	veq.s32 v52, $0x6;
	vm8 =	veq.s32 v52, $0x7;
	vm9 =	veq.s32 v52, $0x8  }
0xc8: {  	v35 =	vld.idx.msk [tilespmem:v53+s2+$0x0], $0xffff;
	v54 =	vnsel vm13, $0x0, v33;
	v55 =	vnsel vm14, $0x0, v33;
	v56 =	vnsel vm15, $0x0, v33  }
0xc9: {  	v57 =	vnsel vm4, $0x0, v33;
	v58 =	vnsel vm5, $0x0, v33;
	v59 =	vnsel vm6, $0x0, v33  }
0xca: {  	v60 =	vnsel vm7, $0x0, v33;
	v61 =	vnsel vm8, $0x0, v33;
	v31 =	vnsel vm9, $0x0, v33  }
0xcb: {  	v24 =	vor.u32 v54, v24;
	v23 =	vor.u32 v55, v23;
	v26 =	vor.u32 v56, v26  }
0xcc: {  	v25 =	vor.u32 v57, v25;
	v28 =	vor.u32 v58, v28;
	v27 =	vor.u32 v59, v27  }
0xcd: {  	v36 =	vld.idx.msk [tilespmem:v63+s2+$0x0], $0xffff;
	v30 =	vor.u32 v60, v30;
	v62 =	vshrl.u32 v35, $0x5;
	v35 =	vand.u32 $0x1F, v35  }
0xce: {  	v29 =	vor.u32 v61, v29;
	v22 =	vor.u32 v31, v22;
	v35 =	vshll.u32 v1, v35  }
0xcf: {  	vm10 =	veq.s32 v62, $0x0;
	vm11 =	veq.s32 v62, $0x1;
	vm12 =	veq.s32 v62, $0x2  }
0xd0: {  	vm13 =	veq.s32 v62, $0x3;
	vm14 =	veq.s32 v62, $0x4;
	vm15 =	veq.s32 v62, $0x5  }
0xd1: {  	vm4 =	veq.s32 v62, $0x6;
	vm5 =	veq.s32 v62, $0x7;
	vm6 =	veq.s32 v62, $0x8  }
0xd2: {  	v48 =	vshrl.u32 v36, $0x5;
	v49 =	vand.u32 $0x1F, v36;
	v39 =	vnsel vm10, $0x0, v35  }
0xd3: {  	v40 =	vnsel vm11, $0x0, v35;
	v41 =	vnsel vm12, $0x0, v35;
	v42 =	vnsel vm13, $0x0, v35  }
0xd4: {  	v43 =	vnsel vm14, $0x0, v35;
	v44 =	vnsel vm15, $0x0, v35;
	v45 =	vnsel vm4, $0x0, v35  }
0xd5: {  	v46 =	vnsel vm5, $0x0, v35;
	v47 =	vnsel vm6, $0x0, v35;
	v34 =	vshll.u32 v1, v49  }
0xd6: {  	vm7 =	veq.s32 v48, $0x0;
	v35 =	vshll.u32 v50, $0x4;
	vm8 =	veq.s32 v48, $0x1  }
0xd7: {  	vm9 =	veq.s32 v48, $0x2;
	vm10 =	veq.s32 v48, $0x3;
	vm11 =	veq.s32 v48, $0x4  }
0xd8: {  	vm12 =	veq.s32 v48, $0x5;
	vm13 =	veq.s32 v48, $0x6;
	vm14 =	veq.s32 v48, $0x7  }
0xd9: {  	vm15 =	veq.s32 v48, $0x8;
	v24 =	vor.u32 v39, v24;
	v35 =	vor.u32 v2, v35  }
0xda: {  	v23 =	vor.u32 v40, v23;
	v26 =	vor.u32 v41, v26;
	v52 =	vor.u32 $0x1, v35  }
0xdb: {  	v25 =	vor.u32 v42, v25;
	v28 =	vor.u32 v43, v28;
	v37 =	vor.u32 $0x2, v35  }
0xdc: {  	v27 =	vor.u32 v44, v27;
	v51 =	vnsel vm7, $0x0, v34;
	v38 =	vor.u32 $0x3, v35  }
0xdd: {  	v53 =	vnsel vm8, $0x0, v34;
	v24 =	vor.u32 v51, v24;
	v55 =	vor.u32 $0x4, v35  }
0xde: {  	v54 =	vnsel vm9, $0x0, v34;
	v23 =	vor.u32 v53, v23;
	v56 =	vor.u32 $0x5, v35;
	[tilespmem:v35+s7+$0x0] =	vst.idx.msk $0xffff, v24  }
0xdf: {  	v39 =	vnsel vm10, $0x0, v34;
	v26 =	vor.u32 v54, v26;
	v58 =	vor.u32 $0x6, v35;
	[tilespmem:v52+s7+$0x0] =	vst.idx.msk $0xffff, v23  }
0xe0: {  	v57 =	vnsel vm11, $0x0, v34;
	v59 =	vor.u32 $0x7, v35;
	v23 =	vor.u32 v39, v25;
	[tilespmem:v37+s7+$0x0] =	vst.idx.msk $0xffff, v26  }
0xe1: {  	p0 =	sne.s32 s10, $0x12C0;
	v60 =	vor.u32 $0x8, v35;
	v25 =	vor.u32 v57, v28;
	[tilespmem:v38+s7+$0x0] =	vst.idx.msk $0xffff, v23;
	v23 =	vnsel vm12, $0x0, v34  }
.Ltmp0:
0xe2: {  	v30 =	vor.u32 v45, v30;
	v61 =	vnsel vm13, $0x0, v34;
	[tilespmem:v55+s7+$0x0] =	vst.idx.msk $0xffff, v25;
	v23 =	vor.u32 v23, v27;
	(pc) =	sbr.rel @p0 .LBB2_2-.Ltmp0, $4  }
0xe3: {  	v29 =	vor.u32 v46, v29;
	v62 =	vnsel vm14, $0x0, v34;
	v25 =	vor.u32 v61, v30;
	[tilespmem:v56+s7+$0x0] =	vst.idx.msk $0xffff, v23  }
0xe4: {  	v22 =	vor.u32 v47, v22;
	v63 =	vnsel vm15, $0x0, v34;
	v23 =	vor.u32 v62, v29;
	[tilespmem:v58+s7+$0x0] =	vst.idx.msk $0xffff, v25  }
0xe5: {  	v22 =	vor.u32 v63, v22;
	[tilespmem:v59+s7+$0x0] =	vst.idx.msk $0xffff, v23  }
0xe6: {  	s10 =	sadd.s32 $0x140, s10;
	s9 =	sadd.s32 $0x10, s9;
	[tilespmem:v60+s7+$0x0] =	vst.idx.msk $0xffff, v22  }
0xe7: {  	s8 =	sadd.s32 $0x1, s8  }
0xe8: {  	p0 =	sne.s32 s8, s5  }
.Ltmp1:
0xe9: {  	_ = 	snop;
	(pc) =	sbr.rel @p0 .LBB2_1-.Ltmp1, $4  }
0xea: {  	[hbm4b:s4+s2] =	stream.linear.scatter [tilespmem:s7], [sflag:$0x1], $0x1000, $0x38;
	[tilespmem:$0x2400] =	vst v63  }
0xeb: {  	_ =	swait.ge [sflag:s6], $0x1000  }
0xec: {  	[sflag:s6] =	ssyncset.done $0x0  }
0xed: {  	[sflag:s6] =	ssyncadd.s32 $0xFFFFF000  }
0xee: {  	_ =	sfence.sel $0x180000  }
0xef: {  	[bflag:$0x0] =	sbarrier.arrive $0xFFFF  }
0xf0: {  	p0 =	sne.s32 s1, $0x0;
	_ =	strace $0x9000004A  }
0xf1: {  	s0 =	sadd.s32 @!p0 $0x100000, s0;
	[bflag:$0x2] =	sbarrier.arrive $0xFFFF  }
0xf2: {  	[sflag:s0] =	ssyncadd.tile.s32 @!p0 $0x1;
	_ =	shalt  }
.Lfunc_end2:
_tile_overlayer_lowered:
.L_overlay_start_2:
0xf3: {  	(tag) =	ssettag $0x2  }
0xf4: {  	s0 =	rddreg [dreg:$0x0];
	s2 =	stileid.u32  }
0xf5: {  	s1 =	rddreg [dreg:$0x1];
	p0 =	sne.s32 s2, $0x0  }
0xf6: {  	s3 =	rddreg [dreg:$0x2];
	[bflag:$0x3] =	sbarrier.arrive $0xFFFF;
	s2 =	simm.s32 @!p0 $0x1C01  }
0xf7: {  	[timem:s3], [sflag:s2] =	dma.local @!p0 [hbm:s0], s1  }
0xf8: {  	s0 =	simm.s32 @!p0 $0x1  }
0xf9: {  	_ =	swait.ge @!p0 [sflag:s0], s1  }
0xfa: {  	s1 =	ssub.s32 @!p0 $0x0, s1;
	[sflag:s0] =	ssyncset.done @!p0 $0x0  }
0xfb: {  	[sflag:s0] =	ssyncadd.s32 @!p0 s1  }
0xfc: {  	[bflag:$0x3] =	sbarrier.arrive $0xFFFF  }
0xfd: {  	_ =	shalt  }

// kernel: kernel.8.cloned.1.call-start
scs
__scs_entry_jumppad:
0x0: {  	(pc) =	sbr.rel $0x88, $3  }
0x1: {  	(tag) =	ssettag $0x0;
	lr =	simm.s32 $0x1  }
0x2: {  	[smem:$0x3F9E] =	sst lr;
	_ =	strace $0xD0000000  }
0x3: {  	_ = 	snop  }
0x4: {  	_ = 	snop  }
0x5: {  	_ = 	snop  }
0x6: {  	_ = 	snop  }
0x7: {  	_ = 	snop  }
__scs_overlays_trampoline_lowered:
0x8: {  	[smem:$0x3FAD] =	sst s0  }
0x9: {  	[smem:$0x3FAE] =	sst s1  }
0xa: {  	[smem:$0x3FAF] =	sst s2  }
0xb: {  	[smem:$0x3FB0] =	sst s3  }
0xc: {  	[smem:$0x3FB1] =	sst s4  }
0xd: {  	[smem:$0x3FB2] =	sst s5  }
0xe: {  	[smem:$0x3FB3] =	sst s6  }
0xf: {  	[smem:$0x3FB4] =	sst s7  }
0x10: {  	[smem:$0x3FB5] =	sst s8  }
0x11: {  	[smem:$0x3FB6] =	sst s9;
	s0 =	simm.s32 @!p0 $0x0  }
0x12: {  	s1 =	sld [smem:$0x3F9C];
	s0 =	simm.s32 @p0 $0x1  }
0x13: {  	[smem:$0x3FB7] =	sst s0;
	s0 =	simm.s32 @!p1 $0x0  }
0x14: {  	s2 =	sld [smem:$0x3F9B];
	s0 =	simm.s32 @p1 $0x1  }
0x15: {  	[smem:$0x3FB8] =	sst s0;
	s0 =	simm.s32 @!p2 $0x0  }
0x16: {  	s3 =	sld [smem:$0x3FDB];
	s0 =	simm.s32 @p2 $0x1  }
0x17: {  	s4 =	simm.s32 $0x1BF5;
	[smem:$0x3FBA] =	sst s0  }
0x18: {  	s0 =	sld [smem:$0x3F9D];
	_ =	swait.ge [sflag:s4], $0x0  }
0x19: {  	s7 =	sld [smem:$0x3F9E]  }
0x1a: {  	s8 =	sadd.s32 $0xFFFFE003, lr  }
0x1b: {  	s9 =	sadd.s32 $0xFFFFFEF7, lr;
	s5 =	simm.s32 $0xFFFFFFFF;
	p2 =	slt.u32 s8, $0xFFFFF086  }
0x1c: {  	p1 =	slt.u32 s9, $0xF7A;
	s5 =	simm.s32 @!p2 $0x0  }
0x1d: {  	s5 =	simm.s32 @p1 $0x1;
	p0 =	seq.s32 s7, s2  }
0x1e: {  	s7 =	smul.u32 @!p0 $0xF7A, s2;
	p2 =	seq.s32 @!p0 s5, $0x0  }
0x1f: {  	s9 =	smul.u32 $0xF7A, s1;
	s8 =	simm.s32 @!p0 $0x1BF5;
	p2 =	por !p2, p0  }
0x20: {  	[sflag:s8] =	ssyncset.s32 @!p0 $0xFFFFF086;
	s6 =	sadd.s32 @!p0 s3, s7;
	s7 =	simm.s32 @!p0 $0x108  }
0x21: {  	s3 =	sadd.s32 s3, s9;
	s6 =	sadd.s32 @!p0 $0x88, s6;
	s7 =	simm.s32 @p2 $0x1082  }
0x22: {  	[simem:s7], [sflag:s8] =	dma.local @!p0 [hbm:s6], $0xF7A  }
0x23: {  	s9 =	sor.u32 $0xD0000000, s2;
	s6 =	simm.s32 $0x108;
	_ =	swait.ge @!p0 [sflag:s8], $0x0  }
0x24: {  	s3 =	sadd.s32 $0x88, s3;
	s6 =	simm.s32 @!p1 $0x1082;
	[sflag:s4] =	ssyncset.s32 $0xFFFFF086  }
0x25: {  	[simem:s6], [sflag:s4] =	dma.local [hbm:s3], $0xF7A  }
0x26: {  	[smem:$0x3F9E] =	sst s1;
	(tag) =	ssettag s2;
	_ =	strace s9  }
0x27: {  	s1 =	sld [smem:$0x3FAE]  }
0x28: {  	s2 =	sld [smem:$0x3FAF]  }
0x29: {  	s4 =	sld [smem:$0x3FB1]  }
0x2a: {  	p0 =	seq.s32 s5, $0x0;
	s5 =	sld [smem:$0x3FB2]  }
0x2b: {  	s6 =	sld [smem:$0x3FB3]  }
0x2c: {  	s7 =	sld [smem:$0x3FB4]  }
0x2d: {  	s3 =	simm.s32 $0x108;
	s8 =	sld [smem:$0x3FB5]  }
0x2e: {  	s3 =	simm.s32 @!p0 $0x1082;
	s9 =	sld [smem:$0x3FB6]  }
0x2f: {  	lr =	sadd.s32 s0, s3;
	s0 =	sld [smem:$0x3FAD]  }
0x30: {  	s3 =	sld [smem:$0x3FB0]  }
0x31: {  	[smem:$0x3FB9] =	sst s10  }
0x32: {  	s10 =	sld [smem:$0x3FB7];
	_ =	sdelay $0x3  }
0x33: {  	p0 =	seq.s32 s10, $0x1;
	s10 =	sld [smem:$0x3FB9];
	_ =	sdelay $0x3  }
0x34: {  	[smem:$0x3FB9] =	sst s10  }
0x35: {  	s10 =	sld [smem:$0x3FB8];
	_ =	sdelay $0x3  }
0x36: {  	p1 =	seq.s32 s10, $0x1;
	s10 =	sld [smem:$0x3FB9];
	_ =	sdelay $0x3  }
0x37: {  	[smem:$0x3FB9] =	sst s10  }
0x38: {  	s10 =	sld [smem:$0x3FBA]  }
0x39: {  	_ = 	snop;
	(pc) =	sbr.ind lr, $3  }
0x3a: {  	_ = 	snop  }
0x3b: {  	_ = 	snop  }
0x3c: {  	p2 =	seq.s32 s10, $0x1;
	s10 =	sld [smem:$0x3FB9]  }
0x3d: {  	_ =	shalt  }
0x3e: {  	_ =	shalt  }
0x3f: {  	_ =	shalt  }
0x40: {  	_ =	shalt  }
0x41: {  	_ =	shalt  }
0x42: {  	_ =	shalt  }
0x43: {  	_ =	shalt  }
0x44: {  	_ =	shalt  }
0x45: {  	_ =	shalt  }
0x46: {  	_ =	shalt  }
0x47: {  	_ =	shalt  }
0x48: {  	_ =	shalt  }
0x49: {  	_ =	shalt  }
0x4a: {  	_ =	shalt  }
0x4b: {  	_ =	shalt  }
0x4c: {  	_ =	shalt  }
0x4d: {  	_ =	shalt  }
0x4e: {  	_ =	shalt  }
0x4f: {  	_ =	shalt  }
0x50: {  	_ =	shalt  }
0x51: {  	_ =	shalt  }
0x52: {  	_ =	shalt  }
0x53: {  	_ =	shalt  }
0x54: {  	_ =	shalt  }
0x55: {  	_ =	shalt  }
0x56: {  	_ =	shalt  }
0x57: {  	_ =	shalt  }
0x58: {  	_ =	shalt  }
0x59: {  	_ =	shalt  }
0x5a: {  	_ =	shalt  }
0x5b: {  	_ =	shalt  }
0x5c: {  	_ =	shalt  }
0x5d: {  	_ =	shalt  }
0x5e: {  	_ =	shalt  }
0x5f: {  	_ =	shalt  }
0x60: {  	_ =	shalt  }
0x61: {  	_ =	shalt  }
0x62: {  	_ =	shalt  }
0x63: {  	_ =	shalt  }
0x64: {  	_ =	shalt  }
0x65: {  	_ =	shalt  }
0x66: {  	_ =	shalt  }
0x67: {  	_ =	shalt  }
0x68: {  	_ =	shalt  }
0x69: {  	_ =	shalt  }
0x6a: {  	_ =	shalt  }
0x6b: {  	_ =	shalt  }
0x6c: {  	_ =	shalt  }
0x6d: {  	_ =	shalt  }
0x6e: {  	_ =	shalt  }
0x6f: {  	_ =	shalt  }
0x70: {  	_ =	shalt  }
0x71: {  	_ =	shalt  }
0x72: {  	_ =	shalt  }
0x73: {  	_ =	shalt  }
0x74: {  	_ =	shalt  }
0x75: {  	_ =	shalt  }
0x76: {  	_ =	shalt  }
0x77: {  	_ =	shalt  }
0x78: {  	_ =	shalt  }
0x79: {  	_ =	shalt  }
0x7a: {  	_ =	shalt  }
0x7b: {  	_ =	shalt  }
0x7c: {  	_ =	shalt  }
0x7d: {  	_ =	shalt  }
0x7e: {  	_ =	shalt  }
0x7f: {  	_ =	shalt  }
0x80: {  	_ =	shalt  }
0x81: {  	_ =	shalt  }
0x82: {  	_ =	shalt  }
0x83: {  	_ =	shalt  }
0x84: {  	_ =	shalt  }
0x85: {  	_ =	shalt  }
0x86: {  	_ =	shalt  }
0x87: {  	_ =	shalt  }
.Lfunc_end0:
.L_simem_size_0:
called_computation.1_lowered:
.L_overlay_start_0:
0x88: {  	s2 =	sld [smem:$0x3FD9]  }
0x89: {  	s3 =	sld [smem:$0x3FFE];
	_ =	sdelay $0x1  }
0x8a: {  	s1 =	srdreg.scid  }
0x8b: {  	s0 =	sand.u32 $0x1, s1  }
0x8c: {  	s16 =	sshll.u32 s0, $0xA;
	s2 =	sadd.s32 s3, s2  }
0x8d: {  	s2 =	sadd.s32 s2, s16  }
0x8e: {  	[smem:$0x3FC5] =	sst s2  }
0x8f: {  	_ = 	snop  }
0x90: {  	(tm) =	ssettm $0x1  }
0x91: {  	s17 =	sld [smem:$0x3FFB];
	_ =	sdelay $0x3  }
0x92: {  	_ =	strace s17  }
0x93: {  	s2 =	sld [smem:$0x3FFC];
	_ =	sdelay $0x3  }
0x94: {  	_ =	strace s2  }
0x95: {  	s2 =	sld [smem:$0x3FFD];
	_ =	sdelay $0x3  }
0x96: {  	_ =	strace s2  }
0x97: {  	_ =	strace $0x8FFFFFFF  }
0x98: {  	s18 =	sld [smem:$0x3FDB];
	_ =	sdelay $0x1  }
0x99: {  	s19 =	simm.s32 $_scs_section_size  }
0x9a: {  	s4 =	simm.s32 $_size__tile_overlayer_lowered;
	s5 =	simm.s32 $_tile_overlayer_lowered  }
0x9b: {  	s22 =	simm.s32 $0x1BFF;
	s21 =	sshll.u32 s5, $0x1;
	s2 =	sadd.s32 s19, s18  }
0x9c: {  	s6 =	simm.s32 $0x0;
	s20 =	sshll.u32 s4, $0x1;
	s4 =	sadd.s32 s21, s2  }
0x9d: {  	[timem:s6], [sflag:s22] =	dma.local [hbm:s4], s20  }
0x9e: {  	_ =	swait.ge [sflag:s22], s20  }
0x9f: {  	s3 =	ssub.s32 $0x0, s20;
	[sflag:s22] =	ssyncset.done $0x0  }
0xa0: {  	[sflag:s22] =	ssyncadd.s32 s3;
	_ =	sdelay $0x1  }
0xa1: {  	s23 =	simm.s32 $0x1B8B  }
0xa2: {  	_ =	swait.ge [sflag:s23], $0x1  }
0xa3: {  	[sflag:s23] =	ssyncset.done $0x0  }
0xa4: {  	s25 =	simm.s32 $0x1B8E;
	s24 =	sld [smem:$0x3FFE];
	[sflag:s23] =	ssyncadd.s32 $0xFFFFFFFF  }
0xa5: {  	s26 =	simm.s32 $execute0_lowered;
	[smem:$0x3FD2] =	sst s25  }
0xa6: {  	s4 =	sshll.u32 s26, $0x1;
	_ =	strace $0x80000046;
	[dreg:$0x1] =	wrdreg $0xFFFFFFFF  }
0xa7: {  	s28 =	simm.s32 $_size_execute0_lowered;
	s2 =	sadd.s32 s2, s4;
	[dreg:$0x0] =	wrdreg $0x0  }
0xa8: {  	s4 =	sshll.u32 s28, $0x1;
	[dreg:$0x2] =	wrdreg s2  }
0xa9: {  	[dreg:$0x3] =	wrdreg s4  }
0xaa: {  	[dreg:$0x4] =	wrdreg $0xC0  }
0xab: {  	_ =	task [dreg:s6], $0x5FFFF  }
0xac: {  	[dreg:$0x1] =	wrdreg $0xFFFFFFFF  }
0xad: {  	[dreg:$0x0] =	wrdreg $0x60  }
0xae: {  	[dreg:$0x2] =	wrdreg s24  }
0xaf: {  	[dreg:$0x3] =	wrdreg $0xA  }
0xb0: {  	_ =	task.clear_ibuf [dreg:s6], $0x4FFFF;
	_ =	strace $0x90000046  }
0xb1: {  	s29 =	simm.s32 $0xA;
	_ =	strace $0x80000048  }
0xb2: {  	_ =	swait.ge [sflag:s29], $0x1  }
0xb3: {  	[sflag:s29] =	ssyncadd.s32 $0xFFFFFFFF  }
0xb4: {  	_ =	strace $0x90000048  }
0xb5: {  	_ =	sfence  }
0xb6: {  	s30 =	sld [smem:$0x0];
	_ =	sdelay $0x2  }
0xb7: {  	s31 =	sshll.u32 s1, $0xD;
	s1 =	sshrl.u32 s1, $0x2  }
0xb8: {  	s3 =	sand.u32 $0x4000, s31;
	s1 =	sadd.s32 s1, s30  }
0xb9: {  	s0 =	sor.u32 s3, s0;
	s1 =	sshll.u32 s1, $0x11  }
0xba: {  	s0 =	sor.u32 s1, s0  }
0xbb: {  	s0 =	sadd.s32 $0x8F2B, s0  }
0xbc: {  	[sflag:s0] =	ssyncadd.remote.s32 $0x1  }
0xbd: {  	_ =	sfence.sel $0xFFFF  }
0xbe: {  	[dreg:$0x0] =	wrdreg $0xFFFFFFFF;
	(pc) =	sbr.abs _section_cstart, $3  }
0xbf: {  	[dreg:$0x1] =	wrdreg $0xFFFFFFFF  }
0xc0: {  	_ =	task.clear_ibuf [dreg:s6], $0x2FFFF;
	_ =	strace $0x9FFFFFFF  }
0xc1: {  	(tm) =	ssettm $0x7FFFFFFF  }
tec
execute0_lowered:
.L_overlay_start_1:
0x0: {  	(tag) =	ssettag $0x1  }
0x1: {  	v2 =	vlaneseq.u32  }
0x2: {  	v0 =	vmul.u32 $0x14, v2  }
0x3: {  	s1 =	srdreg.scid;
	s0 =	stileid.u32  }
0x4: {  	s3 =	rddreg [dreg:$0x0];
	v1 =	vimm.s32 $0x1;
	s2 =	simm.s32 $0x0;
	s8 =	simm.s32 $0x0;
	v2 =	vmul.u32 $0x10, v2;
	v3 =	vor.u32 $0x1, v0  }
0x5: {  	s4 =	sand.u32 $0x1, s1;
	s5 =	sshll.u32 s0, $0x1;
	s1 =	rddreg [dreg:$0x1];
	v4 =	vor.u32 $0x2, v0;
	v5 =	vor.u32 $0x3, v0;
	v6 =	vadd.s32 $0x4, v0  }
0x6: {  	[smem:$0x7FF] =	sst s2;
	s5 =	sor.u32 s4, s5;
	s4 =	ssub.s32 $0x2, s4;
	v7 =	vadd.s32 $0x5, v0;
	v8 =	vadd.s32 $0x6, v0;
	v9 =	vadd.s32 $0x7, v0  }
0x7: {  	s6 =	smul.u32 $0x280, s5;
	s5 =	sshll.u32 s5, $0x9;
	s7 =	sshrl.u32 s4, $0x1;
	v10 =	vadd.s32 $0x8, v0;
	v11 =	vadd.s32 $0x9, v0;
	v12 =	vadd.s32 $0xA, v0  }
0x8: {  	_ =	strace $0x80000047;
	v13 =	vadd.s32 $0xB, v0;
	v14 =	vadd.s32 $0xC, v0;
	v15 =	vadd.s32 $0xD, v0;
	s5 =	sadd.s32 s5, s3;
	s7 =	ssub.s32 s4, s7  }
0x9: {  	v16 =	vadd.s32 $0xE, v0;
	v17 =	vadd.s32 $0xF, v0;
	v18 =	vadd.s32 $0x10, v0;
	s6 =	sadd.s32 s6, s3;
	s4 =	sadd.s32 $0x5E00, s5;
	s5 =	smax.u32 s7, $0x1  }
0xa: {  	v19 =	vadd.s32 $0x11, v0;
	v20 =	vadd.s32 $0x12, v0;
	v21 =	vadd.s32 $0x13, v0;
	s7 =	simm.s32 $0x1400;
	s3 =	sadd.s32 $0xE00, s6;
	s6 =	simm.s32 $0x1  }
.LBB2_1:
0xb: {  	[tilespmem:s2], [sflag:$0x1] =	stream.linear.gather [hbm4b:s3+s2], $0x1400, $0x38;
	[tilespmem:$0x2400] =	vst v63  }
0xc: {  	_ =	swait.ge [sflag:s6], $0x1400  }
0xd: {  	[sflag:s6] =	ssyncset.done $0x0  }
0xe: {  	s9 =	simm.s32 $0x0;
	s10 =	simm.s32 $0x0;
	[sflag:s6] =	ssyncadd.s32 $0xFFFFEC00  }
.LBB2_2:
0xf: {  	v22 =	vadd.s32 s10, v0  }
0x10: {  	v23 =	vadd.s32 s10, v3  }
0x11: {  	v34 =	vadd.s32 s10, v4  }
0x12: {  	v35 =	vadd.s32 s10, v5;
	_ =	sdelay $0x1  }
0x13: {  	v22 =	vld.idx.msk [tilespmem:v22+s2+$0x0], $0xffff  }
0x14: {  	v23 =	vld.idx.msk [tilespmem:v23+s2+$0x0], $0xffff  }
0x15: {  	v34 =	vld.idx.msk [tilespmem:v34+s2+$0x0], $0xffff  }
0x16: {  	v35 =	vld.idx.msk [tilespmem:v35+s2+$0x0], $0xffff;
	_ =	sdelay $0x2  }
0x17: {  	v54 =	vadd.s32 s10, v7;
	v24 =	vshrl.u32 v22, $0x5  }
0x18: {  	v22 =	vand.u32 $0x1F, v22;
	v33 =	vshrl.u32 v23, $0x5;
	v23 =	vand.u32 $0x1F, v23  }
0x19: {  	v63 =	vshrl.u32 v34, $0x5;
	v34 =	vand.u32 $0x1F, v34;
	v43 =	vshrl.u32 v35, $0x5  }
0x1a: {  	v35 =	vand.u32 $0x1F, v35;
	v22 =	vshll.u32 v1, v22;
	vm0 =	veq.s32 v24, $0x0  }
0x1b: {  	vm1 =	veq.s32 v24, $0x1;
	vm7 =	veq.s32 v24, $0x2;
	vm8 =	veq.s32 v24, $0x3  }
0x1c: {  	vm2 =	veq.s32 v24, $0x4;
	vm9 =	veq.s32 v24, $0x5;
	vm10 =	veq.s32 v24, $0x6  }
0x1d: {  	vm11 =	veq.s32 v24, $0x7;
	vm12 =	veq.s32 v24, $0x8;
	v23 =	vshll.u32 v1, v23  }
0x1e: {  	vm13 =	veq.s32 v33, $0x0;
	vm14 =	veq.s32 v33, $0x1;
	vm15 =	veq.s32 v33, $0x2  }
0x1f: {  	vm4 =	veq.s32 v33, $0x3;
	vm5 =	veq.s32 v33, $0x4;
	vm6 =	veq.s32 v33, $0x5  }
0x20: {  	v34 =	vshll.u32 v1, v34;
	v35 =	vshll.u32 v1, v35;
	v25 =	vnsel vm0, $0x0, v22  }
0x21: {  	v26 =	vnsel vm1, $0x0, v22;
	v27 =	vnsel vm7, $0x0, v22;
	v28 =	vnsel vm8, $0x0, v22  }
0x22: {  	v29 =	vnsel vm2, $0x0, v22;
	v30 =	vnsel vm9, $0x0, v22;
	v31 =	vnsel vm10, $0x0, v22  }
0x23: {  	v32 =	vnsel vm11, $0x0, v22;
	v22 =	vnsel vm12, $0x0, v22;
	v55 =	vnsel vm13, $0x0, v23  }
0x24: {  	v56 =	vnsel vm14, $0x0, v23;
	v57 =	vnsel vm15, $0x0, v23;
	v58 =	vnsel vm4, $0x0, v23  }
0x25: {  	v59 =	vnsel vm5, $0x0, v23;
	v60 =	vnsel vm6, $0x0, v23;
	vm7 =	veq.s32 v33, $0x6  }
0x26: {  	vm8 =	veq.s32 v33, $0x7;
	vm9 =	veq.s32 v33, $0x8;
	vm10 =	veq.s32 v63, $0x0  }
0x27: {  	vm11 =	veq.s32 v63, $0x1;
	vm12 =	veq.s32 v63, $0x2;
	vm13 =	veq.s32 v63, $0x3  }
0x28: {  	vm14 =	veq.s32 v63, $0x4;
	vm15 =	veq.s32 v63, $0x5;
	vm4 =	veq.s32 v63, $0x6  }
0x29: {  	vm5 =	veq.s32 v63, $0x7;
	vm6 =	veq.s32 v63, $0x8;
	v24 =	vor.u32 v25, v55  }
0x2a: {  	v25 =	vor.u32 v26, v56;
	v26 =	vor.u32 v27, v57;
	v27 =	vor.u32 v28, v58  }
0x2b: {  	v28 =	vor.u32 v29, v59;
	v29 =	vor.u32 v30, v60;
	v61 =	vnsel vm7, $0x0, v23  }
0x2c: {  	v62 =	vnsel vm8, $0x0, v23;
	v23 =	vnsel vm9, $0x0, v23;
	v36 =	vnsel vm10, $0x0, v34  }
0x2d: {  	v37 =	vnsel vm12, $0x0, v34;
	v38 =	vnsel vm13, $0x0, v34;
	v39 =	vnsel vm14, $0x0, v34  }
0x2e: {  	v40 =	vnsel vm15, $0x0, v34;
	v41 =	vnsel vm4, $0x0, v34;
	v42 =	vnsel vm5, $0x0, v34  }
0x2f: {  	v33 =	vnsel vm6, $0x0, v34;
	vm7 =	veq.s32 v43, $0x0;
	vm8 =	veq.s32 v43, $0x1  }
0x30: {  	vm9 =	veq.s32 v43, $0x2;
	vm10 =	veq.s32 v43, $0x3;
	vm12 =	veq.s32 v43, $0x5  }
0x31: {  	vm13 =	veq.s32 v43, $0x6;
	vm14 =	veq.s32 v43, $0x7;
	vm15 =	veq.s32 v43, $0x8  }
0x32: {  	v30 =	vor.u32 v31, v61;
	v31 =	vor.u32 v32, v62;
	v22 =	vor.u32 v22, v23  }
0x33: {  	v23 =	vnsel vm11, $0x0, v34;
	v24 =	vor.u32 v36, v24;
	v26 =	vor.u32 v37, v26  }
0x34: {  	v28 =	vor.u32 v39, v28;
	v36 =	vadd.s32 s10, v6;
	v44 =	vnsel vm7, $0x0, v35  }
0x35: {  	v45 =	vnsel vm8, $0x0, v35;
	v46 =	vnsel vm9, $0x0, v35;
	v47 =	vnsel vm10, $0x0, v35  }
0x36: {  	vm11 =	veq.s32 v43, $0x4;
	v49 =	vnsel vm12, $0x0, v35;
	v50 =	vnsel vm13, $0x0, v35  }
0x37: {  	v51 =	vnsel vm14, $0x0, v35;
	v34 =	vnsel vm15, $0x0, v35;
	v23 =	vor.u32 v23, v25  }
0x38: {  	v25 =	vor.u32 v38, v27;
	v27 =	vor.u32 v40, v29;
	v22 =	vor.u32 v33, v22;
	v33 =	vld.idx.msk [tilespmem:v54+s2+$0x0], $0xffff  }
0x39: {  	v30 =	vor.u32 v41, v30;
	v29 =	vor.u32 v42, v31;
	v24 =	vor.u32 v44, v24  }
0x3a: {  	v48 =	vnsel vm11, $0x0, v35;
	v26 =	vor.u32 v46, v26;
	v46 =	vadd.s32 s10, v9  }
0x3b: {  	v23 =	vor.u32 v45, v23;
	v25 =	vor.u32 v47, v25;
	v28 =	vor.u32 v48, v28;
	v36 =	vld.idx.msk [tilespmem:v36+s2+$0x0], $0xffff  }
0x3c: {  	v27 =	vor.u32 v49, v27;
	v30 =	vor.u32 v50, v30;
	v29 =	vor.u32 v51, v29  }
0x3d: {  	v22 =	vor.u32 v34, v22;
	v63 =	vshrl.u32 v33, $0x5;
	v33 =	vand.u32 $0x1F, v33  }
0x3e: {  	v33 =	vshll.u32 v1, v33;
	vm13 =	veq.s32 v63, $0x0;
	vm14 =	veq.s32 v63, $0x1  }
0x3f: {  	vm15 =	veq.s32 v63, $0x2;
	v37 =	vnsel vm13, $0x0, v33;
	v38 =	vnsel vm14, $0x0, v33  }
0x40: {  	v39 =	vnsel vm15, $0x0, v33;
	v52 =	vshrl.u32 v36, $0x5;
	v53 =	vand.u32 $0x1F, v36  }
0x41: {  	v36 =	vadd.s32 s10, v8;
	v32 =	vshll.u32 v1, v53;
	vm4 =	veq.s32 v52, $0x0  }
0x42: {  	vm5 =	veq.s32 v52, $0x1;
	vm6 =	veq.s32 v52, $0x2;
	vm7 =	veq.s32 v52, $0x3  }
0x43: {  	vm8 =	veq.s32 v52, $0x4;
	vm9 =	veq.s32 v52, $0x5;
	vm10 =	veq.s32 v52, $0x6  }
0x44: {  	vm11 =	veq.s32 v52, $0x7;
	vm12 =	veq.s32 v52, $0x8;
	v55 =	vnsel vm4, $0x0, v32  }
0x45: {  	v56 =	vnsel vm5, $0x0, v32;
	v57 =	vnsel vm6, $0x0, v32;
	v58 =	vnsel vm7, $0x0, v32  }
0x46: {  	v59 =	vnsel vm8, $0x0, v32;
	v60 =	vnsel vm9, $0x0, v32;
	v61 =	vnsel vm10, $0x0, v32  }
0x47: {  	v62 =	vnsel vm11, $0x0, v32;
	v32 =	vnsel vm12, $0x0, v32;
	vm4 =	veq.s32 v63, $0x3  }
0x48: {  	vm5 =	veq.s32 v63, $0x4;
	vm6 =	veq.s32 v63, $0x5;
	vm7 =	veq.s32 v63, $0x6  }
0x49: {  	vm8 =	veq.s32 v63, $0x7;
	vm9 =	veq.s32 v63, $0x8;
	v24 =	vor.u32 v55, v24  }
0x4a: {  	v23 =	vor.u32 v56, v23;
	v26 =	vor.u32 v57, v26;
	v25 =	vor.u32 v58, v25  }
0x4b: {  	v28 =	vor.u32 v59, v28;
	v27 =	vor.u32 v60, v27;
	v30 =	vor.u32 v61, v30  }
0x4c: {  	v29 =	vor.u32 v62, v29;
	v22 =	vor.u32 v32, v22;
	v40 =	vnsel vm4, $0x0, v33  }
0x4d: {  	v41 =	vnsel vm5, $0x0, v33;
	v42 =	vnsel vm6, $0x0, v33;
	v43 =	vnsel vm7, $0x0, v33;
	v35 =	vld.idx.msk [tilespmem:v36+s2+$0x0], $0xffff  }
0x4e: {  	v44 =	vnsel vm8, $0x0, v33;
	v31 =	vnsel vm9, $0x0, v33;
	v57 =	vadd.s32 s10, v10;
	v36 =	vld.idx.msk [tilespmem:v46+s2+$0x0], $0xffff  }
0x4f: {  	v24 =	vor.u32 v37, v24;
	v23 =	vor.u32 v38, v23;
	v26 =	vor.u32 v39, v26  }
0x50: {  	v25 =	vor.u32 v40, v25;
	v28 =	vor.u32 v41, v28;
	v27 =	vor.u32 v42, v27  }
0x51: {  	v30 =	vor.u32 v43, v30;
	v29 =	vor.u32 v44, v29;
	v22 =	vor.u32 v31, v22  }
0x52: {  	v40 =	vadd.s32 s10, v11;
	v45 =	vshrl.u32 v35, $0x5;
	v35 =	vand.u32 $0x1F, v35  }
0x53: {  	v55 =	vshrl.u32 v36, $0x5;
	v56 =	vand.u32 $0x1F, v36;
	v35 =	vshll.u32 v1, v35  }
0x54: {  	vm10 =	veq.s32 v45, $0x0;
	vm11 =	veq.s32 v45, $0x1;
	vm12 =	veq.s32 v45, $0x2  }
0x55: {  	vm13 =	veq.s32 v45, $0x3;
	vm14 =	veq.s32 v45, $0x4;
	vm15 =	veq.s32 v45, $0x5  }
0x56: {  	vm4 =	veq.s32 v45, $0x6;
	vm5 =	veq.s32 v45, $0x7;
	vm6 =	veq.s32 v45, $0x8  }
0x57: {  	v32 =	vshll.u32 v1, v56;
	vm7 =	veq.s32 v55, $0x0;
	vm8 =	veq.s32 v55, $0x1  }
0x58: {  	vm9 =	veq.s32 v55, $0x2;
	v47 =	vnsel vm10, $0x0, v35;
	v48 =	vnsel vm11, $0x0, v35  }
0x59: {  	v49 =	vnsel vm12, $0x0, v35;
	v50 =	vnsel vm13, $0x0, v35;
	v51 =	vnsel vm14, $0x0, v35  }
0x5a: {  	v52 =	vnsel vm15, $0x0, v35;
	v53 =	vnsel vm4, $0x0, v35;
	v54 =	vnsel vm5, $0x0, v35  }
0x5b: {  	v58 =	vnsel vm6, $0x0, v35;
	v59 =	vnsel vm7, $0x0, v32;
	v60 =	vnsel vm8, $0x0, v32  }
0x5c: {  	v61 =	vnsel vm9, $0x0, v32;
	vm10 =	veq.s32 v55, $0x3;
	vm11 =	veq.s32 v55, $0x4  }
0x5d: {  	vm12 =	veq.s32 v55, $0x5;
	vm13 =	veq.s32 v55, $0x6;
	vm14 =	veq.s32 v55, $0x7  }
0x5e: {  	v33 =	vld.idx.msk [tilespmem:v57+s2+$0x0], $0xffff;
	vm15 =	veq.s32 v55, $0x8;
	v24 =	vor.u32 v47, v24;
	v23 =	vor.u32 v48, v23  }
0x5f: {  	v26 =	vor.u32 v49, v26;
	v25 =	vor.u32 v50, v25;
	v28 =	vor.u32 v51, v28  }
0x60: {  	v27 =	vor.u32 v52, v27;
	v30 =	vor.u32 v53, v30;
	v29 =	vor.u32 v54, v29  }
0x61: {  	v22 =	vor.u32 v58, v22;
	v62 =	vnsel vm10, $0x0, v32;
	v63 =	vnsel vm11, $0x0, v32  }
0x62: {  	v36 =	vnsel vm12, $0x0, v32;
	v37 =	vnsel vm13, $0x0, v32;
	v38 =	vnsel vm14, $0x0, v32  }
0x63: {  	v39 =	vshrl.u32 v33, $0x5;
	v33 =	vand.u32 $0x1F, v33;
	v32 =	vnsel vm15, $0x0, v32  }
0x64: {  	v50 =	vadd.s32 s10, v12;
	v24 =	vor.u32 v59, v24;
	v23 =	vor.u32 v60, v23  }
0x65: {  	v26 =	vor.u32 v61, v26;
	v25 =	vor.u32 v62, v25;
	v28 =	vor.u32 v63, v28  }
0x66: {  	v27 =	vor.u32 v36, v27;
	v30 =	vor.u32 v37, v30;
	v33 =	vshll.u32 v1, v33  }
0x67: {  	vm4 =	veq.s32 v39, $0x0;
	v29 =	vor.u32 v38, v29;
	vm5 =	veq.s32 v39, $0x1  }
0x68: {  	v22 =	vor.u32 v32, v22;
	vm6 =	veq.s32 v39, $0x2;
	vm7 =	veq.s32 v39, $0x3  }
0x69: {  	vm8 =	veq.s32 v39, $0x4;
	vm9 =	veq.s32 v39, $0x5;
	vm10 =	veq.s32 v39, $0x6  }
0x6a: {  	vm11 =	veq.s32 v39, $0x7;
	vm12 =	veq.s32 v39, $0x8;
	v61 =	vadd.s32 s10, v13  }
0x6b: {  	v41 =	vnsel vm4, $0x0, v33;
	v42 =	vnsel vm5, $0x0, v33;
	v43 =	vnsel vm6, $0x0, v33  }
0x6c: {  	v35 =	vld.idx.msk [tilespmem:v40+s2+$0x0], $0xffff;
	v44 =	vnsel vm7, $0x0, v33;
	v45 =	vnsel vm8, $0x0, v33;
	v46 =	vnsel vm9, $0x0, v33  }
0x6d: {  	v47 =	vnsel vm10, $0x0, v33;
	v48 =	vnsel vm11, $0x0, v33;
	v31 =	vnsel vm12, $0x0, v33  }
0x6e: {  	v24 =	vor.u32 v41, v24;
	v23 =	vor.u32 v42, v23;
	v26 =	vor.u32 v43, v26  }
0x6f: {  	v25 =	vor.u32 v44, v25;
	v28 =	vor.u32 v45, v28;
	v27 =	vor.u32 v46, v27  }
0x70: {  	v30 =	vor.u32 v47, v30;
	v29 =	vor.u32 v48, v29;
	v22 =	vor.u32 v31, v22  }
0x71: {  	v44 =	vadd.s32 s10, v14;
	v49 =	vshrl.u32 v35, $0x5;
	v35 =	vand.u32 $0x1F, v35  }
0x72: {  	v35 =	vshll.u32 v1, v35;
	vm13 =	veq.s32 v49, $0x0;
	vm14 =	veq.s32 v49, $0x1  }
0x73: {  	vm15 =	veq.s32 v49, $0x2;
	vm4 =	veq.s32 v49, $0x3;
	vm5 =	veq.s32 v49, $0x4  }
0x74: {  	vm6 =	veq.s32 v49, $0x5;
	vm7 =	veq.s32 v49, $0x6;
	vm8 =	veq.s32 v49, $0x7  }
0x75: {  	vm9 =	veq.s32 v49, $0x8;
	v51 =	vnsel vm13, $0x0, v35;
	v52 =	vnsel vm14, $0x0, v35  }
0x76: {  	v36 =	vld.idx.msk [tilespmem:v50+s2+$0x0], $0xffff;
	v53 =	vnsel vm15, $0x0, v35;
	v54 =	vnsel vm4, $0x0, v35;
	v55 =	vnsel vm5, $0x0, v35  }
0x77: {  	v56 =	vnsel vm6, $0x0, v35;
	v57 =	vnsel vm7, $0x0, v35;
	v58 =	vnsel vm8, $0x0, v35  }
0x78: {  	v62 =	vnsel vm9, $0x0, v35;
	v24 =	vor.u32 v51, v24;
	v23 =	vor.u32 v52, v23  }
0x79: {  	v26 =	vor.u32 v53, v26;
	v25 =	vor.u32 v54, v25;
	v28 =	vor.u32 v55, v28  }
0x7a: {  	v33 =	vld.idx.msk [tilespmem:v61+s2+$0x0], $0xffff;
	v27 =	vor.u32 v56, v27;
	v30 =	vor.u32 v57, v30;
	v29 =	vor.u32 v58, v29  }
0x7b: {  	v22 =	vor.u32 v62, v22;
	v59 =	vshrl.u32 v36, $0x5;
	v60 =	vand.u32 $0x1F, v36  }
0x7c: {  	v54 =	vadd.s32 s10, v15;
	v32 =	vshll.u32 v1, v60;
	vm10 =	veq.s32 v59, $0x0  }
0x7d: {  	vm11 =	veq.s32 v59, $0x1;
	vm12 =	veq.s32 v59, $0x2;
	vm13 =	veq.s32 v59, $0x3  }
0x7e: {  	vm14 =	veq.s32 v59, $0x4;
	vm15 =	veq.s32 v59, $0x5;
	vm4 =	veq.s32 v59, $0x6  }
0x7f: {  	vm5 =	veq.s32 v59, $0x7;
	vm6 =	veq.s32 v59, $0x8;
	v43 =	vshrl.u32 v33, $0x5  }
0x80: {  	v33 =	vand.u32 $0x1F, v33;
	v63 =	vnsel vm10, $0x0, v32;
	v36 =	vnsel vm11, $0x0, v32  }
0x81: {  	v37 =	vnsel vm12, $0x0, v32;
	v38 =	vnsel vm13, $0x0, v32;
	v39 =	vnsel vm14, $0x0, v32  }
0x82: {  	v40 =	vnsel vm15, $0x0, v32;
	v41 =	vnsel vm4, $0x0, v32;
	v42 =	vnsel vm5, $0x0, v32  }
0x83: {  	v32 =	vnsel vm6, $0x0, v32;
	v33 =	vshll.u32 v1, v33;
	vm7 =	veq.s32 v43, $0x0  }
0x84: {  	vm8 =	veq.s32 v43, $0x1;
	vm9 =	veq.s32 v43, $0x2;
	vm10 =	veq.s32 v43, $0x3  }
0x85: {  	vm11 =	veq.s32 v43, $0x4;
	vm12 =	veq.s32 v43, $0x5;
	vm13 =	veq.s32 v43, $0x6  }
0x86: {  	vm14 =	veq.s32 v43, $0x7;
	vm15 =	veq.s32 v43, $0x8;
	v24 =	vor.u32 v63, v24  }
0x87: {  	v35 =	vld.idx.msk [tilespmem:v44+s2+$0x0], $0xffff;
	v23 =	vor.u32 v36, v23;
	v26 =	vor.u32 v37, v26;
	v25 =	vor.u32 v38, v25  }
0x88: {  	v28 =	vor.u32 v39, v28;
	v27 =	vor.u32 v40, v27;
	v30 =	vor.u32 v41, v30  }
0x89: {  	v29 =	vor.u32 v42, v29;
	v45 =	vnsel vm7, $0x0, v33;
	v22 =	vor.u32 v32, v22  }
0x8a: {  	v46 =	vnsel vm8, $0x0, v33;
	v47 =	vnsel vm9, $0x0, v33;
	v48 =	vnsel vm10, $0x0, v33  }
0x8b: {  	v49 =	vnsel vm11, $0x0, v33;
	v50 =	vnsel vm12, $0x0, v33;
	v51 =	vnsel vm13, $0x0, v33  }
0x8c: {  	v52 =	vnsel vm14, $0x0, v33;
	v31 =	vnsel vm15, $0x0, v33;
	v53 =	vshrl.u32 v35, $0x5  }
0x8d: {  	v35 =	vand.u32 $0x1F, v35;
	v37 =	vadd.s32 s10, v16;
	v24 =	vor.u32 v45, v24  }
0x8e: {  	v23 =	vor.u32 v46, v23;
	v26 =	vor.u32 v47, v26;
	v25 =	vor.u32 v48, v25  }
0x8f: {  	v28 =	vor.u32 v49, v28;
	v27 =	vor.u32 v50, v27;
	v35 =	vshll.u32 v1, v35  }
0x90: {  	vm4 =	veq.s32 v53, $0x0;
	v30 =	vor.u32 v51, v30;
	vm5 =	veq.s32 v53, $0x1  }
0x91: {  	v29 =	vor.u32 v52, v29;
	vm6 =	veq.s32 v53, $0x2;
	v22 =	vor.u32 v31, v22  }
0x92: {  	vm7 =	veq.s32 v53, $0x3;
	vm8 =	veq.s32 v53, $0x4;
	vm9 =	veq.s32 v53, $0x5  }
0x93: {  	vm10 =	veq.s32 v53, $0x6;
	vm11 =	veq.s32 v53, $0x7;
	vm12 =	veq.s32 v53, $0x8  }
0x94: {  	v48 =	vadd.s32 s10, v17;
	v55 =	vnsel vm4, $0x0, v35;
	v56 =	vnsel vm5, $0x0, v35  }
0x95: {  	v36 =	vld.idx.msk [tilespmem:v54+s2+$0x0], $0xffff;
	v57 =	vnsel vm6, $0x0, v35;
	v58 =	vnsel vm7, $0x0, v35;
	v59 =	vnsel vm8, $0x0, v35  }
0x96: {  	v60 =	vnsel vm9, $0x0, v35;
	v61 =	vnsel vm10, $0x0, v35;
	v62 =	vnsel vm11, $0x0, v35  }
0x97: {  	v38 =	vnsel vm12, $0x0, v35;
	v24 =	vor.u32 v55, v24;
	v23 =	vor.u32 v56, v23  }
0x98: {  	v26 =	vor.u32 v57, v26;
	v25 =	vor.u32 v58, v25;
	v28 =	vor.u32 v59, v28  }
0x99: {  	v27 =	vor.u32 v60, v27;
	v30 =	vor.u32 v61, v30;
	v29 =	vor.u32 v62, v29  }
0x9a: {  	v22 =	vor.u32 v38, v22;
	v63 =	vshrl.u32 v36, $0x5;
	v36 =	vand.u32 $0x1F, v36  }
0x9b: {  	v58 =	vadd.s32 s10, v18;
	v32 =	vshll.u32 v1, v36;
	vm13 =	veq.s32 v63, $0x0  }
0x9c: {  	vm14 =	veq.s32 v63, $0x1;
	vm15 =	veq.s32 v63, $0x2;
	vm4 =	veq.s32 v63, $0x3  }
0x9d: {  	vm5 =	veq.s32 v63, $0x4;
	vm6 =	veq.s32 v63, $0x5;
	vm7 =	veq.s32 v63, $0x6  }
0x9e: {  	vm8 =	veq.s32 v63, $0x7;
	vm9 =	veq.s32 v63, $0x8;
	v39 =	vnsel vm13, $0x0, v32  }
0x9f: {  	v33 =	vld.idx.msk [tilespmem:v37+s2+$0x0], $0xffff;
	v40 =	vnsel vm14, $0x0, v32;
	v41 =	vnsel vm15, $0x0, v32;
	v42 =	vnsel vm4, $0x0, v32  }
0xa0: {  	v43 =	vnsel vm5, $0x0, v32;
	v44 =	vnsel vm6, $0x0, v32;
	v45 =	vnsel vm7, $0x0, v32  }
0xa1: {  	v46 =	vnsel vm8, $0x0, v32;
	v32 =	vnsel vm9, $0x0, v32;
	v24 =	vor.u32 v39, v24  }
0xa2: {  	v23 =	vor.u32 v40, v23;
	v26 =	vor.u32 v41, v26;
	v25 =	vor.u32 v42, v25  }
0xa3: {  	v28 =	vor.u32 v43, v28;
	v27 =	vor.u32 v44, v27;
	v30 =	vor.u32 v45, v30  }
0xa4: {  	v35 =	vld.idx.msk [tilespmem:v48+s2+$0x0], $0xffff;
	v29 =	vor.u32 v46, v29;
	v47 =	vshrl.u32 v33, $0x5;
	v33 =	vand.u32 $0x1F, v33  }
0xa5: {  	v22 =	vor.u32 v32, v22;
	v42 =	vadd.s32 s10, v19;
	v33 =	vshll.u32 v1, v33  }
0xa6: {  	vm10 =	veq.s32 v47, $0x0;
	vm11 =	veq.s32 v47, $0x1;
	vm12 =	veq.s32 v47, $0x2  }
0xa7: {  	vm13 =	veq.s32 v47, $0x3;
	vm14 =	veq.s32 v47, $0x4;
	vm15 =	veq.s32 v47, $0x5  }
0xa8: {  	vm4 =	veq.s32 v47, $0x6;
	vm5 =	veq.s32 v47, $0x7;
	vm6 =	veq.s32 v47, $0x8  }
0xa9: {  	v57 =	vshrl.u32 v35, $0x5;
	v35 =	vand.u32 $0x1F, v35;
	v49 =	vnsel vm10, $0x0, v33  }
0xaa: {  	v50 =	vnsel vm11, $0x0, v33;
	v51 =	vnsel vm12, $0x0, v33;
	v52 =	vnsel vm13, $0x0, v33  }
0xab: {  	v53 =	vnsel vm14, $0x0, v33;
	v54 =	vnsel vm15, $0x0, v33;
	v55 =	vnsel vm4, $0x0, v33  }
0xac: {  	v56 =	vnsel vm5, $0x0, v33;
	v31 =	vnsel vm6, $0x0, v33;
	v35 =	vshll.u32 v1, v35  }
0xad: {  	vm7 =	veq.s32 v57, $0x0;
	vm8 =	veq.s32 v57, $0x1;
	vm9 =	veq.s32 v57, $0x2  }
0xae: {  	vm10 =	veq.s32 v57, $0x3;
	vm11 =	veq.s32 v57, $0x4;
	vm12 =	veq.s32 v57, $0x5  }
0xaf: {  	vm13 =	veq.s32 v57, $0x6;
	vm14 =	veq.s32 v57, $0x7;
	vm15 =	veq.s32 v57, $0x8  }
0xb0: {  	v36 =	vld.idx.msk [tilespmem:v58+s2+$0x0], $0xffff;
	v24 =	vor.u32 v49, v24;
	v23 =	vor.u32 v50, v23;
	v26 =	vor.u32 v51, v26  }
0xb1: {  	v25 =	vor.u32 v52, v25;
	v28 =	vor.u32 v53, v28;
	v27 =	vor.u32 v54, v27  }
0xb2: {  	v30 =	vor.u32 v55, v30;
	v59 =	vnsel vm7, $0x0, v35;
	v29 =	vor.u32 v56, v29  }
0xb3: {  	v60 =	vnsel vm8, $0x0, v35;
	v22 =	vor.u32 v31, v22;
	v61 =	vnsel vm9, $0x0, v35  }
0xb4: {  	v62 =	vnsel vm10, $0x0, v35;
	v63 =	vnsel vm11, $0x0, v35;
	v37 =	vnsel vm12, $0x0, v35  }
0xb5: {  	v38 =	vnsel vm13, $0x0, v35;
	v39 =	vnsel vm14, $0x0, v35;
	v40 =	vshrl.u32 v36, $0x5  }
0xb6: {  	v41 =	vand.u32 $0x1F, v36;
	v43 =	vnsel vm15, $0x0, v35;
	v53 =	vadd.s32 s10, v20  }
0xb7: {  	v24 =	vor.u32 v59, v24;
	v23 =	vor.u32 v60, v23;
	v26 =	vor.u32 v61, v26  }
0xb8: {  	v25 =	vor.u32 v62, v25;
	v28 =	vor.u32 v63, v28;
	v27 =	vor.u32 v37, v27  }
0xb9: {  	v30 =	vor.u32 v38, v30;
	v29 =	vor.u32 v39, v29;
	v32 =	vshll.u32 v1, v41  }
0xba: {  	vm4 =	veq.s32 v40, $0x0;
	v22 =	vor.u32 v43, v22;
	vm5 =	veq.s32 v40, $0x1  }
0xbb: {  	vm6 =	veq.s32 v40, $0x2;
	vm7 =	veq.s32 v40, $0x3;
	vm8 =	veq.s32 v40, $0x4  }
0xbc: {  	vm9 =	veq.s32 v40, $0x5;
	vm10 =	veq.s32 v40, $0x6;
	vm11 =	veq.s32 v40, $0x7  }
0xbd: {  	vm12 =	veq.s32 v40, $0x8;
	v63 =	vadd.s32 s10, v21;
	v44 =	vnsel vm4, $0x0, v32  }
0xbe: {  	v33 =	vld.idx.msk [tilespmem:v42+s2+$0x0], $0xffff;
	v45 =	vnsel vm5, $0x0, v32;
	v46 =	vnsel vm6, $0x0, v32;
	v47 =	vnsel vm7, $0x0, v32  }
0xbf: {  	v48 =	vnsel vm8, $0x0, v32;
	v49 =	vnsel vm9, $0x0, v32;
	v50 =	vnsel vm10, $0x0, v32  }
0xc0: {  	v51 =	vnsel vm11, $0x0, v32;
	v32 =	vnsel vm12, $0x0, v32;
	v24 =	vor.u32 v44, v24  }
0xc1: {  	v23 =	vor.u32 v45, v23;
	v26 =	vor.u32 v46, v26;
	v25 =	vor.u32 v47, v25  }
0xc2: {  	v28 =	vor.u32 v48, v28;
	v27 =	vor.u32 v49, v27;
	v30 =	vor.u32 v50, v30  }
0xc3: {  	v29 =	vor.u32 v51, v29;
	v52 =	vshrl.u32 v33, $0x5;
	v33 =	vand.u32 $0x1F, v33  }
0xc4: {  	v22 =	vor.u32 v32, v22;
	v50 =	vmov s9;
	v33 =	vshll.u32 v1, v33  }
0xc5: {  	vm13 =	veq.s32 v52, $0x0;
	vm14 =	veq.s32 v52, $0x1;
	vm15 =	veq.s32 v52, $0x2  }
0xc6: {  	vm4 =	veq.s32 v52, $0x3;
	vm5 =	veq.s32 v52, $0x4;
	vm6 =	veq.s32 v52, $0x5  }
0xc7: {  	vm7 =	veq.s32 v52, $0x6;
	vm8 =	veq.s32 v52, $0x7;
	vm9 =	veq.s32 v52, $0x8  }
0xc8: {  	v35 =	vld.idx.msk [tilespmem:v53+s2+$0x0], $0xffff;
	v54 =	vnsel vm13, $0x0, v33;
	v55 =	vnsel vm14, $0x0, v33;
	v56 =	vnsel vm15, $0x0, v33  }
0xc9: {  	v57 =	vnsel vm4, $0x0, v33;
	v58 =	vnsel vm5, $0x0, v33;
	v59 =	vnsel vm6, $0x0, v33  }
0xca: {  	v60 =	vnsel vm7, $0x0, v33;
	v61 =	vnsel vm8, $0x0, v33;
	v31 =	vnsel vm9, $0x0, v33  }
0xcb: {  	v24 =	vor.u32 v54, v24;
	v23 =	vor.u32 v55, v23;
	v26 =	vor.u32 v56, v26  }
0xcc: {  	v25 =	vor.u32 v57, v25;
	v28 =	vor.u32 v58, v28;
	v27 =	vor.u32 v59, v27  }
0xcd: {  	v36 =	vld.idx.msk [tilespmem:v63+s2+$0x0], $0xffff;
	v30 =	vor.u32 v60, v30;
	v62 =	vshrl.u32 v35, $0x5;
	v35 =	vand.u32 $0x1F, v35  }
0xce: {  	v29 =	vor.u32 v61, v29;
	v22 =	vor.u32 v31, v22;
	v35 =	vshll.u32 v1, v35  }
0xcf: {  	vm10 =	veq.s32 v62, $0x0;
	vm11 =	veq.s32 v62, $0x1;
	vm12 =	veq.s32 v62, $0x2  }
0xd0: {  	vm13 =	veq.s32 v62, $0x3;
	vm14 =	veq.s32 v62, $0x4;
	vm15 =	veq.s32 v62, $0x5  }
0xd1: {  	vm4 =	veq.s32 v62, $0x6;
	vm5 =	veq.s32 v62, $0x7;
	vm6 =	veq.s32 v62, $0x8  }
0xd2: {  	v48 =	vshrl.u32 v36, $0x5;
	v49 =	vand.u32 $0x1F, v36;
	v39 =	vnsel vm10, $0x0, v35  }
0xd3: {  	v40 =	vnsel vm11, $0x0, v35;
	v41 =	vnsel vm12, $0x0, v35;
	v42 =	vnsel vm13, $0x0, v35  }
0xd4: {  	v43 =	vnsel vm14, $0x0, v35;
	v44 =	vnsel vm15, $0x0, v35;
	v45 =	vnsel vm4, $0x0, v35  }
0xd5: {  	v46 =	vnsel vm5, $0x0, v35;
	v47 =	vnsel vm6, $0x0, v35;
	v34 =	vshll.u32 v1, v49  }
0xd6: {  	vm7 =	veq.s32 v48, $0x0;
	v35 =	vshll.u32 v50, $0x4;
	vm8 =	veq.s32 v48, $0x1  }
0xd7: {  	vm9 =	veq.s32 v48, $0x2;
	vm10 =	veq.s32 v48, $0x3;
	vm11 =	veq.s32 v48, $0x4  }
0xd8: {  	vm12 =	veq.s32 v48, $0x5;
	vm13 =	veq.s32 v48, $0x6;
	vm14 =	veq.s32 v48, $0x7  }
0xd9: {  	vm15 =	veq.s32 v48, $0x8;
	v24 =	vor.u32 v39, v24;
	v35 =	vor.u32 v2, v35  }
0xda: {  	v23 =	vor.u32 v40, v23;
	v26 =	vor.u32 v41, v26;
	v52 =	vor.u32 $0x1, v35  }
0xdb: {  	v25 =	vor.u32 v42, v25;
	v28 =	vor.u32 v43, v28;
	v37 =	vor.u32 $0x2, v35  }
0xdc: {  	v27 =	vor.u32 v44, v27;
	v51 =	vnsel vm7, $0x0, v34;
	v38 =	vor.u32 $0x3, v35  }
0xdd: {  	v53 =	vnsel vm8, $0x0, v34;
	v24 =	vor.u32 v51, v24;
	v55 =	vor.u32 $0x4, v35  }
0xde: {  	v54 =	vnsel vm9, $0x0, v34;
	v23 =	vor.u32 v53, v23;
	v56 =	vor.u32 $0x5, v35;
	[tilespmem:v35+s7+$0x0] =	vst.idx.msk $0xffff, v24  }
0xdf: {  	v39 =	vnsel vm10, $0x0, v34;
	v26 =	vor.u32 v54, v26;
	v58 =	vor.u32 $0x6, v35;
	[tilespmem:v52+s7+$0x0] =	vst.idx.msk $0xffff, v23  }
0xe0: {  	v57 =	vnsel vm11, $0x0, v34;
	v59 =	vor.u32 $0x7, v35;
	v23 =	vor.u32 v39, v25;
	[tilespmem:v37+s7+$0x0] =	vst.idx.msk $0xffff, v26  }
0xe1: {  	p0 =	sne.s32 s10, $0x12C0;
	v60 =	vor.u32 $0x8, v35;
	v25 =	vor.u32 v57, v28;
	[tilespmem:v38+s7+$0x0] =	vst.idx.msk $0xffff, v23;
	v23 =	vnsel vm12, $0x0, v34  }
.Ltmp0:
0xe2: {  	v30 =	vor.u32 v45, v30;
	v61 =	vnsel vm13, $0x0, v34;
	[tilespmem:v55+s7+$0x0] =	vst.idx.msk $0xffff, v25;
	v23 =	vor.u32 v23, v27;
	(pc) =	sbr.rel @p0 .LBB2_2-.Ltmp0, $4  }
0xe3: {  	v29 =	vor.u32 v46, v29;
	v62 =	vnsel vm14, $0x0, v34;
	v25 =	vor.u32 v61, v30;
	[tilespmem:v56+s7+$0x0] =	vst.idx.msk $0xffff, v23  }
0xe4: {  	v22 =	vor.u32 v47, v22;
	v63 =	vnsel vm15, $0x0, v34;
	v23 =	vor.u32 v62, v29;
	[tilespmem:v58+s7+$0x0] =	vst.idx.msk $0xffff, v25  }
0xe5: {  	v22 =	vor.u32 v63, v22;
	[tilespmem:v59+s7+$0x0] =	vst.idx.msk $0xffff, v23  }
0xe6: {  	s10 =	sadd.s32 $0x140, s10;
	s9 =	sadd.s32 $0x10, s9;
	[tilespmem:v60+s7+$0x0] =	vst.idx.msk $0xffff, v22  }
0xe7: {  	s8 =	sadd.s32 $0x1, s8  }
0xe8: {  	p0 =	sne.s32 s8, s5  }
.Ltmp1:
0xe9: {  	_ = 	snop;
	(pc) =	sbr.rel @p0 .LBB2_1-.Ltmp1, $4  }
0xea: {  	[hbm4b:s4+s2] =	stream.linear.scatter [tilespmem:s7], [sflag:$0x1], $0x1000, $0x38;
	[tilespmem:$0x2400] =	vst v63  }
0xeb: {  	_ =	swait.ge [sflag:s6], $0x1000  }
0xec: {  	[sflag:s6] =	ssyncset.done $0x0  }
0xed: {  	[sflag:s6] =	ssyncadd.s32 $0xFFFFF000  }
0xee: {  	_ =	sfence.sel $0x180000  }
0xef: {  	[bflag:$0x0] =	sbarrier.arrive $0xFFFF  }
0xf0: {  	p0 =	sne.s32 s0, $0x0;
	_ =	strace $0x90000047  }
0xf1: {  	s0 =	sadd.s32 @!p0 $0x100000, s1;
	[bflag:$0x2] =	sbarrier.arrive $0xFFFF  }
0xf2: {  	[sflag:s0] =	ssyncadd.tile.s32 @!p0 $0x1;
	_ =	shalt  }
.Lfunc_end2:
_tile_overlayer_lowered:
.L_overlay_start_2:
0xf3: {  	(tag) =	ssettag $0x2  }
0xf4: {  	s0 =	rddreg [dreg:$0x0];
	s2 =	stileid.u32  }
0xf5: {  	s1 =	rddreg [dreg:$0x1];
	p0 =	sne.s32 s2, $0x0  }
0xf6: {  	s3 =	rddreg [dreg:$0x2];
	[bflag:$0x3] =	sbarrier.arrive $0xFFFF;
	s2 =	simm.s32 @!p0 $0x1C01  }
0xf7: {  	[timem:s3], [sflag:s2] =	dma.local @!p0 [hbm:s0], s1  }
0xf8: {  	s0 =	simm.s32 @!p0 $0x1  }
0xf9: {  	_ =	swait.ge @!p0 [sflag:s0], s1  }
0xfa: {  	s1 =	ssub.s32 @!p0 $0x0, s1;
	[sflag:s0] =	ssyncset.done @!p0 $0x0  }
0xfb: {  	[sflag:s0] =	ssyncadd.s32 @!p0 s1  }
0xfc: {  	[bflag:$0x3] =	sbarrier.arrive $0xFFFF  }
0xfd: {  	_ =	shalt  }

</sc_bundles>
